<compile_context>
chip_gen: v7x
topology: tpu7x:2x2x1
jax: 0.10.2.dev20260603
libtpu: 0.0.44.dev20260713+nightly
codegen_flags: <defaults>
</compile_context>

<pallas_src>
import functools

import jax
import jax.numpy as jnp
from jax import lax
from jax.experimental import pallas as pl
from jax.experimental.pallas import tpu as pltpu
from jax.experimental.pallas import tpu_sc as plsc

N = 10000
D = 128
E = 320000

NC = 2
NS = 16
NW = NC * NS
EPW = E // NW
CH = 64
GC = 10
NG = 16
EPWP = NG * GC * CH
NACC = 10016
RPT = 624
TAIL0 = RPT * NS
TAILN = N - TAIL0
ZTAILN = NACC - TAIL0

_sc_mesh = plsc.VectorSubcoreMesh(core_axis_name="c", subcore_axis_name="s")


@functools.partial(
    pl.kernel,
    mesh=_sc_mesh,
    out_type=jax.ShapeDtypeStruct((NC, N, D), jnp.float32),
    scratch_types=[
        pltpu.VMEM((GC, CH), jnp.int32),
        pltpu.VMEM((GC, CH), jnp.int32),
        pltpu.VMEM((GC, CH), jnp.int32),
        pltpu.VMEM((GC, CH), jnp.int32),
        pltpu.VMEM((CH, D), jnp.float32),
        pltpu.VMEM((CH, D), jnp.float32),
        pltpu.VMEM((CH, D), jnp.float32),
        pltpu.VMEM((CH, D), jnp.float32),
        pltpu.VMEM((CH, D), jnp.float32),
        pltpu.VMEM_SHARED((NACC, D), jnp.float32),
        pltpu.SemaphoreType.DMA,
        pltpu.SemaphoreType.DMA,
        pltpu.SemaphoreType.DMA,
        pltpu.SemaphoreType.DMA,
        pltpu.SemaphoreType.DMA,
        pltpu.SemaphoreType.DMA,
    ],
)
def _segsum_sc(m_hbm, src_hbm, dst_hbm, z_hbm, out_hbm,
               si0, si1, di0, di1, r0buf, r1buf, r2buf, r3buf, r4buf, acc,
               sem_a, sem_b, sem_c, sem_d, sem_e, sem_i):
    cid = lax.axis_index("c")
    sid = lax.axis_index("s")
    wid = cid * NS + sid

    row0 = sid * RPT
    pltpu.sync_copy(z_hbm.at[pl.ds(row0, RPT)], acc.at[pl.ds(row0, RPT)])

    @pl.when(sid == NS - 1)
    def _():
        pltpu.sync_copy(z_hbm.at[pl.ds(TAIL0, ZTAILN)],
                        acc.at[pl.ds(TAIL0, ZTAILN)])

    def idx_load_one(arr, g, ref):
        pltpu.async_copy(arr.at[wid, g], ref, sem_i)

    def idx_wait_one(arr, ref):
        pltpu.make_async_copy(arr.at[wid, 0], ref, sem_i).wait()

    def gather(sref, k, rbuf, sem):
        pltpu.async_copy(m_hbm.at[sref.at[k]], rbuf, sem)

    def gather_wait(rbuf, sem):
        pltpu.make_async_copy(m_hbm.at[si0.at[0]], rbuf, sem).wait()

    def scatter(rbuf, dref, k):
        pltpu.sync_copy(rbuf, acc.at[dref.at[k]], add=True)

    bufs = [(r0buf, sem_a), (r1buf, sem_b), (r2buf, sem_c), (r3buf, sem_d),
            (r4buf, sem_e)]

    pltpu.sync_copy(src_hbm.at[wid, 0], si0)
    pltpu.sync_copy(dst_hbm.at[wid, 0], di0)
    plsc.subcore_barrier()
    idx_load_one(src_hbm, 1, si1)
    idx_load_one(dst_hbm, 1, di1)
    for j in range(5):
        gather(si0, j, bufs[j][0], bufs[j][1])

    def body(g2, _):
        for j in range(GC):
            rbuf, sem = bufs[j % 5]
            gather_wait(rbuf, sem)
            if j == 0:
                @pl.when(g2 > 0)
                def _():
                    idx_wait_one(dst_hbm, di0)
            if j == 5:
                idx_wait_one(src_hbm, si1)
            scatter(rbuf, di0, j)
            if j < 5:
                gather(si0, j + 5, rbuf, sem)
            else:
                gather(si1, j - 5, rbuf, sem)
        for j in range(GC):
            rbuf, sem = bufs[j % 5]
            gather_wait(rbuf, sem)
            if j == 0:
                idx_wait_one(dst_hbm, di1)
            scatter(rbuf, di1, j)
            if j == 0:
                @pl.when(g2 < NG // 2 - 1)
                def _():
                    idx_load_one(src_hbm, 2 * g2 + 2, si0)
            if j == 1:
                @pl.when(g2 < NG // 2 - 1)
                def _():
                    idx_load_one(dst_hbm, 2 * g2 + 2, di0)
            if j < 5:
                gather(si1, j + 5, rbuf, sem)
            else:
                @pl.when(g2 < NG // 2 - 1)
                def _(j=j, rbuf=rbuf, sem=sem):
                    if j == 5:
                        idx_wait_one(src_hbm, si0)
                    gather(si0, j - 5, rbuf, sem)

        @pl.when(g2 < NG // 2 - 1)
        def _():
            idx_load_one(src_hbm, 2 * g2 + 3, si1)
            idx_load_one(dst_hbm, 2 * g2 + 3, di1)

        return 0

    lax.fori_loop(0, NG // 2, body, 0)

    plsc.subcore_barrier()
    pltpu.sync_copy(acc.at[pl.ds(row0, RPT)],
                    out_hbm.at[cid, pl.ds(row0, RPT)])

    @pl.when(sid == NS - 1)
    def _():
        pltpu.sync_copy(acc.at[pl.ds(TAIL0, TAILN)],
                        out_hbm.at[cid, pl.ds(TAIL0, TAILN)])


_BL = 1000


def _mm(pa, pb, b, W, relu):
    def body(pa_ref, pb_ref, b_ref, w_ref, o_ref):
        s = pa_ref[...] + pb_ref[...]
        y = jnp.dot(s, w_ref[...], preferred_element_type=jnp.float32)
        y = y + b_ref[...]
        o_ref[...] = jnp.maximum(y, 0.0) if relu else y

    return pl.pallas_call(
        body,
        grid=(N // _BL,),
        in_specs=[pl.BlockSpec((_BL, D), lambda i: (i, 0)),
                  pl.BlockSpec((_BL, D), lambda i: (i, 0)),
                  pl.BlockSpec((1, D), lambda i: (0, 0)),
                  pl.BlockSpec((D, D), lambda i: (0, 0))],
        out_specs=pl.BlockSpec((_BL, D), lambda i: (i, 0)),
        out_shape=jax.ShapeDtypeStruct((N, D), jnp.float32),
    )(pa, pb, b, W)


@jax.jit
def kernel(x, adj, W0, b0, W1, b1, W2, b2):
    npad = EPWP - EPW
    pad_src = jnp.broadcast_to(
        (jnp.arange(npad, dtype=jnp.int32) % 64)[None, :], (NW, npad))
    pad_dst = jnp.broadcast_to(
        (N + jnp.arange(npad, dtype=jnp.int32) % (NACC - N))[None, :],
        (NW, npad))
    src2 = jnp.concatenate(
        [adj[0].reshape(NW, EPW), pad_src], axis=1).reshape(NW, NG, GC, CH)
    dst2 = jnp.concatenate(
        [adj[1].reshape(NW, EPW), pad_dst], axis=1).reshape(NW, NG, GC, CH)
    zeros = jnp.zeros((NACC, D), jnp.float32)
    b0r = b0.reshape(1, D)
    b1r = b1.reshape(1, D)
    b2r = b2.reshape(1, D)

    p = _segsum_sc(x, src2, dst2, zeros)
    h = _mm(p[0], p[1], b0r, W0, relu=True)
    p = _segsum_sc(h, src2, dst2, zeros)
    h = _mm(p[0], p[1], b1r, W1, relu=True)
    p = _segsum_sc(h, src2, dst2, zeros)
    return _mm(p[0], p[1], b2r, W2, relu=False)

# --- scband reference (transcript-rebuilt; emitter-appended) ---
"""Pipeline reference for scband-dhgcn-6545530159135 (READ-ONLY COPY).

The authoritative reference and input builder live on the scoring server;
editing this copy changes nothing except your own understanding.
"""

import jax, jax.numpy as jnp
import numpy as np

N = 10000
E = 320000
D_IN = 128
D_HID = 128
D_OUT = 128


def setup_inputs(seed: int = 0) -> dict:
    key = jax.random.key(seed)
    ks = jax.random.split(key, 10)
    x = jax.random.normal(ks[0], (N, D_IN), dtype=jnp.float32)
    adj = jax.random.randint(ks[1], (2, E), 0, N, dtype=jnp.int32)
    s0 = 1.0 / np.sqrt(D_IN)
    s1 = 1.0 / np.sqrt(D_HID)
    W0 = jax.random.normal(ks[2], (D_IN, D_HID), dtype=jnp.float32) * s0
    b0 = jnp.zeros((D_HID,), dtype=jnp.float32)
    W1 = jax.random.normal(ks[3], (D_HID, D_HID), dtype=jnp.float32) * s1
    b1 = jnp.zeros((D_HID,), dtype=jnp.float32)
    W2 = jax.random.normal(ks[4], (D_HID, D_OUT), dtype=jnp.float32) * s1
    b2 = jnp.zeros((D_OUT,), dtype=jnp.float32)
    return {"x": x, "adj": adj, "W0": W0, "b0": b0, "W1": W1, "b1": b1, "W2": W2, "b2": b2}


def _conv(h, src, dst, W, b):
    # DHGConv (use_hist=False path): sparse A @ (h W) + b  ==  gather-by-src, scatter-add-by-dst
    m = h @ W
    agg = jax.ops.segment_sum(m[src], dst, num_segments=N)
    return agg + b


def reference(x, adj, W0, b0, W1, b1, W2, b2):
    src = adj[0]
    dst = adj[1]
    h = _conv(x, src, dst, W0, b0)
    h = jax.nn.relu(h)
    h = _conv(h, src, dst, W1, b1)
    h = jax.nn.relu(h)
    h = _conv(h, src, dst, W2, b2)
    return h

if __name__ == "__main__":
    import jax
    _d = setup_inputs()
    print(jax.jit(kernel)(*tuple(_d.values())))

</pallas_src>

<mosaic_0001>
#map = affine_map<(d0, d1) -> (0, 0)>
#map1 = affine_map<(d0, d1) -> (0, 0, 0, 0)>
#map2 = affine_map<(d0, d1) -> (0, 0, 0)>
module attributes {stable_mosaic.version = 14 : i64} {
  func.func @_segsum_sc(%arg0: i32, %arg1: i32, %arg2: memref<10000x128xf32, #tpu.memory_space<hbm>>, %arg3: memref<32x16x10x64xi32, #tpu.memory_space<hbm>>, %arg4: memref<32x16x10x64xi32, #tpu.memory_space<hbm>>, %arg5: memref<10016x128xf32, #tpu.memory_space<hbm>>, %arg6: memref<2x10000x128xf32, #tpu.memory_space<hbm>>, %arg7: memref<10x64xi32, #tpu.memory_space<vmem>>, %arg8: memref<10x64xi32, #tpu.memory_space<vmem>>, %arg9: memref<10x64xi32, #tpu.memory_space<vmem>>, %arg10: memref<10x64xi32, #tpu.memory_space<vmem>>, %arg11: memref<64x128xf32, #tpu.memory_space<vmem>>, %arg12: memref<64x128xf32, #tpu.memory_space<vmem>>, %arg13: memref<64x128xf32, #tpu.memory_space<vmem>>, %arg14: memref<64x128xf32, #tpu.memory_space<vmem>>, %arg15: memref<64x128xf32, #tpu.memory_space<vmem>>, %arg16: memref<10016x128xf32, #tpu.memory_space<vmem_shared>>, %arg17: memref<!tpu.dma_semaphore, #tpu.memory_space<semaphore_mem>>, %arg18: memref<!tpu.dma_semaphore, #tpu.memory_space<semaphore_mem>>, %arg19: memref<!tpu.dma_semaphore, #tpu.memory_space<semaphore_mem>>, %arg20: memref<!tpu.dma_semaphore, #tpu.memory_space<semaphore_mem>>, %arg21: memref<!tpu.dma_semaphore, #tpu.memory_space<semaphore_mem>>, %arg22: memref<!tpu.dma_semaphore, #tpu.memory_space<semaphore_mem>>) attributes {dimension_semantics = [#tpu.dimension_semantics<core_parallel>, #tpu.dimension_semantics<subcore_parallel>], iteration_bounds = array<i64: 2, 16>, scalar_prefetch = 0 : i64, scratch_operands = 16 : i64, tpu.core_type = #tpu.core_type<sc_vector_subcore>, window_params = [{transform_indices = #map}, {transform_indices = #map1}, {transform_indices = #map1}, {transform_indices = #map}, {transform_indices = #map2}]} {
    %mul3A = arith.constant 16 : i32
    %mul3A_0 = arith.muli %arg0, %mul3A : i32
    %add3A = arith.addi %mul3A_0, %arg1 : i32
    %mul3A_1 = arith.constant 624 : i32
    %mul3A_2 = arith.muli %arg1, %mul3A_1 : i32
    "tpu.region"() ({
      %run_scoped3A_70 = tpu.sem_alloc : memref<!tpu.dma_semaphore, #tpu.memory_space<semaphore_mem>>
      %dma_start3A_71 = arith.constant 0 : i32
      %dma_start3A_72 = tpu.memref_slice %arg16[%mul3A_2, %dma_start3A_71] : memref<10016x128xf32, #tpu.memory_space<vmem_shared>> -> memref<624x128xf32, #tpu.memory_space<vmem_shared>>
      %dma_start3A_73 = arith.constant 0 : i32
      %dma_start3A_74 = tpu.memref_slice %arg5[%mul3A_2, %dma_start3A_73] : memref<10016x128xf32, #tpu.memory_space<hbm>> -> memref<624x128xf32, #tpu.memory_space<hbm>>
      tpu.enqueue_dma source(%dma_start3A_74 : memref<624x128xf32, #tpu.memory_space<hbm>>) target(%dma_start3A_72 : memref<624x128xf32, #tpu.memory_space<vmem_shared>>) target_semaphore(%run_scoped3A_70 : memref<!tpu.dma_semaphore, #tpu.memory_space<semaphore_mem>>)
      %dma_wait3A = arith.constant 0 : i32
      %dma_wait3A_75 = tpu.memref_slice %arg16[%mul3A_2, %dma_wait3A] : memref<10016x128xf32, #tpu.memory_space<vmem_shared>> -> memref<624x128xf32, #tpu.memory_space<vmem_shared>>
      %dma_wait3A_76 = arith.constant 0 : i32
      %dma_wait3A_77 = tpu.memref_slice %arg5[%mul3A_2, %dma_wait3A_76] : memref<10016x128xf32, #tpu.memory_space<hbm>> -> memref<624x128xf32, #tpu.memory_space<hbm>>
      tpu.wait_dma2 semaphore(%run_scoped3A_70 : memref<!tpu.dma_semaphore, #tpu.memory_space<semaphore_mem>>) src(%dma_wait3A_77 : memref<624x128xf32, #tpu.memory_space<hbm>>) dst(%dma_wait3A_75 : memref<624x128xf32, #tpu.memory_space<vmem_shared>>)
      tpu.yield
    }) : () -> ()
    %eq3A = arith.constant 15 : i32
    %eq3A_3 = arith.cmpi eq, %arg1, %eq3A : i32
    %convert_element_type3A = arith.extui %eq3A_3 : i1 to i32
    %cond3A = arith.constant 0 : i32
    %cond3A_4 = arith.cmpi ne, %convert_element_type3A, %cond3A : i32
    scf.if %cond3A_4 {
      "tpu.region"() ({
        %run_scoped3A_70 = tpu.sem_alloc : memref<!tpu.dma_semaphore, #tpu.memory_space<semaphore_mem>>
        %dma_start3A_71 = arith.constant 9984 : i32
        %dma_start3A_72 = arith.constant 0 : i32
        %dma_start3A_73 = tpu.memref_slice %arg16[%dma_start3A_71, %dma_start3A_72] : memref<10016x128xf32, #tpu.memory_space<vmem_shared>> -> memref<32x128xf32, #tpu.memory_space<vmem_shared>>
        %dma_start3A_74 = arith.constant 9984 : i32
        %dma_start3A_75 = arith.constant 0 : i32
        %dma_start3A_76 = tpu.memref_slice %arg5[%dma_start3A_74, %dma_start3A_75] : memref<10016x128xf32, #tpu.memory_space<hbm>> -> memref<32x128xf32, #tpu.memory_space<hbm>>
        tpu.enqueue_dma source(%dma_start3A_76 : memref<32x128xf32, #tpu.memory_space<hbm>>) target(%dma_start3A_73 : memref<32x128xf32, #tpu.memory_space<vmem_shared>>) target_semaphore(%run_scoped3A_70 : memref<!tpu.dma_semaphore, #tpu.memory_space<semaphore_mem>>)
        %dma_wait3A = arith.constant 9984 : i32
        %dma_wait3A_77 = arith.constant 0 : i32
        %dma_wait3A_78 = tpu.memref_slice %arg16[%dma_wait3A, %dma_wait3A_77] : memref<10016x128xf32, #tpu.memory_space<vmem_shared>> -> memref<32x128xf32, #tpu.memory_space<vmem_shared>>
        %dma_wait3A_79 = arith.constant 9984 : i32
        %dma_wait3A_80 = arith.constant 0 : i32
        %dma_wait3A_81 = tpu.memref_slice %arg5[%dma_wait3A_79, %dma_wait3A_80] : memref<10016x128xf32, #tpu.memory_space<hbm>> -> memref<32x128xf32, #tpu.memory_space<hbm>>
        tpu.wait_dma2 semaphore(%run_scoped3A_70 : memref<!tpu.dma_semaphore, #tpu.memory_space<semaphore_mem>>) src(%dma_wait3A_81 : memref<32x128xf32, #tpu.memory_space<hbm>>) dst(%dma_wait3A_78 : memref<32x128xf32, #tpu.memory_space<vmem_shared>>)
        tpu.yield
      }) : () -> ()
    } else {
    }
    %run_scoped3A = arith.constant 0 : i32
    "tpu.region"() ({
      %run_scoped3A_70 = tpu.sem_alloc : memref<!tpu.dma_semaphore, #tpu.memory_space<semaphore_mem>>
      %dma_start3A_71 = arith.constant 0 : i32
      %dma_start3A_72 = arith.constant 0 : i32
      %dma_start3A_73 = tpu.memref_slice %arg3[%add3A, %run_scoped3A, %dma_start3A_71, %dma_start3A_72] : memref<32x16x10x64xi32, #tpu.memory_space<hbm>> -> memref<1x1x10x64xi32, #tpu.memory_space<hbm>>
      %dma_start3A_74 = tpu.memref_squeeze %dma_start3A_73 : memref<1x1x10x64xi32, #tpu.memory_space<hbm>> -> memref<10x64xi32, #tpu.memory_space<hbm>>
      %dma_start3A_75 = arith.constant 0 : i32
      %dma_start3A_76 = arith.constant 0 : i32
      %dma_start3A_77 = tpu.memref_slice %arg3[%add3A, %run_scoped3A, %dma_start3A_75, %dma_start3A_76] : memref<32x16x10x64xi32, #tpu.memory_space<hbm>> -> memref<1x1x10x64xi32, #tpu.memory_space<hbm>>
      %dma_start3A_78 = tpu.memref_squeeze %dma_start3A_77 : memref<1x1x10x64xi32, #tpu.memory_space<hbm>> -> memref<10x64xi32, #tpu.memory_space<hbm>>
      tpu.enqueue_dma source(%dma_start3A_78 : memref<10x64xi32, #tpu.memory_space<hbm>>) target(%arg7 : memref<10x64xi32, #tpu.memory_space<vmem>>) target_semaphore(%run_scoped3A_70 : memref<!tpu.dma_semaphore, #tpu.memory_space<semaphore_mem>>)
      %dma_wait3A = arith.constant 0 : i32
      %dma_wait3A_79 = arith.constant 0 : i32
      %dma_wait3A_80 = tpu.memref_slice %arg3[%add3A, %run_scoped3A, %dma_wait3A, %dma_wait3A_79] : memref<32x16x10x64xi32, #tpu.memory_space<hbm>> -> memref<1x1x10x64xi32, #tpu.memory_space<hbm>>
      %dma_wait3A_81 = tpu.memref_squeeze %dma_wait3A_80 : memref<1x1x10x64xi32, #tpu.memory_space<hbm>> -> memref<10x64xi32, #tpu.memory_space<hbm>>
      %dma_wait3A_82 = arith.constant 0 : i32
      %dma_wait3A_83 = arith.constant 0 : i32
      %dma_wait3A_84 = tpu.memref_slice %arg3[%add3A, %run_scoped3A, %dma_wait3A_82, %dma_wait3A_83] : memref<32x16x10x64xi32, #tpu.memory_space<hbm>> -> memref<1x1x10x64xi32, #tpu.memory_space<hbm>>
      %dma_wait3A_85 = tpu.memref_squeeze %dma_wait3A_84 : memref<1x1x10x64xi32, #tpu.memory_space<hbm>> -> memref<10x64xi32, #tpu.memory_space<hbm>>
      tpu.wait_dma2 semaphore(%run_scoped3A_70 : memref<!tpu.dma_semaphore, #tpu.memory_space<semaphore_mem>>) src(%dma_wait3A_85 : memref<10x64xi32, #tpu.memory_space<hbm>>) dst(%arg7 : memref<10x64xi32, #tpu.memory_space<vmem>>)
      tpu.yield
    }) : () -> ()
    %run_scoped3A_5 = arith.constant 0 : i32
    "tpu.region"() ({
      %run_scoped3A_70 = tpu.sem_alloc : memref<!tpu.dma_semaphore, #tpu.memory_space<semaphore_mem>>
      %dma_start3A_71 = arith.constant 0 : i32
      %dma_start3A_72 = arith.constant 0 : i32
      %dma_start3A_73 = tpu.memref_slice %arg4[%add3A, %run_scoped3A_5, %dma_start3A_71, %dma_start3A_72] : memref<32x16x10x64xi32, #tpu.memory_space<hbm>> -> memref<1x1x10x64xi32, #tpu.memory_space<hbm>>
      %dma_start3A_74 = tpu.memref_squeeze %dma_start3A_73 : memref<1x1x10x64xi32, #tpu.memory_space<hbm>> -> memref<10x64xi32, #tpu.memory_space<hbm>>
      %dma_start3A_75 = arith.constant 0 : i32
      %dma_start3A_76 = arith.constant 0 : i32
      %dma_start3A_77 = tpu.memref_slice %arg4[%add3A, %run_scoped3A_5, %dma_start3A_75, %dma_start3A_76] : memref<32x16x10x64xi32, #tpu.memory_space<hbm>> -> memref<1x1x10x64xi32, #tpu.memory_space<hbm>>
      %dma_start3A_78 = tpu.memref_squeeze %dma_start3A_77 : memref<1x1x10x64xi32, #tpu.memory_space<hbm>> -> memref<10x64xi32, #tpu.memory_space<hbm>>
      tpu.enqueue_dma source(%dma_start3A_78 : memref<10x64xi32, #tpu.memory_space<hbm>>) target(%arg9 : memref<10x64xi32, #tpu.memory_space<vmem>>) target_semaphore(%run_scoped3A_70 : memref<!tpu.dma_semaphore, #tpu.memory_space<semaphore_mem>>)
      %dma_wait3A = arith.constant 0 : i32
      %dma_wait3A_79 = arith.constant 0 : i32
      %dma_wait3A_80 = tpu.memref_slice %arg4[%add3A, %run_scoped3A_5, %dma_wait3A, %dma_wait3A_79] : memref<32x16x10x64xi32, #tpu.memory_space<hbm>> -> memref<1x1x10x64xi32, #tpu.memory_space<hbm>>
      %dma_wait3A_81 = tpu.memref_squeeze %dma_wait3A_80 : memref<1x1x10x64xi32, #tpu.memory_space<hbm>> -> memref<10x64xi32, #tpu.memory_space<hbm>>
      %dma_wait3A_82 = arith.constant 0 : i32
      %dma_wait3A_83 = arith.constant 0 : i32
      %dma_wait3A_84 = tpu.memref_slice %arg4[%add3A, %run_scoped3A_5, %dma_wait3A_82, %dma_wait3A_83] : memref<32x16x10x64xi32, #tpu.memory_space<hbm>> -> memref<1x1x10x64xi32, #tpu.memory_space<hbm>>
      %dma_wait3A_85 = tpu.memref_squeeze %dma_wait3A_84 : memref<1x1x10x64xi32, #tpu.memory_space<hbm>> -> memref<10x64xi32, #tpu.memory_space<hbm>>
      tpu.wait_dma2 semaphore(%run_scoped3A_70 : memref<!tpu.dma_semaphore, #tpu.memory_space<semaphore_mem>>) src(%dma_wait3A_85 : memref<10x64xi32, #tpu.memory_space<hbm>>) dst(%arg9 : memref<10x64xi32, #tpu.memory_space<vmem>>)
      tpu.yield
    }) : () -> ()
    %barrier3A = arith.constant 0 : index
    tpu.barrier barrier_id(%barrier3A)
    %dma_start3A = arith.constant 1 : i32
    %dma_start3A_6 = arith.constant 0 : i32
    %dma_start3A_7 = arith.constant 0 : i32
    %dma_start3A_8 = tpu.memref_slice %arg3[%add3A, %dma_start3A, %dma_start3A_6, %dma_start3A_7] : memref<32x16x10x64xi32, #tpu.memory_space<hbm>> -> memref<1x1x10x64xi32, #tpu.memory_space<hbm>>
    %dma_start3A_9 = tpu.memref_squeeze %dma_start3A_8 : memref<1x1x10x64xi32, #tpu.memory_space<hbm>> -> memref<10x64xi32, #tpu.memory_space<hbm>>
    %dma_start3A_10 = arith.constant 0 : i32
    %dma_start3A_11 = arith.constant 0 : i32
    %dma_start3A_12 = tpu.memref_slice %arg3[%add3A, %dma_start3A, %dma_start3A_10, %dma_start3A_11] : memref<32x16x10x64xi32, #tpu.memory_space<hbm>> -> memref<1x1x10x64xi32, #tpu.memory_space<hbm>>
    %dma_start3A_13 = tpu.memref_squeeze %dma_start3A_12 : memref<1x1x10x64xi32, #tpu.memory_space<hbm>> -> memref<10x64xi32, #tpu.memory_space<hbm>>
    tpu.enqueue_dma source(%dma_start3A_13 : memref<10x64xi32, #tpu.memory_space<hbm>>) target(%arg8 : memref<10x64xi32, #tpu.memory_space<vmem>>) target_semaphore(%arg22 : memref<!tpu.dma_semaphore, #tpu.memory_space<semaphore_mem>>)
    %dma_start3A_14 = arith.constant 1 : i32
    %dma_start3A_15 = arith.constant 0 : i32
    %dma_start3A_16 = arith.constant 0 : i32
    %dma_start3A_17 = tpu.memref_slice %arg4[%add3A, %dma_start3A_14, %dma_start3A_15, %dma_start3A_16] : memref<32x16x10x64xi32, #tpu.memory_space<hbm>> -> memref<1x1x10x64xi32, #tpu.memory_space<hbm>>
    %dma_start3A_18 = tpu.memref_squeeze %dma_start3A_17 : memref<1x1x10x64xi32, #tpu.memory_space<hbm>> -> memref<10x64xi32, #tpu.memory_space<hbm>>
    %dma_start3A_19 = arith.constant 0 : i32
    %dma_start3A_20 = arith.constant 0 : i32
    %dma_start3A_21 = tpu.memref_slice %arg4[%add3A, %dma_start3A_14, %dma_start3A_19, %dma_start3A_20] : memref<32x16x10x64xi32, #tpu.memory_space<hbm>> -> memref<1x1x10x64xi32, #tpu.memory_space<hbm>>
    %dma_start3A_22 = tpu.memref_squeeze %dma_start3A_21 : memref<1x1x10x64xi32, #tpu.memory_space<hbm>> -> memref<10x64xi32, #tpu.memory_space<hbm>>
    tpu.enqueue_dma source(%dma_start3A_22 : memref<10x64xi32, #tpu.memory_space<hbm>>) target(%arg10 : memref<10x64xi32, #tpu.memory_space<vmem>>) target_semaphore(%arg22 : memref<!tpu.dma_semaphore, #tpu.memory_space<semaphore_mem>>)
    %dma_start3A_23 = arith.constant 0 : i32
    %dma_start3A_24 = arith.constant 0 : i32
    %dma_start3A_25 = tpu.memref_slice %arg7[%dma_start3A_23, %dma_start3A_24] : memref<10x64xi32, #tpu.memory_space<vmem>> -> memref<1x64xi32, #tpu.memory_space<vmem>>
    %dma_start3A_26 = tpu.memref_squeeze %dma_start3A_25 : memref<1x64xi32, #tpu.memory_space<vmem>> -> memref<64xi32, #tpu.memory_space<vmem>>
    %dma_start3A_27 = arith.constant 0 : i32
    %dma_start3A_28 = arith.constant 0 : i32
    %dma_start3A_29 = tpu.memref_slice %arg2[%dma_start3A_27, %dma_start3A_28] : memref<10000x128xf32, #tpu.memory_space<hbm>> -> memref<10000x128xf32, #tpu.memory_space<hbm>>
    tpu.enqueue_indirect_dma source(%dma_start3A_29 : memref<10000x128xf32, #tpu.memory_space<hbm>>) target(%arg11 : memref<64x128xf32, #tpu.memory_space<vmem>>) offsets(%dma_start3A_26 : memref<64xi32, #tpu.memory_space<vmem>>) semaphore(%arg17 : memref<!tpu.dma_semaphore, #tpu.memory_space<semaphore_mem>>)
    %dma_start3A_30 = arith.constant 1 : i32
    %dma_start3A_31 = arith.constant 0 : i32
    %dma_start3A_32 = tpu.memref_slice %arg7[%dma_start3A_30, %dma_start3A_31] : memref<10x64xi32, #tpu.memory_space<vmem>> -> memref<1x64xi32, #tpu.memory_space<vmem>>
    %dma_start3A_33 = tpu.memref_squeeze %dma_start3A_32 : memref<1x64xi32, #tpu.memory_space<vmem>> -> memref<64xi32, #tpu.memory_space<vmem>>
    %dma_start3A_34 = arith.constant 0 : i32
    %dma_start3A_35 = arith.constant 0 : i32
    %dma_start3A_36 = tpu.memref_slice %arg2[%dma_start3A_34, %dma_start3A_35] : memref<10000x128xf32, #tpu.memory_space<hbm>> -> memref<10000x128xf32, #tpu.memory_space<hbm>>
    tpu.enqueue_indirect_dma source(%dma_start3A_36 : memref<10000x128xf32, #tpu.memory_space<hbm>>) target(%arg12 : memref<64x128xf32, #tpu.memory_space<vmem>>) offsets(%dma_start3A_33 : memref<64xi32, #tpu.memory_space<vmem>>) semaphore(%arg18 : memref<!tpu.dma_semaphore, #tpu.memory_space<semaphore_mem>>)
    %dma_start3A_37 = arith.constant 2 : i32
    %dma_start3A_38 = arith.constant 0 : i32
    %dma_start3A_39 = tpu.memref_slice %arg7[%dma_start3A_37, %dma_start3A_38] : memref<10x64xi32, #tpu.memory_space<vmem>> -> memref<1x64xi32, #tpu.memory_space<vmem>>
    %dma_start3A_40 = tpu.memref_squeeze %dma_start3A_39 : memref<1x64xi32, #tpu.memory_space<vmem>> -> memref<64xi32, #tpu.memory_space<vmem>>
    %dma_start3A_41 = arith.constant 0 : i32
    %dma_start3A_42 = arith.constant 0 : i32
    %dma_start3A_43 = tpu.memref_slice %arg2[%dma_start3A_41, %dma_start3A_42] : memref<10000x128xf32, #tpu.memory_space<hbm>> -> memref<10000x128xf32, #tpu.memory_space<hbm>>
    tpu.enqueue_indirect_dma source(%dma_start3A_43 : memref<10000x128xf32, #tpu.memory_space<hbm>>) target(%arg13 : memref<64x128xf32, #tpu.memory_space<vmem>>) offsets(%dma_start3A_40 : memref<64xi32, #tpu.memory_space<vmem>>) semaphore(%arg19 : memref<!tpu.dma_semaphore, #tpu.memory_space<semaphore_mem>>)
    %dma_start3A_44 = arith.constant 3 : i32
    %dma_start3A_45 = arith.constant 0 : i32
    %dma_start3A_46 = tpu.memref_slice %arg7[%dma_start3A_44, %dma_start3A_45] : memref<10x64xi32, #tpu.memory_space<vmem>> -> memref<1x64xi32, #tpu.memory_space<vmem>>
    %dma_start3A_47 = tpu.memref_squeeze %dma_start3A_46 : memref<1x64xi32, #tpu.memory_space<vmem>> -> memref<64xi32, #tpu.memory_space<vmem>>
    %dma_start3A_48 = arith.constant 0 : i32
    %dma_start3A_49 = arith.constant 0 : i32
    %dma_start3A_50 = tpu.memref_slice %arg2[%dma_start3A_48, %dma_start3A_49] : memref<10000x128xf32, #tpu.memory_space<hbm>> -> memref<10000x128xf32, #tpu.memory_space<hbm>>
    tpu.enqueue_indirect_dma source(%dma_start3A_50 : memref<10000x128xf32, #tpu.memory_space<hbm>>) target(%arg14 : memref<64x128xf32, #tpu.memory_space<vmem>>) offsets(%dma_start3A_47 : memref<64xi32, #tpu.memory_space<vmem>>) semaphore(%arg20 : memref<!tpu.dma_semaphore, #tpu.memory_space<semaphore_mem>>)
    %dma_start3A_51 = arith.constant 4 : i32
    %dma_start3A_52 = arith.constant 0 : i32
    %dma_start3A_53 = tpu.memref_slice %arg7[%dma_start3A_51, %dma_start3A_52] : memref<10x64xi32, #tpu.memory_space<vmem>> -> memref<1x64xi32, #tpu.memory_space<vmem>>
    %dma_start3A_54 = tpu.memref_squeeze %dma_start3A_53 : memref<1x64xi32, #tpu.memory_space<vmem>> -> memref<64xi32, #tpu.memory_space<vmem>>
    %dma_start3A_55 = arith.constant 0 : i32
    %dma_start3A_56 = arith.constant 0 : i32
    %dma_start3A_57 = tpu.memref_slice %arg2[%dma_start3A_55, %dma_start3A_56] : memref<10000x128xf32, #tpu.memory_space<hbm>> -> memref<10000x128xf32, #tpu.memory_space<hbm>>
    tpu.enqueue_indirect_dma source(%dma_start3A_57 : memref<10000x128xf32, #tpu.memory_space<hbm>>) target(%arg15 : memref<64x128xf32, #tpu.memory_space<vmem>>) offsets(%dma_start3A_54 : memref<64xi32, #tpu.memory_space<vmem>>) semaphore(%arg21 : memref<!tpu.dma_semaphore, #tpu.memory_space<semaphore_mem>>)
    %scan3A = arith.constant 0 : i32
    %scan3A_58 = arith.constant 0 : i32
    %scan3A_59 = arith.constant 8 : i32
    %scan3A_60 = arith.addi %scan3A_58, %scan3A_59 : i32
    %scan3A_61 = arith.constant 1 : i32
    %scan3A_62 = scf.for %scan3A_70 = %scan3A_58 to %scan3A_60 step %scan3A_61 iter_args(%scan3A_71 = %scan3A) -> (i32)  : i32 {
      %dma_wait3A = arith.constant 0 : i32
      %dma_wait3A_72 = arith.constant 0 : i32
      %dma_wait3A_73 = tpu.memref_slice %arg7[%dma_wait3A, %dma_wait3A_72] : memref<10x64xi32, #tpu.memory_space<vmem>> -> memref<1x64xi32, #tpu.memory_space<vmem>>
      %dma_wait3A_74 = tpu.memref_squeeze %dma_wait3A_73 : memref<1x64xi32, #tpu.memory_space<vmem>> -> memref<64xi32, #tpu.memory_space<vmem>>
      %dma_wait3A_75 = arith.constant 0 : i32
      %dma_wait3A_76 = arith.constant 0 : i32
      %dma_wait3A_77 = tpu.memref_slice %arg2[%dma_wait3A_75, %dma_wait3A_76] : memref<10000x128xf32, #tpu.memory_space<hbm>> -> memref<10000x128xf32, #tpu.memory_space<hbm>>
      tpu.wait_indirect_dma semaphore(%arg17 : memref<!tpu.dma_semaphore, #tpu.memory_space<semaphore_mem>>) src(%dma_wait3A_77 : memref<10000x128xf32, #tpu.memory_space<hbm>>) dst(%arg11 : memref<64x128xf32, #tpu.memory_space<vmem>>)
      %gt3A = arith.constant 0 : i32
      %gt3A_78 = arith.cmpi sgt, %scan3A_70, %gt3A : i32
      %convert_element_type3A_79 = arith.extui %gt3A_78 : i1 to i32
      %cond3A_80 = arith.constant 0 : i32
      %cond3A_81 = arith.cmpi ne, %convert_element_type3A_79, %cond3A_80 : i32
      scf.if %cond3A_81 {
        %dma_wait3A_398 = arith.constant 0 : i32
        %dma_wait3A_399 = arith.constant 0 : i32
        %dma_wait3A_400 = arith.constant 0 : i32
        %dma_wait3A_401 = tpu.memref_slice %arg4[%add3A, %dma_wait3A_398, %dma_wait3A_399, %dma_wait3A_400] : memref<32x16x10x64xi32, #tpu.memory_space<hbm>> -> memref<1x1x10x64xi32, #tpu.memory_space<hbm>>
        %dma_wait3A_402 = tpu.memref_squeeze %dma_wait3A_401 : memref<1x1x10x64xi32, #tpu.memory_space<hbm>> -> memref<10x64xi32, #tpu.memory_space<hbm>>
        %dma_wait3A_403 = arith.constant 0 : i32
        %dma_wait3A_404 = arith.constant 0 : i32
        %dma_wait3A_405 = tpu.memref_slice %arg4[%add3A, %dma_wait3A_398, %dma_wait3A_403, %dma_wait3A_404] : memref<32x16x10x64xi32, #tpu.memory_space<hbm>> -> memref<1x1x10x64xi32, #tpu.memory_space<hbm>>
        %dma_wait3A_406 = tpu.memref_squeeze %dma_wait3A_405 : memref<1x1x10x64xi32, #tpu.memory_space<hbm>> -> memref<10x64xi32, #tpu.memory_space<hbm>>
        tpu.wait_dma2 semaphore(%arg22 : memref<!tpu.dma_semaphore, #tpu.memory_space<semaphore_mem>>) src(%dma_wait3A_406 : memref<10x64xi32, #tpu.memory_space<hbm>>) dst(%arg9 : memref<10x64xi32, #tpu.memory_space<vmem>>)
      } else {
      }
      %run_scoped3A_82 = arith.constant 0 : i32
      "tpu.region"() ({
        %run_scoped3A_398 = tpu.sem_alloc : memref<!tpu.dma_semaphore, #tpu.memory_space<semaphore_mem>>
        %dma_start3A_399 = arith.constant 0 : i32
        %dma_start3A_400 = tpu.memref_slice %arg9[%run_scoped3A_82, %dma_start3A_399] : memref<10x64xi32, #tpu.memory_space<vmem>> -> memref<1x64xi32, #tpu.memory_space<vmem>>
        %dma_start3A_401 = tpu.memref_squeeze %dma_start3A_400 : memref<1x64xi32, #tpu.memory_space<vmem>> -> memref<64xi32, #tpu.memory_space<vmem>>
        %dma_start3A_402 = arith.constant 0 : i32
        %dma_start3A_403 = arith.constant 0 : i32
        %dma_start3A_404 = tpu.memref_slice %arg16[%dma_start3A_402, %dma_start3A_403] : memref<10016x128xf32, #tpu.memory_space<vmem_shared>> -> memref<10016x128xf32, #tpu.memory_space<vmem_shared>>
        tpu.enqueue_indirect_dma source(%arg11 : memref<64x128xf32, #tpu.memory_space<vmem>>) target(%dma_start3A_404 : memref<10016x128xf32, #tpu.memory_space<vmem_shared>>) offsets(%dma_start3A_401 : memref<64xi32, #tpu.memory_space<vmem>>) semaphore(%run_scoped3A_398 : memref<!tpu.dma_semaphore, #tpu.memory_space<semaphore_mem>>) {add = true}
        %dma_wait3A_405 = arith.constant 0 : i32
        %dma_wait3A_406 = tpu.memref_slice %arg9[%run_scoped3A_82, %dma_wait3A_405] : memref<10x64xi32, #tpu.memory_space<vmem>> -> memref<1x64xi32, #tpu.memory_space<vmem>>
        %dma_wait3A_407 = tpu.memref_squeeze %dma_wait3A_406 : memref<1x64xi32, #tpu.memory_space<vmem>> -> memref<64xi32, #tpu.memory_space<vmem>>
        %dma_wait3A_408 = arith.constant 0 : i32
        %dma_wait3A_409 = arith.constant 0 : i32
        %dma_wait3A_410 = tpu.memref_slice %arg16[%dma_wait3A_408, %dma_wait3A_409] : memref<10016x128xf32, #tpu.memory_space<vmem_shared>> -> memref<10016x128xf32, #tpu.memory_space<vmem_shared>>
        tpu.wait_indirect_dma semaphore(%run_scoped3A_398 : memref<!tpu.dma_semaphore, #tpu.memory_space<semaphore_mem>>) src(%arg11 : memref<64x128xf32, #tpu.memory_space<vmem>>) dst(%dma_wait3A_410 : memref<10016x128xf32, #tpu.memory_space<vmem_shared>>)
        tpu.yield
      }) : () -> ()
      %dma_start3A_83 = arith.constant 5 : i32
      %dma_start3A_84 = arith.constant 0 : i32
      %dma_start3A_85 = tpu.memref_slice %arg7[%dma_start3A_83, %dma_start3A_84] : memref<10x64xi32, #tpu.memory_space<vmem>> -> memref<1x64xi32, #tpu.memory_space<vmem>>
      %dma_start3A_86 = tpu.memref_squeeze %dma_start3A_85 : memref<1x64xi32, #tpu.memory_space<vmem>> -> memref<64xi32, #tpu.memory_space<vmem>>
      %dma_start3A_87 = arith.constant 0 : i32
      %dma_start3A_88 = arith.constant 0 : i32
      %dma_start3A_89 = tpu.memref_slice %arg2[%dma_start3A_87, %dma_start3A_88] : memref<10000x128xf32, #tpu.memory_space<hbm>> -> memref<10000x128xf32, #tpu.memory_space<hbm>>
      tpu.enqueue_indirect_dma source(%dma_start3A_89 : memref<10000x128xf32, #tpu.memory_space<hbm>>) target(%arg11 : memref<64x128xf32, #tpu.memory_space<vmem>>) offsets(%dma_start3A_86 : memref<64xi32, #tpu.memory_space<vmem>>) semaphore(%arg17 : memref<!tpu.dma_semaphore, #tpu.memory_space<semaphore_mem>>)
      %dma_wait3A_90 = arith.constant 0 : i32
      %dma_wait3A_91 = arith.constant 0 : i32
      %dma_wait3A_92 = tpu.memref_slice %arg7[%dma_wait3A_90, %dma_wait3A_91] : memref<10x64xi32, #tpu.memory_space<vmem>> -> memref<1x64xi32, #tpu.memory_space<vmem>>
      %dma_wait3A_93 = tpu.memref_squeeze %dma_wait3A_92 : memref<1x64xi32, #tpu.memory_space<vmem>> -> memref<64xi32, #tpu.memory_space<vmem>>
      %dma_wait3A_94 = arith.constant 0 : i32
      %dma_wait3A_95 = arith.constant 0 : i32
      %dma_wait3A_96 = tpu.memref_slice %arg2[%dma_wait3A_94, %dma_wait3A_95] : memref<10000x128xf32, #tpu.memory_space<hbm>> -> memref<10000x128xf32, #tpu.memory_space<hbm>>
      tpu.wait_indirect_dma semaphore(%arg18 : memref<!tpu.dma_semaphore, #tpu.memory_space<semaphore_mem>>) src(%dma_wait3A_96 : memref<10000x128xf32, #tpu.memory_space<hbm>>) dst(%arg12 : memref<64x128xf32, #tpu.memory_space<vmem>>)
      %run_scoped3A_97 = arith.constant 1 : i32
      "tpu.region"() ({
        %run_scoped3A_398 = tpu.sem_alloc : memref<!tpu.dma_semaphore, #tpu.memory_space<semaphore_mem>>
        %dma_start3A_399 = arith.constant 0 : i32
        %dma_start3A_400 = tpu.memref_slice %arg9[%run_scoped3A_97, %dma_start3A_399] : memref<10x64xi32, #tpu.memory_space<vmem>> -> memref<1x64xi32, #tpu.memory_space<vmem>>
        %dma_start3A_401 = tpu.memref_squeeze %dma_start3A_400 : memref<1x64xi32, #tpu.memory_space<vmem>> -> memref<64xi32, #tpu.memory_space<vmem>>
        %dma_start3A_402 = arith.constant 0 : i32
        %dma_start3A_403 = arith.constant 0 : i32
        %dma_start3A_404 = tpu.memref_slice %arg16[%dma_start3A_402, %dma_start3A_403] : memref<10016x128xf32, #tpu.memory_space<vmem_shared>> -> memref<10016x128xf32, #tpu.memory_space<vmem_shared>>
        tpu.enqueue_indirect_dma source(%arg12 : memref<64x128xf32, #tpu.memory_space<vmem>>) target(%dma_start3A_404 : memref<10016x128xf32, #tpu.memory_space<vmem_shared>>) offsets(%dma_start3A_401 : memref<64xi32, #tpu.memory_space<vmem>>) semaphore(%run_scoped3A_398 : memref<!tpu.dma_semaphore, #tpu.memory_space<semaphore_mem>>) {add = true}
        %dma_wait3A_405 = arith.constant 0 : i32
        %dma_wait3A_406 = tpu.memref_slice %arg9[%run_scoped3A_97, %dma_wait3A_405] : memref<10x64xi32, #tpu.memory_space<vmem>> -> memref<1x64xi32, #tpu.memory_space<vmem>>
        %dma_wait3A_407 = tpu.memref_squeeze %dma_wait3A_406 : memref<1x64xi32, #tpu.memory_space<vmem>> -> memref<64xi32, #tpu.memory_space<vmem>>
        %dma_wait3A_408 = arith.constant 0 : i32
        %dma_wait3A_409 = arith.constant 0 : i32
        %dma_wait3A_410 = tpu.memref_slice %arg16[%dma_wait3A_408, %dma_wait3A_409] : memref<10016x128xf32, #tpu.memory_space<vmem_shared>> -> memref<10016x128xf32, #tpu.memory_space<vmem_shared>>
        tpu.wait_indirect_dma semaphore(%run_scoped3A_398 : memref<!tpu.dma_semaphore, #tpu.memory_space<semaphore_mem>>) src(%arg12 : memref<64x128xf32, #tpu.memory_space<vmem>>) dst(%dma_wait3A_410 : memref<10016x128xf32, #tpu.memory_space<vmem_shared>>)
        tpu.yield
      }) : () -> ()
      %dma_start3A_98 = arith.constant 6 : i32
      %dma_start3A_99 = arith.constant 0 : i32
      %dma_start3A_100 = tpu.memref_slice %arg7[%dma_start3A_98, %dma_start3A_99] : memref<10x64xi32, #tpu.memory_space<vmem>> -> memref<1x64xi32, #tpu.memory_space<vmem>>
      %dma_start3A_101 = tpu.memref_squeeze %dma_start3A_100 : memref<1x64xi32, #tpu.memory_space<vmem>> -> memref<64xi32, #tpu.memory_space<vmem>>
      %dma_start3A_102 = arith.constant 0 : i32
      %dma_start3A_103 = arith.constant 0 : i32
      %dma_start3A_104 = tpu.memref_slice %arg2[%dma_start3A_102, %dma_start3A_103] : memref<10000x128xf32, #tpu.memory_space<hbm>> -> memref<10000x128xf32, #tpu.memory_space<hbm>>
      tpu.enqueue_indirect_dma source(%dma_start3A_104 : memref<10000x128xf32, #tpu.memory_space<hbm>>) target(%arg12 : memref<64x128xf32, #tpu.memory_space<vmem>>) offsets(%dma_start3A_101 : memref<64xi32, #tpu.memory_space<vmem>>) semaphore(%arg18 : memref<!tpu.dma_semaphore, #tpu.memory_space<semaphore_mem>>)
      %dma_wait3A_105 = arith.constant 0 : i32
      %dma_wait3A_106 = arith.constant 0 : i32
      %dma_wait3A_107 = tpu.memref_slice %arg7[%dma_wait3A_105, %dma_wait3A_106] : memref<10x64xi32, #tpu.memory_space<vmem>> -> memref<1x64xi32, #tpu.memory_space<vmem>>
      %dma_wait3A_108 = tpu.memref_squeeze %dma_wait3A_107 : memref<1x64xi32, #tpu.memory_space<vmem>> -> memref<64xi32, #tpu.memory_space<vmem>>
      %dma_wait3A_109 = arith.constant 0 : i32
      %dma_wait3A_110 = arith.constant 0 : i32
      %dma_wait3A_111 = tpu.memref_slice %arg2[%dma_wait3A_109, %dma_wait3A_110] : memref<10000x128xf32, #tpu.memory_space<hbm>> -> memref<10000x128xf32, #tpu.memory_space<hbm>>
      tpu.wait_indirect_dma semaphore(%arg19 : memref<!tpu.dma_semaphore, #tpu.memory_space<semaphore_mem>>) src(%dma_wait3A_111 : memref<10000x128xf32, #tpu.memory_space<hbm>>) dst(%arg13 : memref<64x128xf32, #tpu.memory_space<vmem>>)
      %run_scoped3A_112 = arith.constant 2 : i32
      "tpu.region"() ({
        %run_scoped3A_398 = tpu.sem_alloc : memref<!tpu.dma_semaphore, #tpu.memory_space<semaphore_mem>>
        %dma_start3A_399 = arith.constant 0 : i32
        %dma_start3A_400 = tpu.memref_slice %arg9[%run_scoped3A_112, %dma_start3A_399] : memref<10x64xi32, #tpu.memory_space<vmem>> -> memref<1x64xi32, #tpu.memory_space<vmem>>
        %dma_start3A_401 = tpu.memref_squeeze %dma_start3A_400 : memref<1x64xi32, #tpu.memory_space<vmem>> -> memref<64xi32, #tpu.memory_space<vmem>>
        %dma_start3A_402 = arith.constant 0 : i32
        %dma_start3A_403 = arith.constant 0 : i32
        %dma_start3A_404 = tpu.memref_slice %arg16[%dma_start3A_402, %dma_start3A_403] : memref<10016x128xf32, #tpu.memory_space<vmem_shared>> -> memref<10016x128xf32, #tpu.memory_space<vmem_shared>>
        tpu.enqueue_indirect_dma source(%arg13 : memref<64x128xf32, #tpu.memory_space<vmem>>) target(%dma_start3A_404 : memref<10016x128xf32, #tpu.memory_space<vmem_shared>>) offsets(%dma_start3A_401 : memref<64xi32, #tpu.memory_space<vmem>>) semaphore(%run_scoped3A_398 : memref<!tpu.dma_semaphore, #tpu.memory_space<semaphore_mem>>) {add = true}
        %dma_wait3A_405 = arith.constant 0 : i32
        %dma_wait3A_406 = tpu.memref_slice %arg9[%run_scoped3A_112, %dma_wait3A_405] : memref<10x64xi32, #tpu.memory_space<vmem>> -> memref<1x64xi32, #tpu.memory_space<vmem>>
        %dma_wait3A_407 = tpu.memref_squeeze %dma_wait3A_406 : memref<1x64xi32, #tpu.memory_space<vmem>> -> memref<64xi32, #tpu.memory_space<vmem>>
        %dma_wait3A_408 = arith.constant 0 : i32
        %dma_wait3A_409 = arith.constant 0 : i32
        %dma_wait3A_410 = tpu.memref_slice %arg16[%dma_wait3A_408, %dma_wait3A_409] : memref<10016x128xf32, #tpu.memory_space<vmem_shared>> -> memref<10016x128xf32, #tpu.memory_space<vmem_shared>>
        tpu.wait_indirect_dma semaphore(%run_scoped3A_398 : memref<!tpu.dma_semaphore, #tpu.memory_space<semaphore_mem>>) src(%arg13 : memref<64x128xf32, #tpu.memory_space<vmem>>) dst(%dma_wait3A_410 : memref<10016x128xf32, #tpu.memory_space<vmem_shared>>)
        tpu.yield
      }) : () -> ()
      %dma_start3A_113 = arith.constant 7 : i32
      %dma_start3A_114 = arith.constant 0 : i32
      %dma_start3A_115 = tpu.memref_slice %arg7[%dma_start3A_113, %dma_start3A_114] : memref<10x64xi32, #tpu.memory_space<vmem>> -> memref<1x64xi32, #tpu.memory_space<vmem>>
      %dma_start3A_116 = tpu.memref_squeeze %dma_start3A_115 : memref<1x64xi32, #tpu.memory_space<vmem>> -> memref<64xi32, #tpu.memory_space<vmem>>
      %dma_start3A_117 = arith.constant 0 : i32
      %dma_start3A_118 = arith.constant 0 : i32
      %dma_start3A_119 = tpu.memref_slice %arg2[%dma_start3A_117, %dma_start3A_118] : memref<10000x128xf32, #tpu.memory_space<hbm>> -> memref<10000x128xf32, #tpu.memory_space<hbm>>
      tpu.enqueue_indirect_dma source(%dma_start3A_119 : memref<10000x128xf32, #tpu.memory_space<hbm>>) target(%arg13 : memref<64x128xf32, #tpu.memory_space<vmem>>) offsets(%dma_start3A_116 : memref<64xi32, #tpu.memory_space<vmem>>) semaphore(%arg19 : memref<!tpu.dma_semaphore, #tpu.memory_space<semaphore_mem>>)
      %dma_wait3A_120 = arith.constant 0 : i32
      %dma_wait3A_121 = arith.constant 0 : i32
      %dma_wait3A_122 = tpu.memref_slice %arg7[%dma_wait3A_120, %dma_wait3A_121] : memref<10x64xi32, #tpu.memory_space<vmem>> -> memref<1x64xi32, #tpu.memory_space<vmem>>
      %dma_wait3A_123 = tpu.memref_squeeze %dma_wait3A_122 : memref<1x64xi32, #tpu.memory_space<vmem>> -> memref<64xi32, #tpu.memory_space<vmem>>
      %dma_wait3A_124 = arith.constant 0 : i32
      %dma_wait3A_125 = arith.constant 0 : i32
      %dma_wait3A_126 = tpu.memref_slice %arg2[%dma_wait3A_124, %dma_wait3A_125] : memref<10000x128xf32, #tpu.memory_space<hbm>> -> memref<10000x128xf32, #tpu.memory_space<hbm>>
      tpu.wait_indirect_dma semaphore(%arg20 : memref<!tpu.dma_semaphore, #tpu.memory_space<semaphore_mem>>) src(%dma_wait3A_126 : memref<10000x128xf32, #tpu.memory_space<hbm>>) dst(%arg14 : memref<64x128xf32, #tpu.memory_space<vmem>>)
      %run_scoped3A_127 = arith.constant 3 : i32
      "tpu.region"() ({
        %run_scoped3A_398 = tpu.sem_alloc : memref<!tpu.dma_semaphore, #tpu.memory_space<semaphore_mem>>
        %dma_start3A_399 = arith.constant 0 : i32
        %dma_start3A_400 = tpu.memref_slice %arg9[%run_scoped3A_127, %dma_start3A_399] : memref<10x64xi32, #tpu.memory_space<vmem>> -> memref<1x64xi32, #tpu.memory_space<vmem>>
        %dma_start3A_401 = tpu.memref_squeeze %dma_start3A_400 : memref<1x64xi32, #tpu.memory_space<vmem>> -> memref<64xi32, #tpu.memory_space<vmem>>
        %dma_start3A_402 = arith.constant 0 : i32
        %dma_start3A_403 = arith.constant 0 : i32
        %dma_start3A_404 = tpu.memref_slice %arg16[%dma_start3A_402, %dma_start3A_403] : memref<10016x128xf32, #tpu.memory_space<vmem_shared>> -> memref<10016x128xf32, #tpu.memory_space<vmem_shared>>
        tpu.enqueue_indirect_dma source(%arg14 : memref<64x128xf32, #tpu.memory_space<vmem>>) target(%dma_start3A_404 : memref<10016x128xf32, #tpu.memory_space<vmem_shared>>) offsets(%dma_start3A_401 : memref<64xi32, #tpu.memory_space<vmem>>) semaphore(%run_scoped3A_398 : memref<!tpu.dma_semaphore, #tpu.memory_space<semaphore_mem>>) {add = true}
        %dma_wait3A_405 = arith.constant 0 : i32
        %dma_wait3A_406 = tpu.memref_slice %arg9[%run_scoped3A_127, %dma_wait3A_405] : memref<10x64xi32, #tpu.memory_space<vmem>> -> memref<1x64xi32, #tpu.memory_space<vmem>>
        %dma_wait3A_407 = tpu.memref_squeeze %dma_wait3A_406 : memref<1x64xi32, #tpu.memory_space<vmem>> -> memref<64xi32, #tpu.memory_space<vmem>>
        %dma_wait3A_408 = arith.constant 0 : i32
        %dma_wait3A_409 = arith.constant 0 : i32
        %dma_wait3A_410 = tpu.memref_slice %arg16[%dma_wait3A_408, %dma_wait3A_409] : memref<10016x128xf32, #tpu.memory_space<vmem_shared>> -> memref<10016x128xf32, #tpu.memory_space<vmem_shared>>
        tpu.wait_indirect_dma semaphore(%run_scoped3A_398 : memref<!tpu.dma_semaphore, #tpu.memory_space<semaphore_mem>>) src(%arg14 : memref<64x128xf32, #tpu.memory_space<vmem>>) dst(%dma_wait3A_410 : memref<10016x128xf32, #tpu.memory_space<vmem_shared>>)
        tpu.yield
      }) : () -> ()
      %dma_start3A_128 = arith.constant 8 : i32
      %dma_start3A_129 = arith.constant 0 : i32
      %dma_start3A_130 = tpu.memref_slice %arg7[%dma_start3A_128, %dma_start3A_129] : memref<10x64xi32, #tpu.memory_space<vmem>> -> memref<1x64xi32, #tpu.memory_space<vmem>>
      %dma_start3A_131 = tpu.memref_squeeze %dma_start3A_130 : memref<1x64xi32, #tpu.memory_space<vmem>> -> memref<64xi32, #tpu.memory_space<vmem>>
      %dma_start3A_132 = arith.constant 0 : i32
      %dma_start3A_133 = arith.constant 0 : i32
      %dma_start3A_134 = tpu.memref_slice %arg2[%dma_start3A_132, %dma_start3A_133] : memref<10000x128xf32, #tpu.memory_space<hbm>> -> memref<10000x128xf32, #tpu.memory_space<hbm>>
      tpu.enqueue_indirect_dma source(%dma_start3A_134 : memref<10000x128xf32, #tpu.memory_space<hbm>>) target(%arg14 : memref<64x128xf32, #tpu.memory_space<vmem>>) offsets(%dma_start3A_131 : memref<64xi32, #tpu.memory_space<vmem>>) semaphore(%arg20 : memref<!tpu.dma_semaphore, #tpu.memory_space<semaphore_mem>>)
      %dma_wait3A_135 = arith.constant 0 : i32
      %dma_wait3A_136 = arith.constant 0 : i32
      %dma_wait3A_137 = tpu.memref_slice %arg7[%dma_wait3A_135, %dma_wait3A_136] : memref<10x64xi32, #tpu.memory_space<vmem>> -> memref<1x64xi32, #tpu.memory_space<vmem>>
      %dma_wait3A_138 = tpu.memref_squeeze %dma_wait3A_137 : memref<1x64xi32, #tpu.memory_space<vmem>> -> memref<64xi32, #tpu.memory_space<vmem>>
      %dma_wait3A_139 = arith.constant 0 : i32
      %dma_wait3A_140 = arith.constant 0 : i32
      %dma_wait3A_141 = tpu.memref_slice %arg2[%dma_wait3A_139, %dma_wait3A_140] : memref<10000x128xf32, #tpu.memory_space<hbm>> -> memref<10000x128xf32, #tpu.memory_space<hbm>>
      tpu.wait_indirect_dma semaphore(%arg21 : memref<!tpu.dma_semaphore, #tpu.memory_space<semaphore_mem>>) src(%dma_wait3A_141 : memref<10000x128xf32, #tpu.memory_space<hbm>>) dst(%arg15 : memref<64x128xf32, #tpu.memory_space<vmem>>)
      %run_scoped3A_142 = arith.constant 4 : i32
      "tpu.region"() ({
        %run_scoped3A_398 = tpu.sem_alloc : memref<!tpu.dma_semaphore, #tpu.memory_space<semaphore_mem>>
        %dma_start3A_399 = arith.constant 0 : i32
        %dma_start3A_400 = tpu.memref_slice %arg9[%run_scoped3A_142, %dma_start3A_399] : memref<10x64xi32, #tpu.memory_space<vmem>> -> memref<1x64xi32, #tpu.memory_space<vmem>>
        %dma_start3A_401 = tpu.memref_squeeze %dma_start3A_400 : memref<1x64xi32, #tpu.memory_space<vmem>> -> memref<64xi32, #tpu.memory_space<vmem>>
        %dma_start3A_402 = arith.constant 0 : i32
        %dma_start3A_403 = arith.constant 0 : i32
        %dma_start3A_404 = tpu.memref_slice %arg16[%dma_start3A_402, %dma_start3A_403] : memref<10016x128xf32, #tpu.memory_space<vmem_shared>> -> memref<10016x128xf32, #tpu.memory_space<vmem_shared>>
        tpu.enqueue_indirect_dma source(%arg15 : memref<64x128xf32, #tpu.memory_space<vmem>>) target(%dma_start3A_404 : memref<10016x128xf32, #tpu.memory_space<vmem_shared>>) offsets(%dma_start3A_401 : memref<64xi32, #tpu.memory_space<vmem>>) semaphore(%run_scoped3A_398 : memref<!tpu.dma_semaphore, #tpu.memory_space<semaphore_mem>>) {add = true}
        %dma_wait3A_405 = arith.constant 0 : i32
        %dma_wait3A_406 = tpu.memref_slice %arg9[%run_scoped3A_142, %dma_wait3A_405] : memref<10x64xi32, #tpu.memory_space<vmem>> -> memref<1x64xi32, #tpu.memory_space<vmem>>
        %dma_wait3A_407 = tpu.memref_squeeze %dma_wait3A_406 : memref<1x64xi32, #tpu.memory_space<vmem>> -> memref<64xi32, #tpu.memory_space<vmem>>
        %dma_wait3A_408 = arith.constant 0 : i32
        %dma_wait3A_409 = arith.constant 0 : i32
        %dma_wait3A_410 = tpu.memref_slice %arg16[%dma_wait3A_408, %dma_wait3A_409] : memref<10016x128xf32, #tpu.memory_space<vmem_shared>> -> memref<10016x128xf32, #tpu.memory_space<vmem_shared>>
        tpu.wait_indirect_dma semaphore(%run_scoped3A_398 : memref<!tpu.dma_semaphore, #tpu.memory_space<semaphore_mem>>) src(%arg15 : memref<64x128xf32, #tpu.memory_space<vmem>>) dst(%dma_wait3A_410 : memref<10016x128xf32, #tpu.memory_space<vmem_shared>>)
        tpu.yield
      }) : () -> ()
      %dma_start3A_143 = arith.constant 9 : i32
      %dma_start3A_144 = arith.constant 0 : i32
      %dma_start3A_145 = tpu.memref_slice %arg7[%dma_start3A_143, %dma_start3A_144] : memref<10x64xi32, #tpu.memory_space<vmem>> -> memref<1x64xi32, #tpu.memory_space<vmem>>
      %dma_start3A_146 = tpu.memref_squeeze %dma_start3A_145 : memref<1x64xi32, #tpu.memory_space<vmem>> -> memref<64xi32, #tpu.memory_space<vmem>>
      %dma_start3A_147 = arith.constant 0 : i32
      %dma_start3A_148 = arith.constant 0 : i32
      %dma_start3A_149 = tpu.memref_slice %arg2[%dma_start3A_147, %dma_start3A_148] : memref<10000x128xf32, #tpu.memory_space<hbm>> -> memref<10000x128xf32, #tpu.memory_space<hbm>>
      tpu.enqueue_indirect_dma source(%dma_start3A_149 : memref<10000x128xf32, #tpu.memory_space<hbm>>) target(%arg15 : memref<64x128xf32, #tpu.memory_space<vmem>>) offsets(%dma_start3A_146 : memref<64xi32, #tpu.memory_space<vmem>>) semaphore(%arg21 : memref<!tpu.dma_semaphore, #tpu.memory_space<semaphore_mem>>)
      %dma_wait3A_150 = arith.constant 0 : i32
      %dma_wait3A_151 = arith.constant 0 : i32
      %dma_wait3A_152 = tpu.memref_slice %arg7[%dma_wait3A_150, %dma_wait3A_151] : memref<10x64xi32, #tpu.memory_space<vmem>> -> memref<1x64xi32, #tpu.memory_space<vmem>>
      %dma_wait3A_153 = tpu.memref_squeeze %dma_wait3A_152 : memref<1x64xi32, #tpu.memory_space<vmem>> -> memref<64xi32, #tpu.memory_space<vmem>>
      %dma_wait3A_154 = arith.constant 0 : i32
      %dma_wait3A_155 = arith.constant 0 : i32
      %dma_wait3A_156 = tpu.memref_slice %arg2[%dma_wait3A_154, %dma_wait3A_155] : memref<10000x128xf32, #tpu.memory_space<hbm>> -> memref<10000x128xf32, #tpu.memory_space<hbm>>
      tpu.wait_indirect_dma semaphore(%arg17 : memref<!tpu.dma_semaphore, #tpu.memory_space<semaphore_mem>>) src(%dma_wait3A_156 : memref<10000x128xf32, #tpu.memory_space<hbm>>) dst(%arg11 : memref<64x128xf32, #tpu.memory_space<vmem>>)
      %dma_wait3A_157 = arith.constant 0 : i32
      %dma_wait3A_158 = arith.constant 0 : i32
      %dma_wait3A_159 = arith.constant 0 : i32
      %dma_wait3A_160 = tpu.memref_slice %arg3[%add3A, %dma_wait3A_157, %dma_wait3A_158, %dma_wait3A_159] : memref<32x16x10x64xi32, #tpu.memory_space<hbm>> -> memref<1x1x10x64xi32, #tpu.memory_space<hbm>>
      %dma_wait3A_161 = tpu.memref_squeeze %dma_wait3A_160 : memref<1x1x10x64xi32, #tpu.memory_space<hbm>> -> memref<10x64xi32, #tpu.memory_space<hbm>>
      %dma_wait3A_162 = arith.constant 0 : i32
      %dma_wait3A_163 = arith.constant 0 : i32
      %dma_wait3A_164 = tpu.memref_slice %arg3[%add3A, %dma_wait3A_157, %dma_wait3A_162, %dma_wait3A_163] : memref<32x16x10x64xi32, #tpu.memory_space<hbm>> -> memref<1x1x10x64xi32, #tpu.memory_space<hbm>>
      %dma_wait3A_165 = tpu.memref_squeeze %dma_wait3A_164 : memref<1x1x10x64xi32, #tpu.memory_space<hbm>> -> memref<10x64xi32, #tpu.memory_space<hbm>>
      tpu.wait_dma2 semaphore(%arg22 : memref<!tpu.dma_semaphore, #tpu.memory_space<semaphore_mem>>) src(%dma_wait3A_165 : memref<10x64xi32, #tpu.memory_space<hbm>>) dst(%arg8 : memref<10x64xi32, #tpu.memory_space<vmem>>)
      %run_scoped3A_166 = arith.constant 5 : i32
      "tpu.region"() ({
        %run_scoped3A_398 = tpu.sem_alloc : memref<!tpu.dma_semaphore, #tpu.memory_space<semaphore_mem>>
        %dma_start3A_399 = arith.constant 0 : i32
        %dma_start3A_400 = tpu.memref_slice %arg9[%run_scoped3A_166, %dma_start3A_399] : memref<10x64xi32, #tpu.memory_space<vmem>> -> memref<1x64xi32, #tpu.memory_space<vmem>>
        %dma_start3A_401 = tpu.memref_squeeze %dma_start3A_400 : memref<1x64xi32, #tpu.memory_space<vmem>> -> memref<64xi32, #tpu.memory_space<vmem>>
        %dma_start3A_402 = arith.constant 0 : i32
        %dma_start3A_403 = arith.constant 0 : i32
        %dma_start3A_404 = tpu.memref_slice %arg16[%dma_start3A_402, %dma_start3A_403] : memref<10016x128xf32, #tpu.memory_space<vmem_shared>> -> memref<10016x128xf32, #tpu.memory_space<vmem_shared>>
        tpu.enqueue_indirect_dma source(%arg11 : memref<64x128xf32, #tpu.memory_space<vmem>>) target(%dma_start3A_404 : memref<10016x128xf32, #tpu.memory_space<vmem_shared>>) offsets(%dma_start3A_401 : memref<64xi32, #tpu.memory_space<vmem>>) semaphore(%run_scoped3A_398 : memref<!tpu.dma_semaphore, #tpu.memory_space<semaphore_mem>>) {add = true}
        %dma_wait3A_405 = arith.constant 0 : i32
        %dma_wait3A_406 = tpu.memref_slice %arg9[%run_scoped3A_166, %dma_wait3A_405] : memref<10x64xi32, #tpu.memory_space<vmem>> -> memref<1x64xi32, #tpu.memory_space<vmem>>
        %dma_wait3A_407 = tpu.memref_squeeze %dma_wait3A_406 : memref<1x64xi32, #tpu.memory_space<vmem>> -> memref<64xi32, #tpu.memory_space<vmem>>
        %dma_wait3A_408 = arith.constant 0 : i32
        %dma_wait3A_409 = arith.constant 0 : i32
        %dma_wait3A_410 = tpu.memref_slice %arg16[%dma_wait3A_408, %dma_wait3A_409] : memref<10016x128xf32, #tpu.memory_space<vmem_shared>> -> memref<10016x128xf32, #tpu.memory_space<vmem_shared>>
        tpu.wait_indirect_dma semaphore(%run_scoped3A_398 : memref<!tpu.dma_semaphore, #tpu.memory_space<semaphore_mem>>) src(%arg11 : memref<64x128xf32, #tpu.memory_space<vmem>>) dst(%dma_wait3A_410 : memref<10016x128xf32, #tpu.memory_space<vmem_shared>>)
        tpu.yield
      }) : () -> ()
      %dma_start3A_167 = arith.constant 0 : i32
      %dma_start3A_168 = arith.constant 0 : i32
      %dma_start3A_169 = tpu.memref_slice %arg8[%dma_start3A_167, %dma_start3A_168] : memref<10x64xi32, #tpu.memory_space<vmem>> -> memref<1x64xi32, #tpu.memory_space<vmem>>
      %dma_start3A_170 = tpu.memref_squeeze %dma_start3A_169 : memref<1x64xi32, #tpu.memory_space<vmem>> -> memref<64xi32, #tpu.memory_space<vmem>>
      %dma_start3A_171 = arith.constant 0 : i32
      %dma_start3A_172 = arith.constant 0 : i32
      %dma_start3A_173 = tpu.memref_slice %arg2[%dma_start3A_171, %dma_start3A_172] : memref<10000x128xf32, #tpu.memory_space<hbm>> -> memref<10000x128xf32, #tpu.memory_space<hbm>>
      tpu.enqueue_indirect_dma source(%dma_start3A_173 : memref<10000x128xf32, #tpu.memory_space<hbm>>) target(%arg11 : memref<64x128xf32, #tpu.memory_space<vmem>>) offsets(%dma_start3A_170 : memref<64xi32, #tpu.memory_space<vmem>>) semaphore(%arg17 : memref<!tpu.dma_semaphore, #tpu.memory_space<semaphore_mem>>)
      %dma_wait3A_174 = arith.constant 0 : i32
      %dma_wait3A_175 = arith.constant 0 : i32
      %dma_wait3A_176 = tpu.memref_slice %arg7[%dma_wait3A_174, %dma_wait3A_175] : memref<10x64xi32, #tpu.memory_space<vmem>> -> memref<1x64xi32, #tpu.memory_space<vmem>>
      %dma_wait3A_177 = tpu.memref_squeeze %dma_wait3A_176 : memref<1x64xi32, #tpu.memory_space<vmem>> -> memref<64xi32, #tpu.memory_space<vmem>>
      %dma_wait3A_178 = arith.constant 0 : i32
      %dma_wait3A_179 = arith.constant 0 : i32
      %dma_wait3A_180 = tpu.memref_slice %arg2[%dma_wait3A_178, %dma_wait3A_179] : memref<10000x128xf32, #tpu.memory_space<hbm>> -> memref<10000x128xf32, #tpu.memory_space<hbm>>
      tpu.wait_indirect_dma semaphore(%arg18 : memref<!tpu.dma_semaphore, #tpu.memory_space<semaphore_mem>>) src(%dma_wait3A_180 : memref<10000x128xf32, #tpu.memory_space<hbm>>) dst(%arg12 : memref<64x128xf32, #tpu.memory_space<vmem>>)
      %run_scoped3A_181 = arith.constant 6 : i32
      "tpu.region"() ({
        %run_scoped3A_398 = tpu.sem_alloc : memref<!tpu.dma_semaphore, #tpu.memory_space<semaphore_mem>>
        %dma_start3A_399 = arith.constant 0 : i32
        %dma_start3A_400 = tpu.memref_slice %arg9[%run_scoped3A_181, %dma_start3A_399] : memref<10x64xi32, #tpu.memory_space<vmem>> -> memref<1x64xi32, #tpu.memory_space<vmem>>
        %dma_start3A_401 = tpu.memref_squeeze %dma_start3A_400 : memref<1x64xi32, #tpu.memory_space<vmem>> -> memref<64xi32, #tpu.memory_space<vmem>>
        %dma_start3A_402 = arith.constant 0 : i32
        %dma_start3A_403 = arith.constant 0 : i32
        %dma_start3A_404 = tpu.memref_slice %arg16[%dma_start3A_402, %dma_start3A_403] : memref<10016x128xf32, #tpu.memory_space<vmem_shared>> -> memref<10016x128xf32, #tpu.memory_space<vmem_shared>>
        tpu.enqueue_indirect_dma source(%arg12 : memref<64x128xf32, #tpu.memory_space<vmem>>) target(%dma_start3A_404 : memref<10016x128xf32, #tpu.memory_space<vmem_shared>>) offsets(%dma_start3A_401 : memref<64xi32, #tpu.memory_space<vmem>>) semaphore(%run_scoped3A_398 : memref<!tpu.dma_semaphore, #tpu.memory_space<semaphore_mem>>) {add = true}
        %dma_wait3A_405 = arith.constant 0 : i32
        %dma_wait3A_406 = tpu.memref_slice %arg9[%run_scoped3A_181, %dma_wait3A_405] : memref<10x64xi32, #tpu.memory_space<vmem>> -> memref<1x64xi32, #tpu.memory_space<vmem>>
        %dma_wait3A_407 = tpu.memref_squeeze %dma_wait3A_406 : memref<1x64xi32, #tpu.memory_space<vmem>> -> memref<64xi32, #tpu.memory_space<vmem>>
        %dma_wait3A_408 = arith.constant 0 : i32
        %dma_wait3A_409 = arith.constant 0 : i32
        %dma_wait3A_410 = tpu.memref_slice %arg16[%dma_wait3A_408, %dma_wait3A_409] : memref<10016x128xf32, #tpu.memory_space<vmem_shared>> -> memref<10016x128xf32, #tpu.memory_space<vmem_shared>>
        tpu.wait_indirect_dma semaphore(%run_scoped3A_398 : memref<!tpu.dma_semaphore, #tpu.memory_space<semaphore_mem>>) src(%arg12 : memref<64x128xf32, #tpu.memory_space<vmem>>) dst(%dma_wait3A_410 : memref<10016x128xf32, #tpu.memory_space<vmem_shared>>)
        tpu.yield
      }) : () -> ()
      %dma_start3A_182 = arith.constant 1 : i32
      %dma_start3A_183 = arith.constant 0 : i32
      %dma_start3A_184 = tpu.memref_slice %arg8[%dma_start3A_182, %dma_start3A_183] : memref<10x64xi32, #tpu.memory_space<vmem>> -> memref<1x64xi32, #tpu.memory_space<vmem>>
      %dma_start3A_185 = tpu.memref_squeeze %dma_start3A_184 : memref<1x64xi32, #tpu.memory_space<vmem>> -> memref<64xi32, #tpu.memory_space<vmem>>
      %dma_start3A_186 = arith.constant 0 : i32
      %dma_start3A_187 = arith.constant 0 : i32
      %dma_start3A_188 = tpu.memref_slice %arg2[%dma_start3A_186, %dma_start3A_187] : memref<10000x128xf32, #tpu.memory_space<hbm>> -> memref<10000x128xf32, #tpu.memory_space<hbm>>
      tpu.enqueue_indirect_dma source(%dma_start3A_188 : memref<10000x128xf32, #tpu.memory_space<hbm>>) target(%arg12 : memref<64x128xf32, #tpu.memory_space<vmem>>) offsets(%dma_start3A_185 : memref<64xi32, #tpu.memory_space<vmem>>) semaphore(%arg18 : memref<!tpu.dma_semaphore, #tpu.memory_space<semaphore_mem>>)
      %dma_wait3A_189 = arith.constant 0 : i32
      %dma_wait3A_190 = arith.constant 0 : i32
      %dma_wait3A_191 = tpu.memref_slice %arg7[%dma_wait3A_189, %dma_wait3A_190] : memref<10x64xi32, #tpu.memory_space<vmem>> -> memref<1x64xi32, #tpu.memory_space<vmem>>
      %dma_wait3A_192 = tpu.memref_squeeze %dma_wait3A_191 : memref<1x64xi32, #tpu.memory_space<vmem>> -> memref<64xi32, #tpu.memory_space<vmem>>
      %dma_wait3A_193 = arith.constant 0 : i32
      %dma_wait3A_194 = arith.constant 0 : i32
      %dma_wait3A_195 = tpu.memref_slice %arg2[%dma_wait3A_193, %dma_wait3A_194] : memref<10000x128xf32, #tpu.memory_space<hbm>> -> memref<10000x128xf32, #tpu.memory_space<hbm>>
      tpu.wait_indirect_dma semaphore(%arg19 : memref<!tpu.dma_semaphore, #tpu.memory_space<semaphore_mem>>) src(%dma_wait3A_195 : memref<10000x128xf32, #tpu.memory_space<hbm>>) dst(%arg13 : memref<64x128xf32, #tpu.memory_space<vmem>>)
      %run_scoped3A_196 = arith.constant 7 : i32
      "tpu.region"() ({
        %run_scoped3A_398 = tpu.sem_alloc : memref<!tpu.dma_semaphore, #tpu.memory_space<semaphore_mem>>
        %dma_start3A_399 = arith.constant 0 : i32
        %dma_start3A_400 = tpu.memref_slice %arg9[%run_scoped3A_196, %dma_start3A_399] : memref<10x64xi32, #tpu.memory_space<vmem>> -> memref<1x64xi32, #tpu.memory_space<vmem>>
        %dma_start3A_401 = tpu.memref_squeeze %dma_start3A_400 : memref<1x64xi32, #tpu.memory_space<vmem>> -> memref<64xi32, #tpu.memory_space<vmem>>
        %dma_start3A_402 = arith.constant 0 : i32
        %dma_start3A_403 = arith.constant 0 : i32
        %dma_start3A_404 = tpu.memref_slice %arg16[%dma_start3A_402, %dma_start3A_403] : memref<10016x128xf32, #tpu.memory_space<vmem_shared>> -> memref<10016x128xf32, #tpu.memory_space<vmem_shared>>
        tpu.enqueue_indirect_dma source(%arg13 : memref<64x128xf32, #tpu.memory_space<vmem>>) target(%dma_start3A_404 : memref<10016x128xf32, #tpu.memory_space<vmem_shared>>) offsets(%dma_start3A_401 : memref<64xi32, #tpu.memory_space<vmem>>) semaphore(%run_scoped3A_398 : memref<!tpu.dma_semaphore, #tpu.memory_space<semaphore_mem>>) {add = true}
        %dma_wait3A_405 = arith.constant 0 : i32
        %dma_wait3A_406 = tpu.memref_slice %arg9[%run_scoped3A_196, %dma_wait3A_405] : memref<10x64xi32, #tpu.memory_space<vmem>> -> memref<1x64xi32, #tpu.memory_space<vmem>>
        %dma_wait3A_407 = tpu.memref_squeeze %dma_wait3A_406 : memref<1x64xi32, #tpu.memory_space<vmem>> -> memref<64xi32, #tpu.memory_space<vmem>>
        %dma_wait3A_408 = arith.constant 0 : i32
        %dma_wait3A_409 = arith.constant 0 : i32
        %dma_wait3A_410 = tpu.memref_slice %arg16[%dma_wait3A_408, %dma_wait3A_409] : memref<10016x128xf32, #tpu.memory_space<vmem_shared>> -> memref<10016x128xf32, #tpu.memory_space<vmem_shared>>
        tpu.wait_indirect_dma semaphore(%run_scoped3A_398 : memref<!tpu.dma_semaphore, #tpu.memory_space<semaphore_mem>>) src(%arg13 : memref<64x128xf32, #tpu.memory_space<vmem>>) dst(%dma_wait3A_410 : memref<10016x128xf32, #tpu.memory_space<vmem_shared>>)
        tpu.yield
      }) : () -> ()
      %dma_start3A_197 = arith.constant 2 : i32
      %dma_start3A_198 = arith.constant 0 : i32
      %dma_start3A_199 = tpu.memref_slice %arg8[%dma_start3A_197, %dma_start3A_198] : memref<10x64xi32, #tpu.memory_space<vmem>> -> memref<1x64xi32, #tpu.memory_space<vmem>>
      %dma_start3A_200 = tpu.memref_squeeze %dma_start3A_199 : memref<1x64xi32, #tpu.memory_space<vmem>> -> memref<64xi32, #tpu.memory_space<vmem>>
      %dma_start3A_201 = arith.constant 0 : i32
      %dma_start3A_202 = arith.constant 0 : i32
      %dma_start3A_203 = tpu.memref_slice %arg2[%dma_start3A_201, %dma_start3A_202] : memref<10000x128xf32, #tpu.memory_space<hbm>> -> memref<10000x128xf32, #tpu.memory_space<hbm>>
      tpu.enqueue_indirect_dma source(%dma_start3A_203 : memref<10000x128xf32, #tpu.memory_space<hbm>>) target(%arg13 : memref<64x128xf32, #tpu.memory_space<vmem>>) offsets(%dma_start3A_200 : memref<64xi32, #tpu.memory_space<vmem>>) semaphore(%arg19 : memref<!tpu.dma_semaphore, #tpu.memory_space<semaphore_mem>>)
      %dma_wait3A_204 = arith.constant 0 : i32
      %dma_wait3A_205 = arith.constant 0 : i32
      %dma_wait3A_206 = tpu.memref_slice %arg7[%dma_wait3A_204, %dma_wait3A_205] : memref<10x64xi32, #tpu.memory_space<vmem>> -> memref<1x64xi32, #tpu.memory_space<vmem>>
      %dma_wait3A_207 = tpu.memref_squeeze %dma_wait3A_206 : memref<1x64xi32, #tpu.memory_space<vmem>> -> memref<64xi32, #tpu.memory_space<vmem>>
      %dma_wait3A_208 = arith.constant 0 : i32
      %dma_wait3A_209 = arith.constant 0 : i32
      %dma_wait3A_210 = tpu.memref_slice %arg2[%dma_wait3A_208, %dma_wait3A_209] : memref<10000x128xf32, #tpu.memory_space<hbm>> -> memref<10000x128xf32, #tpu.memory_space<hbm>>
      tpu.wait_indirect_dma semaphore(%arg20 : memref<!tpu.dma_semaphore, #tpu.memory_space<semaphore_mem>>) src(%dma_wait3A_210 : memref<10000x128xf32, #tpu.memory_space<hbm>>) dst(%arg14 : memref<64x128xf32, #tpu.memory_space<vmem>>)
      %run_scoped3A_211 = arith.constant 8 : i32
      "tpu.region"() ({
        %run_scoped3A_398 = tpu.sem_alloc : memref<!tpu.dma_semaphore, #tpu.memory_space<semaphore_mem>>
        %dma_start3A_399 = arith.constant 0 : i32
        %dma_start3A_400 = tpu.memref_slice %arg9[%run_scoped3A_211, %dma_start3A_399] : memref<10x64xi32, #tpu.memory_space<vmem>> -> memref<1x64xi32, #tpu.memory_space<vmem>>
        %dma_start3A_401 = tpu.memref_squeeze %dma_start3A_400 : memref<1x64xi32, #tpu.memory_space<vmem>> -> memref<64xi32, #tpu.memory_space<vmem>>
        %dma_start3A_402 = arith.constant 0 : i32
        %dma_start3A_403 = arith.constant 0 : i32
        %dma_start3A_404 = tpu.memref_slice %arg16[%dma_start3A_402, %dma_start3A_403] : memref<10016x128xf32, #tpu.memory_space<vmem_shared>> -> memref<10016x128xf32, #tpu.memory_space<vmem_shared>>
        tpu.enqueue_indirect_dma source(%arg14 : memref<64x128xf32, #tpu.memory_space<vmem>>) target(%dma_start3A_404 : memref<10016x128xf32, #tpu.memory_space<vmem_shared>>) offsets(%dma_start3A_401 : memref<64xi32, #tpu.memory_space<vmem>>) semaphore(%run_scoped3A_398 : memref<!tpu.dma_semaphore, #tpu.memory_space<semaphore_mem>>) {add = true}
        %dma_wait3A_405 = arith.constant 0 : i32
        %dma_wait3A_406 = tpu.memref_slice %arg9[%run_scoped3A_211, %dma_wait3A_405] : memref<10x64xi32, #tpu.memory_space<vmem>> -> memref<1x64xi32, #tpu.memory_space<vmem>>
        %dma_wait3A_407 = tpu.memref_squeeze %dma_wait3A_406 : memref<1x64xi32, #tpu.memory_space<vmem>> -> memref<64xi32, #tpu.memory_space<vmem>>
        %dma_wait3A_408 = arith.constant 0 : i32
        %dma_wait3A_409 = arith.constant 0 : i32
        %dma_wait3A_410 = tpu.memref_slice %arg16[%dma_wait3A_408, %dma_wait3A_409] : memref<10016x128xf32, #tpu.memory_space<vmem_shared>> -> memref<10016x128xf32, #tpu.memory_space<vmem_shared>>
        tpu.wait_indirect_dma semaphore(%run_scoped3A_398 : memref<!tpu.dma_semaphore, #tpu.memory_space<semaphore_mem>>) src(%arg14 : memref<64x128xf32, #tpu.memory_space<vmem>>) dst(%dma_wait3A_410 : memref<10016x128xf32, #tpu.memory_space<vmem_shared>>)
        tpu.yield
      }) : () -> ()
      %dma_start3A_212 = arith.constant 3 : i32
      %dma_start3A_213 = arith.constant 0 : i32
      %dma_start3A_214 = tpu.memref_slice %arg8[%dma_start3A_212, %dma_start3A_213] : memref<10x64xi32, #tpu.memory_space<vmem>> -> memref<1x64xi32, #tpu.memory_space<vmem>>
      %dma_start3A_215 = tpu.memref_squeeze %dma_start3A_214 : memref<1x64xi32, #tpu.memory_space<vmem>> -> memref<64xi32, #tpu.memory_space<vmem>>
      %dma_start3A_216 = arith.constant 0 : i32
      %dma_start3A_217 = arith.constant 0 : i32
      %dma_start3A_218 = tpu.memref_slice %arg2[%dma_start3A_216, %dma_start3A_217] : memref<10000x128xf32, #tpu.memory_space<hbm>> -> memref<10000x128xf32, #tpu.memory_space<hbm>>
      tpu.enqueue_indirect_dma source(%dma_start3A_218 : memref<10000x128xf32, #tpu.memory_space<hbm>>) target(%arg14 : memref<64x128xf32, #tpu.memory_space<vmem>>) offsets(%dma_start3A_215 : memref<64xi32, #tpu.memory_space<vmem>>) semaphore(%arg20 : memref<!tpu.dma_semaphore, #tpu.memory_space<semaphore_mem>>)
      %dma_wait3A_219 = arith.constant 0 : i32
      %dma_wait3A_220 = arith.constant 0 : i32
      %dma_wait3A_221 = tpu.memref_slice %arg7[%dma_wait3A_219, %dma_wait3A_220] : memref<10x64xi32, #tpu.memory_space<vmem>> -> memref<1x64xi32, #tpu.memory_space<vmem>>
      %dma_wait3A_222 = tpu.memref_squeeze %dma_wait3A_221 : memref<1x64xi32, #tpu.memory_space<vmem>> -> memref<64xi32, #tpu.memory_space<vmem>>
      %dma_wait3A_223 = arith.constant 0 : i32
      %dma_wait3A_224 = arith.constant 0 : i32
      %dma_wait3A_225 = tpu.memref_slice %arg2[%dma_wait3A_223, %dma_wait3A_224] : memref<10000x128xf32, #tpu.memory_space<hbm>> -> memref<10000x128xf32, #tpu.memory_space<hbm>>
      tpu.wait_indirect_dma semaphore(%arg21 : memref<!tpu.dma_semaphore, #tpu.memory_space<semaphore_mem>>) src(%dma_wait3A_225 : memref<10000x128xf32, #tpu.memory_space<hbm>>) dst(%arg15 : memref<64x128xf32, #tpu.memory_space<vmem>>)
      %run_scoped3A_226 = arith.constant 9 : i32
      "tpu.region"() ({
        %run_scoped3A_398 = tpu.sem_alloc : memref<!tpu.dma_semaphore, #tpu.memory_space<semaphore_mem>>
        %dma_start3A_399 = arith.constant 0 : i32
        %dma_start3A_400 = tpu.memref_slice %arg9[%run_scoped3A_226, %dma_start3A_399] : memref<10x64xi32, #tpu.memory_space<vmem>> -> memref<1x64xi32, #tpu.memory_space<vmem>>
        %dma_start3A_401 = tpu.memref_squeeze %dma_start3A_400 : memref<1x64xi32, #tpu.memory_space<vmem>> -> memref<64xi32, #tpu.memory_space<vmem>>
        %dma_start3A_402 = arith.constant 0 : i32
        %dma_start3A_403 = arith.constant 0 : i32
        %dma_start3A_404 = tpu.memref_slice %arg16[%dma_start3A_402, %dma_start3A_403] : memref<10016x128xf32, #tpu.memory_space<vmem_shared>> -> memref<10016x128xf32, #tpu.memory_space<vmem_shared>>
        tpu.enqueue_indirect_dma source(%arg15 : memref<64x128xf32, #tpu.memory_space<vmem>>) target(%dma_start3A_404 : memref<10016x128xf32, #tpu.memory_space<vmem_shared>>) offsets(%dma_start3A_401 : memref<64xi32, #tpu.memory_space<vmem>>) semaphore(%run_scoped3A_398 : memref<!tpu.dma_semaphore, #tpu.memory_space<semaphore_mem>>) {add = true}
        %dma_wait3A_405 = arith.constant 0 : i32
        %dma_wait3A_406 = tpu.memref_slice %arg9[%run_scoped3A_226, %dma_wait3A_405] : memref<10x64xi32, #tpu.memory_space<vmem>> -> memref<1x64xi32, #tpu.memory_space<vmem>>
        %dma_wait3A_407 = tpu.memref_squeeze %dma_wait3A_406 : memref<1x64xi32, #tpu.memory_space<vmem>> -> memref<64xi32, #tpu.memory_space<vmem>>
        %dma_wait3A_408 = arith.constant 0 : i32
        %dma_wait3A_409 = arith.constant 0 : i32
        %dma_wait3A_410 = tpu.memref_slice %arg16[%dma_wait3A_408, %dma_wait3A_409] : memref<10016x128xf32, #tpu.memory_space<vmem_shared>> -> memref<10016x128xf32, #tpu.memory_space<vmem_shared>>
        tpu.wait_indirect_dma semaphore(%run_scoped3A_398 : memref<!tpu.dma_semaphore, #tpu.memory_space<semaphore_mem>>) src(%arg15 : memref<64x128xf32, #tpu.memory_space<vmem>>) dst(%dma_wait3A_410 : memref<10016x128xf32, #tpu.memory_space<vmem_shared>>)
        tpu.yield
      }) : () -> ()
      %dma_start3A_227 = arith.constant 4 : i32
      %dma_start3A_228 = arith.constant 0 : i32
      %dma_start3A_229 = tpu.memref_slice %arg8[%dma_start3A_227, %dma_start3A_228] : memref<10x64xi32, #tpu.memory_space<vmem>> -> memref<1x64xi32, #tpu.memory_space<vmem>>
      %dma_start3A_230 = tpu.memref_squeeze %dma_start3A_229 : memref<1x64xi32, #tpu.memory_space<vmem>> -> memref<64xi32, #tpu.memory_space<vmem>>
      %dma_start3A_231 = arith.constant 0 : i32
      %dma_start3A_232 = arith.constant 0 : i32
      %dma_start3A_233 = tpu.memref_slice %arg2[%dma_start3A_231, %dma_start3A_232] : memref<10000x128xf32, #tpu.memory_space<hbm>> -> memref<10000x128xf32, #tpu.memory_space<hbm>>
      tpu.enqueue_indirect_dma source(%dma_start3A_233 : memref<10000x128xf32, #tpu.memory_space<hbm>>) target(%arg15 : memref<64x128xf32, #tpu.memory_space<vmem>>) offsets(%dma_start3A_230 : memref<64xi32, #tpu.memory_space<vmem>>) semaphore(%arg21 : memref<!tpu.dma_semaphore, #tpu.memory_space<semaphore_mem>>)
      %dma_wait3A_234 = arith.constant 0 : i32
      %dma_wait3A_235 = arith.constant 0 : i32
      %dma_wait3A_236 = tpu.memref_slice %arg7[%dma_wait3A_234, %dma_wait3A_235] : memref<10x64xi32, #tpu.memory_space<vmem>> -> memref<1x64xi32, #tpu.memory_space<vmem>>
      %dma_wait3A_237 = tpu.memref_squeeze %dma_wait3A_236 : memref<1x64xi32, #tpu.memory_space<vmem>> -> memref<64xi32, #tpu.memory_space<vmem>>
      %dma_wait3A_238 = arith.constant 0 : i32
      %dma_wait3A_239 = arith.constant 0 : i32
      %dma_wait3A_240 = tpu.memref_slice %arg2[%dma_wait3A_238, %dma_wait3A_239] : memref<10000x128xf32, #tpu.memory_space<hbm>> -> memref<10000x128xf32, #tpu.memory_space<hbm>>
      tpu.wait_indirect_dma semaphore(%arg17 : memref<!tpu.dma_semaphore, #tpu.memory_space<semaphore_mem>>) src(%dma_wait3A_240 : memref<10000x128xf32, #tpu.memory_space<hbm>>) dst(%arg11 : memref<64x128xf32, #tpu.memory_space<vmem>>)
      %dma_wait3A_241 = arith.constant 0 : i32
      %dma_wait3A_242 = arith.constant 0 : i32
      %dma_wait3A_243 = arith.constant 0 : i32
      %dma_wait3A_244 = tpu.memref_slice %arg4[%add3A, %dma_wait3A_241, %dma_wait3A_242, %dma_wait3A_243] : memref<32x16x10x64xi32, #tpu.memory_space<hbm>> -> memref<1x1x10x64xi32, #tpu.memory_space<hbm>>
      %dma_wait3A_245 = tpu.memref_squeeze %dma_wait3A_244 : memref<1x1x10x64xi32, #tpu.memory_space<hbm>> -> memref<10x64xi32, #tpu.memory_space<hbm>>
      %dma_wait3A_246 = arith.constant 0 : i32
      %dma_wait3A_247 = arith.constant 0 : i32
      %dma_wait3A_248 = tpu.memref_slice %arg4[%add3A, %dma_wait3A_241, %dma_wait3A_246, %dma_wait3A_247] : memref<32x16x10x64xi32, #tpu.memory_space<hbm>> -> memref<1x1x10x64xi32, #tpu.memory_space<hbm>>
      %dma_wait3A_249 = tpu.memref_squeeze %dma_wait3A_248 : memref<1x1x10x64xi32, #tpu.memory_space<hbm>> -> memref<10x64xi32, #tpu.memory_space<hbm>>
      tpu.wait_dma2 semaphore(%arg22 : memref<!tpu.dma_semaphore, #tpu.memory_space<semaphore_mem>>) src(%dma_wait3A_249 : memref<10x64xi32, #tpu.memory_space<hbm>>) dst(%arg10 : memref<10x64xi32, #tpu.memory_space<vmem>>)
      %run_scoped3A_250 = arith.constant 0 : i32
      "tpu.region"() ({
        %run_scoped3A_398 = tpu.sem_alloc : memref<!tpu.dma_semaphore, #tpu.memory_space<semaphore_mem>>
        %dma_start3A_399 = arith.constant 0 : i32
        %dma_start3A_400 = tpu.memref_slice %arg10[%run_scoped3A_250, %dma_start3A_399] : memref<10x64xi32, #tpu.memory_space<vmem>> -> memref<1x64xi32, #tpu.memory_space<vmem>>
        %dma_start3A_401 = tpu.memref_squeeze %dma_start3A_400 : memref<1x64xi32, #tpu.memory_space<vmem>> -> memref<64xi32, #tpu.memory_space<vmem>>
        %dma_start3A_402 = arith.constant 0 : i32
        %dma_start3A_403 = arith.constant 0 : i32
        %dma_start3A_404 = tpu.memref_slice %arg16[%dma_start3A_402, %dma_start3A_403] : memref<10016x128xf32, #tpu.memory_space<vmem_shared>> -> memref<10016x128xf32, #tpu.memory_space<vmem_shared>>
        tpu.enqueue_indirect_dma source(%arg11 : memref<64x128xf32, #tpu.memory_space<vmem>>) target(%dma_start3A_404 : memref<10016x128xf32, #tpu.memory_space<vmem_shared>>) offsets(%dma_start3A_401 : memref<64xi32, #tpu.memory_space<vmem>>) semaphore(%run_scoped3A_398 : memref<!tpu.dma_semaphore, #tpu.memory_space<semaphore_mem>>) {add = true}
        %dma_wait3A_405 = arith.constant 0 : i32
        %dma_wait3A_406 = tpu.memref_slice %arg10[%run_scoped3A_250, %dma_wait3A_405] : memref<10x64xi32, #tpu.memory_space<vmem>> -> memref<1x64xi32, #tpu.memory_space<vmem>>
        %dma_wait3A_407 = tpu.memref_squeeze %dma_wait3A_406 : memref<1x64xi32, #tpu.memory_space<vmem>> -> memref<64xi32, #tpu.memory_space<vmem>>
        %dma_wait3A_408 = arith.constant 0 : i32
        %dma_wait3A_409 = arith.constant 0 : i32
        %dma_wait3A_410 = tpu.memref_slice %arg16[%dma_wait3A_408, %dma_wait3A_409] : memref<10016x128xf32, #tpu.memory_space<vmem_shared>> -> memref<10016x128xf32, #tpu.memory_space<vmem_shared>>
        tpu.wait_indirect_dma semaphore(%run_scoped3A_398 : memref<!tpu.dma_semaphore, #tpu.memory_space<semaphore_mem>>) src(%arg11 : memref<64x128xf32, #tpu.memory_space<vmem>>) dst(%dma_wait3A_410 : memref<10016x128xf32, #tpu.memory_space<vmem_shared>>)
        tpu.yield
      }) : () -> ()
      %lt3A = arith.constant 7 : i32
      %lt3A_251 = arith.cmpi slt, %scan3A_70, %lt3A : i32
      %convert_element_type3A_252 = arith.extui %lt3A_251 : i1 to i32
      %cond3A_253 = arith.constant 0 : i32
      %cond3A_254 = arith.cmpi ne, %convert_element_type3A_252, %cond3A_253 : i32
      scf.if %cond3A_254 {
        %mul3A_398 = arith.constant 2 : i32
        %mul3A_399 = arith.muli %mul3A_398, %scan3A_70 : i32
        %add3A_400 = arith.constant 2 : i32
        %add3A_401 = arith.addi %mul3A_399, %add3A_400 : i32
        %dma_start3A_402 = arith.constant 0 : i32
        %dma_start3A_403 = arith.constant 0 : i32
        %dma_start3A_404 = tpu.memref_slice %arg3[%add3A, %add3A_401, %dma_start3A_402, %dma_start3A_403] : memref<32x16x10x64xi32, #tpu.memory_space<hbm>> -> memref<1x1x10x64xi32, #tpu.memory_space<hbm>>
        %dma_start3A_405 = tpu.memref_squeeze %dma_start3A_404 : memref<1x1x10x64xi32, #tpu.memory_space<hbm>> -> memref<10x64xi32, #tpu.memory_space<hbm>>
        %dma_start3A_406 = arith.constant 0 : i32
        %dma_start3A_407 = arith.constant 0 : i32
        %dma_start3A_408 = tpu.memref_slice %arg3[%add3A, %add3A_401, %dma_start3A_406, %dma_start3A_407] : memref<32x16x10x64xi32, #tpu.memory_space<hbm>> -> memref<1x1x10x64xi32, #tpu.memory_space<hbm>>
        %dma_start3A_409 = tpu.memref_squeeze %dma_start3A_408 : memref<1x1x10x64xi32, #tpu.memory_space<hbm>> -> memref<10x64xi32, #tpu.memory_space<hbm>>
        tpu.enqueue_dma source(%dma_start3A_409 : memref<10x64xi32, #tpu.memory_space<hbm>>) target(%arg7 : memref<10x64xi32, #tpu.memory_space<vmem>>) target_semaphore(%arg22 : memref<!tpu.dma_semaphore, #tpu.memory_space<semaphore_mem>>)
      } else {
      }
      %dma_start3A_255 = arith.constant 5 : i32
      %dma_start3A_256 = arith.constant 0 : i32
      %dma_start3A_257 = tpu.memref_slice %arg8[%dma_start3A_255, %dma_start3A_256] : memref<10x64xi32, #tpu.memory_space<vmem>> -> memref<1x64xi32, #tpu.memory_space<vmem>>
      %dma_start3A_258 = tpu.memref_squeeze %dma_start3A_257 : memref<1x64xi32, #tpu.memory_space<vmem>> -> memref<64xi32, #tpu.memory_space<vmem>>
      %dma_start3A_259 = arith.constant 0 : i32
      %dma_start3A_260 = arith.constant 0 : i32
      %dma_start3A_261 = tpu.memref_slice %arg2[%dma_start3A_259, %dma_start3A_260] : memref<10000x128xf32, #tpu.memory_space<hbm>> -> memref<10000x128xf32, #tpu.memory_space<hbm>>
      tpu.enqueue_indirect_dma source(%dma_start3A_261 : memref<10000x128xf32, #tpu.memory_space<hbm>>) target(%arg11 : memref<64x128xf32, #tpu.memory_space<vmem>>) offsets(%dma_start3A_258 : memref<64xi32, #tpu.memory_space<vmem>>) semaphore(%arg17 : memref<!tpu.dma_semaphore, #tpu.memory_space<semaphore_mem>>)
      %dma_wait3A_262 = arith.constant 0 : i32
      %dma_wait3A_263 = arith.constant 0 : i32
      %dma_wait3A_264 = tpu.memref_slice %arg7[%dma_wait3A_262, %dma_wait3A_263] : memref<10x64xi32, #tpu.memory_space<vmem>> -> memref<1x64xi32, #tpu.memory_space<vmem>>
      %dma_wait3A_265 = tpu.memref_squeeze %dma_wait3A_264 : memref<1x64xi32, #tpu.memory_space<vmem>> -> memref<64xi32, #tpu.memory_space<vmem>>
      %dma_wait3A_266 = arith.constant 0 : i32
      %dma_wait3A_267 = arith.constant 0 : i32
      %dma_wait3A_268 = tpu.memref_slice %arg2[%dma_wait3A_266, %dma_wait3A_267] : memref<10000x128xf32, #tpu.memory_space<hbm>> -> memref<10000x128xf32, #tpu.memory_space<hbm>>
      tpu.wait_indirect_dma semaphore(%arg18 : memref<!tpu.dma_semaphore, #tpu.memory_space<semaphore_mem>>) src(%dma_wait3A_268 : memref<10000x128xf32, #tpu.memory_space<hbm>>) dst(%arg12 : memref<64x128xf32, #tpu.memory_space<vmem>>)
      %run_scoped3A_269 = arith.constant 1 : i32
      "tpu.region"() ({
        %run_scoped3A_398 = tpu.sem_alloc : memref<!tpu.dma_semaphore, #tpu.memory_space<semaphore_mem>>
        %dma_start3A_399 = arith.constant 0 : i32
        %dma_start3A_400 = tpu.memref_slice %arg10[%run_scoped3A_269, %dma_start3A_399] : memref<10x64xi32, #tpu.memory_space<vmem>> -> memref<1x64xi32, #tpu.memory_space<vmem>>
        %dma_start3A_401 = tpu.memref_squeeze %dma_start3A_400 : memref<1x64xi32, #tpu.memory_space<vmem>> -> memref<64xi32, #tpu.memory_space<vmem>>
        %dma_start3A_402 = arith.constant 0 : i32
        %dma_start3A_403 = arith.constant 0 : i32
        %dma_start3A_404 = tpu.memref_slice %arg16[%dma_start3A_402, %dma_start3A_403] : memref<10016x128xf32, #tpu.memory_space<vmem_shared>> -> memref<10016x128xf32, #tpu.memory_space<vmem_shared>>
        tpu.enqueue_indirect_dma source(%arg12 : memref<64x128xf32, #tpu.memory_space<vmem>>) target(%dma_start3A_404 : memref<10016x128xf32, #tpu.memory_space<vmem_shared>>) offsets(%dma_start3A_401 : memref<64xi32, #tpu.memory_space<vmem>>) semaphore(%run_scoped3A_398 : memref<!tpu.dma_semaphore, #tpu.memory_space<semaphore_mem>>) {add = true}
        %dma_wait3A_405 = arith.constant 0 : i32
        %dma_wait3A_406 = tpu.memref_slice %arg10[%run_scoped3A_269, %dma_wait3A_405] : memref<10x64xi32, #tpu.memory_space<vmem>> -> memref<1x64xi32, #tpu.memory_space<vmem>>
        %dma_wait3A_407 = tpu.memref_squeeze %dma_wait3A_406 : memref<1x64xi32, #tpu.memory_space<vmem>> -> memref<64xi32, #tpu.memory_space<vmem>>
        %dma_wait3A_408 = arith.constant 0 : i32
        %dma_wait3A_409 = arith.constant 0 : i32
        %dma_wait3A_410 = tpu.memref_slice %arg16[%dma_wait3A_408, %dma_wait3A_409] : memref<10016x128xf32, #tpu.memory_space<vmem_shared>> -> memref<10016x128xf32, #tpu.memory_space<vmem_shared>>
        tpu.wait_indirect_dma semaphore(%run_scoped3A_398 : memref<!tpu.dma_semaphore, #tpu.memory_space<semaphore_mem>>) src(%arg12 : memref<64x128xf32, #tpu.memory_space<vmem>>) dst(%dma_wait3A_410 : memref<10016x128xf32, #tpu.memory_space<vmem_shared>>)
        tpu.yield
      }) : () -> ()
      %lt3A_270 = arith.constant 7 : i32
      %lt3A_271 = arith.cmpi slt, %scan3A_70, %lt3A_270 : i32
      %convert_element_type3A_272 = arith.extui %lt3A_271 : i1 to i32
      %cond3A_273 = arith.constant 0 : i32
      %cond3A_274 = arith.cmpi ne, %convert_element_type3A_272, %cond3A_273 : i32
      scf.if %cond3A_274 {
        %mul3A_398 = arith.constant 2 : i32
        %mul3A_399 = arith.muli %mul3A_398, %scan3A_70 : i32
        %add3A_400 = arith.constant 2 : i32
        %add3A_401 = arith.addi %mul3A_399, %add3A_400 : i32
        %dma_start3A_402 = arith.constant 0 : i32
        %dma_start3A_403 = arith.constant 0 : i32
        %dma_start3A_404 = tpu.memref_slice %arg4[%add3A, %add3A_401, %dma_start3A_402, %dma_start3A_403] : memref<32x16x10x64xi32, #tpu.memory_space<hbm>> -> memref<1x1x10x64xi32, #tpu.memory_space<hbm>>
        %dma_start3A_405 = tpu.memref_squeeze %dma_start3A_404 : memref<1x1x10x64xi32, #tpu.memory_space<hbm>> -> memref<10x64xi32, #tpu.memory_space<hbm>>
        %dma_start3A_406 = arith.constant 0 : i32
        %dma_start3A_407 = arith.constant 0 : i32
        %dma_start3A_408 = tpu.memref_slice %arg4[%add3A, %add3A_401, %dma_start3A_406, %dma_start3A_407] : memref<32x16x10x64xi32, #tpu.memory_space<hbm>> -> memref<1x1x10x64xi32, #tpu.memory_space<hbm>>
        %dma_start3A_409 = tpu.memref_squeeze %dma_start3A_408 : memref<1x1x10x64xi32, #tpu.memory_space<hbm>> -> memref<10x64xi32, #tpu.memory_space<hbm>>
        tpu.enqueue_dma source(%dma_start3A_409 : memref<10x64xi32, #tpu.memory_space<hbm>>) target(%arg9 : memref<10x64xi32, #tpu.memory_space<vmem>>) target_semaphore(%arg22 : memref<!tpu.dma_semaphore, #tpu.memory_space<semaphore_mem>>)
      } else {
      }
      %dma_start3A_275 = arith.constant 6 : i32
      %dma_start3A_276 = arith.constant 0 : i32
      %dma_start3A_277 = tpu.memref_slice %arg8[%dma_start3A_275, %dma_start3A_276] : memref<10x64xi32, #tpu.memory_space<vmem>> -> memref<1x64xi32, #tpu.memory_space<vmem>>
      %dma_start3A_278 = tpu.memref_squeeze %dma_start3A_277 : memref<1x64xi32, #tpu.memory_space<vmem>> -> memref<64xi32, #tpu.memory_space<vmem>>
      %dma_start3A_279 = arith.constant 0 : i32
      %dma_start3A_280 = arith.constant 0 : i32
      %dma_start3A_281 = tpu.memref_slice %arg2[%dma_start3A_279, %dma_start3A_280] : memref<10000x128xf32, #tpu.memory_space<hbm>> -> memref<10000x128xf32, #tpu.memory_space<hbm>>
      tpu.enqueue_indirect_dma source(%dma_start3A_281 : memref<10000x128xf32, #tpu.memory_space<hbm>>) target(%arg12 : memref<64x128xf32, #tpu.memory_space<vmem>>) offsets(%dma_start3A_278 : memref<64xi32, #tpu.memory_space<vmem>>) semaphore(%arg18 : memref<!tpu.dma_semaphore, #tpu.memory_space<semaphore_mem>>)
      %dma_wait3A_282 = arith.constant 0 : i32
      %dma_wait3A_283 = arith.constant 0 : i32
      %dma_wait3A_284 = tpu.memref_slice %arg7[%dma_wait3A_282, %dma_wait3A_283] : memref<10x64xi32, #tpu.memory_space<vmem>> -> memref<1x64xi32, #tpu.memory_space<vmem>>
      %dma_wait3A_285 = tpu.memref_squeeze %dma_wait3A_284 : memref<1x64xi32, #tpu.memory_space<vmem>> -> memref<64xi32, #tpu.memory_space<vmem>>
      %dma_wait3A_286 = arith.constant 0 : i32
      %dma_wait3A_287 = arith.constant 0 : i32
      %dma_wait3A_288 = tpu.memref_slice %arg2[%dma_wait3A_286, %dma_wait3A_287] : memref<10000x128xf32, #tpu.memory_space<hbm>> -> memref<10000x128xf32, #tpu.memory_space<hbm>>
      tpu.wait_indirect_dma semaphore(%arg19 : memref<!tpu.dma_semaphore, #tpu.memory_space<semaphore_mem>>) src(%dma_wait3A_288 : memref<10000x128xf32, #tpu.memory_space<hbm>>) dst(%arg13 : memref<64x128xf32, #tpu.memory_space<vmem>>)
      %run_scoped3A_289 = arith.constant 2 : i32
      "tpu.region"() ({
        %run_scoped3A_398 = tpu.sem_alloc : memref<!tpu.dma_semaphore, #tpu.memory_space<semaphore_mem>>
        %dma_start3A_399 = arith.constant 0 : i32
        %dma_start3A_400 = tpu.memref_slice %arg10[%run_scoped3A_289, %dma_start3A_399] : memref<10x64xi32, #tpu.memory_space<vmem>> -> memref<1x64xi32, #tpu.memory_space<vmem>>
        %dma_start3A_401 = tpu.memref_squeeze %dma_start3A_400 : memref<1x64xi32, #tpu.memory_space<vmem>> -> memref<64xi32, #tpu.memory_space<vmem>>
        %dma_start3A_402 = arith.constant 0 : i32
        %dma_start3A_403 = arith.constant 0 : i32
        %dma_start3A_404 = tpu.memref_slice %arg16[%dma_start3A_402, %dma_start3A_403] : memref<10016x128xf32, #tpu.memory_space<vmem_shared>> -> memref<10016x128xf32, #tpu.memory_space<vmem_shared>>
        tpu.enqueue_indirect_dma source(%arg13 : memref<64x128xf32, #tpu.memory_space<vmem>>) target(%dma_start3A_404 : memref<10016x128xf32, #tpu.memory_space<vmem_shared>>) offsets(%dma_start3A_401 : memref<64xi32, #tpu.memory_space<vmem>>) semaphore(%run_scoped3A_398 : memref<!tpu.dma_semaphore, #tpu.memory_space<semaphore_mem>>) {add = true}
        %dma_wait3A_405 = arith.constant 0 : i32
        %dma_wait3A_406 = tpu.memref_slice %arg10[%run_scoped3A_289, %dma_wait3A_405] : memref<10x64xi32, #tpu.memory_space<vmem>> -> memref<1x64xi32, #tpu.memory_space<vmem>>
        %dma_wait3A_407 = tpu.memref_squeeze %dma_wait3A_406 : memref<1x64xi32, #tpu.memory_space<vmem>> -> memref<64xi32, #tpu.memory_space<vmem>>
        %dma_wait3A_408 = arith.constant 0 : i32
        %dma_wait3A_409 = arith.constant 0 : i32
        %dma_wait3A_410 = tpu.memref_slice %arg16[%dma_wait3A_408, %dma_wait3A_409] : memref<10016x128xf32, #tpu.memory_space<vmem_shared>> -> memref<10016x128xf32, #tpu.memory_space<vmem_shared>>
        tpu.wait_indirect_dma semaphore(%run_scoped3A_398 : memref<!tpu.dma_semaphore, #tpu.memory_space<semaphore_mem>>) src(%arg13 : memref<64x128xf32, #tpu.memory_space<vmem>>) dst(%dma_wait3A_410 : memref<10016x128xf32, #tpu.memory_space<vmem_shared>>)
        tpu.yield
      }) : () -> ()
      %dma_start3A_290 = arith.constant 7 : i32
      %dma_start3A_291 = arith.constant 0 : i32
      %dma_start3A_292 = tpu.memref_slice %arg8[%dma_start3A_290, %dma_start3A_291] : memref<10x64xi32, #tpu.memory_space<vmem>> -> memref<1x64xi32, #tpu.memory_space<vmem>>
      %dma_start3A_293 = tpu.memref_squeeze %dma_start3A_292 : memref<1x64xi32, #tpu.memory_space<vmem>> -> memref<64xi32, #tpu.memory_space<vmem>>
      %dma_start3A_294 = arith.constant 0 : i32
      %dma_start3A_295 = arith.constant 0 : i32
      %dma_start3A_296 = tpu.memref_slice %arg2[%dma_start3A_294, %dma_start3A_295] : memref<10000x128xf32, #tpu.memory_space<hbm>> -> memref<10000x128xf32, #tpu.memory_space<hbm>>
      tpu.enqueue_indirect_dma source(%dma_start3A_296 : memref<10000x128xf32, #tpu.memory_space<hbm>>) target(%arg13 : memref<64x128xf32, #tpu.memory_space<vmem>>) offsets(%dma_start3A_293 : memref<64xi32, #tpu.memory_space<vmem>>) semaphore(%arg19 : memref<!tpu.dma_semaphore, #tpu.memory_space<semaphore_mem>>)
      %dma_wait3A_297 = arith.constant 0 : i32
      %dma_wait3A_298 = arith.constant 0 : i32
      %dma_wait3A_299 = tpu.memref_slice %arg7[%dma_wait3A_297, %dma_wait3A_298] : memref<10x64xi32, #tpu.memory_space<vmem>> -> memref<1x64xi32, #tpu.memory_space<vmem>>
      %dma_wait3A_300 = tpu.memref_squeeze %dma_wait3A_299 : memref<1x64xi32, #tpu.memory_space<vmem>> -> memref<64xi32, #tpu.memory_space<vmem>>
      %dma_wait3A_301 = arith.constant 0 : i32
      %dma_wait3A_302 = arith.constant 0 : i32
      %dma_wait3A_303 = tpu.memref_slice %arg2[%dma_wait3A_301, %dma_wait3A_302] : memref<10000x128xf32, #tpu.memory_space<hbm>> -> memref<10000x128xf32, #tpu.memory_space<hbm>>
      tpu.wait_indirect_dma semaphore(%arg20 : memref<!tpu.dma_semaphore, #tpu.memory_space<semaphore_mem>>) src(%dma_wait3A_303 : memref<10000x128xf32, #tpu.memory_space<hbm>>) dst(%arg14 : memref<64x128xf32, #tpu.memory_space<vmem>>)
      %run_scoped3A_304 = arith.constant 3 : i32
      "tpu.region"() ({
        %run_scoped3A_398 = tpu.sem_alloc : memref<!tpu.dma_semaphore, #tpu.memory_space<semaphore_mem>>
        %dma_start3A_399 = arith.constant 0 : i32
        %dma_start3A_400 = tpu.memref_slice %arg10[%run_scoped3A_304, %dma_start3A_399] : memref<10x64xi32, #tpu.memory_space<vmem>> -> memref<1x64xi32, #tpu.memory_space<vmem>>
        %dma_start3A_401 = tpu.memref_squeeze %dma_start3A_400 : memref<1x64xi32, #tpu.memory_space<vmem>> -> memref<64xi32, #tpu.memory_space<vmem>>
        %dma_start3A_402 = arith.constant 0 : i32
        %dma_start3A_403 = arith.constant 0 : i32
        %dma_start3A_404 = tpu.memref_slice %arg16[%dma_start3A_402, %dma_start3A_403] : memref<10016x128xf32, #tpu.memory_space<vmem_shared>> -> memref<10016x128xf32, #tpu.memory_space<vmem_shared>>
        tpu.enqueue_indirect_dma source(%arg14 : memref<64x128xf32, #tpu.memory_space<vmem>>) target(%dma_start3A_404 : memref<10016x128xf32, #tpu.memory_space<vmem_shared>>) offsets(%dma_start3A_401 : memref<64xi32, #tpu.memory_space<vmem>>) semaphore(%run_scoped3A_398 : memref<!tpu.dma_semaphore, #tpu.memory_space<semaphore_mem>>) {add = true}
        %dma_wait3A_405 = arith.constant 0 : i32
        %dma_wait3A_406 = tpu.memref_slice %arg10[%run_scoped3A_304, %dma_wait3A_405] : memref<10x64xi32, #tpu.memory_space<vmem>> -> memref<1x64xi32, #tpu.memory_space<vmem>>
        %dma_wait3A_407 = tpu.memref_squeeze %dma_wait3A_406 : memref<1x64xi32, #tpu.memory_space<vmem>> -> memref<64xi32, #tpu.memory_space<vmem>>
        %dma_wait3A_408 = arith.constant 0 : i32
        %dma_wait3A_409 = arith.constant 0 : i32
        %dma_wait3A_410 = tpu.memref_slice %arg16[%dma_wait3A_408, %dma_wait3A_409] : memref<10016x128xf32, #tpu.memory_space<vmem_shared>> -> memref<10016x128xf32, #tpu.memory_space<vmem_shared>>
        tpu.wait_indirect_dma semaphore(%run_scoped3A_398 : memref<!tpu.dma_semaphore, #tpu.memory_space<semaphore_mem>>) src(%arg14 : memref<64x128xf32, #tpu.memory_space<vmem>>) dst(%dma_wait3A_410 : memref<10016x128xf32, #tpu.memory_space<vmem_shared>>)
        tpu.yield
      }) : () -> ()
      %dma_start3A_305 = arith.constant 8 : i32
      %dma_start3A_306 = arith.constant 0 : i32
      %dma_start3A_307 = tpu.memref_slice %arg8[%dma_start3A_305, %dma_start3A_306] : memref<10x64xi32, #tpu.memory_space<vmem>> -> memref<1x64xi32, #tpu.memory_space<vmem>>
      %dma_start3A_308 = tpu.memref_squeeze %dma_start3A_307 : memref<1x64xi32, #tpu.memory_space<vmem>> -> memref<64xi32, #tpu.memory_space<vmem>>
      %dma_start3A_309 = arith.constant 0 : i32
      %dma_start3A_310 = arith.constant 0 : i32
      %dma_start3A_311 = tpu.memref_slice %arg2[%dma_start3A_309, %dma_start3A_310] : memref<10000x128xf32, #tpu.memory_space<hbm>> -> memref<10000x128xf32, #tpu.memory_space<hbm>>
      tpu.enqueue_indirect_dma source(%dma_start3A_311 : memref<10000x128xf32, #tpu.memory_space<hbm>>) target(%arg14 : memref<64x128xf32, #tpu.memory_space<vmem>>) offsets(%dma_start3A_308 : memref<64xi32, #tpu.memory_space<vmem>>) semaphore(%arg20 : memref<!tpu.dma_semaphore, #tpu.memory_space<semaphore_mem>>)
      %dma_wait3A_312 = arith.constant 0 : i32
      %dma_wait3A_313 = arith.constant 0 : i32
      %dma_wait3A_314 = tpu.memref_slice %arg7[%dma_wait3A_312, %dma_wait3A_313] : memref<10x64xi32, #tpu.memory_space<vmem>> -> memref<1x64xi32, #tpu.memory_space<vmem>>
      %dma_wait3A_315 = tpu.memref_squeeze %dma_wait3A_314 : memref<1x64xi32, #tpu.memory_space<vmem>> -> memref<64xi32, #tpu.memory_space<vmem>>
      %dma_wait3A_316 = arith.constant 0 : i32
      %dma_wait3A_317 = arith.constant 0 : i32
      %dma_wait3A_318 = tpu.memref_slice %arg2[%dma_wait3A_316, %dma_wait3A_317] : memref<10000x128xf32, #tpu.memory_space<hbm>> -> memref<10000x128xf32, #tpu.memory_space<hbm>>
      tpu.wait_indirect_dma semaphore(%arg21 : memref<!tpu.dma_semaphore, #tpu.memory_space<semaphore_mem>>) src(%dma_wait3A_318 : memref<10000x128xf32, #tpu.memory_space<hbm>>) dst(%arg15 : memref<64x128xf32, #tpu.memory_space<vmem>>)
      %run_scoped3A_319 = arith.constant 4 : i32
      "tpu.region"() ({
        %run_scoped3A_398 = tpu.sem_alloc : memref<!tpu.dma_semaphore, #tpu.memory_space<semaphore_mem>>
        %dma_start3A_399 = arith.constant 0 : i32
        %dma_start3A_400 = tpu.memref_slice %arg10[%run_scoped3A_319, %dma_start3A_399] : memref<10x64xi32, #tpu.memory_space<vmem>> -> memref<1x64xi32, #tpu.memory_space<vmem>>
        %dma_start3A_401 = tpu.memref_squeeze %dma_start3A_400 : memref<1x64xi32, #tpu.memory_space<vmem>> -> memref<64xi32, #tpu.memory_space<vmem>>
        %dma_start3A_402 = arith.constant 0 : i32
        %dma_start3A_403 = arith.constant 0 : i32
        %dma_start3A_404 = tpu.memref_slice %arg16[%dma_start3A_402, %dma_start3A_403] : memref<10016x128xf32, #tpu.memory_space<vmem_shared>> -> memref<10016x128xf32, #tpu.memory_space<vmem_shared>>
        tpu.enqueue_indirect_dma source(%arg15 : memref<64x128xf32, #tpu.memory_space<vmem>>) target(%dma_start3A_404 : memref<10016x128xf32, #tpu.memory_space<vmem_shared>>) offsets(%dma_start3A_401 : memref<64xi32, #tpu.memory_space<vmem>>) semaphore(%run_scoped3A_398 : memref<!tpu.dma_semaphore, #tpu.memory_space<semaphore_mem>>) {add = true}
        %dma_wait3A_405 = arith.constant 0 : i32
        %dma_wait3A_406 = tpu.memref_slice %arg10[%run_scoped3A_319, %dma_wait3A_405] : memref<10x64xi32, #tpu.memory_space<vmem>> -> memref<1x64xi32, #tpu.memory_space<vmem>>
        %dma_wait3A_407 = tpu.memref_squeeze %dma_wait3A_406 : memref<1x64xi32, #tpu.memory_space<vmem>> -> memref<64xi32, #tpu.memory_space<vmem>>
        %dma_wait3A_408 = arith.constant 0 : i32
        %dma_wait3A_409 = arith.constant 0 : i32
        %dma_wait3A_410 = tpu.memref_slice %arg16[%dma_wait3A_408, %dma_wait3A_409] : memref<10016x128xf32, #tpu.memory_space<vmem_shared>> -> memref<10016x128xf32, #tpu.memory_space<vmem_shared>>
        tpu.wait_indirect_dma semaphore(%run_scoped3A_398 : memref<!tpu.dma_semaphore, #tpu.memory_space<semaphore_mem>>) src(%arg15 : memref<64x128xf32, #tpu.memory_space<vmem>>) dst(%dma_wait3A_410 : memref<10016x128xf32, #tpu.memory_space<vmem_shared>>)
        tpu.yield
      }) : () -> ()
      %dma_start3A_320 = arith.constant 9 : i32
      %dma_start3A_321 = arith.constant 0 : i32
      %dma_start3A_322 = tpu.memref_slice %arg8[%dma_start3A_320, %dma_start3A_321] : memref<10x64xi32, #tpu.memory_space<vmem>> -> memref<1x64xi32, #tpu.memory_space<vmem>>
      %dma_start3A_323 = tpu.memref_squeeze %dma_start3A_322 : memref<1x64xi32, #tpu.memory_space<vmem>> -> memref<64xi32, #tpu.memory_space<vmem>>
      %dma_start3A_324 = arith.constant 0 : i32
      %dma_start3A_325 = arith.constant 0 : i32
      %dma_start3A_326 = tpu.memref_slice %arg2[%dma_start3A_324, %dma_start3A_325] : memref<10000x128xf32, #tpu.memory_space<hbm>> -> memref<10000x128xf32, #tpu.memory_space<hbm>>
      tpu.enqueue_indirect_dma source(%dma_start3A_326 : memref<10000x128xf32, #tpu.memory_space<hbm>>) target(%arg15 : memref<64x128xf32, #tpu.memory_space<vmem>>) offsets(%dma_start3A_323 : memref<64xi32, #tpu.memory_space<vmem>>) semaphore(%arg21 : memref<!tpu.dma_semaphore, #tpu.memory_space<semaphore_mem>>)
      %dma_wait3A_327 = arith.constant 0 : i32
      %dma_wait3A_328 = arith.constant 0 : i32
      %dma_wait3A_329 = tpu.memref_slice %arg7[%dma_wait3A_327, %dma_wait3A_328] : memref<10x64xi32, #tpu.memory_space<vmem>> -> memref<1x64xi32, #tpu.memory_space<vmem>>
      %dma_wait3A_330 = tpu.memref_squeeze %dma_wait3A_329 : memref<1x64xi32, #tpu.memory_space<vmem>> -> memref<64xi32, #tpu.memory_space<vmem>>
      %dma_wait3A_331 = arith.constant 0 : i32
      %dma_wait3A_332 = arith.constant 0 : i32
      %dma_wait3A_333 = tpu.memref_slice %arg2[%dma_wait3A_331, %dma_wait3A_332] : memref<10000x128xf32, #tpu.memory_space<hbm>> -> memref<10000x128xf32, #tpu.memory_space<hbm>>
      tpu.wait_indirect_dma semaphore(%arg17 : memref<!tpu.dma_semaphore, #tpu.memory_space<semaphore_mem>>) src(%dma_wait3A_333 : memref<10000x128xf32, #tpu.memory_space<hbm>>) dst(%arg11 : memref<64x128xf32, #tpu.memory_space<vmem>>)
      %run_scoped3A_334 = arith.constant 5 : i32
      "tpu.region"() ({
        %run_scoped3A_398 = tpu.sem_alloc : memref<!tpu.dma_semaphore, #tpu.memory_space<semaphore_mem>>
        %dma_start3A_399 = arith.constant 0 : i32
        %dma_start3A_400 = tpu.memref_slice %arg10[%run_scoped3A_334, %dma_start3A_399] : memref<10x64xi32, #tpu.memory_space<vmem>> -> memref<1x64xi32, #tpu.memory_space<vmem>>
        %dma_start3A_401 = tpu.memref_squeeze %dma_start3A_400 : memref<1x64xi32, #tpu.memory_space<vmem>> -> memref<64xi32, #tpu.memory_space<vmem>>
        %dma_start3A_402 = arith.constant 0 : i32
        %dma_start3A_403 = arith.constant 0 : i32
        %dma_start3A_404 = tpu.memref_slice %arg16[%dma_start3A_402, %dma_start3A_403] : memref<10016x128xf32, #tpu.memory_space<vmem_shared>> -> memref<10016x128xf32, #tpu.memory_space<vmem_shared>>
        tpu.enqueue_indirect_dma source(%arg11 : memref<64x128xf32, #tpu.memory_space<vmem>>) target(%dma_start3A_404 : memref<10016x128xf32, #tpu.memory_space<vmem_shared>>) offsets(%dma_start3A_401 : memref<64xi32, #tpu.memory_space<vmem>>) semaphore(%run_scoped3A_398 : memref<!tpu.dma_semaphore, #tpu.memory_space<semaphore_mem>>) {add = true}
        %dma_wait3A_405 = arith.constant 0 : i32
        %dma_wait3A_406 = tpu.memref_slice %arg10[%run_scoped3A_334, %dma_wait3A_405] : memref<10x64xi32, #tpu.memory_space<vmem>> -> memref<1x64xi32, #tpu.memory_space<vmem>>
        %dma_wait3A_407 = tpu.memref_squeeze %dma_wait3A_406 : memref<1x64xi32, #tpu.memory_space<vmem>> -> memref<64xi32, #tpu.memory_space<vmem>>
        %dma_wait3A_408 = arith.constant 0 : i32
        %dma_wait3A_409 = arith.constant 0 : i32
        %dma_wait3A_410 = tpu.memref_slice %arg16[%dma_wait3A_408, %dma_wait3A_409] : memref<10016x128xf32, #tpu.memory_space<vmem_shared>> -> memref<10016x128xf32, #tpu.memory_space<vmem_shared>>
        tpu.wait_indirect_dma semaphore(%run_scoped3A_398 : memref<!tpu.dma_semaphore, #tpu.memory_space<semaphore_mem>>) src(%arg11 : memref<64x128xf32, #tpu.memory_space<vmem>>) dst(%dma_wait3A_410 : memref<10016x128xf32, #tpu.memory_space<vmem_shared>>)
        tpu.yield
      }) : () -> ()
      %lt3A_335 = arith.constant 7 : i32
      %lt3A_336 = arith.cmpi slt, %scan3A_70, %lt3A_335 : i32
      %convert_element_type3A_337 = arith.extui %lt3A_336 : i1 to i32
      %cond3A_338 = arith.constant 0 : i32
      %cond3A_339 = arith.cmpi ne, %convert_element_type3A_337, %cond3A_338 : i32
      scf.if %cond3A_339 {
        %dma_wait3A_398 = arith.constant 0 : i32
        %dma_wait3A_399 = arith.constant 0 : i32
        %dma_wait3A_400 = arith.constant 0 : i32
        %dma_wait3A_401 = tpu.memref_slice %arg3[%add3A, %dma_wait3A_398, %dma_wait3A_399, %dma_wait3A_400] : memref<32x16x10x64xi32, #tpu.memory_space<hbm>> -> memref<1x1x10x64xi32, #tpu.memory_space<hbm>>
        %dma_wait3A_402 = tpu.memref_squeeze %dma_wait3A_401 : memref<1x1x10x64xi32, #tpu.memory_space<hbm>> -> memref<10x64xi32, #tpu.memory_space<hbm>>
        %dma_wait3A_403 = arith.constant 0 : i32
        %dma_wait3A_404 = arith.constant 0 : i32
        %dma_wait3A_405 = tpu.memref_slice %arg3[%add3A, %dma_wait3A_398, %dma_wait3A_403, %dma_wait3A_404] : memref<32x16x10x64xi32, #tpu.memory_space<hbm>> -> memref<1x1x10x64xi32, #tpu.memory_space<hbm>>
        %dma_wait3A_406 = tpu.memref_squeeze %dma_wait3A_405 : memref<1x1x10x64xi32, #tpu.memory_space<hbm>> -> memref<10x64xi32, #tpu.memory_space<hbm>>
        tpu.wait_dma2 semaphore(%arg22 : memref<!tpu.dma_semaphore, #tpu.memory_space<semaphore_mem>>) src(%dma_wait3A_406 : memref<10x64xi32, #tpu.memory_space<hbm>>) dst(%arg7 : memref<10x64xi32, #tpu.memory_space<vmem>>)
        %dma_start3A_407 = arith.constant 0 : i32
        %dma_start3A_408 = arith.constant 0 : i32
        %dma_start3A_409 = tpu.memref_slice %arg7[%dma_start3A_407, %dma_start3A_408] : memref<10x64xi32, #tpu.memory_space<vmem>> -> memref<1x64xi32, #tpu.memory_space<vmem>>
        %dma_start3A_410 = tpu.memref_squeeze %dma_start3A_409 : memref<1x64xi32, #tpu.memory_space<vmem>> -> memref<64xi32, #tpu.memory_space<vmem>>
        %dma_start3A_411 = arith.constant 0 : i32
        %dma_start3A_412 = arith.constant 0 : i32
        %dma_start3A_413 = tpu.memref_slice %arg2[%dma_start3A_411, %dma_start3A_412] : memref<10000x128xf32, #tpu.memory_space<hbm>> -> memref<10000x128xf32, #tpu.memory_space<hbm>>
        tpu.enqueue_indirect_dma source(%dma_start3A_413 : memref<10000x128xf32, #tpu.memory_space<hbm>>) target(%arg11 : memref<64x128xf32, #tpu.memory_space<vmem>>) offsets(%dma_start3A_410 : memref<64xi32, #tpu.memory_space<vmem>>) semaphore(%arg17 : memref<!tpu.dma_semaphore, #tpu.memory_space<semaphore_mem>>)
      } else {
      }
      %dma_wait3A_340 = arith.constant 0 : i32
      %dma_wait3A_341 = arith.constant 0 : i32
      %dma_wait3A_342 = tpu.memref_slice %arg7[%dma_wait3A_340, %dma_wait3A_341] : memref<10x64xi32, #tpu.memory_space<vmem>> -> memref<1x64xi32, #tpu.memory_space<vmem>>
      %dma_wait3A_343 = tpu.memref_squeeze %dma_wait3A_342 : memref<1x64xi32, #tpu.memory_space<vmem>> -> memref<64xi32, #tpu.memory_space<vmem>>
      %dma_wait3A_344 = arith.constant 0 : i32
      %dma_wait3A_345 = arith.constant 0 : i32
      %dma_wait3A_346 = tpu.memref_slice %arg2[%dma_wait3A_344, %dma_wait3A_345] : memref<10000x128xf32, #tpu.memory_space<hbm>> -> memref<10000x128xf32, #tpu.memory_space<hbm>>
      tpu.wait_indirect_dma semaphore(%arg18 : memref<!tpu.dma_semaphore, #tpu.memory_space<semaphore_mem>>) src(%dma_wait3A_346 : memref<10000x128xf32, #tpu.memory_space<hbm>>) dst(%arg12 : memref<64x128xf32, #tpu.memory_space<vmem>>)
      %run_scoped3A_347 = arith.constant 6 : i32
      "tpu.region"() ({
        %run_scoped3A_398 = tpu.sem_alloc : memref<!tpu.dma_semaphore, #tpu.memory_space<semaphore_mem>>
        %dma_start3A_399 = arith.constant 0 : i32
        %dma_start3A_400 = tpu.memref_slice %arg10[%run_scoped3A_347, %dma_start3A_399] : memref<10x64xi32, #tpu.memory_space<vmem>> -> memref<1x64xi32, #tpu.memory_space<vmem>>
        %dma_start3A_401 = tpu.memref_squeeze %dma_start3A_400 : memref<1x64xi32, #tpu.memory_space<vmem>> -> memref<64xi32, #tpu.memory_space<vmem>>
        %dma_start3A_402 = arith.constant 0 : i32
        %dma_start3A_403 = arith.constant 0 : i32
        %dma_start3A_404 = tpu.memref_slice %arg16[%dma_start3A_402, %dma_start3A_403] : memref<10016x128xf32, #tpu.memory_space<vmem_shared>> -> memref<10016x128xf32, #tpu.memory_space<vmem_shared>>
        tpu.enqueue_indirect_dma source(%arg12 : memref<64x128xf32, #tpu.memory_space<vmem>>) target(%dma_start3A_404 : memref<10016x128xf32, #tpu.memory_space<vmem_shared>>) offsets(%dma_start3A_401 : memref<64xi32, #tpu.memory_space<vmem>>) semaphore(%run_scoped3A_398 : memref<!tpu.dma_semaphore, #tpu.memory_space<semaphore_mem>>) {add = true}
        %dma_wait3A_405 = arith.constant 0 : i32
        %dma_wait3A_406 = tpu.memref_slice %arg10[%run_scoped3A_347, %dma_wait3A_405] : memref<10x64xi32, #tpu.memory_space<vmem>> -> memref<1x64xi32, #tpu.memory_space<vmem>>
        %dma_wait3A_407 = tpu.memref_squeeze %dma_wait3A_406 : memref<1x64xi32, #tpu.memory_space<vmem>> -> memref<64xi32, #tpu.memory_space<vmem>>
        %dma_wait3A_408 = arith.constant 0 : i32
        %dma_wait3A_409 = arith.constant 0 : i32
        %dma_wait3A_410 = tpu.memref_slice %arg16[%dma_wait3A_408, %dma_wait3A_409] : memref<10016x128xf32, #tpu.memory_space<vmem_shared>> -> memref<10016x128xf32, #tpu.memory_space<vmem_shared>>
        tpu.wait_indirect_dma semaphore(%run_scoped3A_398 : memref<!tpu.dma_semaphore, #tpu.memory_space<semaphore_mem>>) src(%arg12 : memref<64x128xf32, #tpu.memory_space<vmem>>) dst(%dma_wait3A_410 : memref<10016x128xf32, #tpu.memory_space<vmem_shared>>)
        tpu.yield
      }) : () -> ()
      %lt3A_348 = arith.constant 7 : i32
      %lt3A_349 = arith.cmpi slt, %scan3A_70, %lt3A_348 : i32
      %convert_element_type3A_350 = arith.extui %lt3A_349 : i1 to i32
      %cond3A_351 = arith.constant 0 : i32
      %cond3A_352 = arith.cmpi ne, %convert_element_type3A_350, %cond3A_351 : i32
      scf.if %cond3A_352 {
        %dma_start3A_398 = arith.constant 1 : i32
        %dma_start3A_399 = arith.constant 0 : i32
        %dma_start3A_400 = tpu.memref_slice %arg7[%dma_start3A_398, %dma_start3A_399] : memref<10x64xi32, #tpu.memory_space<vmem>> -> memref<1x64xi32, #tpu.memory_space<vmem>>
        %dma_start3A_401 = tpu.memref_squeeze %dma_start3A_400 : memref<1x64xi32, #tpu.memory_space<vmem>> -> memref<64xi32, #tpu.memory_space<vmem>>
        %dma_start3A_402 = arith.constant 0 : i32
        %dma_start3A_403 = arith.constant 0 : i32
        %dma_start3A_404 = tpu.memref_slice %arg2[%dma_start3A_402, %dma_start3A_403] : memref<10000x128xf32, #tpu.memory_space<hbm>> -> memref<10000x128xf32, #tpu.memory_space<hbm>>
        tpu.enqueue_indirect_dma source(%dma_start3A_404 : memref<10000x128xf32, #tpu.memory_space<hbm>>) target(%arg12 : memref<64x128xf32, #tpu.memory_space<vmem>>) offsets(%dma_start3A_401 : memref<64xi32, #tpu.memory_space<vmem>>) semaphore(%arg18 : memref<!tpu.dma_semaphore, #tpu.memory_space<semaphore_mem>>)
      } else {
      }
      %dma_wait3A_353 = arith.constant 0 : i32
      %dma_wait3A_354 = arith.constant 0 : i32
      %dma_wait3A_355 = tpu.memref_slice %arg7[%dma_wait3A_353, %dma_wait3A_354] : memref<10x64xi32, #tpu.memory_space<vmem>> -> memref<1x64xi32, #tpu.memory_space<vmem>>
      %dma_wait3A_356 = tpu.memref_squeeze %dma_wait3A_355 : memref<1x64xi32, #tpu.memory_space<vmem>> -> memref<64xi32, #tpu.memory_space<vmem>>
      %dma_wait3A_357 = arith.constant 0 : i32
      %dma_wait3A_358 = arith.constant 0 : i32
      %dma_wait3A_359 = tpu.memref_slice %arg2[%dma_wait3A_357, %dma_wait3A_358] : memref<10000x128xf32, #tpu.memory_space<hbm>> -> memref<10000x128xf32, #tpu.memory_space<hbm>>
      tpu.wait_indirect_dma semaphore(%arg19 : memref<!tpu.dma_semaphore, #tpu.memory_space<semaphore_mem>>) src(%dma_wait3A_359 : memref<10000x128xf32, #tpu.memory_space<hbm>>) dst(%arg13 : memref<64x128xf32, #tpu.memory_space<vmem>>)
      %run_scoped3A_360 = arith.constant 7 : i32
      "tpu.region"() ({
        %run_scoped3A_398 = tpu.sem_alloc : memref<!tpu.dma_semaphore, #tpu.memory_space<semaphore_mem>>
        %dma_start3A_399 = arith.constant 0 : i32
        %dma_start3A_400 = tpu.memref_slice %arg10[%run_scoped3A_360, %dma_start3A_399] : memref<10x64xi32, #tpu.memory_space<vmem>> -> memref<1x64xi32, #tpu.memory_space<vmem>>
        %dma_start3A_401 = tpu.memref_squeeze %dma_start3A_400 : memref<1x64xi32, #tpu.memory_space<vmem>> -> memref<64xi32, #tpu.memory_space<vmem>>
        %dma_start3A_402 = arith.constant 0 : i32
        %dma_start3A_403 = arith.constant 0 : i32
        %dma_start3A_404 = tpu.memref_slice %arg16[%dma_start3A_402, %dma_start3A_403] : memref<10016x128xf32, #tpu.memory_space<vmem_shared>> -> memref<10016x128xf32, #tpu.memory_space<vmem_shared>>
        tpu.enqueue_indirect_dma source(%arg13 : memref<64x128xf32, #tpu.memory_space<vmem>>) target(%dma_start3A_404 : memref<10016x128xf32, #tpu.memory_space<vmem_shared>>) offsets(%dma_start3A_401 : memref<64xi32, #tpu.memory_space<vmem>>) semaphore(%run_scoped3A_398 : memref<!tpu.dma_semaphore, #tpu.memory_space<semaphore_mem>>) {add = true}
        %dma_wait3A_405 = arith.constant 0 : i32
        %dma_wait3A_406 = tpu.memref_slice %arg10[%run_scoped3A_360, %dma_wait3A_405] : memref<10x64xi32, #tpu.memory_space<vmem>> -> memref<1x64xi32, #tpu.memory_space<vmem>>
        %dma_wait3A_407 = tpu.memref_squeeze %dma_wait3A_406 : memref<1x64xi32, #tpu.memory_space<vmem>> -> memref<64xi32, #tpu.memory_space<vmem>>
        %dma_wait3A_408 = arith.constant 0 : i32
        %dma_wait3A_409 = arith.constant 0 : i32
        %dma_wait3A_410 = tpu.memref_slice %arg16[%dma_wait3A_408, %dma_wait3A_409] : memref<10016x128xf32, #tpu.memory_space<vmem_shared>> -> memref<10016x128xf32, #tpu.memory_space<vmem_shared>>
        tpu.wait_indirect_dma semaphore(%run_scoped3A_398 : memref<!tpu.dma_semaphore, #tpu.memory_space<semaphore_mem>>) src(%arg13 : memref<64x128xf32, #tpu.memory_space<vmem>>) dst(%dma_wait3A_410 : memref<10016x128xf32, #tpu.memory_space<vmem_shared>>)
        tpu.yield
      }) : () -> ()
      %lt3A_361 = arith.constant 7 : i32
      %lt3A_362 = arith.cmpi slt, %scan3A_70, %lt3A_361 : i32
      %convert_element_type3A_363 = arith.extui %lt3A_362 : i1 to i32
      %cond3A_364 = arith.constant 0 : i32
      %cond3A_365 = arith.cmpi ne, %convert_element_type3A_363, %cond3A_364 : i32
      scf.if %cond3A_365 {
        %dma_start3A_398 = arith.constant 2 : i32
        %dma_start3A_399 = arith.constant 0 : i32
        %dma_start3A_400 = tpu.memref_slice %arg7[%dma_start3A_398, %dma_start3A_399] : memref<10x64xi32, #tpu.memory_space<vmem>> -> memref<1x64xi32, #tpu.memory_space<vmem>>
        %dma_start3A_401 = tpu.memref_squeeze %dma_start3A_400 : memref<1x64xi32, #tpu.memory_space<vmem>> -> memref<64xi32, #tpu.memory_space<vmem>>
        %dma_start3A_402 = arith.constant 0 : i32
        %dma_start3A_403 = arith.constant 0 : i32
        %dma_start3A_404 = tpu.memref_slice %arg2[%dma_start3A_402, %dma_start3A_403] : memref<10000x128xf32, #tpu.memory_space<hbm>> -> memref<10000x128xf32, #tpu.memory_space<hbm>>
        tpu.enqueue_indirect_dma source(%dma_start3A_404 : memref<10000x128xf32, #tpu.memory_space<hbm>>) target(%arg13 : memref<64x128xf32, #tpu.memory_space<vmem>>) offsets(%dma_start3A_401 : memref<64xi32, #tpu.memory_space<vmem>>) semaphore(%arg19 : memref<!tpu.dma_semaphore, #tpu.memory_space<semaphore_mem>>)
      } else {
      }
      %dma_wait3A_366 = arith.constant 0 : i32
      %dma_wait3A_367 = arith.constant 0 : i32
      %dma_wait3A_368 = tpu.memref_slice %arg7[%dma_wait3A_366, %dma_wait3A_367] : memref<10x64xi32, #tpu.memory_space<vmem>> -> memref<1x64xi32, #tpu.memory_space<vmem>>
      %dma_wait3A_369 = tpu.memref_squeeze %dma_wait3A_368 : memref<1x64xi32, #tpu.memory_space<vmem>> -> memref<64xi32, #tpu.memory_space<vmem>>
      %dma_wait3A_370 = arith.constant 0 : i32
      %dma_wait3A_371 = arith.constant 0 : i32
      %dma_wait3A_372 = tpu.memref_slice %arg2[%dma_wait3A_370, %dma_wait3A_371] : memref<10000x128xf32, #tpu.memory_space<hbm>> -> memref<10000x128xf32, #tpu.memory_space<hbm>>
      tpu.wait_indirect_dma semaphore(%arg20 : memref<!tpu.dma_semaphore, #tpu.memory_space<semaphore_mem>>) src(%dma_wait3A_372 : memref<10000x128xf32, #tpu.memory_space<hbm>>) dst(%arg14 : memref<64x128xf32, #tpu.memory_space<vmem>>)
      %run_scoped3A_373 = arith.constant 8 : i32
      "tpu.region"() ({
        %run_scoped3A_398 = tpu.sem_alloc : memref<!tpu.dma_semaphore, #tpu.memory_space<semaphore_mem>>
        %dma_start3A_399 = arith.constant 0 : i32
        %dma_start3A_400 = tpu.memref_slice %arg10[%run_scoped3A_373, %dma_start3A_399] : memref<10x64xi32, #tpu.memory_space<vmem>> -> memref<1x64xi32, #tpu.memory_space<vmem>>
        %dma_start3A_401 = tpu.memref_squeeze %dma_start3A_400 : memref<1x64xi32, #tpu.memory_space<vmem>> -> memref<64xi32, #tpu.memory_space<vmem>>
        %dma_start3A_402 = arith.constant 0 : i32
        %dma_start3A_403 = arith.constant 0 : i32
        %dma_start3A_404 = tpu.memref_slice %arg16[%dma_start3A_402, %dma_start3A_403] : memref<10016x128xf32, #tpu.memory_space<vmem_shared>> -> memref<10016x128xf32, #tpu.memory_space<vmem_shared>>
        tpu.enqueue_indirect_dma source(%arg14 : memref<64x128xf32, #tpu.memory_space<vmem>>) target(%dma_start3A_404 : memref<10016x128xf32, #tpu.memory_space<vmem_shared>>) offsets(%dma_start3A_401 : memref<64xi32, #tpu.memory_space<vmem>>) semaphore(%run_scoped3A_398 : memref<!tpu.dma_semaphore, #tpu.memory_space<semaphore_mem>>) {add = true}
        %dma_wait3A_405 = arith.constant 0 : i32
        %dma_wait3A_406 = tpu.memref_slice %arg10[%run_scoped3A_373, %dma_wait3A_405] : memref<10x64xi32, #tpu.memory_space<vmem>> -> memref<1x64xi32, #tpu.memory_space<vmem>>
        %dma_wait3A_407 = tpu.memref_squeeze %dma_wait3A_406 : memref<1x64xi32, #tpu.memory_space<vmem>> -> memref<64xi32, #tpu.memory_space<vmem>>
        %dma_wait3A_408 = arith.constant 0 : i32
        %dma_wait3A_409 = arith.constant 0 : i32
        %dma_wait3A_410 = tpu.memref_slice %arg16[%dma_wait3A_408, %dma_wait3A_409] : memref<10016x128xf32, #tpu.memory_space<vmem_shared>> -> memref<10016x128xf32, #tpu.memory_space<vmem_shared>>
        tpu.wait_indirect_dma semaphore(%run_scoped3A_398 : memref<!tpu.dma_semaphore, #tpu.memory_space<semaphore_mem>>) src(%arg14 : memref<64x128xf32, #tpu.memory_space<vmem>>) dst(%dma_wait3A_410 : memref<10016x128xf32, #tpu.memory_space<vmem_shared>>)
        tpu.yield
      }) : () -> ()
      %lt3A_374 = arith.constant 7 : i32
      %lt3A_375 = arith.cmpi slt, %scan3A_70, %lt3A_374 : i32
      %convert_element_type3A_376 = arith.extui %lt3A_375 : i1 to i32
      %cond3A_377 = arith.constant 0 : i32
      %cond3A_378 = arith.cmpi ne, %convert_element_type3A_376, %cond3A_377 : i32
      scf.if %cond3A_378 {
        %dma_start3A_398 = arith.constant 3 : i32
        %dma_start3A_399 = arith.constant 0 : i32
        %dma_start3A_400 = tpu.memref_slice %arg7[%dma_start3A_398, %dma_start3A_399] : memref<10x64xi32, #tpu.memory_space<vmem>> -> memref<1x64xi32, #tpu.memory_space<vmem>>
        %dma_start3A_401 = tpu.memref_squeeze %dma_start3A_400 : memref<1x64xi32, #tpu.memory_space<vmem>> -> memref<64xi32, #tpu.memory_space<vmem>>
        %dma_start3A_402 = arith.constant 0 : i32
        %dma_start3A_403 = arith.constant 0 : i32
        %dma_start3A_404 = tpu.memref_slice %arg2[%dma_start3A_402, %dma_start3A_403] : memref<10000x128xf32, #tpu.memory_space<hbm>> -> memref<10000x128xf32, #tpu.memory_space<hbm>>
        tpu.enqueue_indirect_dma source(%dma_start3A_404 : memref<10000x128xf32, #tpu.memory_space<hbm>>) target(%arg14 : memref<64x128xf32, #tpu.memory_space<vmem>>) offsets(%dma_start3A_401 : memref<64xi32, #tpu.memory_space<vmem>>) semaphore(%arg20 : memref<!tpu.dma_semaphore, #tpu.memory_space<semaphore_mem>>)
      } else {
      }
      %dma_wait3A_379 = arith.constant 0 : i32
      %dma_wait3A_380 = arith.constant 0 : i32
      %dma_wait3A_381 = tpu.memref_slice %arg7[%dma_wait3A_379, %dma_wait3A_380] : memref<10x64xi32, #tpu.memory_space<vmem>> -> memref<1x64xi32, #tpu.memory_space<vmem>>
      %dma_wait3A_382 = tpu.memref_squeeze %dma_wait3A_381 : memref<1x64xi32, #tpu.memory_space<vmem>> -> memref<64xi32, #tpu.memory_space<vmem>>
      %dma_wait3A_383 = arith.constant 0 : i32
      %dma_wait3A_384 = arith.constant 0 : i32
      %dma_wait3A_385 = tpu.memref_slice %arg2[%dma_wait3A_383, %dma_wait3A_384] : memref<10000x128xf32, #tpu.memory_space<hbm>> -> memref<10000x128xf32, #tpu.memory_space<hbm>>
      tpu.wait_indirect_dma semaphore(%arg21 : memref<!tpu.dma_semaphore, #tpu.memory_space<semaphore_mem>>) src(%dma_wait3A_385 : memref<10000x128xf32, #tpu.memory_space<hbm>>) dst(%arg15 : memref<64x128xf32, #tpu.memory_space<vmem>>)
      %run_scoped3A_386 = arith.constant 9 : i32
      "tpu.region"() ({
        %run_scoped3A_398 = tpu.sem_alloc : memref<!tpu.dma_semaphore, #tpu.memory_space<semaphore_mem>>
        %dma_start3A_399 = arith.constant 0 : i32
        %dma_start3A_400 = tpu.memref_slice %arg10[%run_scoped3A_386, %dma_start3A_399] : memref<10x64xi32, #tpu.memory_space<vmem>> -> memref<1x64xi32, #tpu.memory_space<vmem>>
        %dma_start3A_401 = tpu.memref_squeeze %dma_start3A_400 : memref<1x64xi32, #tpu.memory_space<vmem>> -> memref<64xi32, #tpu.memory_space<vmem>>
        %dma_start3A_402 = arith.constant 0 : i32
        %dma_start3A_403 = arith.constant 0 : i32
        %dma_start3A_404 = tpu.memref_slice %arg16[%dma_start3A_402, %dma_start3A_403] : memref<10016x128xf32, #tpu.memory_space<vmem_shared>> -> memref<10016x128xf32, #tpu.memory_space<vmem_shared>>
        tpu.enqueue_indirect_dma source(%arg15 : memref<64x128xf32, #tpu.memory_space<vmem>>) target(%dma_start3A_404 : memref<10016x128xf32, #tpu.memory_space<vmem_shared>>) offsets(%dma_start3A_401 : memref<64xi32, #tpu.memory_space<vmem>>) semaphore(%run_scoped3A_398 : memref<!tpu.dma_semaphore, #tpu.memory_space<semaphore_mem>>) {add = true}
        %dma_wait3A_405 = arith.constant 0 : i32
        %dma_wait3A_406 = tpu.memref_slice %arg10[%run_scoped3A_386, %dma_wait3A_405] : memref<10x64xi32, #tpu.memory_space<vmem>> -> memref<1x64xi32, #tpu.memory_space<vmem>>
        %dma_wait3A_407 = tpu.memref_squeeze %dma_wait3A_406 : memref<1x64xi32, #tpu.memory_space<vmem>> -> memref<64xi32, #tpu.memory_space<vmem>>
        %dma_wait3A_408 = arith.constant 0 : i32
        %dma_wait3A_409 = arith.constant 0 : i32
        %dma_wait3A_410 = tpu.memref_slice %arg16[%dma_wait3A_408, %dma_wait3A_409] : memref<10016x128xf32, #tpu.memory_space<vmem_shared>> -> memref<10016x128xf32, #tpu.memory_space<vmem_shared>>
        tpu.wait_indirect_dma semaphore(%run_scoped3A_398 : memref<!tpu.dma_semaphore, #tpu.memory_space<semaphore_mem>>) src(%arg15 : memref<64x128xf32, #tpu.memory_space<vmem>>) dst(%dma_wait3A_410 : memref<10016x128xf32, #tpu.memory_space<vmem_shared>>)
        tpu.yield
      }) : () -> ()
      %lt3A_387 = arith.constant 7 : i32
      %lt3A_388 = arith.cmpi slt, %scan3A_70, %lt3A_387 : i32
      %convert_element_type3A_389 = arith.extui %lt3A_388 : i1 to i32
      %cond3A_390 = arith.constant 0 : i32
      %cond3A_391 = arith.cmpi ne, %convert_element_type3A_389, %cond3A_390 : i32
      scf.if %cond3A_391 {
        %dma_start3A_398 = arith.constant 4 : i32
        %dma_start3A_399 = arith.constant 0 : i32
        %dma_start3A_400 = tpu.memref_slice %arg7[%dma_start3A_398, %dma_start3A_399] : memref<10x64xi32, #tpu.memory_space<vmem>> -> memref<1x64xi32, #tpu.memory_space<vmem>>
        %dma_start3A_401 = tpu.memref_squeeze %dma_start3A_400 : memref<1x64xi32, #tpu.memory_space<vmem>> -> memref<64xi32, #tpu.memory_space<vmem>>
        %dma_start3A_402 = arith.constant 0 : i32
        %dma_start3A_403 = arith.constant 0 : i32
        %dma_start3A_404 = tpu.memref_slice %arg2[%dma_start3A_402, %dma_start3A_403] : memref<10000x128xf32, #tpu.memory_space<hbm>> -> memref<10000x128xf32, #tpu.memory_space<hbm>>
        tpu.enqueue_indirect_dma source(%dma_start3A_404 : memref<10000x128xf32, #tpu.memory_space<hbm>>) target(%arg15 : memref<64x128xf32, #tpu.memory_space<vmem>>) offsets(%dma_start3A_401 : memref<64xi32, #tpu.memory_space<vmem>>) semaphore(%arg21 : memref<!tpu.dma_semaphore, #tpu.memory_space<semaphore_mem>>)
      } else {
      }
      %lt3A_392 = arith.constant 7 : i32
      %lt3A_393 = arith.cmpi slt, %scan3A_70, %lt3A_392 : i32
      %convert_element_type3A_394 = arith.extui %lt3A_393 : i1 to i32
      %cond3A_395 = arith.constant 0 : i32
      %cond3A_396 = arith.cmpi ne, %convert_element_type3A_394, %cond3A_395 : i32
      scf.if %cond3A_396 {
        %mul3A_398 = arith.constant 2 : i32
        %mul3A_399 = arith.muli %mul3A_398, %scan3A_70 : i32
        %add3A_400 = arith.constant 3 : i32
        %add3A_401 = arith.addi %mul3A_399, %add3A_400 : i32
        %dma_start3A_402 = arith.constant 0 : i32
        %dma_start3A_403 = arith.constant 0 : i32
        %dma_start3A_404 = tpu.memref_slice %arg3[%add3A, %add3A_401, %dma_start3A_402, %dma_start3A_403] : memref<32x16x10x64xi32, #tpu.memory_space<hbm>> -> memref<1x1x10x64xi32, #tpu.memory_space<hbm>>
        %dma_start3A_405 = tpu.memref_squeeze %dma_start3A_404 : memref<1x1x10x64xi32, #tpu.memory_space<hbm>> -> memref<10x64xi32, #tpu.memory_space<hbm>>
        %dma_start3A_406 = arith.constant 0 : i32
        %dma_start3A_407 = arith.constant 0 : i32
        %dma_start3A_408 = tpu.memref_slice %arg3[%add3A, %add3A_401, %dma_start3A_406, %dma_start3A_407] : memref<32x16x10x64xi32, #tpu.memory_space<hbm>> -> memref<1x1x10x64xi32, #tpu.memory_space<hbm>>
        %dma_start3A_409 = tpu.memref_squeeze %dma_start3A_408 : memref<1x1x10x64xi32, #tpu.memory_space<hbm>> -> memref<10x64xi32, #tpu.memory_space<hbm>>
        tpu.enqueue_dma source(%dma_start3A_409 : memref<10x64xi32, #tpu.memory_space<hbm>>) target(%arg8 : memref<10x64xi32, #tpu.memory_space<vmem>>) target_semaphore(%arg22 : memref<!tpu.dma_semaphore, #tpu.memory_space<semaphore_mem>>)
        %mul3A_410 = arith.constant 2 : i32
        %mul3A_411 = arith.muli %mul3A_410, %scan3A_70 : i32
        %add3A_412 = arith.constant 3 : i32
        %add3A_413 = arith.addi %mul3A_411, %add3A_412 : i32
        %dma_start3A_414 = arith.constant 0 : i32
        %dma_start3A_415 = arith.constant 0 : i32
        %dma_start3A_416 = tpu.memref_slice %arg4[%add3A, %add3A_413, %dma_start3A_414, %dma_start3A_415] : memref<32x16x10x64xi32, #tpu.memory_space<hbm>> -> memref<1x1x10x64xi32, #tpu.memory_space<hbm>>
        %dma_start3A_417 = tpu.memref_squeeze %dma_start3A_416 : memref<1x1x10x64xi32, #tpu.memory_space<hbm>> -> memref<10x64xi32, #tpu.memory_space<hbm>>
        %dma_start3A_418 = arith.constant 0 : i32
        %dma_start3A_419 = arith.constant 0 : i32
        %dma_start3A_420 = tpu.memref_slice %arg4[%add3A, %add3A_413, %dma_start3A_418, %dma_start3A_419] : memref<32x16x10x64xi32, #tpu.memory_space<hbm>> -> memref<1x1x10x64xi32, #tpu.memory_space<hbm>>
        %dma_start3A_421 = tpu.memref_squeeze %dma_start3A_420 : memref<1x1x10x64xi32, #tpu.memory_space<hbm>> -> memref<10x64xi32, #tpu.memory_space<hbm>>
        tpu.enqueue_dma source(%dma_start3A_421 : memref<10x64xi32, #tpu.memory_space<hbm>>) target(%arg10 : memref<10x64xi32, #tpu.memory_space<vmem>>) target_semaphore(%arg22 : memref<!tpu.dma_semaphore, #tpu.memory_space<semaphore_mem>>)
      } else {
      }
      %scan3A_397 = arith.constant 0 : i32
      scf.yield %scan3A_397 : i32
    }
    %scan3A_63 = arith.constant 8 : i32
    %barrier3A_64 = arith.constant 0 : index
    tpu.barrier barrier_id(%barrier3A_64)
    "tpu.region"() ({
      %run_scoped3A_70 = tpu.sem_alloc : memref<!tpu.dma_semaphore, #tpu.memory_space<semaphore_mem>>
      %dma_start3A_71 = arith.constant 0 : i32
      %dma_start3A_72 = tpu.memref_slice %arg6[%arg0, %mul3A_2, %dma_start3A_71] : memref<2x10000x128xf32, #tpu.memory_space<hbm>> -> memref<1x624x128xf32, #tpu.memory_space<hbm>>
      %dma_start3A_73 = tpu.memref_squeeze %dma_start3A_72 : memref<1x624x128xf32, #tpu.memory_space<hbm>> -> memref<624x128xf32, #tpu.memory_space<hbm>>
      %dma_start3A_74 = arith.constant 0 : i32
      %dma_start3A_75 = tpu.memref_slice %arg16[%mul3A_2, %dma_start3A_74] : memref<10016x128xf32, #tpu.memory_space<vmem_shared>> -> memref<624x128xf32, #tpu.memory_space<vmem_shared>>
      tpu.enqueue_dma source(%dma_start3A_75 : memref<624x128xf32, #tpu.memory_space<vmem_shared>>) target(%dma_start3A_73 : memref<624x128xf32, #tpu.memory_space<hbm>>) target_semaphore(%run_scoped3A_70 : memref<!tpu.dma_semaphore, #tpu.memory_space<semaphore_mem>>)
      %dma_wait3A = arith.constant 0 : i32
      %dma_wait3A_76 = tpu.memref_slice %arg6[%arg0, %mul3A_2, %dma_wait3A] : memref<2x10000x128xf32, #tpu.memory_space<hbm>> -> memref<1x624x128xf32, #tpu.memory_space<hbm>>
      %dma_wait3A_77 = tpu.memref_squeeze %dma_wait3A_76 : memref<1x624x128xf32, #tpu.memory_space<hbm>> -> memref<624x128xf32, #tpu.memory_space<hbm>>
      %dma_wait3A_78 = arith.constant 0 : i32
      %dma_wait3A_79 = tpu.memref_slice %arg16[%mul3A_2, %dma_wait3A_78] : memref<10016x128xf32, #tpu.memory_space<vmem_shared>> -> memref<624x128xf32, #tpu.memory_space<vmem_shared>>
      tpu.wait_dma2 semaphore(%run_scoped3A_70 : memref<!tpu.dma_semaphore, #tpu.memory_space<semaphore_mem>>) src(%dma_wait3A_79 : memref<624x128xf32, #tpu.memory_space<vmem_shared>>) dst(%dma_wait3A_77 : memref<624x128xf32, #tpu.memory_space<hbm>>)
      tpu.yield
    }) : () -> ()
    %eq3A_65 = arith.constant 15 : i32
    %eq3A_66 = arith.cmpi eq, %arg1, %eq3A_65 : i32
    %convert_element_type3A_67 = arith.extui %eq3A_66 : i1 to i32
    %cond3A_68 = arith.constant 0 : i32
    %cond3A_69 = arith.cmpi ne, %convert_element_type3A_67, %cond3A_68 : i32
    scf.if %cond3A_69 {
      "tpu.region"() ({
        %run_scoped3A_70 = tpu.sem_alloc : memref<!tpu.dma_semaphore, #tpu.memory_space<semaphore_mem>>
        %dma_start3A_71 = arith.constant 9984 : i32
        %dma_start3A_72 = arith.constant 0 : i32
        %dma_start3A_73 = tpu.memref_slice %arg6[%arg0, %dma_start3A_71, %dma_start3A_72] : memref<2x10000x128xf32, #tpu.memory_space<hbm>> -> memref<1x16x128xf32, #tpu.memory_space<hbm>>
        %dma_start3A_74 = tpu.memref_squeeze %dma_start3A_73 : memref<1x16x128xf32, #tpu.memory_space<hbm>> -> memref<16x128xf32, #tpu.memory_space<hbm>>
        %dma_start3A_75 = arith.constant 9984 : i32
        %dma_start3A_76 = arith.constant 0 : i32
        %dma_start3A_77 = tpu.memref_slice %arg16[%dma_start3A_75, %dma_start3A_76] : memref<10016x128xf32, #tpu.memory_space<vmem_shared>> -> memref<16x128xf32, #tpu.memory_space<vmem_shared>>
        tpu.enqueue_dma source(%dma_start3A_77 : memref<16x128xf32, #tpu.memory_space<vmem_shared>>) target(%dma_start3A_74 : memref<16x128xf32, #tpu.memory_space<hbm>>) target_semaphore(%run_scoped3A_70 : memref<!tpu.dma_semaphore, #tpu.memory_space<semaphore_mem>>)
        %dma_wait3A = arith.constant 9984 : i32
        %dma_wait3A_78 = arith.constant 0 : i32
        %dma_wait3A_79 = tpu.memref_slice %arg6[%arg0, %dma_wait3A, %dma_wait3A_78] : memref<2x10000x128xf32, #tpu.memory_space<hbm>> -> memref<1x16x128xf32, #tpu.memory_space<hbm>>
        %dma_wait3A_80 = tpu.memref_squeeze %dma_wait3A_79 : memref<1x16x128xf32, #tpu.memory_space<hbm>> -> memref<16x128xf32, #tpu.memory_space<hbm>>
        %dma_wait3A_81 = arith.constant 9984 : i32
        %dma_wait3A_82 = arith.constant 0 : i32
        %dma_wait3A_83 = tpu.memref_slice %arg16[%dma_wait3A_81, %dma_wait3A_82] : memref<10016x128xf32, #tpu.memory_space<vmem_shared>> -> memref<16x128xf32, #tpu.memory_space<vmem_shared>>
        tpu.wait_dma2 semaphore(%run_scoped3A_70 : memref<!tpu.dma_semaphore, #tpu.memory_space<semaphore_mem>>) src(%dma_wait3A_83 : memref<16x128xf32, #tpu.memory_space<vmem_shared>>) dst(%dma_wait3A_80 : memref<16x128xf32, #tpu.memory_space<hbm>>)
        tpu.yield
      }) : () -> ()
    } else {
    }
    return
  }
}

#map = affine_map<(d0, d1) -> (0, 0)>
#map1 = affine_map<(d0, d1) -> (0, 0, 0, 0)>
#map2 = affine_map<(d0, d1) -> (0, 0, 0)>
module attributes {stable_mosaic.version = 14 : i64} {
  func.func @_segsum_sc(%arg0: i32, %arg1: i32, %arg2: memref<10000x128xf32, #tpu.memory_space<hbm>>, %arg3: memref<32x16x10x64xi32, #tpu.memory_space<hbm>>, %arg4: memref<32x16x10x64xi32, #tpu.memory_space<hbm>>, %arg5: memref<10016x128xf32, #tpu.memory_space<hbm>>, %arg6: memref<2x10000x128xf32, #tpu.memory_space<hbm>>, %arg7: memref<10x64xi32, #tpu.memory_space<vmem>>, %arg8: memref<10x64xi32, #tpu.memory_space<vmem>>, %arg9: memref<10x64xi32, #tpu.memory_space<vmem>>, %arg10: memref<10x64xi32, #tpu.memory_space<vmem>>, %arg11: memref<64x128xf32, #tpu.memory_space<vmem>>, %arg12: memref<64x128xf32, #tpu.memory_space<vmem>>, %arg13: memref<64x128xf32, #tpu.memory_space<vmem>>, %arg14: memref<64x128xf32, #tpu.memory_space<vmem>>, %arg15: memref<64x128xf32, #tpu.memory_space<vmem>>, %arg16: memref<10016x128xf32, #tpu.memory_space<vmem_shared>>, %arg17: memref<!tpu.dma_semaphore, #tpu.memory_space<semaphore_mem>>, %arg18: memref<!tpu.dma_semaphore, #tpu.memory_space<semaphore_mem>>, %arg19: memref<!tpu.dma_semaphore, #tpu.memory_space<semaphore_mem>>, %arg20: memref<!tpu.dma_semaphore, #tpu.memory_space<semaphore_mem>>, %arg21: memref<!tpu.dma_semaphore, #tpu.memory_space<semaphore_mem>>, %arg22: memref<!tpu.dma_semaphore, #tpu.memory_space<semaphore_mem>>) attributes {dimension_semantics = [#tpu.dimension_semantics<core_parallel>, #tpu.dimension_semantics<subcore_parallel>], iteration_bounds = array<i64: 2, 16>, scalar_prefetch = 0 : i64, scratch_operands = 16 : i64, tpu.core_type = #tpu.core_type<sc_vector_subcore>, window_params = [{transform_indices = #map}, {transform_indices = #map1}, {transform_indices = #map1}, {transform_indices = #map}, {transform_indices = #map2}]} {
    %mul3A = arith.constant 16 : i32
    %mul3A_0 = arith.muli %arg0, %mul3A : i32
    %add3A = arith.addi %mul3A_0, %arg1 : i32
    %mul3A_1 = arith.constant 624 : i32
    %mul3A_2 = arith.muli %arg1, %mul3A_1 : i32
    "tpu.region"() ({
      %run_scoped3A_70 = tpu.sem_alloc : memref<!tpu.dma_semaphore, #tpu.memory_space<semaphore_mem>>
      %dma_start3A_71 = arith.constant 0 : i32
      %dma_start3A_72 = tpu.memref_slice %arg16[%mul3A_2, %dma_start3A_71] : memref<10016x128xf32, #tpu.memory_space<vmem_shared>> -> memref<624x128xf32, #tpu.memory_space<vmem_shared>>
      %dma_start3A_73 = arith.constant 0 : i32
      %dma_start3A_74 = tpu.memref_slice %arg5[%mul3A_2, %dma_start3A_73] : memref<10016x128xf32, #tpu.memory_space<hbm>> -> memref<624x128xf32, #tpu.memory_space<hbm>>
      tpu.enqueue_dma source(%dma_start3A_74 : memref<624x128xf32, #tpu.memory_space<hbm>>) target(%dma_start3A_72 : memref<624x128xf32, #tpu.memory_space<vmem_shared>>) target_semaphore(%run_scoped3A_70 : memref<!tpu.dma_semaphore, #tpu.memory_space<semaphore_mem>>)
      %dma_wait3A = arith.constant 0 : i32
      %dma_wait3A_75 = tpu.memref_slice %arg16[%mul3A_2, %dma_wait3A] : memref<10016x128xf32, #tpu.memory_space<vmem_shared>> -> memref<624x128xf32, #tpu.memory_space<vmem_shared>>
      %dma_wait3A_76 = arith.constant 0 : i32
      %dma_wait3A_77 = tpu.memref_slice %arg5[%mul3A_2, %dma_wait3A_76] : memref<10016x128xf32, #tpu.memory_space<hbm>> -> memref<624x128xf32, #tpu.memory_space<hbm>>
      tpu.wait_dma2 semaphore(%run_scoped3A_70 : memref<!tpu.dma_semaphore, #tpu.memory_space<semaphore_mem>>) src(%dma_wait3A_77 : memref<624x128xf32, #tpu.memory_space<hbm>>) dst(%dma_wait3A_75 : memref<624x128xf32, #tpu.memory_space<vmem_shared>>)
      tpu.yield
    }) : () -> ()
    %eq3A = arith.constant 15 : i32
    %eq3A_3 = arith.cmpi eq, %arg1, %eq3A : i32
    %convert_element_type3A = arith.extui %eq3A_3 : i1 to i32
    %cond3A = arith.constant 0 : i32
    %cond3A_4 = arith.cmpi ne, %convert_element_type3A, %cond3A : i32
    scf.if %cond3A_4 {
      "tpu.region"() ({
        %run_scoped3A_70 = tpu.sem_alloc : memref<!tpu.dma_semaphore, #tpu.memory_space<semaphore_mem>>
        %dma_start3A_71 = arith.constant 9984 : i32
        %dma_start3A_72 = arith.constant 0 : i32
        %dma_start3A_73 = tpu.memref_slice %arg16[%dma_start3A_71, %dma_start3A_72] : memref<10016x128xf32, #tpu.memory_space<vmem_shared>> -> memref<32x128xf32, #tpu.memory_space<vmem_shared>>
        %dma_start3A_74 = arith.constant 9984 : i32
        %dma_start3A_75 = arith.constant 0 : i32
        %dma_start3A_76 = tpu.memref_slice %arg5[%dma_start3A_74, %dma_start3A_75] : memref<10016x128xf32, #tpu.memory_space<hbm>> -> memref<32x128xf32, #tpu.memory_space<hbm>>
        tpu.enqueue_dma source(%dma_start3A_76 : memref<32x128xf32, #tpu.memory_space<hbm>>) target(%dma_start3A_73 : memref<32x128xf32, #tpu.memory_space<vmem_shared>>) target_semaphore(%run_scoped3A_70 : memref<!tpu.dma_semaphore, #tpu.memory_space<semaphore_mem>>)
        %dma_wait3A = arith.constant 9984 : i32
        %dma_wait3A_77 = arith.constant 0 : i32
        %dma_wait3A_78 = tpu.memref_slice %arg16[%dma_wait3A, %dma_wait3A_77] : memref<10016x128xf32, #tpu.memory_space<vmem_shared>> -> memref<32x128xf32, #tpu.memory_space<vmem_shared>>
        %dma_wait3A_79 = arith.constant 9984 : i32
        %dma_wait3A_80 = arith.constant 0 : i32
        %dma_wait3A_81 = tpu.memref_slice %arg5[%dma_wait3A_79, %dma_wait3A_80] : memref<10016x128xf32, #tpu.memory_space<hbm>> -> memref<32x128xf32, #tpu.memory_space<hbm>>
        tpu.wait_dma2 semaphore(%run_scoped3A_70 : memref<!tpu.dma_semaphore, #tpu.memory_space<semaphore_mem>>) src(%dma_wait3A_81 : memref<32x128xf32, #tpu.memory_space<hbm>>) dst(%dma_wait3A_78 : memref<32x128xf32, #tpu.memory_space<vmem_shared>>)
        tpu.yield
      }) : () -> ()
    } else {
    }
    %run_scoped3A = arith.constant 0 : i32
    "tpu.region"() ({
      %run_scoped3A_70 = tpu.sem_alloc : memref<!tpu.dma_semaphore, #tpu.memory_space<semaphore_mem>>
      %dma_start3A_71 = arith.constant 0 : i32
      %dma_start3A_72 = arith.constant 0 : i32
      %dma_start3A_73 = tpu.memref_slice %arg3[%add3A, %run_scoped3A, %dma_start3A_71, %dma_start3A_72] : memref<32x16x10x64xi32, #tpu.memory_space<hbm>> -> memref<1x1x10x64xi32, #tpu.memory_space<hbm>>
      %dma_start3A_74 = tpu.memref_squeeze %dma_start3A_73 : memref<1x1x10x64xi32, #tpu.memory_space<hbm>> -> memref<10x64xi32, #tpu.memory_space<hbm>>
      %dma_start3A_75 = arith.constant 0 : i32
      %dma_start3A_76 = arith.constant 0 : i32
      %dma_start3A_77 = tpu.memref_slice %arg3[%add3A, %run_scoped3A, %dma_start3A_75, %dma_start3A_76] : memref<32x16x10x64xi32, #tpu.memory_space<hbm>> -> memref<1x1x10x64xi32, #tpu.memory_space<hbm>>
      %dma_start3A_78 = tpu.memref_squeeze %dma_start3A_77 : memref<1x1x10x64xi32, #tpu.memory_space<hbm>> -> memref<10x64xi32, #tpu.memory_space<hbm>>
      tpu.enqueue_dma source(%dma_start3A_78 : memref<10x64xi32, #tpu.memory_space<hbm>>) target(%arg7 : memref<10x64xi32, #tpu.memory_space<vmem>>) target_semaphore(%run_scoped3A_70 : memref<!tpu.dma_semaphore, #tpu.memory_space<semaphore_mem>>)
      %dma_wait3A = arith.constant 0 : i32
      %dma_wait3A_79 = arith.constant 0 : i32
      %dma_wait3A_80 = tpu.memref_slice %arg3[%add3A, %run_scoped3A, %dma_wait3A, %dma_wait3A_79] : memref<32x16x10x64xi32, #tpu.memory_space<hbm>> -> memref<1x1x10x64xi32, #tpu.memory_space<hbm>>
      %dma_wait3A_81 = tpu.memref_squeeze %dma_wait3A_80 : memref<1x1x10x64xi32, #tpu.memory_space<hbm>> -> memref<10x64xi32, #tpu.memory_space<hbm>>
      %dma_wait3A_82 = arith.constant 0 : i32
      %dma_wait3A_83 = arith.constant 0 : i32
      %dma_wait3A_84 = tpu.memref_slice %arg3[%add3A, %run_scoped3A, %dma_wait3A_82, %dma_wait3A_83] : memref<32x16x10x64xi32, #tpu.memory_space<hbm>> -> memref<1x1x10x64xi32, #tpu.memory_space<hbm>>
      %dma_wait3A_85 = tpu.memref_squeeze %dma_wait3A_84 : memref<1x1x10x64xi32, #tpu.memory_space<hbm>> -> memref<10x64xi32, #tpu.memory_space<hbm>>
      tpu.wait_dma2 semaphore(%run_scoped3A_70 : memref<!tpu.dma_semaphore, #tpu.memory_space<semaphore_mem>>) src(%dma_wait3A_85 : memref<10x64xi32, #tpu.memory_space<hbm>>) dst(%arg7 : memref<10x64xi32, #tpu.memory_space<vmem>>)
      tpu.yield
    }) : () -> ()
    %run_scoped3A_5 = arith.constant 0 : i32
    "tpu.region"() ({
      %run_scoped3A_70 = tpu.sem_alloc : memref<!tpu.dma_semaphore, #tpu.memory_space<semaphore_mem>>
      %dma_start3A_71 = arith.constant 0 : i32
      %dma_start3A_72 = arith.constant 0 : i32
      %dma_start3A_73 = tpu.memref_slice %arg4[%add3A, %run_scoped3A_5, %dma_start3A_71, %dma_start3A_72] : memref<32x16x10x64xi32, #tpu.memory_space<hbm>> -> memref<1x1x10x64xi32, #tpu.memory_space<hbm>>
      %dma_start3A_74 = tpu.memref_squeeze %dma_start3A_73 : memref<1x1x10x64xi32, #tpu.memory_space<hbm>> -> memref<10x64xi32, #tpu.memory_space<hbm>>
      %dma_start3A_75 = arith.constant 0 : i32
      %dma_start3A_76 = arith.constant 0 : i32
      %dma_start3A_77 = tpu.memref_slice %arg4[%add3A, %run_scoped3A_5, %dma_start3A_75, %dma_start3A_76] : memref<32x16x10x64xi32, #tpu.memory_space<hbm>> -> memref<1x1x10x64xi32, #tpu.memory_space<hbm>>
      %dma_start3A_78 = tpu.memref_squeeze %dma_start3A_77 : memref<1x1x10x64xi32, #tpu.memory_space<hbm>> -> memref<10x64xi32, #tpu.memory_space<hbm>>
      tpu.enqueue_dma source(%dma_start3A_78 : memref<10x64xi32, #tpu.memory_space<hbm>>) target(%arg9 : memref<10x64xi32, #tpu.memory_space<vmem>>) target_semaphore(%run_scoped3A_70 : memref<!tpu.dma_semaphore, #tpu.memory_space<semaphore_mem>>)
      %dma_wait3A = arith.constant 0 : i32
      %dma_wait3A_79 = arith.constant 0 : i32
      %dma_wait3A_80 = tpu.memref_slice %arg4[%add3A, %run_scoped3A_5, %dma_wait3A, %dma_wait3A_79] : memref<32x16x10x64xi32, #tpu.memory_space<hbm>> -> memref<1x1x10x64xi32, #tpu.memory_space<hbm>>
      %dma_wait3A_81 = tpu.memref_squeeze %dma_wait3A_80 : memref<1x1x10x64xi32, #tpu.memory_space<hbm>> -> memref<10x64xi32, #tpu.memory_space<hbm>>
      %dma_wait3A_82 = arith.constant 0 : i32
      %dma_wait3A_83 = arith.constant 0 : i32
      %dma_wait3A_84 = tpu.memref_slice %arg4[%add3A, %run_scoped3A_5, %dma_wait3A_82, %dma_wait3A_83] : memref<32x16x10x64xi32, #tpu.memory_space<hbm>> -> memref<1x1x10x64xi32, #tpu.memory_space<hbm>>
      %dma_wait3A_85 = tpu.memref_squeeze %dma_wait3A_84 : memref<1x1x10x64xi32, #tpu.memory_space<hbm>> -> memref<10x64xi32, #tpu.memory_space<hbm>>
      tpu.wait_dma2 semaphore(%run_scoped3A_70 : memref<!tpu.dma_semaphore, #tpu.memory_space<semaphore_mem>>) src(%dma_wait3A_85 : memref<10x64xi32, #tpu.memory_space<hbm>>) dst(%arg9 : memref<10x64xi32, #tpu.memory_space<vmem>>)
      tpu.yield
    }) : () -> ()
    %barrier3A = arith.constant 0 : index
    tpu.barrier barrier_id(%barrier3A)
    %dma_start3A = arith.constant 1 : i32
    %dma_start3A_6 = arith.constant 0 : i32
    %dma_start3A_7 = arith.constant 0 : i32
    %dma_start3A_8 = tpu.memref_slice %arg3[%add3A, %dma_start3A, %dma_start3A_6, %dma_start3A_7] : memref<32x16x10x64xi32, #tpu.memory_space<hbm>> -> memref<1x1x10x64xi32, #tpu.memory_space<hbm>>
    %dma_start3A_9 = tpu.memref_squeeze %dma_start3A_8 : memref<1x1x10x64xi32, #tpu.memory_space<hbm>> -> memref<10x64xi32, #tpu.memory_space<hbm>>
    %dma_start3A_10 = arith.constant 0 : i32
    %dma_start3A_11 = arith.constant 0 : i32
    %dma_start3A_12 = tpu.memref_slice %arg3[%add3A, %dma_start3A, %dma_start3A_10, %dma_start3A_11] : memref<32x16x10x64xi32, #tpu.memory_space<hbm>> -> memref<1x1x10x64xi32, #tpu.memory_space<hbm>>
    %dma_start3A_13 = tpu.memref_squeeze %dma_start3A_12 : memref<1x1x10x64xi32, #tpu.memory_space<hbm>> -> memref<10x64xi32, #tpu.memory_space<hbm>>
    tpu.enqueue_dma source(%dma_start3A_13 : memref<10x64xi32, #tpu.memory_space<hbm>>) target(%arg8 : memref<10x64xi32, #tpu.memory_space<vmem>>) target_semaphore(%arg22 : memref<!tpu.dma_semaphore, #tpu.memory_space<semaphore_mem>>)
    %dma_start3A_14 = arith.constant 1 : i32
    %dma_start3A_15 = arith.constant 0 : i32
    %dma_start3A_16 = arith.constant 0 : i32
    %dma_start3A_17 = tpu.memref_slice %arg4[%add3A, %dma_start3A_14, %dma_start3A_15, %dma_start3A_16] : memref<32x16x10x64xi32, #tpu.memory_space<hbm>> -> memref<1x1x10x64xi32, #tpu.memory_space<hbm>>
    %dma_start3A_18 = tpu.memref_squeeze %dma_start3A_17 : memref<1x1x10x64xi32, #tpu.memory_space<hbm>> -> memref<10x64xi32, #tpu.memory_space<hbm>>
    %dma_start3A_19 = arith.constant 0 : i32
    %dma_start3A_20 = arith.constant 0 : i32
    %dma_start3A_21 = tpu.memref_slice %arg4[%add3A, %dma_start3A_14, %dma_start3A_19, %dma_start3A_20] : memref<32x16x10x64xi32, #tpu.memory_space<hbm>> -> memref<1x1x10x64xi32, #tpu.memory_space<hbm>>
    %dma_start3A_22 = tpu.memref_squeeze %dma_start3A_21 : memref<1x1x10x64xi32, #tpu.memory_space<hbm>> -> memref<10x64xi32, #tpu.memory_space<hbm>>
    tpu.enqueue_dma source(%dma_start3A_22 : memref<10x64xi32, #tpu.memory_space<hbm>>) target(%arg10 : memref<10x64xi32, #tpu.memory_space<vmem>>) target_semaphore(%arg22 : memref<!tpu.dma_semaphore, #tpu.memory_space<semaphore_mem>>)
    %dma_start3A_23 = arith.constant 0 : i32
    %dma_start3A_24 = arith.constant 0 : i32
    %dma_start3A_25 = tpu.memref_slice %arg7[%dma_start3A_23, %dma_start3A_24] : memref<10x64xi32, #tpu.memory_space<vmem>> -> memref<1x64xi32, #tpu.memory_space<vmem>>
    %dma_start3A_26 = tpu.memref_squeeze %dma_start3A_25 : memref<1x64xi32, #tpu.memory_space<vmem>> -> memref<64xi32, #tpu.memory_space<vmem>>
    %dma_start3A_27 = arith.constant 0 : i32
    %dma_start3A_28 = arith.constant 0 : i32
    %dma_start3A_29 = tpu.memref_slice %arg2[%dma_start3A_27, %dma_start3A_28] : memref<10000x128xf32, #tpu.memory_space<hbm>> -> memref<10000x128xf32, #tpu.memory_space<hbm>>
    tpu.enqueue_indirect_dma source(%dma_start3A_29 : memref<10000x128xf32, #tpu.memory_space<hbm>>) target(%arg11 : memref<64x128xf32, #tpu.memory_space<vmem>>) offsets(%dma_start3A_26 : memref<64xi32, #tpu.memory_space<vmem>>) semaphore(%arg17 : memref<!tpu.dma_semaphore, #tpu.memory_space<semaphore_mem>>)
    %dma_start3A_30 = arith.constant 1 : i32
    %dma_start3A_31 = arith.constant 0 : i32
    %dma_start3A_32 = tpu.memref_slice %arg7[%dma_start3A_30, %dma_start3A_31] : memref<10x64xi32, #tpu.memory_space<vmem>> -> memref<1x64xi32, #tpu.memory_space<vmem>>
    %dma_start3A_33 = tpu.memref_squeeze %dma_start3A_32 : memref<1x64xi32, #tpu.memory_space<vmem>> -> memref<64xi32, #tpu.memory_space<vmem>>
    %dma_start3A_34 = arith.constant 0 : i32
    %dma_start3A_35 = arith.constant 0 : i32
    %dma_start3A_36 = tpu.memref_slice %arg2[%dma_start3A_34, %dma_start3A_35] : memref<10000x128xf32, #tpu.memory_space<hbm>> -> memref<10000x128xf32, #tpu.memory_space<hbm>>
    tpu.enqueue_indirect_dma source(%dma_start3A_36 : memref<10000x128xf32, #tpu.memory_space<hbm>>) target(%arg12 : memref<64x128xf32, #tpu.memory_space<vmem>>) offsets(%dma_start3A_33 : memref<64xi32, #tpu.memory_space<vmem>>) semaphore(%arg18 : memref<!tpu.dma_semaphore, #tpu.memory_space<semaphore_mem>>)
    %dma_start3A_37 = arith.constant 2 : i32
    %dma_start3A_38 = arith.constant 0 : i32
    %dma_start3A_39 = tpu.memref_slice %arg7[%dma_start3A_37, %dma_start3A_38] : memref<10x64xi32, #tpu.memory_space<vmem>> -> memref<1x64xi32, #tpu.memory_space<vmem>>
    %dma_start3A_40 = tpu.memref_squeeze %dma_start3A_39 : memref<1x64xi32, #tpu.memory_space<vmem>> -> memref<64xi32, #tpu.memory_space<vmem>>
    %dma_start3A_41 = arith.constant 0 : i32
    %dma_start3A_42 = arith.constant 0 : i32
    %dma_start3A_43 = tpu.memref_slice %arg2[%dma_start3A_41, %dma_start3A_42] : memref<10000x128xf32, #tpu.memory_space<hbm>> -> memref<10000x128xf32, #tpu.memory_space<hbm>>
    tpu.enqueue_indirect_dma source(%dma_start3A_43 : memref<10000x128xf32, #tpu.memory_space<hbm>>) target(%arg13 : memref<64x128xf32, #tpu.memory_space<vmem>>) offsets(%dma_start3A_40 : memref<64xi32, #tpu.memory_space<vmem>>) semaphore(%arg19 : memref<!tpu.dma_semaphore, #tpu.memory_space<semaphore_mem>>)
    %dma_start3A_44 = arith.constant 3 : i32
    %dma_start3A_45 = arith.constant 0 : i32
    %dma_start3A_46 = tpu.memref_slice %arg7[%dma_start3A_44, %dma_start3A_45] : memref<10x64xi32, #tpu.memory_space<vmem>> -> memref<1x64xi32, #tpu.memory_space<vmem>>
    %dma_start3A_47 = tpu.memref_squeeze %dma_start3A_46 : memref<1x64xi32, #tpu.memory_space<vmem>> -> memref<64xi32, #tpu.memory_space<vmem>>
    %dma_start3A_48 = arith.constant 0 : i32
    %dma_start3A_49 = arith.constant 0 : i32
    %dma_start3A_50 = tpu.memref_slice %arg2[%dma_start3A_48, %dma_start3A_49] : memref<10000x128xf32, #tpu.memory_space<hbm>> -> memref<10000x128xf32, #tpu.memory_space<hbm>>
    tpu.enqueue_indirect_dma source(%dma_start3A_50 : memref<10000x128xf32, #tpu.memory_space<hbm>>) target(%arg14 : memref<64x128xf32, #tpu.memory_space<vmem>>) offsets(%dma_start3A_47 : memref<64xi32, #tpu.memory_space<vmem>>) semaphore(%arg20 : memref<!tpu.dma_semaphore, #tpu.memory_space<semaphore_mem>>)
    %dma_start3A_51 = arith.constant 4 : i32
    %dma_start3A_52 = arith.constant 0 : i32
    %dma_start3A_53 = tpu.memref_slice %arg7[%dma_start3A_51, %dma_start3A_52] : memref<10x64xi32, #tpu.memory_space<vmem>> -> memref<1x64xi32, #tpu.memory_space<vmem>>
    %dma_start3A_54 = tpu.memref_squeeze %dma_start3A_53 : memref<1x64xi32, #tpu.memory_space<vmem>> -> memref<64xi32, #tpu.memory_space<vmem>>
    %dma_start3A_55 = arith.constant 0 : i32
    %dma_start3A_56 = arith.constant 0 : i32
    %dma_start3A_57 = tpu.memref_slice %arg2[%dma_start3A_55, %dma_start3A_56] : memref<10000x128xf32, #tpu.memory_space<hbm>> -> memref<10000x128xf32, #tpu.memory_space<hbm>>
    tpu.enqueue_indirect_dma source(%dma_start3A_57 : memref<10000x128xf32, #tpu.memory_space<hbm>>) target(%arg15 : memref<64x128xf32, #tpu.memory_space<vmem>>) offsets(%dma_start3A_54 : memref<64xi32, #tpu.memory_space<vmem>>) semaphore(%arg21 : memref<!tpu.dma_semaphore, #tpu.memory_space<semaphore_mem>>)
    %scan3A = arith.constant 0 : i32
    %scan3A_58 = arith.constant 0 : i32
    %scan3A_59 = arith.constant 8 : i32
    %scan3A_60 = arith.addi %scan3A_58, %scan3A_59 : i32
    %scan3A_61 = arith.constant 1 : i32
    %scan3A_62 = scf.for %scan3A_70 = %scan3A_58 to %scan3A_60 step %scan3A_61 iter_args(%scan3A_71 = %scan3A) -> (i32)  : i32 {
      %dma_wait3A = arith.constant 0 : i32
      %dma_wait3A_72 = arith.constant 0 : i32
      %dma_wait3A_73 = tpu.memref_slice %arg7[%dma_wait3A, %dma_wait3A_72] : memref<10x64xi32, #tpu.memory_space<vmem>> -> memref<1x64xi32, #tpu.memory_space<vmem>>
      %dma_wait3A_74 = tpu.memref_squeeze %dma_wait3A_73 : memref<1x64xi32, #tpu.memory_space<vmem>> -> memref<64xi32, #tpu.memory_space<vmem>>
      %dma_wait3A_75 = arith.constant 0 : i32
      %dma_wait3A_76 = arith.constant 0 : i32
      %dma_wait3A_77 = tpu.memref_slice %arg2[%dma_wait3A_75, %dma_wait3A_76] : memref<10000x128xf32, #tpu.memory_space<hbm>> -> memref<10000x128xf32, #tpu.memory_space<hbm>>
      tpu.wait_indirect_dma semaphore(%arg17 : memref<!tpu.dma_semaphore, #tpu.memory_space<semaphore_mem>>) src(%dma_wait3A_77 : memref<10000x128xf32, #tpu.memory_space<hbm>>) dst(%arg11 : memref<64x128xf32, #tpu.memory_space<vmem>>)
      %gt3A = arith.constant 0 : i32
      %gt3A_78 = arith.cmpi sgt, %scan3A_70, %gt3A : i32
      %convert_element_type3A_79 = arith.extui %gt3A_78 : i1 to i32
      %cond3A_80 = arith.constant 0 : i32
      %cond3A_81 = arith.cmpi ne, %convert_element_type3A_79, %cond3A_80 : i32
      scf.if %cond3A_81 {
        %dma_wait3A_398 = arith.constant 0 : i32
        %dma_wait3A_399 = arith.constant 0 : i32
        %dma_wait3A_400 = arith.constant 0 : i32
        %dma_wait3A_401 = tpu.memref_slice %arg4[%add3A, %dma_wait3A_398, %dma_wait3A_399, %dma_wait3A_400] : memref<32x16x10x64xi32, #tpu.memory_space<hbm>> -> memref<1x1x10x64xi32, #tpu.memory_space<hbm>>
        %dma_wait3A_402 = tpu.memref_squeeze %dma_wait3A_401 : memref<1x1x10x64xi32, #tpu.memory_space<hbm>> -> memref<10x64xi32, #tpu.memory_space<hbm>>
        %dma_wait3A_403 = arith.constant 0 : i32
        %dma_wait3A_404 = arith.constant 0 : i32
        %dma_wait3A_405 = tpu.memref_slice %arg4[%add3A, %dma_wait3A_398, %dma_wait3A_403, %dma_wait3A_404] : memref<32x16x10x64xi32, #tpu.memory_space<hbm>> -> memref<1x1x10x64xi32, #tpu.memory_space<hbm>>
        %dma_wait3A_406 = tpu.memref_squeeze %dma_wait3A_405 : memref<1x1x10x64xi32, #tpu.memory_space<hbm>> -> memref<10x64xi32, #tpu.memory_space<hbm>>
        tpu.wait_dma2 semaphore(%arg22 : memref<!tpu.dma_semaphore, #tpu.memory_space<semaphore_mem>>) src(%dma_wait3A_406 : memref<10x64xi32, #tpu.memory_space<hbm>>) dst(%arg9 : memref<10x64xi32, #tpu.memory_space<vmem>>)
      } else {
      }
      %run_scoped3A_82 = arith.constant 0 : i32
      "tpu.region"() ({
        %run_scoped3A_398 = tpu.sem_alloc : memref<!tpu.dma_semaphore, #tpu.memory_space<semaphore_mem>>
        %dma_start3A_399 = arith.constant 0 : i32
        %dma_start3A_400 = tpu.memref_slice %arg9[%run_scoped3A_82, %dma_start3A_399] : memref<10x64xi32, #tpu.memory_space<vmem>> -> memref<1x64xi32, #tpu.memory_space<vmem>>
        %dma_start3A_401 = tpu.memref_squeeze %dma_start3A_400 : memref<1x64xi32, #tpu.memory_space<vmem>> -> memref<64xi32, #tpu.memory_space<vmem>>
        %dma_start3A_402 = arith.constant 0 : i32
        %dma_start3A_403 = arith.constant 0 : i32
        %dma_start3A_404 = tpu.memref_slice %arg16[%dma_start3A_402, %dma_start3A_403] : memref<10016x128xf32, #tpu.memory_space<vmem_shared>> -> memref<10016x128xf32, #tpu.memory_space<vmem_shared>>
        tpu.enqueue_indirect_dma source(%arg11 : memref<64x128xf32, #tpu.memory_space<vmem>>) target(%dma_start3A_404 : memref<10016x128xf32, #tpu.memory_space<vmem_shared>>) offsets(%dma_start3A_401 : memref<64xi32, #tpu.memory_space<vmem>>) semaphore(%run_scoped3A_398 : memref<!tpu.dma_semaphore, #tpu.memory_space<semaphore_mem>>) {add = true}
        %dma_wait3A_405 = arith.constant 0 : i32
        %dma_wait3A_406 = tpu.memref_slice %arg9[%run_scoped3A_82, %dma_wait3A_405] : memref<10x64xi32, #tpu.memory_space<vmem>> -> memref<1x64xi32, #tpu.memory_space<vmem>>
        %dma_wait3A_407 = tpu.memref_squeeze %dma_wait3A_406 : memref<1x64xi32, #tpu.memory_space<vmem>> -> memref<64xi32, #tpu.memory_space<vmem>>
        %dma_wait3A_408 = arith.constant 0 : i32
        %dma_wait3A_409 = arith.constant 0 : i32
        %dma_wait3A_410 = tpu.memref_slice %arg16[%dma_wait3A_408, %dma_wait3A_409] : memref<10016x128xf32, #tpu.memory_space<vmem_shared>> -> memref<10016x128xf32, #tpu.memory_space<vmem_shared>>
        tpu.wait_indirect_dma semaphore(%run_scoped3A_398 : memref<!tpu.dma_semaphore, #tpu.memory_space<semaphore_mem>>) src(%arg11 : memref<64x128xf32, #tpu.memory_space<vmem>>) dst(%dma_wait3A_410 : memref<10016x128xf32, #tpu.memory_space<vmem_shared>>)
        tpu.yield
      }) : () -> ()
      %dma_start3A_83 = arith.constant 5 : i32
      %dma_start3A_84 = arith.constant 0 : i32
      %dma_start3A_85 = tpu.memref_slice %arg7[%dma_start3A_83, %dma_start3A_84] : memref<10x64xi32, #tpu.memory_space<vmem>> -> memref<1x64xi32, #tpu.memory_space<vmem>>
      %dma_start3A_86 = tpu.memref_squeeze %dma_start3A_85 : memref<1x64xi32, #tpu.memory_space<vmem>> -> memref<64xi32, #tpu.memory_space<vmem>>
      %dma_start3A_87 = arith.constant 0 : i32
      %dma_start3A_88 = arith.constant 0 : i32
      %dma_start3A_89 = tpu.memref_slice %arg2[%dma_start3A_87, %dma_start3A_88] : memref<10000x128xf32, #tpu.memory_space<hbm>> -> memref<10000x128xf32, #tpu.memory_space<hbm>>
      tpu.enqueue_indirect_dma source(%dma_start3A_89 : memref<10000x128xf32, #tpu.memory_space<hbm>>) target(%arg11 : memref<64x128xf32, #tpu.memory_space<vmem>>) offsets(%dma_start3A_86 : memref<64xi32, #tpu.memory_space<vmem>>) semaphore(%arg17 : memref<!tpu.dma_semaphore, #tpu.memory_space<semaphore_mem>>)
      %dma_wait3A_90 = arith.constant 0 : i32
      %dma_wait3A_91 = arith.constant 0 : i32
      %dma_wait3A_92 = tpu.memref_slice %arg7[%dma_wait3A_90, %dma_wait3A_91] : memref<10x64xi32, #tpu.memory_space<vmem>> -> memref<1x64xi32, #tpu.memory_space<vmem>>
      %dma_wait3A_93 = tpu.memref_squeeze %dma_wait3A_92 : memref<1x64xi32, #tpu.memory_space<vmem>> -> memref<64xi32, #tpu.memory_space<vmem>>
      %dma_wait3A_94 = arith.constant 0 : i32
      %dma_wait3A_95 = arith.constant 0 : i32
      %dma_wait3A_96 = tpu.memref_slice %arg2[%dma_wait3A_94, %dma_wait3A_95] : memref<10000x128xf32, #tpu.memory_space<hbm>> -> memref<10000x128xf32, #tpu.memory_space<hbm>>
      tpu.wait_indirect_dma semaphore(%arg18 : memref<!tpu.dma_semaphore, #tpu.memory_space<semaphore_mem>>) src(%dma_wait3A_96 : memref<10000x128xf32, #tpu.memory_space<hbm>>) dst(%arg12 : memref<64x128xf32, #tpu.memory_space<vmem>>)
      %run_scoped3A_97 = arith.constant 1 : i32
      "tpu.region"() ({
        %run_scoped3A_398 = tpu.sem_alloc : memref<!tpu.dma_semaphore, #tpu.memory_space<semaphore_mem>>
        %dma_start3A_399 = arith.constant 0 : i32
        %dma_start3A_400 = tpu.memref_slice %arg9[%run_scoped3A_97, %dma_start3A_399] : memref<10x64xi32, #tpu.memory_space<vmem>> -> memref<1x64xi32, #tpu.memory_space<vmem>>
        %dma_start3A_401 = tpu.memref_squeeze %dma_start3A_400 : memref<1x64xi32, #tpu.memory_space<vmem>> -> memref<64xi32, #tpu.memory_space<vmem>>
        %dma_start3A_402 = arith.constant 0 : i32
        %dma_start3A_403 = arith.constant 0 : i32
        %dma_start3A_404 = tpu.memref_slice %arg16[%dma_start3A_402, %dma_start3A_403] : memref<10016x128xf32, #tpu.memory_space<vmem_shared>> -> memref<10016x128xf32, #tpu.memory_space<vmem_shared>>
        tpu.enqueue_indirect_dma source(%arg12 : memref<64x128xf32, #tpu.memory_space<vmem>>) target(%dma_start3A_404 : memref<10016x128xf32, #tpu.memory_space<vmem_shared>>) offsets(%dma_start3A_401 : memref<64xi32, #tpu.memory_space<vmem>>) semaphore(%run_scoped3A_398 : memref<!tpu.dma_semaphore, #tpu.memory_space<semaphore_mem>>) {add = true}
        %dma_wait3A_405 = arith.constant 0 : i32
        %dma_wait3A_406 = tpu.memref_slice %arg9[%run_scoped3A_97, %dma_wait3A_405] : memref<10x64xi32, #tpu.memory_space<vmem>> -> memref<1x64xi32, #tpu.memory_space<vmem>>
        %dma_wait3A_407 = tpu.memref_squeeze %dma_wait3A_406 : memref<1x64xi32, #tpu.memory_space<vmem>> -> memref<64xi32, #tpu.memory_space<vmem>>
        %dma_wait3A_408 = arith.constant 0 : i32
        %dma_wait3A_409 = arith.constant 0 : i32
        %dma_wait3A_410 = tpu.memref_slice %arg16[%dma_wait3A_408, %dma_wait3A_409] : memref<10016x128xf32, #tpu.memory_space<vmem_shared>> -> memref<10016x128xf32, #tpu.memory_space<vmem_shared>>
        tpu.wait_indirect_dma semaphore(%run_scoped3A_398 : memref<!tpu.dma_semaphore, #tpu.memory_space<semaphore_mem>>) src(%arg12 : memref<64x128xf32, #tpu.memory_space<vmem>>) dst(%dma_wait3A_410 : memref<10016x128xf32, #tpu.memory_space<vmem_shared>>)
        tpu.yield
      }) : () -> ()
      %dma_start3A_98 = arith.constant 6 : i32
      %dma_start3A_99 = arith.constant 0 : i32
      %dma_start3A_100 = tpu.memref_slice %arg7[%dma_start3A_98, %dma_start3A_99] : memref<10x64xi32, #tpu.memory_space<vmem>> -> memref<1x64xi32, #tpu.memory_space<vmem>>
      %dma_start3A_101 = tpu.memref_squeeze %dma_start3A_100 : memref<1x64xi32, #tpu.memory_space<vmem>> -> memref<64xi32, #tpu.memory_space<vmem>>
      %dma_start3A_102 = arith.constant 0 : i32
      %dma_start3A_103 = arith.constant 0 : i32
      %dma_start3A_104 = tpu.memref_slice %arg2[%dma_start3A_102, %dma_start3A_103] : memref<10000x128xf32, #tpu.memory_space<hbm>> -> memref<10000x128xf32, #tpu.memory_space<hbm>>
      tpu.enqueue_indirect_dma source(%dma_start3A_104 : memref<10000x128xf32, #tpu.memory_space<hbm>>) target(%arg12 : memref<64x128xf32, #tpu.memory_space<vmem>>) offsets(%dma_start3A_101 : memref<64xi32, #tpu.memory_space<vmem>>) semaphore(%arg18 : memref<!tpu.dma_semaphore, #tpu.memory_space<semaphore_mem>>)
      %dma_wait3A_105 = arith.constant 0 : i32
      %dma_wait3A_106 = arith.constant 0 : i32
      %dma_wait3A_107 = tpu.memref_slice %arg7[%dma_wait3A_105, %dma_wait3A_106] : memref<10x64xi32, #tpu.memory_space<vmem>> -> memref<1x64xi32, #tpu.memory_space<vmem>>
      %dma_wait3A_108 = tpu.memref_squeeze %dma_wait3A_107 : memref<1x64xi32, #tpu.memory_space<vmem>> -> memref<64xi32, #tpu.memory_space<vmem>>
      %dma_wait3A_109 = arith.constant 0 : i32
      %dma_wait3A_110 = arith.constant 0 : i32
      %dma_wait3A_111 = tpu.memref_slice %arg2[%dma_wait3A_109, %dma_wait3A_110] : memref<10000x128xf32, #tpu.memory_space<hbm>> -> memref<10000x128xf32, #tpu.memory_space<hbm>>
      tpu.wait_indirect_dma semaphore(%arg19 : memref<!tpu.dma_semaphore, #tpu.memory_space<semaphore_mem>>) src(%dma_wait3A_111 : memref<10000x128xf32, #tpu.memory_space<hbm>>) dst(%arg13 : memref<64x128xf32, #tpu.memory_space<vmem>>)
      %run_scoped3A_112 = arith.constant 2 : i32
      "tpu.region"() ({
        %run_scoped3A_398 = tpu.sem_alloc : memref<!tpu.dma_semaphore, #tpu.memory_space<semaphore_mem>>
        %dma_start3A_399 = arith.constant 0 : i32
        %dma_start3A_400 = tpu.memref_slice %arg9[%run_scoped3A_112, %dma_start3A_399] : memref<10x64xi32, #tpu.memory_space<vmem>> -> memref<1x64xi32, #tpu.memory_space<vmem>>
        %dma_start3A_401 = tpu.memref_squeeze %dma_start3A_400 : memref<1x64xi32, #tpu.memory_space<vmem>> -> memref<64xi32, #tpu.memory_space<vmem>>
        %dma_start3A_402 = arith.constant 0 : i32
        %dma_start3A_403 = arith.constant 0 : i32
        %dma_start3A_404 = tpu.memref_slice %arg16[%dma_start3A_402, %dma_start3A_403] : memref<10016x128xf32, #tpu.memory_space<vmem_shared>> -> memref<10016x128xf32, #tpu.memory_space<vmem_shared>>
        tpu.enqueue_indirect_dma source(%arg13 : memref<64x128xf32, #tpu.memory_space<vmem>>) target(%dma_start3A_404 : memref<10016x128xf32, #tpu.memory_space<vmem_shared>>) offsets(%dma_start3A_401 : memref<64xi32, #tpu.memory_space<vmem>>) semaphore(%run_scoped3A_398 : memref<!tpu.dma_semaphore, #tpu.memory_space<semaphore_mem>>) {add = true}
        %dma_wait3A_405 = arith.constant 0 : i32
        %dma_wait3A_406 = tpu.memref_slice %arg9[%run_scoped3A_112, %dma_wait3A_405] : memref<10x64xi32, #tpu.memory_space<vmem>> -> memref<1x64xi32, #tpu.memory_space<vmem>>
        %dma_wait3A_407 = tpu.memref_squeeze %dma_wait3A_406 : memref<1x64xi32, #tpu.memory_space<vmem>> -> memref<64xi32, #tpu.memory_space<vmem>>
        %dma_wait3A_408 = arith.constant 0 : i32
        %dma_wait3A_409 = arith.constant 0 : i32
        %dma_wait3A_410 = tpu.memref_slice %arg16[%dma_wait3A_408, %dma_wait3A_409] : memref<10016x128xf32, #tpu.memory_space<vmem_shared>> -> memref<10016x128xf32, #tpu.memory_space<vmem_shared>>
        tpu.wait_indirect_dma semaphore(%run_scoped3A_398 : memref<!tpu.dma_semaphore, #tpu.memory_space<semaphore_mem>>) src(%arg13 : memref<64x128xf32, #tpu.memory_space<vmem>>) dst(%dma_wait3A_410 : memref<10016x128xf32, #tpu.memory_space<vmem_shared>>)
        tpu.yield
      }) : () -> ()
      %dma_start3A_113 = arith.constant 7 : i32
      %dma_start3A_114 = arith.constant 0 : i32
      %dma_start3A_115 = tpu.memref_slice %arg7[%dma_start3A_113, %dma_start3A_114] : memref<10x64xi32, #tpu.memory_space<vmem>> -> memref<1x64xi32, #tpu.memory_space<vmem>>
      %dma_start3A_116 = tpu.memref_squeeze %dma_start3A_115 : memref<1x64xi32, #tpu.memory_space<vmem>> -> memref<64xi32, #tpu.memory_space<vmem>>
      %dma_start3A_117 = arith.constant 0 : i32
      %dma_start3A_118 = arith.constant 0 : i32
      %dma_start3A_119 = tpu.memref_slice %arg2[%dma_start3A_117, %dma_start3A_118] : memref<10000x128xf32, #tpu.memory_space<hbm>> -> memref<10000x128xf32, #tpu.memory_space<hbm>>
      tpu.enqueue_indirect_dma source(%dma_start3A_119 : memref<10000x128xf32, #tpu.memory_space<hbm>>) target(%arg13 : memref<64x128xf32, #tpu.memory_space<vmem>>) offsets(%dma_start3A_116 : memref<64xi32, #tpu.memory_space<vmem>>) semaphore(%arg19 : memref<!tpu.dma_semaphore, #tpu.memory_space<semaphore_mem>>)
      %dma_wait3A_120 = arith.constant 0 : i32
      %dma_wait3A_121 = arith.constant 0 : i32
      %dma_wait3A_122 = tpu.memref_slice %arg7[%dma_wait3A_120, %dma_wait3A_121] : memref<10x64xi32, #tpu.memory_space<vmem>> -> memref<1x64xi32, #tpu.memory_space<vmem>>
      %dma_wait3A_123 = tpu.memref_squeeze %dma_wait3A_122 : memref<1x64xi32, #tpu.memory_space<vmem>> -> memref<64xi32, #tpu.memory_space<vmem>>
      %dma_wait3A_124 = arith.constant 0 : i32
      %dma_wait3A_125 = arith.constant 0 : i32
      %dma_wait3A_126 = tpu.memref_slice %arg2[%dma_wait3A_124, %dma_wait3A_125] : memref<10000x128xf32, #tpu.memory_space<hbm>> -> memref<10000x128xf32, #tpu.memory_space<hbm>>
      tpu.wait_indirect_dma semaphore(%arg20 : memref<!tpu.dma_semaphore, #tpu.memory_space<semaphore_mem>>) src(%dma_wait3A_126 : memref<10000x128xf32, #tpu.memory_space<hbm>>) dst(%arg14 : memref<64x128xf32, #tpu.memory_space<vmem>>)
      %run_scoped3A_127 = arith.constant 3 : i32
      "tpu.region"() ({
        %run_scoped3A_398 = tpu.sem_alloc : memref<!tpu.dma_semaphore, #tpu.memory_space<semaphore_mem>>
        %dma_start3A_399 = arith.constant 0 : i32
        %dma_start3A_400 = tpu.memref_slice %arg9[%run_scoped3A_127, %dma_start3A_399] : memref<10x64xi32, #tpu.memory_space<vmem>> -> memref<1x64xi32, #tpu.memory_space<vmem>>
        %dma_start3A_401 = tpu.memref_squeeze %dma_start3A_400 : memref<1x64xi32, #tpu.memory_space<vmem>> -> memref<64xi32, #tpu.memory_space<vmem>>
        %dma_start3A_402 = arith.constant 0 : i32
        %dma_start3A_403 = arith.constant 0 : i32
        %dma_start3A_404 = tpu.memref_slice %arg16[%dma_start3A_402, %dma_start3A_403] : memref<10016x128xf32, #tpu.memory_space<vmem_shared>> -> memref<10016x128xf32, #tpu.memory_space<vmem_shared>>
        tpu.enqueue_indirect_dma source(%arg14 : memref<64x128xf32, #tpu.memory_space<vmem>>) target(%dma_start3A_404 : memref<10016x128xf32, #tpu.memory_space<vmem_shared>>) offsets(%dma_start3A_401 : memref<64xi32, #tpu.memory_space<vmem>>) semaphore(%run_scoped3A_398 : memref<!tpu.dma_semaphore, #tpu.memory_space<semaphore_mem>>) {add = true}
        %dma_wait3A_405 = arith.constant 0 : i32
        %dma_wait3A_406 = tpu.memref_slice %arg9[%run_scoped3A_127, %dma_wait3A_405] : memref<10x64xi32, #tpu.memory_space<vmem>> -> memref<1x64xi32, #tpu.memory_space<vmem>>
        %dma_wait3A_407 = tpu.memref_squeeze %dma_wait3A_406 : memref<1x64xi32, #tpu.memory_space<vmem>> -> memref<64xi32, #tpu.memory_space<vmem>>
        %dma_wait3A_408 = arith.constant 0 : i32
        %dma_wait3A_409 = arith.constant 0 : i32
        %dma_wait3A_410 = tpu.memref_slice %arg16[%dma_wait3A_408, %dma_wait3A_409] : memref<10016x128xf32, #tpu.memory_space<vmem_shared>> -> memref<10016x128xf32, #tpu.memory_space<vmem_shared>>
        tpu.wait_indirect_dma semaphore(%run_scoped3A_398 : memref<!tpu.dma_semaphore, #tpu.memory_space<semaphore_mem>>) src(%arg14 : memref<64x128xf32, #tpu.memory_space<vmem>>) dst(%dma_wait3A_410 : memref<10016x128xf32, #tpu.memory_space<vmem_shared>>)
        tpu.yield
      }) : () -> ()
      %dma_start3A_128 = arith.constant 8 : i32
      %dma_start3A_129 = arith.constant 0 : i32
      %dma_start3A_130 = tpu.memref_slice %arg7[%dma_start3A_128, %dma_start3A_129] : memref<10x64xi32, #tpu.memory_space<vmem>> -> memref<1x64xi32, #tpu.memory_space<vmem>>
      %dma_start3A_131 = tpu.memref_squeeze %dma_start3A_130 : memref<1x64xi32, #tpu.memory_space<vmem>> -> memref<64xi32, #tpu.memory_space<vmem>>
      %dma_start3A_132 = arith.constant 0 : i32
      %dma_start3A_133 = arith.constant 0 : i32
      %dma_start3A_134 = tpu.memref_slice %arg2[%dma_start3A_132, %dma_start3A_133] : memref<10000x128xf32, #tpu.memory_space<hbm>> -> memref<10000x128xf32, #tpu.memory_space<hbm>>
      tpu.enqueue_indirect_dma source(%dma_start3A_134 : memref<10000x128xf32, #tpu.memory_space<hbm>>) target(%arg14 : memref<64x128xf32, #tpu.memory_space<vmem>>) offsets(%dma_start3A_131 : memref<64xi32, #tpu.memory_space<vmem>>) semaphore(%arg20 : memref<!tpu.dma_semaphore, #tpu.memory_space<semaphore_mem>>)
      %dma_wait3A_135 = arith.constant 0 : i32
      %dma_wait3A_136 = arith.constant 0 : i32
      %dma_wait3A_137 = tpu.memref_slice %arg7[%dma_wait3A_135, %dma_wait3A_136] : memref<10x64xi32, #tpu.memory_space<vmem>> -> memref<1x64xi32, #tpu.memory_space<vmem>>
      %dma_wait3A_138 = tpu.memref_squeeze %dma_wait3A_137 : memref<1x64xi32, #tpu.memory_space<vmem>> -> memref<64xi32, #tpu.memory_space<vmem>>
      %dma_wait3A_139 = arith.constant 0 : i32
      %dma_wait3A_140 = arith.constant 0 : i32
      %dma_wait3A_141 = tpu.memref_slice %arg2[%dma_wait3A_139, %dma_wait3A_140] : memref<10000x128xf32, #tpu.memory_space<hbm>> -> memref<10000x128xf32, #tpu.memory_space<hbm>>
      tpu.wait_indirect_dma semaphore(%arg21 : memref<!tpu.dma_semaphore, #tpu.memory_space<semaphore_mem>>) src(%dma_wait3A_141 : memref<10000x128xf32, #tpu.memory_space<hbm>>) dst(%arg15 : memref<64x128xf32, #tpu.memory_space<vmem>>)
      %run_scoped3A_142 = arith.constant 4 : i32
      "tpu.region"() ({
        %run_scoped3A_398 = tpu.sem_alloc : memref<!tpu.dma_semaphore, #tpu.memory_space<semaphore_mem>>
        %dma_start3A_399 = arith.constant 0 : i32
        %dma_start3A_400 = tpu.memref_slice %arg9[%run_scoped3A_142, %dma_start3A_399] : memref<10x64xi32, #tpu.memory_space<vmem>> -> memref<1x64xi32, #tpu.memory_space<vmem>>
        %dma_start3A_401 = tpu.memref_squeeze %dma_start3A_400 : memref<1x64xi32, #tpu.memory_space<vmem>> -> memref<64xi32, #tpu.memory_space<vmem>>
        %dma_start3A_402 = arith.constant 0 : i32
        %dma_start3A_403 = arith.constant 0 : i32
        %dma_start3A_404 = tpu.memref_slice %arg16[%dma_start3A_402, %dma_start3A_403] : memref<10016x128xf32, #tpu.memory_space<vmem_shared>> -> memref<10016x128xf32, #tpu.memory_space<vmem_shared>>
        tpu.enqueue_indirect_dma source(%arg15 : memref<64x128xf32, #tpu.memory_space<vmem>>) target(%dma_start3A_404 : memref<10016x128xf32, #tpu.memory_space<vmem_shared>>) offsets(%dma_start3A_401 : memref<64xi32, #tpu.memory_space<vmem>>) semaphore(%run_scoped3A_398 : memref<!tpu.dma_semaphore, #tpu.memory_space<semaphore_mem>>) {add = true}
        %dma_wait3A_405 = arith.constant 0 : i32
        %dma_wait3A_406 = tpu.memref_slice %arg9[%run_scoped3A_142, %dma_wait3A_405] : memref<10x64xi32, #tpu.memory_space<vmem>> -> memref<1x64xi32, #tpu.memory_space<vmem>>
        %dma_wait3A_407 = tpu.memref_squeeze %dma_wait3A_406 : memref<1x64xi32, #tpu.memory_space<vmem>> -> memref<64xi32, #tpu.memory_space<vmem>>
        %dma_wait3A_408 = arith.constant 0 : i32
        %dma_wait3A_409 = arith.constant 0 : i32
        %dma_wait3A_410 = tpu.memref_slice %arg16[%dma_wait3A_408, %dma_wait3A_409] : memref<10016x128xf32, #tpu.memory_space<vmem_shared>> -> memref<10016x128xf32, #tpu.memory_space<vmem_shared>>
        tpu.wait_indirect_dma semaphore(%run_scoped3A_398 : memref<!tpu.dma_semaphore, #tpu.memory_space<semaphore_mem>>) src(%arg15 : memref<64x128xf32, #tpu.memory_space<vmem>>) dst(%dma_wait3A_410 : memref<10016x128xf32, #tpu.memory_space<vmem_shared>>)
        tpu.yield
      }) : () -> ()
      %dma_start3A_143 = arith.constant 9 : i32
      %dma_start3A_144 = arith.constant 0 : i32
      %dma_start3A_145 = tpu.memref_slice %arg7[%dma_start3A_143, %dma_start3A_144] : memref<10x64xi32, #tpu.memory_space<vmem>> -> memref<1x64xi32, #tpu.memory_space<vmem>>
      %dma_start3A_146 = tpu.memref_squeeze %dma_start3A_145 : memref<1x64xi32, #tpu.memory_space<vmem>> -> memref<64xi32, #tpu.memory_space<vmem>>
      %dma_start3A_147 = arith.constant 0 : i32
      %dma_start3A_148 = arith.constant 0 : i32
      %dma_start3A_149 = tpu.memref_slice %arg2[%dma_start3A_147, %dma_start3A_148] : memref<10000x128xf32, #tpu.memory_space<hbm>> -> memref<10000x128xf32, #tpu.memory_space<hbm>>
      tpu.enqueue_indirect_dma source(%dma_start3A_149 : memref<10000x128xf32, #tpu.memory_space<hbm>>) target(%arg15 : memref<64x128xf32, #tpu.memory_space<vmem>>) offsets(%dma_start3A_146 : memref<64xi32, #tpu.memory_space<vmem>>) semaphore(%arg21 : memref<!tpu.dma_semaphore, #tpu.memory_space<semaphore_mem>>)
      %dma_wait3A_150 = arith.constant 0 : i32
      %dma_wait3A_151 = arith.constant 0 : i32
      %dma_wait3A_152 = tpu.memref_slice %arg7[%dma_wait3A_150, %dma_wait3A_151] : memref<10x64xi32, #tpu.memory_space<vmem>> -> memref<1x64xi32, #tpu.memory_space<vmem>>
      %dma_wait3A_153 = tpu.memref_squeeze %dma_wait3A_152 : memref<1x64xi32, #tpu.memory_space<vmem>> -> memref<64xi32, #tpu.memory_space<vmem>>
      %dma_wait3A_154 = arith.constant 0 : i32
      %dma_wait3A_155 = arith.constant 0 : i32
      %dma_wait3A_156 = tpu.memref_slice %arg2[%dma_wait3A_154, %dma_wait3A_155] : memref<10000x128xf32, #tpu.memory_space<hbm>> -> memref<10000x128xf32, #tpu.memory_space<hbm>>
      tpu.wait_indirect_dma semaphore(%arg17 : memref<!tpu.dma_semaphore, #tpu.memory_space<semaphore_mem>>) src(%dma_wait3A_156 : memref<10000x128xf32, #tpu.memory_space<hbm>>) dst(%arg11 : memref<64x128xf32, #tpu.memory_space<vmem>>)
      %dma_wait3A_157 = arith.constant 0 : i32
      %dma_wait3A_158 = arith.constant 0 : i32
      %dma_wait3A_159 = arith.constant 0 : i32
      %dma_wait3A_160 = tpu.memref_slice %arg3[%add3A, %dma_wait3A_157, %dma_wait3A_158, %dma_wait3A_159] : memref<32x16x10x64xi32, #tpu.memory_space<hbm>> -> memref<1x1x10x64xi32, #tpu.memory_space<hbm>>
      %dma_wait3A_161 = tpu.memref_squeeze %dma_wait3A_160 : memref<1x1x10x64xi32, #tpu.memory_space<hbm>> -> memref<10x64xi32, #tpu.memory_space<hbm>>
      %dma_wait3A_162 = arith.constant 0 : i32
      %dma_wait3A_163 = arith.constant 0 : i32
      %dma_wait3A_164 = tpu.memref_slice %arg3[%add3A, %dma_wait3A_157, %dma_wait3A_162, %dma_wait3A_163] : memref<32x16x10x64xi32, #tpu.memory_space<hbm>> -> memref<1x1x10x64xi32, #tpu.memory_space<hbm>>
      %dma_wait3A_165 = tpu.memref_squeeze %dma_wait3A_164 : memref<1x1x10x64xi32, #tpu.memory_space<hbm>> -> memref<10x64xi32, #tpu.memory_space<hbm>>
      tpu.wait_dma2 semaphore(%arg22 : memref<!tpu.dma_semaphore, #tpu.memory_space<semaphore_mem>>) src(%dma_wait3A_165 : memref<10x64xi32, #tpu.memory_space<hbm>>) dst(%arg8 : memref<10x64xi32, #tpu.memory_space<vmem>>)
      %run_scoped3A_166 = arith.constant 5 : i32
      "tpu.region"() ({
        %run_scoped3A_398 = tpu.sem_alloc : memref<!tpu.dma_semaphore, #tpu.memory_space<semaphore_mem>>
        %dma_start3A_399 = arith.constant 0 : i32
        %dma_start3A_400 = tpu.memref_slice %arg9[%run_scoped3A_166, %dma_start3A_399] : memref<10x64xi32, #tpu.memory_space<vmem>> -> memref<1x64xi32, #tpu.memory_space<vmem>>
        %dma_start3A_401 = tpu.memref_squeeze %dma_start3A_400 : memref<1x64xi32, #tpu.memory_space<vmem>> -> memref<64xi32, #tpu.memory_space<vmem>>
        %dma_start3A_402 = arith.constant 0 : i32
        %dma_start3A_403 = arith.constant 0 : i32
        %dma_start3A_404 = tpu.memref_slice %arg16[%dma_start3A_402, %dma_start3A_403] : memref<10016x128xf32, #tpu.memory_space<vmem_shared>> -> memref<10016x128xf32, #tpu.memory_space<vmem_shared>>
        tpu.enqueue_indirect_dma source(%arg11 : memref<64x128xf32, #tpu.memory_space<vmem>>) target(%dma_start3A_404 : memref<10016x128xf32, #tpu.memory_space<vmem_shared>>) offsets(%dma_start3A_401 : memref<64xi32, #tpu.memory_space<vmem>>) semaphore(%run_scoped3A_398 : memref<!tpu.dma_semaphore, #tpu.memory_space<semaphore_mem>>) {add = true}
        %dma_wait3A_405 = arith.constant 0 : i32
        %dma_wait3A_406 = tpu.memref_slice %arg9[%run_scoped3A_166, %dma_wait3A_405] : memref<10x64xi32, #tpu.memory_space<vmem>> -> memref<1x64xi32, #tpu.memory_space<vmem>>
        %dma_wait3A_407 = tpu.memref_squeeze %dma_wait3A_406 : memref<1x64xi32, #tpu.memory_space<vmem>> -> memref<64xi32, #tpu.memory_space<vmem>>
        %dma_wait3A_408 = arith.constant 0 : i32
        %dma_wait3A_409 = arith.constant 0 : i32
        %dma_wait3A_410 = tpu.memref_slice %arg16[%dma_wait3A_408, %dma_wait3A_409] : memref<10016x128xf32, #tpu.memory_space<vmem_shared>> -> memref<10016x128xf32, #tpu.memory_space<vmem_shared>>
        tpu.wait_indirect_dma semaphore(%run_scoped3A_398 : memref<!tpu.dma_semaphore, #tpu.memory_space<semaphore_mem>>) src(%arg11 : memref<64x128xf32, #tpu.memory_space<vmem>>) dst(%dma_wait3A_410 : memref<10016x128xf32, #tpu.memory_space<vmem_shared>>)
        tpu.yield
      }) : () -> ()
      %dma_start3A_167 = arith.constant 0 : i32
      %dma_start3A_168 = arith.constant 0 : i32
      %dma_start3A_169 = tpu.memref_slice %arg8[%dma_start3A_167, %dma_start3A_168] : memref<10x64xi32, #tpu.memory_space<vmem>> -> memref<1x64xi32, #tpu.memory_space<vmem>>
      %dma_start3A_170 = tpu.memref_squeeze %dma_start3A_169 : memref<1x64xi32, #tpu.memory_space<vmem>> -> memref<64xi32, #tpu.memory_space<vmem>>
      %dma_start3A_171 = arith.constant 0 : i32
      %dma_start3A_172 = arith.constant 0 : i32
      %dma_start3A_173 = tpu.memref_slice %arg2[%dma_start3A_171, %dma_start3A_172] : memref<10000x128xf32, #tpu.memory_space<hbm>> -> memref<10000x128xf32, #tpu.memory_space<hbm>>
      tpu.enqueue_indirect_dma source(%dma_start3A_173 : memref<10000x128xf32, #tpu.memory_space<hbm>>) target(%arg11 : memref<64x128xf32, #tpu.memory_space<vmem>>) offsets(%dma_start3A_170 : memref<64xi32, #tpu.memory_space<vmem>>) semaphore(%arg17 : memref<!tpu.dma_semaphore, #tpu.memory_space<semaphore_mem>>)
      %dma_wait3A_174 = arith.constant 0 : i32
      %dma_wait3A_175 = arith.constant 0 : i32
      %dma_wait3A_176 = tpu.memref_slice %arg7[%dma_wait3A_174, %dma_wait3A_175] : memref<10x64xi32, #tpu.memory_space<vmem>> -> memref<1x64xi32, #tpu.memory_space<vmem>>
      %dma_wait3A_177 = tpu.memref_squeeze %dma_wait3A_176 : memref<1x64xi32, #tpu.memory_space<vmem>> -> memref<64xi32, #tpu.memory_space<vmem>>
      %dma_wait3A_178 = arith.constant 0 : i32
      %dma_wait3A_179 = arith.constant 0 : i32
      %dma_wait3A_180 = tpu.memref_slice %arg2[%dma_wait3A_178, %dma_wait3A_179] : memref<10000x128xf32, #tpu.memory_space<hbm>> -> memref<10000x128xf32, #tpu.memory_space<hbm>>
      tpu.wait_indirect_dma semaphore(%arg18 : memref<!tpu.dma_semaphore, #tpu.memory_space<semaphore_mem>>) src(%dma_wait3A_180 : memref<10000x128xf32, #tpu.memory_space<hbm>>) dst(%arg12 : memref<64x128xf32, #tpu.memory_space<vmem>>)
      %run_scoped3A_181 = arith.constant 6 : i32
      "tpu.region"() ({
        %run_scoped3A_398 = tpu.sem_alloc : memref<!tpu.dma_semaphore, #tpu.memory_space<semaphore_mem>>
        %dma_start3A_399 = arith.constant 0 : i32
        %dma_start3A_400 = tpu.memref_slice %arg9[%run_scoped3A_181, %dma_start3A_399] : memref<10x64xi32, #tpu.memory_space<vmem>> -> memref<1x64xi32, #tpu.memory_space<vmem>>
        %dma_start3A_401 = tpu.memref_squeeze %dma_start3A_400 : memref<1x64xi32, #tpu.memory_space<vmem>> -> memref<64xi32, #tpu.memory_space<vmem>>
        %dma_start3A_402 = arith.constant 0 : i32
        %dma_start3A_403 = arith.constant 0 : i32
        %dma_start3A_404 = tpu.memref_slice %arg16[%dma_start3A_402, %dma_start3A_403] : memref<10016x128xf32, #tpu.memory_space<vmem_shared>> -> memref<10016x128xf32, #tpu.memory_space<vmem_shared>>
        tpu.enqueue_indirect_dma source(%arg12 : memref<64x128xf32, #tpu.memory_space<vmem>>) target(%dma_start3A_404 : memref<10016x128xf32, #tpu.memory_space<vmem_shared>>) offsets(%dma_start3A_401 : memref<64xi32, #tpu.memory_space<vmem>>) semaphore(%run_scoped3A_398 : memref<!tpu.dma_semaphore, #tpu.memory_space<semaphore_mem>>) {add = true}
        %dma_wait3A_405 = arith.constant 0 : i32
        %dma_wait3A_406 = tpu.memref_slice %arg9[%run_scoped3A_181, %dma_wait3A_405] : memref<10x64xi32, #tpu.memory_space<vmem>> -> memref<1x64xi32, #tpu.memory_space<vmem>>
        %dma_wait3A_407 = tpu.memref_squeeze %dma_wait3A_406 : memref<1x64xi32, #tpu.memory_space<vmem>> -> memref<64xi32, #tpu.memory_space<vmem>>
        %dma_wait3A_408 = arith.constant 0 : i32
        %dma_wait3A_409 = arith.constant 0 : i32
        %dma_wait3A_410 = tpu.memref_slice %arg16[%dma_wait3A_408, %dma_wait3A_409] : memref<10016x128xf32, #tpu.memory_space<vmem_shared>> -> memref<10016x128xf32, #tpu.memory_space<vmem_shared>>
        tpu.wait_indirect_dma semaphore(%run_scoped3A_398 : memref<!tpu.dma_semaphore, #tpu.memory_space<semaphore_mem>>) src(%arg12 : memref<64x128xf32, #tpu.memory_space<vmem>>) dst(%dma_wait3A_410 : memref<10016x128xf32, #tpu.memory_space<vmem_shared>>)
        tpu.yield
      }) : () -> ()
      %dma_start3A_182 = arith.constant 1 : i32
      %dma_start3A_183 = arith.constant 0 : i32
      %dma_start3A_184 = tpu.memref_slice %arg8[%dma_start3A_182, %dma_start3A_183] : memref<10x64xi32, #tpu.memory_space<vmem>> -> memref<1x64xi32, #tpu.memory_space<vmem>>
      %dma_start3A_185 = tpu.memref_squeeze %dma_start3A_184 : memref<1x64xi32, #tpu.memory_space<vmem>> -> memref<64xi32, #tpu.memory_space<vmem>>
      %dma_start3A_186 = arith.constant 0 : i32
      %dma_start3A_187 = arith.constant 0 : i32
      %dma_start3A_188 = tpu.memref_slice %arg2[%dma_start3A_186, %dma_start3A_187] : memref<10000x128xf32, #tpu.memory_space<hbm>> -> memref<10000x128xf32, #tpu.memory_space<hbm>>
      tpu.enqueue_indirect_dma source(%dma_start3A_188 : memref<10000x128xf32, #tpu.memory_space<hbm>>) target(%arg12 : memref<64x128xf32, #tpu.memory_space<vmem>>) offsets(%dma_start3A_185 : memref<64xi32, #tpu.memory_space<vmem>>) semaphore(%arg18 : memref<!tpu.dma_semaphore, #tpu.memory_space<semaphore_mem>>)
      %dma_wait3A_189 = arith.constant 0 : i32
      %dma_wait3A_190 = arith.constant 0 : i32
      %dma_wait3A_191 = tpu.memref_slice %arg7[%dma_wait3A_189, %dma_wait3A_190] : memref<10x64xi32, #tpu.memory_space<vmem>> -> memref<1x64xi32, #tpu.memory_space<vmem>>
      %dma_wait3A_192 = tpu.memref_squeeze %dma_wait3A_191 : memref<1x64xi32, #tpu.memory_space<vmem>> -> memref<64xi32, #tpu.memory_space<vmem>>
      %dma_wait3A_193 = arith.constant 0 : i32
      %dma_wait3A_194 = arith.constant 0 : i32
      %dma_wait3A_195 = tpu.memref_slice %arg2[%dma_wait3A_193, %dma_wait3A_194] : memref<10000x128xf32, #tpu.memory_space<hbm>> -> memref<10000x128xf32, #tpu.memory_space<hbm>>
      tpu.wait_indirect_dma semaphore(%arg19 : memref<!tpu.dma_semaphore, #tpu.memory_space<semaphore_mem>>) src(%dma_wait3A_195 : memref<10000x128xf32, #tpu.memory_space<hbm>>) dst(%arg13 : memref<64x128xf32, #tpu.memory_space<vmem>>)
      %run_scoped3A_196 = arith.constant 7 : i32
      "tpu.region"() ({
        %run_scoped3A_398 = tpu.sem_alloc : memref<!tpu.dma_semaphore, #tpu.memory_space<semaphore_mem>>
        %dma_start3A_399 = arith.constant 0 : i32
        %dma_start3A_400 = tpu.memref_slice %arg9[%run_scoped3A_196, %dma_start3A_399] : memref<10x64xi32, #tpu.memory_space<vmem>> -> memref<1x64xi32, #tpu.memory_space<vmem>>
        %dma_start3A_401 = tpu.memref_squeeze %dma_start3A_400 : memref<1x64xi32, #tpu.memory_space<vmem>> -> memref<64xi32, #tpu.memory_space<vmem>>
        %dma_start3A_402 = arith.constant 0 : i32
        %dma_start3A_403 = arith.constant 0 : i32
        %dma_start3A_404 = tpu.memref_slice %arg16[%dma_start3A_402, %dma_start3A_403] : memref<10016x128xf32, #tpu.memory_space<vmem_shared>> -> memref<10016x128xf32, #tpu.memory_space<vmem_shared>>
        tpu.enqueue_indirect_dma source(%arg13 : memref<64x128xf32, #tpu.memory_space<vmem>>) target(%dma_start3A_404 : memref<10016x128xf32, #tpu.memory_space<vmem_shared>>) offsets(%dma_start3A_401 : memref<64xi32, #tpu.memory_space<vmem>>) semaphore(%run_scoped3A_398 : memref<!tpu.dma_semaphore, #tpu.memory_space<semaphore_mem>>) {add = true}
        %dma_wait3A_405 = arith.constant 0 : i32
        %dma_wait3A_406 = tpu.memref_slice %arg9[%run_scoped3A_196, %dma_wait3A_405] : memref<10x64xi32, #tpu.memory_space<vmem>> -> memref<1x64xi32, #tpu.memory_space<vmem>>
        %dma_wait3A_407 = tpu.memref_squeeze %dma_wait3A_406 : memref<1x64xi32, #tpu.memory_space<vmem>> -> memref<64xi32, #tpu.memory_space<vmem>>
        %dma_wait3A_408 = arith.constant 0 : i32
        %dma_wait3A_409 = arith.constant 0 : i32
        %dma_wait3A_410 = tpu.memref_slice %arg16[%dma_wait3A_408, %dma_wait3A_409] : memref<10016x128xf32, #tpu.memory_space<vmem_shared>> -> memref<10016x128xf32, #tpu.memory_space<vmem_shared>>
        tpu.wait_indirect_dma semaphore(%run_scoped3A_398 : memref<!tpu.dma_semaphore, #tpu.memory_space<semaphore_mem>>) src(%arg13 : memref<64x128xf32, #tpu.memory_space<vmem>>) dst(%dma_wait3A_410 : memref<10016x128xf32, #tpu.memory_space<vmem_shared>>)
        tpu.yield
      }) : () -> ()
      %dma_start3A_197 = arith.constant 2 : i32
      %dma_start3A_198 = arith.constant 0 : i32
      %dma_start3A_199 = tpu.memref_slice %arg8[%dma_start3A_197, %dma_start3A_198] : memref<10x64xi32, #tpu.memory_space<vmem>> -> memref<1x64xi32, #tpu.memory_space<vmem>>
      %dma_start3A_200 = tpu.memref_squeeze %dma_start3A_199 : memref<1x64xi32, #tpu.memory_space<vmem>> -> memref<64xi32, #tpu.memory_space<vmem>>
      %dma_start3A_201 = arith.constant 0 : i32
      %dma_start3A_202 = arith.constant 0 : i32
      %dma_start3A_203 = tpu.memref_slice %arg2[%dma_start3A_201, %dma_start3A_202] : memref<10000x128xf32, #tpu.memory_space<hbm>> -> memref<10000x128xf32, #tpu.memory_space<hbm>>
      tpu.enqueue_indirect_dma source(%dma_start3A_203 : memref<10000x128xf32, #tpu.memory_space<hbm>>) target(%arg13 : memref<64x128xf32, #tpu.memory_space<vmem>>) offsets(%dma_start3A_200 : memref<64xi32, #tpu.memory_space<vmem>>) semaphore(%arg19 : memref<!tpu.dma_semaphore, #tpu.memory_space<semaphore_mem>>)
      %dma_wait3A_204 = arith.constant 0 : i32
      %dma_wait3A_205 = arith.constant 0 : i32
      %dma_wait3A_206 = tpu.memref_slice %arg7[%dma_wait3A_204, %dma_wait3A_205] : memref<10x64xi32, #tpu.memory_space<vmem>> -> memref<1x64xi32, #tpu.memory_space<vmem>>
      %dma_wait3A_207 = tpu.memref_squeeze %dma_wait3A_206 : memref<1x64xi32, #tpu.memory_space<vmem>> -> memref<64xi32, #tpu.memory_space<vmem>>
      %dma_wait3A_208 = arith.constant 0 : i32
      %dma_wait3A_209 = arith.constant 0 : i32
      %dma_wait3A_210 = tpu.memref_slice %arg2[%dma_wait3A_208, %dma_wait3A_209] : memref<10000x128xf32, #tpu.memory_space<hbm>> -> memref<10000x128xf32, #tpu.memory_space<hbm>>
      tpu.wait_indirect_dma semaphore(%arg20 : memref<!tpu.dma_semaphore, #tpu.memory_space<semaphore_mem>>) src(%dma_wait3A_210 : memref<10000x128xf32, #tpu.memory_space<hbm>>) dst(%arg14 : memref<64x128xf32, #tpu.memory_space<vmem>>)
      %run_scoped3A_211 = arith.constant 8 : i32
      "tpu.region"() ({
        %run_scoped3A_398 = tpu.sem_alloc : memref<!tpu.dma_semaphore, #tpu.memory_space<semaphore_mem>>
        %dma_start3A_399 = arith.constant 0 : i32
        %dma_start3A_400 = tpu.memref_slice %arg9[%run_scoped3A_211, %dma_start3A_399] : memref<10x64xi32, #tpu.memory_space<vmem>> -> memref<1x64xi32, #tpu.memory_space<vmem>>
        %dma_start3A_401 = tpu.memref_squeeze %dma_start3A_400 : memref<1x64xi32, #tpu.memory_space<vmem>> -> memref<64xi32, #tpu.memory_space<vmem>>
        %dma_start3A_402 = arith.constant 0 : i32
        %dma_start3A_403 = arith.constant 0 : i32
        %dma_start3A_404 = tpu.memref_slice %arg16[%dma_start3A_402, %dma_start3A_403] : memref<10016x128xf32, #tpu.memory_space<vmem_shared>> -> memref<10016x128xf32, #tpu.memory_space<vmem_shared>>
        tpu.enqueue_indirect_dma source(%arg14 : memref<64x128xf32, #tpu.memory_space<vmem>>) target(%dma_start3A_404 : memref<10016x128xf32, #tpu.memory_space<vmem_shared>>) offsets(%dma_start3A_401 : memref<64xi32, #tpu.memory_space<vmem>>) semaphore(%run_scoped3A_398 : memref<!tpu.dma_semaphore, #tpu.memory_space<semaphore_mem>>) {add = true}
        %dma_wait3A_405 = arith.constant 0 : i32
        %dma_wait3A_406 = tpu.memref_slice %arg9[%run_scoped3A_211, %dma_wait3A_405] : memref<10x64xi32, #tpu.memory_space<vmem>> -> memref<1x64xi32, #tpu.memory_space<vmem>>
        %dma_wait3A_407 = tpu.memref_squeeze %dma_wait3A_406 : memref<1x64xi32, #tpu.memory_space<vmem>> -> memref<64xi32, #tpu.memory_space<vmem>>
        %dma_wait3A_408 = arith.constant 0 : i32
        %dma_wait3A_409 = arith.constant 0 : i32
        %dma_wait3A_410 = tpu.memref_slice %arg16[%dma_wait3A_408, %dma_wait3A_409] : memref<10016x128xf32, #tpu.memory_space<vmem_shared>> -> memref<10016x128xf32, #tpu.memory_space<vmem_shared>>
        tpu.wait_indirect_dma semaphore(%run_scoped3A_398 : memref<!tpu.dma_semaphore, #tpu.memory_space<semaphore_mem>>) src(%arg14 : memref<64x128xf32, #tpu.memory_space<vmem>>) dst(%dma_wait3A_410 : memref<10016x128xf32, #tpu.memory_space<vmem_shared>>)
        tpu.yield
      }) : () -> ()
      %dma_start3A_212 = arith.constant 3 : i32
      %dma_start3A_213 = arith.constant 0 : i32
      %dma_start3A_214 = tpu.memref_slice %arg8[%dma_start3A_212, %dma_start3A_213] : memref<10x64xi32, #tpu.memory_space<vmem>> -> memref<1x64xi32, #tpu.memory_space<vmem>>
      %dma_start3A_215 = tpu.memref_squeeze %dma_start3A_214 : memref<1x64xi32, #tpu.memory_space<vmem>> -> memref<64xi32, #tpu.memory_space<vmem>>
      %dma_start3A_216 = arith.constant 0 : i32
      %dma_start3A_217 = arith.constant 0 : i32
      %dma_start3A_218 = tpu.memref_slice %arg2[%dma_start3A_216, %dma_start3A_217] : memref<10000x128xf32, #tpu.memory_space<hbm>> -> memref<10000x128xf32, #tpu.memory_space<hbm>>
      tpu.enqueue_indirect_dma source(%dma_start3A_218 : memref<10000x128xf32, #tpu.memory_space<hbm>>) target(%arg14 : memref<64x128xf32, #tpu.memory_space<vmem>>) offsets(%dma_start3A_215 : memref<64xi32, #tpu.memory_space<vmem>>) semaphore(%arg20 : memref<!tpu.dma_semaphore, #tpu.memory_space<semaphore_mem>>)
      %dma_wait3A_219 = arith.constant 0 : i32
      %dma_wait3A_220 = arith.constant 0 : i32
      %dma_wait3A_221 = tpu.memref_slice %arg7[%dma_wait3A_219, %dma_wait3A_220] : memref<10x64xi32, #tpu.memory_space<vmem>> -> memref<1x64xi32, #tpu.memory_space<vmem>>
      %dma_wait3A_222 = tpu.memref_squeeze %dma_wait3A_221 : memref<1x64xi32, #tpu.memory_space<vmem>> -> memref<64xi32, #tpu.memory_space<vmem>>
      %dma_wait3A_223 = arith.constant 0 : i32
      %dma_wait3A_224 = arith.constant 0 : i32
      %dma_wait3A_225 = tpu.memref_slice %arg2[%dma_wait3A_223, %dma_wait3A_224] : memref<10000x128xf32, #tpu.memory_space<hbm>> -> memref<10000x128xf32, #tpu.memory_space<hbm>>
      tpu.wait_indirect_dma semaphore(%arg21 : memref<!tpu.dma_semaphore, #tpu.memory_space<semaphore_mem>>) src(%dma_wait3A_225 : memref<10000x128xf32, #tpu.memory_space<hbm>>) dst(%arg15 : memref<64x128xf32, #tpu.memory_space<vmem>>)
      %run_scoped3A_226 = arith.constant 9 : i32
      "tpu.region"() ({
        %run_scoped3A_398 = tpu.sem_alloc : memref<!tpu.dma_semaphore, #tpu.memory_space<semaphore_mem>>
        %dma_start3A_399 = arith.constant 0 : i32
        %dma_start3A_400 = tpu.memref_slice %arg9[%run_scoped3A_226, %dma_start3A_399] : memref<10x64xi32, #tpu.memory_space<vmem>> -> memref<1x64xi32, #tpu.memory_space<vmem>>
        %dma_start3A_401 = tpu.memref_squeeze %dma_start3A_400 : memref<1x64xi32, #tpu.memory_space<vmem>> -> memref<64xi32, #tpu.memory_space<vmem>>
        %dma_start3A_402 = arith.constant 0 : i32
        %dma_start3A_403 = arith.constant 0 : i32
        %dma_start3A_404 = tpu.memref_slice %arg16[%dma_start3A_402, %dma_start3A_403] : memref<10016x128xf32, #tpu.memory_space<vmem_shared>> -> memref<10016x128xf32, #tpu.memory_space<vmem_shared>>
        tpu.enqueue_indirect_dma source(%arg15 : memref<64x128xf32, #tpu.memory_space<vmem>>) target(%dma_start3A_404 : memref<10016x128xf32, #tpu.memory_space<vmem_shared>>) offsets(%dma_start3A_401 : memref<64xi32, #tpu.memory_space<vmem>>) semaphore(%run_scoped3A_398 : memref<!tpu.dma_semaphore, #tpu.memory_space<semaphore_mem>>) {add = true}
        %dma_wait3A_405 = arith.constant 0 : i32
        %dma_wait3A_406 = tpu.memref_slice %arg9[%run_scoped3A_226, %dma_wait3A_405] : memref<10x64xi32, #tpu.memory_space<vmem>> -> memref<1x64xi32, #tpu.memory_space<vmem>>
        %dma_wait3A_407 = tpu.memref_squeeze %dma_wait3A_406 : memref<1x64xi32, #tpu.memory_space<vmem>> -> memref<64xi32, #tpu.memory_space<vmem>>
        %dma_wait3A_408 = arith.constant 0 : i32
        %dma_wait3A_409 = arith.constant 0 : i32
        %dma_wait3A_410 = tpu.memref_slice %arg16[%dma_wait3A_408, %dma_wait3A_409] : memref<10016x128xf32, #tpu.memory_space<vmem_shared>> -> memref<10016x128xf32, #tpu.memory_space<vmem_shared>>
        tpu.wait_indirect_dma semaphore(%run_scoped3A_398 : memref<!tpu.dma_semaphore, #tpu.memory_space<semaphore_mem>>) src(%arg15 : memref<64x128xf32, #tpu.memory_space<vmem>>) dst(%dma_wait3A_410 : memref<10016x128xf32, #tpu.memory_space<vmem_shared>>)
        tpu.yield
      }) : () -> ()
      %dma_start3A_227 = arith.constant 4 : i32
      %dma_start3A_228 = arith.constant 0 : i32
      %dma_start3A_229 = tpu.memref_slice %arg8[%dma_start3A_227, %dma_start3A_228] : memref<10x64xi32, #tpu.memory_space<vmem>> -> memref<1x64xi32, #tpu.memory_space<vmem>>
      %dma_start3A_230 = tpu.memref_squeeze %dma_start3A_229 : memref<1x64xi32, #tpu.memory_space<vmem>> -> memref<64xi32, #tpu.memory_space<vmem>>
      %dma_start3A_231 = arith.constant 0 : i32
      %dma_start3A_232 = arith.constant 0 : i32
      %dma_start3A_233 = tpu.memref_slice %arg2[%dma_start3A_231, %dma_start3A_232] : memref<10000x128xf32, #tpu.memory_space<hbm>> -> memref<10000x128xf32, #tpu.memory_space<hbm>>
      tpu.enqueue_indirect_dma source(%dma_start3A_233 : memref<10000x128xf32, #tpu.memory_space<hbm>>) target(%arg15 : memref<64x128xf32, #tpu.memory_space<vmem>>) offsets(%dma_start3A_230 : memref<64xi32, #tpu.memory_space<vmem>>) semaphore(%arg21 : memref<!tpu.dma_semaphore, #tpu.memory_space<semaphore_mem>>)
      %dma_wait3A_234 = arith.constant 0 : i32
      %dma_wait3A_235 = arith.constant 0 : i32
      %dma_wait3A_236 = tpu.memref_slice %arg7[%dma_wait3A_234, %dma_wait3A_235] : memref<10x64xi32, #tpu.memory_space<vmem>> -> memref<1x64xi32, #tpu.memory_space<vmem>>
      %dma_wait3A_237 = tpu.memref_squeeze %dma_wait3A_236 : memref<1x64xi32, #tpu.memory_space<vmem>> -> memref<64xi32, #tpu.memory_space<vmem>>
      %dma_wait3A_238 = arith.constant 0 : i32
      %dma_wait3A_239 = arith.constant 0 : i32
      %dma_wait3A_240 = tpu.memref_slice %arg2[%dma_wait3A_238, %dma_wait3A_239] : memref<10000x128xf32, #tpu.memory_space<hbm>> -> memref<10000x128xf32, #tpu.memory_space<hbm>>
      tpu.wait_indirect_dma semaphore(%arg17 : memref<!tpu.dma_semaphore, #tpu.memory_space<semaphore_mem>>) src(%dma_wait3A_240 : memref<10000x128xf32, #tpu.memory_space<hbm>>) dst(%arg11 : memref<64x128xf32, #tpu.memory_space<vmem>>)
      %dma_wait3A_241 = arith.constant 0 : i32
      %dma_wait3A_242 = arith.constant 0 : i32
      %dma_wait3A_243 = arith.constant 0 : i32
      %dma_wait3A_244 = tpu.memref_slice %arg4[%add3A, %dma_wait3A_241, %dma_wait3A_242, %dma_wait3A_243] : memref<32x16x10x64xi32, #tpu.memory_space<hbm>> -> memref<1x1x10x64xi32, #tpu.memory_space<hbm>>
      %dma_wait3A_245 = tpu.memref_squeeze %dma_wait3A_244 : memref<1x1x10x64xi32, #tpu.memory_space<hbm>> -> memref<10x64xi32, #tpu.memory_space<hbm>>
      %dma_wait3A_246 = arith.constant 0 : i32
      %dma_wait3A_247 = arith.constant 0 : i32
      %dma_wait3A_248 = tpu.memref_slice %arg4[%add3A, %dma_wait3A_241, %dma_wait3A_246, %dma_wait3A_247] : memref<32x16x10x64xi32, #tpu.memory_space<hbm>> -> memref<1x1x10x64xi32, #tpu.memory_space<hbm>>
      %dma_wait3A_249 = tpu.memref_squeeze %dma_wait3A_248 : memref<1x1x10x64xi32, #tpu.memory_space<hbm>> -> memref<10x64xi32, #tpu.memory_space<hbm>>
      tpu.wait_dma2 semaphore(%arg22 : memref<!tpu.dma_semaphore, #tpu.memory_space<semaphore_mem>>) src(%dma_wait3A_249 : memref<10x64xi32, #tpu.memory_space<hbm>>) dst(%arg10 : memref<10x64xi32, #tpu.memory_space<vmem>>)
      %run_scoped3A_250 = arith.constant 0 : i32
      "tpu.region"() ({
        %run_scoped3A_398 = tpu.sem_alloc : memref<!tpu.dma_semaphore, #tpu.memory_space<semaphore_mem>>
        %dma_start3A_399 = arith.constant 0 : i32
        %dma_start3A_400 = tpu.memref_slice %arg10[%run_scoped3A_250, %dma_start3A_399] : memref<10x64xi32, #tpu.memory_space<vmem>> -> memref<1x64xi32, #tpu.memory_space<vmem>>
        %dma_start3A_401 = tpu.memref_squeeze %dma_start3A_400 : memref<1x64xi32, #tpu.memory_space<vmem>> -> memref<64xi32, #tpu.memory_space<vmem>>
        %dma_start3A_402 = arith.constant 0 : i32
        %dma_start3A_403 = arith.constant 0 : i32
        %dma_start3A_404 = tpu.memref_slice %arg16[%dma_start3A_402, %dma_start3A_403] : memref<10016x128xf32, #tpu.memory_space<vmem_shared>> -> memref<10016x128xf32, #tpu.memory_space<vmem_shared>>
        tpu.enqueue_indirect_dma source(%arg11 : memref<64x128xf32, #tpu.memory_space<vmem>>) target(%dma_start3A_404 : memref<10016x128xf32, #tpu.memory_space<vmem_shared>>) offsets(%dma_start3A_401 : memref<64xi32, #tpu.memory_space<vmem>>) semaphore(%run_scoped3A_398 : memref<!tpu.dma_semaphore, #tpu.memory_space<semaphore_mem>>) {add = true}
        %dma_wait3A_405 = arith.constant 0 : i32
        %dma_wait3A_406 = tpu.memref_slice %arg10[%run_scoped3A_250, %dma_wait3A_405] : memref<10x64xi32, #tpu.memory_space<vmem>> -> memref<1x64xi32, #tpu.memory_space<vmem>>
        %dma_wait3A_407 = tpu.memref_squeeze %dma_wait3A_406 : memref<1x64xi32, #tpu.memory_space<vmem>> -> memref<64xi32, #tpu.memory_space<vmem>>
        %dma_wait3A_408 = arith.constant 0 : i32
        %dma_wait3A_409 = arith.constant 0 : i32
        %dma_wait3A_410 = tpu.memref_slice %arg16[%dma_wait3A_408, %dma_wait3A_409] : memref<10016x128xf32, #tpu.memory_space<vmem_shared>> -> memref<10016x128xf32, #tpu.memory_space<vmem_shared>>
        tpu.wait_indirect_dma semaphore(%run_scoped3A_398 : memref<!tpu.dma_semaphore, #tpu.memory_space<semaphore_mem>>) src(%arg11 : memref<64x128xf32, #tpu.memory_space<vmem>>) dst(%dma_wait3A_410 : memref<10016x128xf32, #tpu.memory_space<vmem_shared>>)
        tpu.yield
      }) : () -> ()
      %lt3A = arith.constant 7 : i32
      %lt3A_251 = arith.cmpi slt, %scan3A_70, %lt3A : i32
      %convert_element_type3A_252 = arith.extui %lt3A_251 : i1 to i32
      %cond3A_253 = arith.constant 0 : i32
      %cond3A_254 = arith.cmpi ne, %convert_element_type3A_252, %cond3A_253 : i32
      scf.if %cond3A_254 {
        %mul3A_398 = arith.constant 2 : i32
        %mul3A_399 = arith.muli %mul3A_398, %scan3A_70 : i32
        %add3A_400 = arith.constant 2 : i32
        %add3A_401 = arith.addi %mul3A_399, %add3A_400 : i32
        %dma_start3A_402 = arith.constant 0 : i32
        %dma_start3A_403 = arith.constant 0 : i32
        %dma_start3A_404 = tpu.memref_slice %arg3[%add3A, %add3A_401, %dma_start3A_402, %dma_start3A_403] : memref<32x16x10x64xi32, #tpu.memory_space<hbm>> -> memref<1x1x10x64xi32, #tpu.memory_space<hbm>>
        %dma_start3A_405 = tpu.memref_squeeze %dma_start3A_404 : memref<1x1x10x64xi32, #tpu.memory_space<hbm>> -> memref<10x64xi32, #tpu.memory_space<hbm>>
        %dma_start3A_406 = arith.constant 0 : i32
        %dma_start3A_407 = arith.constant 0 : i32
        %dma_start3A_408 = tpu.memref_slice %arg3[%add3A, %add3A_401, %dma_start3A_406, %dma_start3A_407] : memref<32x16x10x64xi32, #tpu.memory_space<hbm>> -> memref<1x1x10x64xi32, #tpu.memory_space<hbm>>
        %dma_start3A_409 = tpu.memref_squeeze %dma_start3A_408 : memref<1x1x10x64xi32, #tpu.memory_space<hbm>> -> memref<10x64xi32, #tpu.memory_space<hbm>>
        tpu.enqueue_dma source(%dma_start3A_409 : memref<10x64xi32, #tpu.memory_space<hbm>>) target(%arg7 : memref<10x64xi32, #tpu.memory_space<vmem>>) target_semaphore(%arg22 : memref<!tpu.dma_semaphore, #tpu.memory_space<semaphore_mem>>)
      } else {
      }
      %dma_start3A_255 = arith.constant 5 : i32
      %dma_start3A_256 = arith.constant 0 : i32
      %dma_start3A_257 = tpu.memref_slice %arg8[%dma_start3A_255, %dma_start3A_256] : memref<10x64xi32, #tpu.memory_space<vmem>> -> memref<1x64xi32, #tpu.memory_space<vmem>>
      %dma_start3A_258 = tpu.memref_squeeze %dma_start3A_257 : memref<1x64xi32, #tpu.memory_space<vmem>> -> memref<64xi32, #tpu.memory_space<vmem>>
      %dma_start3A_259 = arith.constant 0 : i32
      %dma_start3A_260 = arith.constant 0 : i32
      %dma_start3A_261 = tpu.memref_slice %arg2[%dma_start3A_259, %dma_start3A_260] : memref<10000x128xf32, #tpu.memory_space<hbm>> -> memref<10000x128xf32, #tpu.memory_space<hbm>>
      tpu.enqueue_indirect_dma source(%dma_start3A_261 : memref<10000x128xf32, #tpu.memory_space<hbm>>) target(%arg11 : memref<64x128xf32, #tpu.memory_space<vmem>>) offsets(%dma_start3A_258 : memref<64xi32, #tpu.memory_space<vmem>>) semaphore(%arg17 : memref<!tpu.dma_semaphore, #tpu.memory_space<semaphore_mem>>)
      %dma_wait3A_262 = arith.constant 0 : i32
      %dma_wait3A_263 = arith.constant 0 : i32
      %dma_wait3A_264 = tpu.memref_slice %arg7[%dma_wait3A_262, %dma_wait3A_263] : memref<10x64xi32, #tpu.memory_space<vmem>> -> memref<1x64xi32, #tpu.memory_space<vmem>>
      %dma_wait3A_265 = tpu.memref_squeeze %dma_wait3A_264 : memref<1x64xi32, #tpu.memory_space<vmem>> -> memref<64xi32, #tpu.memory_space<vmem>>
      %dma_wait3A_266 = arith.constant 0 : i32
      %dma_wait3A_267 = arith.constant 0 : i32
      %dma_wait3A_268 = tpu.memref_slice %arg2[%dma_wait3A_266, %dma_wait3A_267] : memref<10000x128xf32, #tpu.memory_space<hbm>> -> memref<10000x128xf32, #tpu.memory_space<hbm>>
      tpu.wait_indirect_dma semaphore(%arg18 : memref<!tpu.dma_semaphore, #tpu.memory_space<semaphore_mem>>) src(%dma_wait3A_268 : memref<10000x128xf32, #tpu.memory_space<hbm>>) dst(%arg12 : memref<64x128xf32, #tpu.memory_space<vmem>>)
      %run_scoped3A_269 = arith.constant 1 : i32
      "tpu.region"() ({
        %run_scoped3A_398 = tpu.sem_alloc : memref<!tpu.dma_semaphore, #tpu.memory_space<semaphore_mem>>
        %dma_start3A_399 = arith.constant 0 : i32
        %dma_start3A_400 = tpu.memref_slice %arg10[%run_scoped3A_269, %dma_start3A_399] : memref<10x64xi32, #tpu.memory_space<vmem>> -> memref<1x64xi32, #tpu.memory_space<vmem>>
        %dma_start3A_401 = tpu.memref_squeeze %dma_start3A_400 : memref<1x64xi32, #tpu.memory_space<vmem>> -> memref<64xi32, #tpu.memory_space<vmem>>
        %dma_start3A_402 = arith.constant 0 : i32
        %dma_start3A_403 = arith.constant 0 : i32
        %dma_start3A_404 = tpu.memref_slice %arg16[%dma_start3A_402, %dma_start3A_403] : memref<10016x128xf32, #tpu.memory_space<vmem_shared>> -> memref<10016x128xf32, #tpu.memory_space<vmem_shared>>
        tpu.enqueue_indirect_dma source(%arg12 : memref<64x128xf32, #tpu.memory_space<vmem>>) target(%dma_start3A_404 : memref<10016x128xf32, #tpu.memory_space<vmem_shared>>) offsets(%dma_start3A_401 : memref<64xi32, #tpu.memory_space<vmem>>) semaphore(%run_scoped3A_398 : memref<!tpu.dma_semaphore, #tpu.memory_space<semaphore_mem>>) {add = true}
        %dma_wait3A_405 = arith.constant 0 : i32
        %dma_wait3A_406 = tpu.memref_slice %arg10[%run_scoped3A_269, %dma_wait3A_405] : memref<10x64xi32, #tpu.memory_space<vmem>> -> memref<1x64xi32, #tpu.memory_space<vmem>>
        %dma_wait3A_407 = tpu.memref_squeeze %dma_wait3A_406 : memref<1x64xi32, #tpu.memory_space<vmem>> -> memref<64xi32, #tpu.memory_space<vmem>>
        %dma_wait3A_408 = arith.constant 0 : i32
        %dma_wait3A_409 = arith.constant 0 : i32
        %dma_wait3A_410 = tpu.memref_slice %arg16[%dma_wait3A_408, %dma_wait3A_409] : memref<10016x128xf32, #tpu.memory_space<vmem_shared>> -> memref<10016x128xf32, #tpu.memory_space<vmem_shared>>
        tpu.wait_indirect_dma semaphore(%run_scoped3A_398 : memref<!tpu.dma_semaphore, #tpu.memory_space<semaphore_mem>>) src(%arg12 : memref<64x128xf32, #tpu.memory_space<vmem>>) dst(%dma_wait3A_410 : memref<10016x128xf32, #tpu.memory_space<vmem_shared>>)
        tpu.yield
      }) : () -> ()
      %lt3A_270 = arith.constant 7 : i32
      %lt3A_271 = arith.cmpi slt, %scan3A_70, %lt3A_270 : i32
      %convert_element_type3A_272 = arith.extui %lt3A_271 : i1 to i32
      %cond3A_273 = arith.constant 0 : i32
      %cond3A_274 = arith.cmpi ne, %convert_element_type3A_272, %cond3A_273 : i32
      scf.if %cond3A_274 {
        %mul3A_398 = arith.constant 2 : i32
        %mul3A_399 = arith.muli %mul3A_398, %scan3A_70 : i32
        %add3A_400 = arith.constant 2 : i32
        %add3A_401 = arith.addi %mul3A_399, %add3A_400 : i32
        %dma_start3A_402 = arith.constant 0 : i32
        %dma_start3A_403 = arith.constant 0 : i32
        %dma_start3A_404 = tpu.memref_slice %arg4[%add3A, %add3A_401, %dma_start3A_402, %dma_start3A_403] : memref<32x16x10x64xi32, #tpu.memory_space<hbm>> -> memref<1x1x10x64xi32, #tpu.memory_space<hbm>>
        %dma_start3A_405 = tpu.memref_squeeze %dma_start3A_404 : memref<1x1x10x64xi32, #tpu.memory_space<hbm>> -> memref<10x64xi32, #tpu.memory_space<hbm>>
        %dma_start3A_406 = arith.constant 0 : i32
        %dma_start3A_407 = arith.constant 0 : i32
        %dma_start3A_408 = tpu.memref_slice %arg4[%add3A, %add3A_401, %dma_start3A_406, %dma_start3A_407] : memref<32x16x10x64xi32, #tpu.memory_space<hbm>> -> memref<1x1x10x64xi32, #tpu.memory_space<hbm>>
        %dma_start3A_409 = tpu.memref_squeeze %dma_start3A_408 : memref<1x1x10x64xi32, #tpu.memory_space<hbm>> -> memref<10x64xi32, #tpu.memory_space<hbm>>
        tpu.enqueue_dma source(%dma_start3A_409 : memref<10x64xi32, #tpu.memory_space<hbm>>) target(%arg9 : memref<10x64xi32, #tpu.memory_space<vmem>>) target_semaphore(%arg22 : memref<!tpu.dma_semaphore, #tpu.memory_space<semaphore_mem>>)
      } else {
      }
      %dma_start3A_275 = arith.constant 6 : i32
      %dma_start3A_276 = arith.constant 0 : i32
      %dma_start3A_277 = tpu.memref_slice %arg8[%dma_start3A_275, %dma_start3A_276] : memref<10x64xi32, #tpu.memory_space<vmem>> -> memref<1x64xi32, #tpu.memory_space<vmem>>
      %dma_start3A_278 = tpu.memref_squeeze %dma_start3A_277 : memref<1x64xi32, #tpu.memory_space<vmem>> -> memref<64xi32, #tpu.memory_space<vmem>>
      %dma_start3A_279 = arith.constant 0 : i32
      %dma_start3A_280 = arith.constant 0 : i32
      %dma_start3A_281 = tpu.memref_slice %arg2[%dma_start3A_279, %dma_start3A_280] : memref<10000x128xf32, #tpu.memory_space<hbm>> -> memref<10000x128xf32, #tpu.memory_space<hbm>>
      tpu.enqueue_indirect_dma source(%dma_start3A_281 : memref<10000x128xf32, #tpu.memory_space<hbm>>) target(%arg12 : memref<64x128xf32, #tpu.memory_space<vmem>>) offsets(%dma_start3A_278 : memref<64xi32, #tpu.memory_space<vmem>>) semaphore(%arg18 : memref<!tpu.dma_semaphore, #tpu.memory_space<semaphore_mem>>)
      %dma_wait3A_282 = arith.constant 0 : i32
      %dma_wait3A_283 = arith.constant 0 : i32
      %dma_wait3A_284 = tpu.memref_slice %arg7[%dma_wait3A_282, %dma_wait3A_283] : memref<10x64xi32, #tpu.memory_space<vmem>> -> memref<1x64xi32, #tpu.memory_space<vmem>>
      %dma_wait3A_285 = tpu.memref_squeeze %dma_wait3A_284 : memref<1x64xi32, #tpu.memory_space<vmem>> -> memref<64xi32, #tpu.memory_space<vmem>>
      %dma_wait3A_286 = arith.constant 0 : i32
      %dma_wait3A_287 = arith.constant 0 : i32
      %dma_wait3A_288 = tpu.memref_slice %arg2[%dma_wait3A_286, %dma_wait3A_287] : memref<10000x128xf32, #tpu.memory_space<hbm>> -> memref<10000x128xf32, #tpu.memory_space<hbm>>
      tpu.wait_indirect_dma semaphore(%arg19 : memref<!tpu.dma_semaphore, #tpu.memory_space<semaphore_mem>>) src(%dma_wait3A_288 : memref<10000x128xf32, #tpu.memory_space<hbm>>) dst(%arg13 : memref<64x128xf32, #tpu.memory_space<vmem>>)
      %run_scoped3A_289 = arith.constant 2 : i32
      "tpu.region"() ({
        %run_scoped3A_398 = tpu.sem_alloc : memref<!tpu.dma_semaphore, #tpu.memory_space<semaphore_mem>>
        %dma_start3A_399 = arith.constant 0 : i32
        %dma_start3A_400 = tpu.memref_slice %arg10[%run_scoped3A_289, %dma_start3A_399] : memref<10x64xi32, #tpu.memory_space<vmem>> -> memref<1x64xi32, #tpu.memory_space<vmem>>
        %dma_start3A_401 = tpu.memref_squeeze %dma_start3A_400 : memref<1x64xi32, #tpu.memory_space<vmem>> -> memref<64xi32, #tpu.memory_space<vmem>>
        %dma_start3A_402 = arith.constant 0 : i32
        %dma_start3A_403 = arith.constant 0 : i32
        %dma_start3A_404 = tpu.memref_slice %arg16[%dma_start3A_402, %dma_start3A_403] : memref<10016x128xf32, #tpu.memory_space<vmem_shared>> -> memref<10016x128xf32, #tpu.memory_space<vmem_shared>>
        tpu.enqueue_indirect_dma source(%arg13 : memref<64x128xf32, #tpu.memory_space<vmem>>) target(%dma_start3A_404 : memref<10016x128xf32, #tpu.memory_space<vmem_shared>>) offsets(%dma_start3A_401 : memref<64xi32, #tpu.memory_space<vmem>>) semaphore(%run_scoped3A_398 : memref<!tpu.dma_semaphore, #tpu.memory_space<semaphore_mem>>) {add = true}
        %dma_wait3A_405 = arith.constant 0 : i32
        %dma_wait3A_406 = tpu.memref_slice %arg10[%run_scoped3A_289, %dma_wait3A_405] : memref<10x64xi32, #tpu.memory_space<vmem>> -> memref<1x64xi32, #tpu.memory_space<vmem>>
        %dma_wait3A_407 = tpu.memref_squeeze %dma_wait3A_406 : memref<1x64xi32, #tpu.memory_space<vmem>> -> memref<64xi32, #tpu.memory_space<vmem>>
        %dma_wait3A_408 = arith.constant 0 : i32
        %dma_wait3A_409 = arith.constant 0 : i32
        %dma_wait3A_410 = tpu.memref_slice %arg16[%dma_wait3A_408, %dma_wait3A_409] : memref<10016x128xf32, #tpu.memory_space<vmem_shared>> -> memref<10016x128xf32, #tpu.memory_space<vmem_shared>>
        tpu.wait_indirect_dma semaphore(%run_scoped3A_398 : memref<!tpu.dma_semaphore, #tpu.memory_space<semaphore_mem>>) src(%arg13 : memref<64x128xf32, #tpu.memory_space<vmem>>) dst(%dma_wait3A_410 : memref<10016x128xf32, #tpu.memory_space<vmem_shared>>)
        tpu.yield
      }) : () -> ()
      %dma_start3A_290 = arith.constant 7 : i32
      %dma_start3A_291 = arith.constant 0 : i32
      %dma_start3A_292 = tpu.memref_slice %arg8[%dma_start3A_290, %dma_start3A_291] : memref<10x64xi32, #tpu.memory_space<vmem>> -> memref<1x64xi32, #tpu.memory_space<vmem>>
      %dma_start3A_293 = tpu.memref_squeeze %dma_start3A_292 : memref<1x64xi32, #tpu.memory_space<vmem>> -> memref<64xi32, #tpu.memory_space<vmem>>
      %dma_start3A_294 = arith.constant 0 : i32
      %dma_start3A_295 = arith.constant 0 : i32
      %dma_start3A_296 = tpu.memref_slice %arg2[%dma_start3A_294, %dma_start3A_295] : memref<10000x128xf32, #tpu.memory_space<hbm>> -> memref<10000x128xf32, #tpu.memory_space<hbm>>
      tpu.enqueue_indirect_dma source(%dma_start3A_296 : memref<10000x128xf32, #tpu.memory_space<hbm>>) target(%arg13 : memref<64x128xf32, #tpu.memory_space<vmem>>) offsets(%dma_start3A_293 : memref<64xi32, #tpu.memory_space<vmem>>) semaphore(%arg19 : memref<!tpu.dma_semaphore, #tpu.memory_space<semaphore_mem>>)
      %dma_wait3A_297 = arith.constant 0 : i32
      %dma_wait3A_298 = arith.constant 0 : i32
      %dma_wait3A_299 = tpu.memref_slice %arg7[%dma_wait3A_297, %dma_wait3A_298] : memref<10x64xi32, #tpu.memory_space<vmem>> -> memref<1x64xi32, #tpu.memory_space<vmem>>
      %dma_wait3A_300 = tpu.memref_squeeze %dma_wait3A_299 : memref<1x64xi32, #tpu.memory_space<vmem>> -> memref<64xi32, #tpu.memory_space<vmem>>
      %dma_wait3A_301 = arith.constant 0 : i32
      %dma_wait3A_302 = arith.constant 0 : i32
      %dma_wait3A_303 = tpu.memref_slice %arg2[%dma_wait3A_301, %dma_wait3A_302] : memref<10000x128xf32, #tpu.memory_space<hbm>> -> memref<10000x128xf32, #tpu.memory_space<hbm>>
      tpu.wait_indirect_dma semaphore(%arg20 : memref<!tpu.dma_semaphore, #tpu.memory_space<semaphore_mem>>) src(%dma_wait3A_303 : memref<10000x128xf32, #tpu.memory_space<hbm>>) dst(%arg14 : memref<64x128xf32, #tpu.memory_space<vmem>>)
      %run_scoped3A_304 = arith.constant 3 : i32
      "tpu.region"() ({
        %run_scoped3A_398 = tpu.sem_alloc : memref<!tpu.dma_semaphore, #tpu.memory_space<semaphore_mem>>
        %dma_start3A_399 = arith.constant 0 : i32
        %dma_start3A_400 = tpu.memref_slice %arg10[%run_scoped3A_304, %dma_start3A_399] : memref<10x64xi32, #tpu.memory_space<vmem>> -> memref<1x64xi32, #tpu.memory_space<vmem>>
        %dma_start3A_401 = tpu.memref_squeeze %dma_start3A_400 : memref<1x64xi32, #tpu.memory_space<vmem>> -> memref<64xi32, #tpu.memory_space<vmem>>
        %dma_start3A_402 = arith.constant 0 : i32
        %dma_start3A_403 = arith.constant 0 : i32
        %dma_start3A_404 = tpu.memref_slice %arg16[%dma_start3A_402, %dma_start3A_403] : memref<10016x128xf32, #tpu.memory_space<vmem_shared>> -> memref<10016x128xf32, #tpu.memory_space<vmem_shared>>
        tpu.enqueue_indirect_dma source(%arg14 : memref<64x128xf32, #tpu.memory_space<vmem>>) target(%dma_start3A_404 : memref<10016x128xf32, #tpu.memory_space<vmem_shared>>) offsets(%dma_start3A_401 : memref<64xi32, #tpu.memory_space<vmem>>) semaphore(%run_scoped3A_398 : memref<!tpu.dma_semaphore, #tpu.memory_space<semaphore_mem>>) {add = true}
        %dma_wait3A_405 = arith.constant 0 : i32
        %dma_wait3A_406 = tpu.memref_slice %arg10[%run_scoped3A_304, %dma_wait3A_405] : memref<10x64xi32, #tpu.memory_space<vmem>> -> memref<1x64xi32, #tpu.memory_space<vmem>>
        %dma_wait3A_407 = tpu.memref_squeeze %dma_wait3A_406 : memref<1x64xi32, #tpu.memory_space<vmem>> -> memref<64xi32, #tpu.memory_space<vmem>>
        %dma_wait3A_408 = arith.constant 0 : i32
        %dma_wait3A_409 = arith.constant 0 : i32
        %dma_wait3A_410 = tpu.memref_slice %arg16[%dma_wait3A_408, %dma_wait3A_409] : memref<10016x128xf32, #tpu.memory_space<vmem_shared>> -> memref<10016x128xf32, #tpu.memory_space<vmem_shared>>
        tpu.wait_indirect_dma semaphore(%run_scoped3A_398 : memref<!tpu.dma_semaphore, #tpu.memory_space<semaphore_mem>>) src(%arg14 : memref<64x128xf32, #tpu.memory_space<vmem>>) dst(%dma_wait3A_410 : memref<10016x128xf32, #tpu.memory_space<vmem_shared>>)
        tpu.yield
      }) : () -> ()
      %dma_start3A_305 = arith.constant 8 : i32
      %dma_start3A_306 = arith.constant 0 : i32
      %dma_start3A_307 = tpu.memref_slice %arg8[%dma_start3A_305, %dma_start3A_306] : memref<10x64xi32, #tpu.memory_space<vmem>> -> memref<1x64xi32, #tpu.memory_space<vmem>>
      %dma_start3A_308 = tpu.memref_squeeze %dma_start3A_307 : memref<1x64xi32, #tpu.memory_space<vmem>> -> memref<64xi32, #tpu.memory_space<vmem>>
      %dma_start3A_309 = arith.constant 0 : i32
      %dma_start3A_310 = arith.constant 0 : i32
      %dma_start3A_311 = tpu.memref_slice %arg2[%dma_start3A_309, %dma_start3A_310] : memref<10000x128xf32, #tpu.memory_space<hbm>> -> memref<10000x128xf32, #tpu.memory_space<hbm>>
      tpu.enqueue_indirect_dma source(%dma_start3A_311 : memref<10000x128xf32, #tpu.memory_space<hbm>>) target(%arg14 : memref<64x128xf32, #tpu.memory_space<vmem>>) offsets(%dma_start3A_308 : memref<64xi32, #tpu.memory_space<vmem>>) semaphore(%arg20 : memref<!tpu.dma_semaphore, #tpu.memory_space<semaphore_mem>>)
      %dma_wait3A_312 = arith.constant 0 : i32
      %dma_wait3A_313 = arith.constant 0 : i32
      %dma_wait3A_314 = tpu.memref_slice %arg7[%dma_wait3A_312, %dma_wait3A_313] : memref<10x64xi32, #tpu.memory_space<vmem>> -> memref<1x64xi32, #tpu.memory_space<vmem>>
      %dma_wait3A_315 = tpu.memref_squeeze %dma_wait3A_314 : memref<1x64xi32, #tpu.memory_space<vmem>> -> memref<64xi32, #tpu.memory_space<vmem>>
      %dma_wait3A_316 = arith.constant 0 : i32
      %dma_wait3A_317 = arith.constant 0 : i32
      %dma_wait3A_318 = tpu.memref_slice %arg2[%dma_wait3A_316, %dma_wait3A_317] : memref<10000x128xf32, #tpu.memory_space<hbm>> -> memref<10000x128xf32, #tpu.memory_space<hbm>>
      tpu.wait_indirect_dma semaphore(%arg21 : memref<!tpu.dma_semaphore, #tpu.memory_space<semaphore_mem>>) src(%dma_wait3A_318 : memref<10000x128xf32, #tpu.memory_space<hbm>>) dst(%arg15 : memref<64x128xf32, #tpu.memory_space<vmem>>)
      %run_scoped3A_319 = arith.constant 4 : i32
      "tpu.region"() ({
        %run_scoped3A_398 = tpu.sem_alloc : memref<!tpu.dma_semaphore, #tpu.memory_space<semaphore_mem>>
        %dma_start3A_399 = arith.constant 0 : i32
        %dma_start3A_400 = tpu.memref_slice %arg10[%run_scoped3A_319, %dma_start3A_399] : memref<10x64xi32, #tpu.memory_space<vmem>> -> memref<1x64xi32, #tpu.memory_space<vmem>>
        %dma_start3A_401 = tpu.memref_squeeze %dma_start3A_400 : memref<1x64xi32, #tpu.memory_space<vmem>> -> memref<64xi32, #tpu.memory_space<vmem>>
        %dma_start3A_402 = arith.constant 0 : i32
        %dma_start3A_403 = arith.constant 0 : i32
        %dma_start3A_404 = tpu.memref_slice %arg16[%dma_start3A_402, %dma_start3A_403] : memref<10016x128xf32, #tpu.memory_space<vmem_shared>> -> memref<10016x128xf32, #tpu.memory_space<vmem_shared>>
        tpu.enqueue_indirect_dma source(%arg15 : memref<64x128xf32, #tpu.memory_space<vmem>>) target(%dma_start3A_404 : memref<10016x128xf32, #tpu.memory_space<vmem_shared>>) offsets(%dma_start3A_401 : memref<64xi32, #tpu.memory_space<vmem>>) semaphore(%run_scoped3A_398 : memref<!tpu.dma_semaphore, #tpu.memory_space<semaphore_mem>>) {add = true}
        %dma_wait3A_405 = arith.constant 0 : i32
        %dma_wait3A_406 = tpu.memref_slice %arg10[%run_scoped3A_319, %dma_wait3A_405] : memref<10x64xi32, #tpu.memory_space<vmem>> -> memref<1x64xi32, #tpu.memory_space<vmem>>
        %dma_wait3A_407 = tpu.memref_squeeze %dma_wait3A_406 : memref<1x64xi32, #tpu.memory_space<vmem>> -> memref<64xi32, #tpu.memory_space<vmem>>
        %dma_wait3A_408 = arith.constant 0 : i32
        %dma_wait3A_409 = arith.constant 0 : i32
        %dma_wait3A_410 = tpu.memref_slice %arg16[%dma_wait3A_408, %dma_wait3A_409] : memref<10016x128xf32, #tpu.memory_space<vmem_shared>> -> memref<10016x128xf32, #tpu.memory_space<vmem_shared>>
        tpu.wait_indirect_dma semaphore(%run_scoped3A_398 : memref<!tpu.dma_semaphore, #tpu.memory_space<semaphore_mem>>) src(%arg15 : memref<64x128xf32, #tpu.memory_space<vmem>>) dst(%dma_wait3A_410 : memref<10016x128xf32, #tpu.memory_space<vmem_shared>>)
        tpu.yield
      }) : () -> ()
      %dma_start3A_320 = arith.constant 9 : i32
      %dma_start3A_321 = arith.constant 0 : i32
      %dma_start3A_322 = tpu.memref_slice %arg8[%dma_start3A_320, %dma_start3A_321] : memref<10x64xi32, #tpu.memory_space<vmem>> -> memref<1x64xi32, #tpu.memory_space<vmem>>
      %dma_start3A_323 = tpu.memref_squeeze %dma_start3A_322 : memref<1x64xi32, #tpu.memory_space<vmem>> -> memref<64xi32, #tpu.memory_space<vmem>>
      %dma_start3A_324 = arith.constant 0 : i32
      %dma_start3A_325 = arith.constant 0 : i32
      %dma_start3A_326 = tpu.memref_slice %arg2[%dma_start3A_324, %dma_start3A_325] : memref<10000x128xf32, #tpu.memory_space<hbm>> -> memref<10000x128xf32, #tpu.memory_space<hbm>>
      tpu.enqueue_indirect_dma source(%dma_start3A_326 : memref<10000x128xf32, #tpu.memory_space<hbm>>) target(%arg15 : memref<64x128xf32, #tpu.memory_space<vmem>>) offsets(%dma_start3A_323 : memref<64xi32, #tpu.memory_space<vmem>>) semaphore(%arg21 : memref<!tpu.dma_semaphore, #tpu.memory_space<semaphore_mem>>)
      %dma_wait3A_327 = arith.constant 0 : i32
      %dma_wait3A_328 = arith.constant 0 : i32
      %dma_wait3A_329 = tpu.memref_slice %arg7[%dma_wait3A_327, %dma_wait3A_328] : memref<10x64xi32, #tpu.memory_space<vmem>> -> memref<1x64xi32, #tpu.memory_space<vmem>>
      %dma_wait3A_330 = tpu.memref_squeeze %dma_wait3A_329 : memref<1x64xi32, #tpu.memory_space<vmem>> -> memref<64xi32, #tpu.memory_space<vmem>>
      %dma_wait3A_331 = arith.constant 0 : i32
      %dma_wait3A_332 = arith.constant 0 : i32
      %dma_wait3A_333 = tpu.memref_slice %arg2[%dma_wait3A_331, %dma_wait3A_332] : memref<10000x128xf32, #tpu.memory_space<hbm>> -> memref<10000x128xf32, #tpu.memory_space<hbm>>
      tpu.wait_indirect_dma semaphore(%arg17 : memref<!tpu.dma_semaphore, #tpu.memory_space<semaphore_mem>>) src(%dma_wait3A_333 : memref<10000x128xf32, #tpu.memory_space<hbm>>) dst(%arg11 : memref<64x128xf32, #tpu.memory_space<vmem>>)
      %run_scoped3A_334 = arith.constant 5 : i32
      "tpu.region"() ({
        %run_scoped3A_398 = tpu.sem_alloc : memref<!tpu.dma_semaphore, #tpu.memory_space<semaphore_mem>>
        %dma_start3A_399 = arith.constant 0 : i32
        %dma_start3A_400 = tpu.memref_slice %arg10[%run_scoped3A_334, %dma_start3A_399] : memref<10x64xi32, #tpu.memory_space<vmem>> -> memref<1x64xi32, #tpu.memory_space<vmem>>
        %dma_start3A_401 = tpu.memref_squeeze %dma_start3A_400 : memref<1x64xi32, #tpu.memory_space<vmem>> -> memref<64xi32, #tpu.memory_space<vmem>>
        %dma_start3A_402 = arith.constant 0 : i32
        %dma_start3A_403 = arith.constant 0 : i32
        %dma_start3A_404 = tpu.memref_slice %arg16[%dma_start3A_402, %dma_start3A_403] : memref<10016x128xf32, #tpu.memory_space<vmem_shared>> -> memref<10016x128xf32, #tpu.memory_space<vmem_shared>>
        tpu.enqueue_indirect_dma source(%arg11 : memref<64x128xf32, #tpu.memory_space<vmem>>) target(%dma_start3A_404 : memref<10016x128xf32, #tpu.memory_space<vmem_shared>>) offsets(%dma_start3A_401 : memref<64xi32, #tpu.memory_space<vmem>>) semaphore(%run_scoped3A_398 : memref<!tpu.dma_semaphore, #tpu.memory_space<semaphore_mem>>) {add = true}
        %dma_wait3A_405 = arith.constant 0 : i32
        %dma_wait3A_406 = tpu.memref_slice %arg10[%run_scoped3A_334, %dma_wait3A_405] : memref<10x64xi32, #tpu.memory_space<vmem>> -> memref<1x64xi32, #tpu.memory_space<vmem>>
        %dma_wait3A_407 = tpu.memref_squeeze %dma_wait3A_406 : memref<1x64xi32, #tpu.memory_space<vmem>> -> memref<64xi32, #tpu.memory_space<vmem>>
        %dma_wait3A_408 = arith.constant 0 : i32
        %dma_wait3A_409 = arith.constant 0 : i32
        %dma_wait3A_410 = tpu.memref_slice %arg16[%dma_wait3A_408, %dma_wait3A_409] : memref<10016x128xf32, #tpu.memory_space<vmem_shared>> -> memref<10016x128xf32, #tpu.memory_space<vmem_shared>>
        tpu.wait_indirect_dma semaphore(%run_scoped3A_398 : memref<!tpu.dma_semaphore, #tpu.memory_space<semaphore_mem>>) src(%arg11 : memref<64x128xf32, #tpu.memory_space<vmem>>) dst(%dma_wait3A_410 : memref<10016x128xf32, #tpu.memory_space<vmem_shared>>)
        tpu.yield
      }) : () -> ()
      %lt3A_335 = arith.constant 7 : i32
      %lt3A_336 = arith.cmpi slt, %scan3A_70, %lt3A_335 : i32
      %convert_element_type3A_337 = arith.extui %lt3A_336 : i1 to i32
      %cond3A_338 = arith.constant 0 : i32
      %cond3A_339 = arith.cmpi ne, %convert_element_type3A_337, %cond3A_338 : i32
      scf.if %cond3A_339 {
        %dma_wait3A_398 = arith.constant 0 : i32
        %dma_wait3A_399 = arith.constant 0 : i32
        %dma_wait3A_400 = arith.constant 0 : i32
        %dma_wait3A_401 = tpu.memref_slice %arg3[%add3A, %dma_wait3A_398, %dma_wait3A_399, %dma_wait3A_400] : memref<32x16x10x64xi32, #tpu.memory_space<hbm>> -> memref<1x1x10x64xi32, #tpu.memory_space<hbm>>
        %dma_wait3A_402 = tpu.memref_squeeze %dma_wait3A_401 : memref<1x1x10x64xi32, #tpu.memory_space<hbm>> -> memref<10x64xi32, #tpu.memory_space<hbm>>
        %dma_wait3A_403 = arith.constant 0 : i32
        %dma_wait3A_404 = arith.constant 0 : i32
        %dma_wait3A_405 = tpu.memref_slice %arg3[%add3A, %dma_wait3A_398, %dma_wait3A_403, %dma_wait3A_404] : memref<32x16x10x64xi32, #tpu.memory_space<hbm>> -> memref<1x1x10x64xi32, #tpu.memory_space<hbm>>
        %dma_wait3A_406 = tpu.memref_squeeze %dma_wait3A_405 : memref<1x1x10x64xi32, #tpu.memory_space<hbm>> -> memref<10x64xi32, #tpu.memory_space<hbm>>
        tpu.wait_dma2 semaphore(%arg22 : memref<!tpu.dma_semaphore, #tpu.memory_space<semaphore_mem>>) src(%dma_wait3A_406 : memref<10x64xi32, #tpu.memory_space<hbm>>) dst(%arg7 : memref<10x64xi32, #tpu.memory_space<vmem>>)
        %dma_start3A_407 = arith.constant 0 : i32
        %dma_start3A_408 = arith.constant 0 : i32
        %dma_start3A_409 = tpu.memref_slice %arg7[%dma_start3A_407, %dma_start3A_408] : memref<10x64xi32, #tpu.memory_space<vmem>> -> memref<1x64xi32, #tpu.memory_space<vmem>>
        %dma_start3A_410 = tpu.memref_squeeze %dma_start3A_409 : memref<1x64xi32, #tpu.memory_space<vmem>> -> memref<64xi32, #tpu.memory_space<vmem>>
        %dma_start3A_411 = arith.constant 0 : i32
        %dma_start3A_412 = arith.constant 0 : i32
        %dma_start3A_413 = tpu.memref_slice %arg2[%dma_start3A_411, %dma_start3A_412] : memref<10000x128xf32, #tpu.memory_space<hbm>> -> memref<10000x128xf32, #tpu.memory_space<hbm>>
        tpu.enqueue_indirect_dma source(%dma_start3A_413 : memref<10000x128xf32, #tpu.memory_space<hbm>>) target(%arg11 : memref<64x128xf32, #tpu.memory_space<vmem>>) offsets(%dma_start3A_410 : memref<64xi32, #tpu.memory_space<vmem>>) semaphore(%arg17 : memref<!tpu.dma_semaphore, #tpu.memory_space<semaphore_mem>>)
      } else {
      }
      %dma_wait3A_340 = arith.constant 0 : i32
      %dma_wait3A_341 = arith.constant 0 : i32
      %dma_wait3A_342 = tpu.memref_slice %arg7[%dma_wait3A_340, %dma_wait3A_341] : memref<10x64xi32, #tpu.memory_space<vmem>> -> memref<1x64xi32, #tpu.memory_space<vmem>>
      %dma_wait3A_343 = tpu.memref_squeeze %dma_wait3A_342 : memref<1x64xi32, #tpu.memory_space<vmem>> -> memref<64xi32, #tpu.memory_space<vmem>>
      %dma_wait3A_344 = arith.constant 0 : i32
      %dma_wait3A_345 = arith.constant 0 : i32
      %dma_wait3A_346 = tpu.memref_slice %arg2[%dma_wait3A_344, %dma_wait3A_345] : memref<10000x128xf32, #tpu.memory_space<hbm>> -> memref<10000x128xf32, #tpu.memory_space<hbm>>
      tpu.wait_indirect_dma semaphore(%arg18 : memref<!tpu.dma_semaphore, #tpu.memory_space<semaphore_mem>>) src(%dma_wait3A_346 : memref<10000x128xf32, #tpu.memory_space<hbm>>) dst(%arg12 : memref<64x128xf32, #tpu.memory_space<vmem>>)
      %run_scoped3A_347 = arith.constant 6 : i32
      "tpu.region"() ({
        %run_scoped3A_398 = tpu.sem_alloc : memref<!tpu.dma_semaphore, #tpu.memory_space<semaphore_mem>>
        %dma_start3A_399 = arith.constant 0 : i32
        %dma_start3A_400 = tpu.memref_slice %arg10[%run_scoped3A_347, %dma_start3A_399] : memref<10x64xi32, #tpu.memory_space<vmem>> -> memref<1x64xi32, #tpu.memory_space<vmem>>
        %dma_start3A_401 = tpu.memref_squeeze %dma_start3A_400 : memref<1x64xi32, #tpu.memory_space<vmem>> -> memref<64xi32, #tpu.memory_space<vmem>>
        %dma_start3A_402 = arith.constant 0 : i32
        %dma_start3A_403 = arith.constant 0 : i32
        %dma_start3A_404 = tpu.memref_slice %arg16[%dma_start3A_402, %dma_start3A_403] : memref<10016x128xf32, #tpu.memory_space<vmem_shared>> -> memref<10016x128xf32, #tpu.memory_space<vmem_shared>>
        tpu.enqueue_indirect_dma source(%arg12 : memref<64x128xf32, #tpu.memory_space<vmem>>) target(%dma_start3A_404 : memref<10016x128xf32, #tpu.memory_space<vmem_shared>>) offsets(%dma_start3A_401 : memref<64xi32, #tpu.memory_space<vmem>>) semaphore(%run_scoped3A_398 : memref<!tpu.dma_semaphore, #tpu.memory_space<semaphore_mem>>) {add = true}
        %dma_wait3A_405 = arith.constant 0 : i32
        %dma_wait3A_406 = tpu.memref_slice %arg10[%run_scoped3A_347, %dma_wait3A_405] : memref<10x64xi32, #tpu.memory_space<vmem>> -> memref<1x64xi32, #tpu.memory_space<vmem>>
        %dma_wait3A_407 = tpu.memref_squeeze %dma_wait3A_406 : memref<1x64xi32, #tpu.memory_space<vmem>> -> memref<64xi32, #tpu.memory_space<vmem>>
        %dma_wait3A_408 = arith.constant 0 : i32
        %dma_wait3A_409 = arith.constant 0 : i32
        %dma_wait3A_410 = tpu.memref_slice %arg16[%dma_wait3A_408, %dma_wait3A_409] : memref<10016x128xf32, #tpu.memory_space<vmem_shared>> -> memref<10016x128xf32, #tpu.memory_space<vmem_shared>>
        tpu.wait_indirect_dma semaphore(%run_scoped3A_398 : memref<!tpu.dma_semaphore, #tpu.memory_space<semaphore_mem>>) src(%arg12 : memref<64x128xf32, #tpu.memory_space<vmem>>) dst(%dma_wait3A_410 : memref<10016x128xf32, #tpu.memory_space<vmem_shared>>)
        tpu.yield
      }) : () -> ()
      %lt3A_348 = arith.constant 7 : i32
      %lt3A_349 = arith.cmpi slt, %scan3A_70, %lt3A_348 : i32
      %convert_element_type3A_350 = arith.extui %lt3A_349 : i1 to i32
      %cond3A_351 = arith.constant 0 : i32
      %cond3A_352 = arith.cmpi ne, %convert_element_type3A_350, %cond3A_351 : i32
      scf.if %cond3A_352 {
        %dma_start3A_398 = arith.constant 1 : i32
        %dma_start3A_399 = arith.constant 0 : i32
        %dma_start3A_400 = tpu.memref_slice %arg7[%dma_start3A_398, %dma_start3A_399] : memref<10x64xi32, #tpu.memory_space<vmem>> -> memref<1x64xi32, #tpu.memory_space<vmem>>
        %dma_start3A_401 = tpu.memref_squeeze %dma_start3A_400 : memref<1x64xi32, #tpu.memory_space<vmem>> -> memref<64xi32, #tpu.memory_space<vmem>>
        %dma_start3A_402 = arith.constant 0 : i32
        %dma_start3A_403 = arith.constant 0 : i32
        %dma_start3A_404 = tpu.memref_slice %arg2[%dma_start3A_402, %dma_start3A_403] : memref<10000x128xf32, #tpu.memory_space<hbm>> -> memref<10000x128xf32, #tpu.memory_space<hbm>>
        tpu.enqueue_indirect_dma source(%dma_start3A_404 : memref<10000x128xf32, #tpu.memory_space<hbm>>) target(%arg12 : memref<64x128xf32, #tpu.memory_space<vmem>>) offsets(%dma_start3A_401 : memref<64xi32, #tpu.memory_space<vmem>>) semaphore(%arg18 : memref<!tpu.dma_semaphore, #tpu.memory_space<semaphore_mem>>)
      } else {
      }
      %dma_wait3A_353 = arith.constant 0 : i32
      %dma_wait3A_354 = arith.constant 0 : i32
      %dma_wait3A_355 = tpu.memref_slice %arg7[%dma_wait3A_353, %dma_wait3A_354] : memref<10x64xi32, #tpu.memory_space<vmem>> -> memref<1x64xi32, #tpu.memory_space<vmem>>
      %dma_wait3A_356 = tpu.memref_squeeze %dma_wait3A_355 : memref<1x64xi32, #tpu.memory_space<vmem>> -> memref<64xi32, #tpu.memory_space<vmem>>
      %dma_wait3A_357 = arith.constant 0 : i32
      %dma_wait3A_358 = arith.constant 0 : i32
      %dma_wait3A_359 = tpu.memref_slice %arg2[%dma_wait3A_357, %dma_wait3A_358] : memref<10000x128xf32, #tpu.memory_space<hbm>> -> memref<10000x128xf32, #tpu.memory_space<hbm>>
      tpu.wait_indirect_dma semaphore(%arg19 : memref<!tpu.dma_semaphore, #tpu.memory_space<semaphore_mem>>) src(%dma_wait3A_359 : memref<10000x128xf32, #tpu.memory_space<hbm>>) dst(%arg13 : memref<64x128xf32, #tpu.memory_space<vmem>>)
      %run_scoped3A_360 = arith.constant 7 : i32
      "tpu.region"() ({
        %run_scoped3A_398 = tpu.sem_alloc : memref<!tpu.dma_semaphore, #tpu.memory_space<semaphore_mem>>
        %dma_start3A_399 = arith.constant 0 : i32
        %dma_start3A_400 = tpu.memref_slice %arg10[%run_scoped3A_360, %dma_start3A_399] : memref<10x64xi32, #tpu.memory_space<vmem>> -> memref<1x64xi32, #tpu.memory_space<vmem>>
        %dma_start3A_401 = tpu.memref_squeeze %dma_start3A_400 : memref<1x64xi32, #tpu.memory_space<vmem>> -> memref<64xi32, #tpu.memory_space<vmem>>
        %dma_start3A_402 = arith.constant 0 : i32
        %dma_start3A_403 = arith.constant 0 : i32
        %dma_start3A_404 = tpu.memref_slice %arg16[%dma_start3A_402, %dma_start3A_403] : memref<10016x128xf32, #tpu.memory_space<vmem_shared>> -> memref<10016x128xf32, #tpu.memory_space<vmem_shared>>
        tpu.enqueue_indirect_dma source(%arg13 : memref<64x128xf32, #tpu.memory_space<vmem>>) target(%dma_start3A_404 : memref<10016x128xf32, #tpu.memory_space<vmem_shared>>) offsets(%dma_start3A_401 : memref<64xi32, #tpu.memory_space<vmem>>) semaphore(%run_scoped3A_398 : memref<!tpu.dma_semaphore, #tpu.memory_space<semaphore_mem>>) {add = true}
        %dma_wait3A_405 = arith.constant 0 : i32
        %dma_wait3A_406 = tpu.memref_slice %arg10[%run_scoped3A_360, %dma_wait3A_405] : memref<10x64xi32, #tpu.memory_space<vmem>> -> memref<1x64xi32, #tpu.memory_space<vmem>>
        %dma_wait3A_407 = tpu.memref_squeeze %dma_wait3A_406 : memref<1x64xi32, #tpu.memory_space<vmem>> -> memref<64xi32, #tpu.memory_space<vmem>>
        %dma_wait3A_408 = arith.constant 0 : i32
        %dma_wait3A_409 = arith.constant 0 : i32
        %dma_wait3A_410 = tpu.memref_slice %arg16[%dma_wait3A_408, %dma_wait3A_409] : memref<10016x128xf32, #tpu.memory_space<vmem_shared>> -> memref<10016x128xf32, #tpu.memory_space<vmem_shared>>
        tpu.wait_indirect_dma semaphore(%run_scoped3A_398 : memref<!tpu.dma_semaphore, #tpu.memory_space<semaphore_mem>>) src(%arg13 : memref<64x128xf32, #tpu.memory_space<vmem>>) dst(%dma_wait3A_410 : memref<10016x128xf32, #tpu.memory_space<vmem_shared>>)
        tpu.yield
      }) : () -> ()
      %lt3A_361 = arith.constant 7 : i32
      %lt3A_362 = arith.cmpi slt, %scan3A_70, %lt3A_361 : i32
      %convert_element_type3A_363 = arith.extui %lt3A_362 : i1 to i32
      %cond3A_364 = arith.constant 0 : i32
      %cond3A_365 = arith.cmpi ne, %convert_element_type3A_363, %cond3A_364 : i32
      scf.if %cond3A_365 {
        %dma_start3A_398 = arith.constant 2 : i32
        %dma_start3A_399 = arith.constant 0 : i32
        %dma_start3A_400 = tpu.memref_slice %arg7[%dma_start3A_398, %dma_start3A_399] : memref<10x64xi32, #tpu.memory_space<vmem>> -> memref<1x64xi32, #tpu.memory_space<vmem>>
        %dma_start3A_401 = tpu.memref_squeeze %dma_start3A_400 : memref<1x64xi32, #tpu.memory_space<vmem>> -> memref<64xi32, #tpu.memory_space<vmem>>
        %dma_start3A_402 = arith.constant 0 : i32
        %dma_start3A_403 = arith.constant 0 : i32
        %dma_start3A_404 = tpu.memref_slice %arg2[%dma_start3A_402, %dma_start3A_403] : memref<10000x128xf32, #tpu.memory_space<hbm>> -> memref<10000x128xf32, #tpu.memory_space<hbm>>
        tpu.enqueue_indirect_dma source(%dma_start3A_404 : memref<10000x128xf32, #tpu.memory_space<hbm>>) target(%arg13 : memref<64x128xf32, #tpu.memory_space<vmem>>) offsets(%dma_start3A_401 : memref<64xi32, #tpu.memory_space<vmem>>) semaphore(%arg19 : memref<!tpu.dma_semaphore, #tpu.memory_space<semaphore_mem>>)
      } else {
      }
      %dma_wait3A_366 = arith.constant 0 : i32
      %dma_wait3A_367 = arith.constant 0 : i32
      %dma_wait3A_368 = tpu.memref_slice %arg7[%dma_wait3A_366, %dma_wait3A_367] : memref<10x64xi32, #tpu.memory_space<vmem>> -> memref<1x64xi32, #tpu.memory_space<vmem>>
      %dma_wait3A_369 = tpu.memref_squeeze %dma_wait3A_368 : memref<1x64xi32, #tpu.memory_space<vmem>> -> memref<64xi32, #tpu.memory_space<vmem>>
      %dma_wait3A_370 = arith.constant 0 : i32
      %dma_wait3A_371 = arith.constant 0 : i32
      %dma_wait3A_372 = tpu.memref_slice %arg2[%dma_wait3A_370, %dma_wait3A_371] : memref<10000x128xf32, #tpu.memory_space<hbm>> -> memref<10000x128xf32, #tpu.memory_space<hbm>>
      tpu.wait_indirect_dma semaphore(%arg20 : memref<!tpu.dma_semaphore, #tpu.memory_space<semaphore_mem>>) src(%dma_wait3A_372 : memref<10000x128xf32, #tpu.memory_space<hbm>>) dst(%arg14 : memref<64x128xf32, #tpu.memory_space<vmem>>)
      %run_scoped3A_373 = arith.constant 8 : i32
      "tpu.region"() ({
        %run_scoped3A_398 = tpu.sem_alloc : memref<!tpu.dma_semaphore, #tpu.memory_space<semaphore_mem>>
        %dma_start3A_399 = arith.constant 0 : i32
        %dma_start3A_400 = tpu.memref_slice %arg10[%run_scoped3A_373, %dma_start3A_399] : memref<10x64xi32, #tpu.memory_space<vmem>> -> memref<1x64xi32, #tpu.memory_space<vmem>>
        %dma_start3A_401 = tpu.memref_squeeze %dma_start3A_400 : memref<1x64xi32, #tpu.memory_space<vmem>> -> memref<64xi32, #tpu.memory_space<vmem>>
        %dma_start3A_402 = arith.constant 0 : i32
        %dma_start3A_403 = arith.constant 0 : i32
        %dma_start3A_404 = tpu.memref_slice %arg16[%dma_start3A_402, %dma_start3A_403] : memref<10016x128xf32, #tpu.memory_space<vmem_shared>> -> memref<10016x128xf32, #tpu.memory_space<vmem_shared>>
        tpu.enqueue_indirect_dma source(%arg14 : memref<64x128xf32, #tpu.memory_space<vmem>>) target(%dma_start3A_404 : memref<10016x128xf32, #tpu.memory_space<vmem_shared>>) offsets(%dma_start3A_401 : memref<64xi32, #tpu.memory_space<vmem>>) semaphore(%run_scoped3A_398 : memref<!tpu.dma_semaphore, #tpu.memory_space<semaphore_mem>>) {add = true}
        %dma_wait3A_405 = arith.constant 0 : i32
        %dma_wait3A_406 = tpu.memref_slice %arg10[%run_scoped3A_373, %dma_wait3A_405] : memref<10x64xi32, #tpu.memory_space<vmem>> -> memref<1x64xi32, #tpu.memory_space<vmem>>
        %dma_wait3A_407 = tpu.memref_squeeze %dma_wait3A_406 : memref<1x64xi32, #tpu.memory_space<vmem>> -> memref<64xi32, #tpu.memory_space<vmem>>
        %dma_wait3A_408 = arith.constant 0 : i32
        %dma_wait3A_409 = arith.constant 0 : i32
        %dma_wait3A_410 = tpu.memref_slice %arg16[%dma_wait3A_408, %dma_wait3A_409] : memref<10016x128xf32, #tpu.memory_space<vmem_shared>> -> memref<10016x128xf32, #tpu.memory_space<vmem_shared>>
        tpu.wait_indirect_dma semaphore(%run_scoped3A_398 : memref<!tpu.dma_semaphore, #tpu.memory_space<semaphore_mem>>) src(%arg14 : memref<64x128xf32, #tpu.memory_space<vmem>>) dst(%dma_wait3A_410 : memref<10016x128xf32, #tpu.memory_space<vmem_shared>>)
        tpu.yield
      }) : () -> ()
      %lt3A_374 = arith.constant 7 : i32
      %lt3A_375 = arith.cmpi slt, %scan3A_70, %lt3A_374 : i32
      %convert_element_type3A_376 = arith.extui %lt3A_375 : i1 to i32
      %cond3A_377 = arith.constant 0 : i32
      %cond3A_378 = arith.cmpi ne, %convert_element_type3A_376, %cond3A_377 : i32
      scf.if %cond3A_378 {
        %dma_start3A_398 = arith.constant 3 : i32
        %dma_start3A_399 = arith.constant 0 : i32
        %dma_start3A_400 = tpu.memref_slice %arg7[%dma_start3A_398, %dma_start3A_399] : memref<10x64xi32, #tpu.memory_space<vmem>> -> memref<1x64xi32, #tpu.memory_space<vmem>>
        %dma_start3A_401 = tpu.memref_squeeze %dma_start3A_400 : memref<1x64xi32, #tpu.memory_space<vmem>> -> memref<64xi32, #tpu.memory_space<vmem>>
        %dma_start3A_402 = arith.constant 0 : i32
        %dma_start3A_403 = arith.constant 0 : i32
        %dma_start3A_404 = tpu.memref_slice %arg2[%dma_start3A_402, %dma_start3A_403] : memref<10000x128xf32, #tpu.memory_space<hbm>> -> memref<10000x128xf32, #tpu.memory_space<hbm>>
        tpu.enqueue_indirect_dma source(%dma_start3A_404 : memref<10000x128xf32, #tpu.memory_space<hbm>>) target(%arg14 : memref<64x128xf32, #tpu.memory_space<vmem>>) offsets(%dma_start3A_401 : memref<64xi32, #tpu.memory_space<vmem>>) semaphore(%arg20 : memref<!tpu.dma_semaphore, #tpu.memory_space<semaphore_mem>>)
      } else {
      }
      %dma_wait3A_379 = arith.constant 0 : i32
      %dma_wait3A_380 = arith.constant 0 : i32
      %dma_wait3A_381 = tpu.memref_slice %arg7[%dma_wait3A_379, %dma_wait3A_380] : memref<10x64xi32, #tpu.memory_space<vmem>> -> memref<1x64xi32, #tpu.memory_space<vmem>>
      %dma_wait3A_382 = tpu.memref_squeeze %dma_wait3A_381 : memref<1x64xi32, #tpu.memory_space<vmem>> -> memref<64xi32, #tpu.memory_space<vmem>>
      %dma_wait3A_383 = arith.constant 0 : i32
      %dma_wait3A_384 = arith.constant 0 : i32
      %dma_wait3A_385 = tpu.memref_slice %arg2[%dma_wait3A_383, %dma_wait3A_384] : memref<10000x128xf32, #tpu.memory_space<hbm>> -> memref<10000x128xf32, #tpu.memory_space<hbm>>
      tpu.wait_indirect_dma semaphore(%arg21 : memref<!tpu.dma_semaphore, #tpu.memory_space<semaphore_mem>>) src(%dma_wait3A_385 : memref<10000x128xf32, #tpu.memory_space<hbm>>) dst(%arg15 : memref<64x128xf32, #tpu.memory_space<vmem>>)
      %run_scoped3A_386 = arith.constant 9 : i32
      "tpu.region"() ({
        %run_scoped3A_398 = tpu.sem_alloc : memref<!tpu.dma_semaphore, #tpu.memory_space<semaphore_mem>>
        %dma_start3A_399 = arith.constant 0 : i32
        %dma_start3A_400 = tpu.memref_slice %arg10[%run_scoped3A_386, %dma_start3A_399] : memref<10x64xi32, #tpu.memory_space<vmem>> -> memref<1x64xi32, #tpu.memory_space<vmem>>
        %dma_start3A_401 = tpu.memref_squeeze %dma_start3A_400 : memref<1x64xi32, #tpu.memory_space<vmem>> -> memref<64xi32, #tpu.memory_space<vmem>>
        %dma_start3A_402 = arith.constant 0 : i32
        %dma_start3A_403 = arith.constant 0 : i32
        %dma_start3A_404 = tpu.memref_slice %arg16[%dma_start3A_402, %dma_start3A_403] : memref<10016x128xf32, #tpu.memory_space<vmem_shared>> -> memref<10016x128xf32, #tpu.memory_space<vmem_shared>>
        tpu.enqueue_indirect_dma source(%arg15 : memref<64x128xf32, #tpu.memory_space<vmem>>) target(%dma_start3A_404 : memref<10016x128xf32, #tpu.memory_space<vmem_shared>>) offsets(%dma_start3A_401 : memref<64xi32, #tpu.memory_space<vmem>>) semaphore(%run_scoped3A_398 : memref<!tpu.dma_semaphore, #tpu.memory_space<semaphore_mem>>) {add = true}
        %dma_wait3A_405 = arith.constant 0 : i32
        %dma_wait3A_406 = tpu.memref_slice %arg10[%run_scoped3A_386, %dma_wait3A_405] : memref<10x64xi32, #tpu.memory_space<vmem>> -> memref<1x64xi32, #tpu.memory_space<vmem>>
        %dma_wait3A_407 = tpu.memref_squeeze %dma_wait3A_406 : memref<1x64xi32, #tpu.memory_space<vmem>> -> memref<64xi32, #tpu.memory_space<vmem>>
        %dma_wait3A_408 = arith.constant 0 : i32
        %dma_wait3A_409 = arith.constant 0 : i32
        %dma_wait3A_410 = tpu.memref_slice %arg16[%dma_wait3A_408, %dma_wait3A_409] : memref<10016x128xf32, #tpu.memory_space<vmem_shared>> -> memref<10016x128xf32, #tpu.memory_space<vmem_shared>>
        tpu.wait_indirect_dma semaphore(%run_scoped3A_398 : memref<!tpu.dma_semaphore, #tpu.memory_space<semaphore_mem>>) src(%arg15 : memref<64x128xf32, #tpu.memory_space<vmem>>) dst(%dma_wait3A_410 : memref<10016x128xf32, #tpu.memory_space<vmem_shared>>)
        tpu.yield
      }) : () -> ()
      %lt3A_387 = arith.constant 7 : i32
      %lt3A_388 = arith.cmpi slt, %scan3A_70, %lt3A_387 : i32
      %convert_element_type3A_389 = arith.extui %lt3A_388 : i1 to i32
      %cond3A_390 = arith.constant 0 : i32
      %cond3A_391 = arith.cmpi ne, %convert_element_type3A_389, %cond3A_390 : i32
      scf.if %cond3A_391 {
        %dma_start3A_398 = arith.constant 4 : i32
        %dma_start3A_399 = arith.constant 0 : i32
        %dma_start3A_400 = tpu.memref_slice %arg7[%dma_start3A_398, %dma_start3A_399] : memref<10x64xi32, #tpu.memory_space<vmem>> -> memref<1x64xi32, #tpu.memory_space<vmem>>
        %dma_start3A_401 = tpu.memref_squeeze %dma_start3A_400 : memref<1x64xi32, #tpu.memory_space<vmem>> -> memref<64xi32, #tpu.memory_space<vmem>>
        %dma_start3A_402 = arith.constant 0 : i32
        %dma_start3A_403 = arith.constant 0 : i32
        %dma_start3A_404 = tpu.memref_slice %arg2[%dma_start3A_402, %dma_start3A_403] : memref<10000x128xf32, #tpu.memory_space<hbm>> -> memref<10000x128xf32, #tpu.memory_space<hbm>>
        tpu.enqueue_indirect_dma source(%dma_start3A_404 : memref<10000x128xf32, #tpu.memory_space<hbm>>) target(%arg15 : memref<64x128xf32, #tpu.memory_space<vmem>>) offsets(%dma_start3A_401 : memref<64xi32, #tpu.memory_space<vmem>>) semaphore(%arg21 : memref<!tpu.dma_semaphore, #tpu.memory_space<semaphore_mem>>)
      } else {
      }
      %lt3A_392 = arith.constant 7 : i32
      %lt3A_393 = arith.cmpi slt, %scan3A_70, %lt3A_392 : i32
      %convert_element_type3A_394 = arith.extui %lt3A_393 : i1 to i32
      %cond3A_395 = arith.constant 0 : i32
      %cond3A_396 = arith.cmpi ne, %convert_element_type3A_394, %cond3A_395 : i32
      scf.if %cond3A_396 {
        %mul3A_398 = arith.constant 2 : i32
        %mul3A_399 = arith.muli %mul3A_398, %scan3A_70 : i32
        %add3A_400 = arith.constant 3 : i32
        %add3A_401 = arith.addi %mul3A_399, %add3A_400 : i32
        %dma_start3A_402 = arith.constant 0 : i32
        %dma_start3A_403 = arith.constant 0 : i32
        %dma_start3A_404 = tpu.memref_slice %arg3[%add3A, %add3A_401, %dma_start3A_402, %dma_start3A_403] : memref<32x16x10x64xi32, #tpu.memory_space<hbm>> -> memref<1x1x10x64xi32, #tpu.memory_space<hbm>>
        %dma_start3A_405 = tpu.memref_squeeze %dma_start3A_404 : memref<1x1x10x64xi32, #tpu.memory_space<hbm>> -> memref<10x64xi32, #tpu.memory_space<hbm>>
        %dma_start3A_406 = arith.constant 0 : i32
        %dma_start3A_407 = arith.constant 0 : i32
        %dma_start3A_408 = tpu.memref_slice %arg3[%add3A, %add3A_401, %dma_start3A_406, %dma_start3A_407] : memref<32x16x10x64xi32, #tpu.memory_space<hbm>> -> memref<1x1x10x64xi32, #tpu.memory_space<hbm>>
        %dma_start3A_409 = tpu.memref_squeeze %dma_start3A_408 : memref<1x1x10x64xi32, #tpu.memory_space<hbm>> -> memref<10x64xi32, #tpu.memory_space<hbm>>
        tpu.enqueue_dma source(%dma_start3A_409 : memref<10x64xi32, #tpu.memory_space<hbm>>) target(%arg8 : memref<10x64xi32, #tpu.memory_space<vmem>>) target_semaphore(%arg22 : memref<!tpu.dma_semaphore, #tpu.memory_space<semaphore_mem>>)
        %mul3A_410 = arith.constant 2 : i32
        %mul3A_411 = arith.muli %mul3A_410, %scan3A_70 : i32
        %add3A_412 = arith.constant 3 : i32
        %add3A_413 = arith.addi %mul3A_411, %add3A_412 : i32
        %dma_start3A_414 = arith.constant 0 : i32
        %dma_start3A_415 = arith.constant 0 : i32
        %dma_start3A_416 = tpu.memref_slice %arg4[%add3A, %add3A_413, %dma_start3A_414, %dma_start3A_415] : memref<32x16x10x64xi32, #tpu.memory_space<hbm>> -> memref<1x1x10x64xi32, #tpu.memory_space<hbm>>
        %dma_start3A_417 = tpu.memref_squeeze %dma_start3A_416 : memref<1x1x10x64xi32, #tpu.memory_space<hbm>> -> memref<10x64xi32, #tpu.memory_space<hbm>>
        %dma_start3A_418 = arith.constant 0 : i32
        %dma_start3A_419 = arith.constant 0 : i32
        %dma_start3A_420 = tpu.memref_slice %arg4[%add3A, %add3A_413, %dma_start3A_418, %dma_start3A_419] : memref<32x16x10x64xi32, #tpu.memory_space<hbm>> -> memref<1x1x10x64xi32, #tpu.memory_space<hbm>>
        %dma_start3A_421 = tpu.memref_squeeze %dma_start3A_420 : memref<1x1x10x64xi32, #tpu.memory_space<hbm>> -> memref<10x64xi32, #tpu.memory_space<hbm>>
        tpu.enqueue_dma source(%dma_start3A_421 : memref<10x64xi32, #tpu.memory_space<hbm>>) target(%arg10 : memref<10x64xi32, #tpu.memory_space<vmem>>) target_semaphore(%arg22 : memref<!tpu.dma_semaphore, #tpu.memory_space<semaphore_mem>>)
      } else {
      }
      %scan3A_397 = arith.constant 0 : i32
      scf.yield %scan3A_397 : i32
    }
    %scan3A_63 = arith.constant 8 : i32
    %barrier3A_64 = arith.constant 0 : index
    tpu.barrier barrier_id(%barrier3A_64)
    "tpu.region"() ({
      %run_scoped3A_70 = tpu.sem_alloc : memref<!tpu.dma_semaphore, #tpu.memory_space<semaphore_mem>>
      %dma_start3A_71 = arith.constant 0 : i32
      %dma_start3A_72 = tpu.memref_slice %arg6[%arg0, %mul3A_2, %dma_start3A_71] : memref<2x10000x128xf32, #tpu.memory_space<hbm>> -> memref<1x624x128xf32, #tpu.memory_space<hbm>>
      %dma_start3A_73 = tpu.memref_squeeze %dma_start3A_72 : memref<1x624x128xf32, #tpu.memory_space<hbm>> -> memref<624x128xf32, #tpu.memory_space<hbm>>
      %dma_start3A_74 = arith.constant 0 : i32
      %dma_start3A_75 = tpu.memref_slice %arg16[%mul3A_2, %dma_start3A_74] : memref<10016x128xf32, #tpu.memory_space<vmem_shared>> -> memref<624x128xf32, #tpu.memory_space<vmem_shared>>
      tpu.enqueue_dma source(%dma_start3A_75 : memref<624x128xf32, #tpu.memory_space<vmem_shared>>) target(%dma_start3A_73 : memref<624x128xf32, #tpu.memory_space<hbm>>) target_semaphore(%run_scoped3A_70 : memref<!tpu.dma_semaphore, #tpu.memory_space<semaphore_mem>>)
      %dma_wait3A = arith.constant 0 : i32
      %dma_wait3A_76 = tpu.memref_slice %arg6[%arg0, %mul3A_2, %dma_wait3A] : memref<2x10000x128xf32, #tpu.memory_space<hbm>> -> memref<1x624x128xf32, #tpu.memory_space<hbm>>
      %dma_wait3A_77 = tpu.memref_squeeze %dma_wait3A_76 : memref<1x624x128xf32, #tpu.memory_space<hbm>> -> memref<624x128xf32, #tpu.memory_space<hbm>>
      %dma_wait3A_78 = arith.constant 0 : i32
      %dma_wait3A_79 = tpu.memref_slice %arg16[%mul3A_2, %dma_wait3A_78] : memref<10016x128xf32, #tpu.memory_space<vmem_shared>> -> memref<624x128xf32, #tpu.memory_space<vmem_shared>>
      tpu.wait_dma2 semaphore(%run_scoped3A_70 : memref<!tpu.dma_semaphore, #tpu.memory_space<semaphore_mem>>) src(%dma_wait3A_79 : memref<624x128xf32, #tpu.memory_space<vmem_shared>>) dst(%dma_wait3A_77 : memref<624x128xf32, #tpu.memory_space<hbm>>)
      tpu.yield
    }) : () -> ()
    %eq3A_65 = arith.constant 15 : i32
    %eq3A_66 = arith.cmpi eq, %arg1, %eq3A_65 : i32
    %convert_element_type3A_67 = arith.extui %eq3A_66 : i1 to i32
    %cond3A_68 = arith.constant 0 : i32
    %cond3A_69 = arith.cmpi ne, %convert_element_type3A_67, %cond3A_68 : i32
    scf.if %cond3A_69 {
      "tpu.region"() ({
        %run_scoped3A_70 = tpu.sem_alloc : memref<!tpu.dma_semaphore, #tpu.memory_space<semaphore_mem>>
        %dma_start3A_71 = arith.constant 9984 : i32
        %dma_start3A_72 = arith.constant 0 : i32
        %dma_start3A_73 = tpu.memref_slice %arg6[%arg0, %dma_start3A_71, %dma_start3A_72] : memref<2x10000x128xf32, #tpu.memory_space<hbm>> -> memref<1x16x128xf32, #tpu.memory_space<hbm>>
        %dma_start3A_74 = tpu.memref_squeeze %dma_start3A_73 : memref<1x16x128xf32, #tpu.memory_space<hbm>> -> memref<16x128xf32, #tpu.memory_space<hbm>>
        %dma_start3A_75 = arith.constant 9984 : i32
        %dma_start3A_76 = arith.constant 0 : i32
        %dma_start3A_77 = tpu.memref_slice %arg16[%dma_start3A_75, %dma_start3A_76] : memref<10016x128xf32, #tpu.memory_space<vmem_shared>> -> memref<16x128xf32, #tpu.memory_space<vmem_shared>>
        tpu.enqueue_dma source(%dma_start3A_77 : memref<16x128xf32, #tpu.memory_space<vmem_shared>>) target(%dma_start3A_74 : memref<16x128xf32, #tpu.memory_space<hbm>>) target_semaphore(%run_scoped3A_70 : memref<!tpu.dma_semaphore, #tpu.memory_space<semaphore_mem>>)
        %dma_wait3A = arith.constant 9984 : i32
        %dma_wait3A_78 = arith.constant 0 : i32
        %dma_wait3A_79 = tpu.memref_slice %arg6[%arg0, %dma_wait3A, %dma_wait3A_78] : memref<2x10000x128xf32, #tpu.memory_space<hbm>> -> memref<1x16x128xf32, #tpu.memory_space<hbm>>
        %dma_wait3A_80 = tpu.memref_squeeze %dma_wait3A_79 : memref<1x16x128xf32, #tpu.memory_space<hbm>> -> memref<16x128xf32, #tpu.memory_space<hbm>>
        %dma_wait3A_81 = arith.constant 9984 : i32
        %dma_wait3A_82 = arith.constant 0 : i32
        %dma_wait3A_83 = tpu.memref_slice %arg16[%dma_wait3A_81, %dma_wait3A_82] : memref<10016x128xf32, #tpu.memory_space<vmem_shared>> -> memref<16x128xf32, #tpu.memory_space<vmem_shared>>
        tpu.wait_dma2 semaphore(%run_scoped3A_70 : memref<!tpu.dma_semaphore, #tpu.memory_space<semaphore_mem>>) src(%dma_wait3A_83 : memref<16x128xf32, #tpu.memory_space<vmem_shared>>) dst(%dma_wait3A_80 : memref<16x128xf32, #tpu.memory_space<hbm>>)
        tpu.yield
      }) : () -> ()
    } else {
    }
    return
  }
}

#map = affine_map<(d0, d1) -> (0, 0)>
#map1 = affine_map<(d0, d1) -> (0, 0, 0, 0)>
#map2 = affine_map<(d0, d1) -> (0, 0, 0)>
module attributes {stable_mosaic.version = 14 : i64} {
  func.func @_segsum_sc(%arg0: i32, %arg1: i32, %arg2: memref<10000x128xf32, #tpu.memory_space<hbm>>, %arg3: memref<32x16x10x64xi32, #tpu.memory_space<hbm>>, %arg4: memref<32x16x10x64xi32, #tpu.memory_space<hbm>>, %arg5: memref<10016x128xf32, #tpu.memory_space<hbm>>, %arg6: memref<2x10000x128xf32, #tpu.memory_space<hbm>>, %arg7: memref<10x64xi32, #tpu.memory_space<vmem>>, %arg8: memref<10x64xi32, #tpu.memory_space<vmem>>, %arg9: memref<10x64xi32, #tpu.memory_space<vmem>>, %arg10: memref<10x64xi32, #tpu.memory_space<vmem>>, %arg11: memref<64x128xf32, #tpu.memory_space<vmem>>, %arg12: memref<64x128xf32, #tpu.memory_space<vmem>>, %arg13: memref<64x128xf32, #tpu.memory_space<vmem>>, %arg14: memref<64x128xf32, #tpu.memory_space<vmem>>, %arg15: memref<64x128xf32, #tpu.memory_space<vmem>>, %arg16: memref<10016x128xf32, #tpu.memory_space<vmem_shared>>, %arg17: memref<!tpu.dma_semaphore, #tpu.memory_space<semaphore_mem>>, %arg18: memref<!tpu.dma_semaphore, #tpu.memory_space<semaphore_mem>>, %arg19: memref<!tpu.dma_semaphore, #tpu.memory_space<semaphore_mem>>, %arg20: memref<!tpu.dma_semaphore, #tpu.memory_space<semaphore_mem>>, %arg21: memref<!tpu.dma_semaphore, #tpu.memory_space<semaphore_mem>>, %arg22: memref<!tpu.dma_semaphore, #tpu.memory_space<semaphore_mem>>) attributes {dimension_semantics = [#tpu.dimension_semantics<core_parallel>, #tpu.dimension_semantics<subcore_parallel>], iteration_bounds = array<i64: 2, 16>, scalar_prefetch = 0 : i64, scratch_operands = 16 : i64, tpu.core_type = #tpu.core_type<sc_vector_subcore>, window_params = [{transform_indices = #map}, {transform_indices = #map1}, {transform_indices = #map1}, {transform_indices = #map}, {transform_indices = #map2}]} {
    %mul3A = arith.constant 16 : i32
    %mul3A_0 = arith.muli %arg0, %mul3A : i32
    %add3A = arith.addi %mul3A_0, %arg1 : i32
    %mul3A_1 = arith.constant 624 : i32
    %mul3A_2 = arith.muli %arg1, %mul3A_1 : i32
    "tpu.region"() ({
      %run_scoped3A_70 = tpu.sem_alloc : memref<!tpu.dma_semaphore, #tpu.memory_space<semaphore_mem>>
      %dma_start3A_71 = arith.constant 0 : i32
      %dma_start3A_72 = tpu.memref_slice %arg16[%mul3A_2, %dma_start3A_71] : memref<10016x128xf32, #tpu.memory_space<vmem_shared>> -> memref<624x128xf32, #tpu.memory_space<vmem_shared>>
      %dma_start3A_73 = arith.constant 0 : i32
      %dma_start3A_74 = tpu.memref_slice %arg5[%mul3A_2, %dma_start3A_73] : memref<10016x128xf32, #tpu.memory_space<hbm>> -> memref<624x128xf32, #tpu.memory_space<hbm>>
      tpu.enqueue_dma source(%dma_start3A_74 : memref<624x128xf32, #tpu.memory_space<hbm>>) target(%dma_start3A_72 : memref<624x128xf32, #tpu.memory_space<vmem_shared>>) target_semaphore(%run_scoped3A_70 : memref<!tpu.dma_semaphore, #tpu.memory_space<semaphore_mem>>)
      %dma_wait3A = arith.constant 0 : i32
      %dma_wait3A_75 = tpu.memref_slice %arg16[%mul3A_2, %dma_wait3A] : memref<10016x128xf32, #tpu.memory_space<vmem_shared>> -> memref<624x128xf32, #tpu.memory_space<vmem_shared>>
      %dma_wait3A_76 = arith.constant 0 : i32
      %dma_wait3A_77 = tpu.memref_slice %arg5[%mul3A_2, %dma_wait3A_76] : memref<10016x128xf32, #tpu.memory_space<hbm>> -> memref<624x128xf32, #tpu.memory_space<hbm>>
      tpu.wait_dma2 semaphore(%run_scoped3A_70 : memref<!tpu.dma_semaphore, #tpu.memory_space<semaphore_mem>>) src(%dma_wait3A_77 : memref<624x128xf32, #tpu.memory_space<hbm>>) dst(%dma_wait3A_75 : memref<624x128xf32, #tpu.memory_space<vmem_shared>>)
      tpu.yield
    }) : () -> ()
    %eq3A = arith.constant 15 : i32
    %eq3A_3 = arith.cmpi eq, %arg1, %eq3A : i32
    %convert_element_type3A = arith.extui %eq3A_3 : i1 to i32
    %cond3A = arith.constant 0 : i32
    %cond3A_4 = arith.cmpi ne, %convert_element_type3A, %cond3A : i32
    scf.if %cond3A_4 {
      "tpu.region"() ({
        %run_scoped3A_70 = tpu.sem_alloc : memref<!tpu.dma_semaphore, #tpu.memory_space<semaphore_mem>>
        %dma_start3A_71 = arith.constant 9984 : i32
        %dma_start3A_72 = arith.constant 0 : i32
        %dma_start3A_73 = tpu.memref_slice %arg16[%dma_start3A_71, %dma_start3A_72] : memref<10016x128xf32, #tpu.memory_space<vmem_shared>> -> memref<32x128xf32, #tpu.memory_space<vmem_shared>>
        %dma_start3A_74 = arith.constant 9984 : i32
        %dma_start3A_75 = arith.constant 0 : i32
        %dma_start3A_76 = tpu.memref_slice %arg5[%dma_start3A_74, %dma_start3A_75] : memref<10016x128xf32, #tpu.memory_space<hbm>> -> memref<32x128xf32, #tpu.memory_space<hbm>>
        tpu.enqueue_dma source(%dma_start3A_76 : memref<32x128xf32, #tpu.memory_space<hbm>>) target(%dma_start3A_73 : memref<32x128xf32, #tpu.memory_space<vmem_shared>>) target_semaphore(%run_scoped3A_70 : memref<!tpu.dma_semaphore, #tpu.memory_space<semaphore_mem>>)
        %dma_wait3A = arith.constant 9984 : i32
        %dma_wait3A_77 = arith.constant 0 : i32
        %dma_wait3A_78 = tpu.memref_slice %arg16[%dma_wait3A, %dma_wait3A_77] : memref<10016x128xf32, #tpu.memory_space<vmem_shared>> -> memref<32x128xf32, #tpu.memory_space<vmem_shared>>
        %dma_wait3A_79 = arith.constant 9984 : i32
        %dma_wait3A_80 = arith.constant 0 : i32
        %dma_wait3A_81 = tpu.memref_slice %arg5[%dma_wait3A_79, %dma_wait3A_80] : memref<10016x128xf32, #tpu.memory_space<hbm>> -> memref<32x128xf32, #tpu.memory_space<hbm>>
        tpu.wait_dma2 semaphore(%run_scoped3A_70 : memref<!tpu.dma_semaphore, #tpu.memory_space<semaphore_mem>>) src(%dma_wait3A_81 : memref<32x128xf32, #tpu.memory_space<hbm>>) dst(%dma_wait3A_78 : memref<32x128xf32, #tpu.memory_space<vmem_shared>>)
        tpu.yield
      }) : () -> ()
    } else {
    }
    %run_scoped3A = arith.constant 0 : i32
    "tpu.region"() ({
      %run_scoped3A_70 = tpu.sem_alloc : memref<!tpu.dma_semaphore, #tpu.memory_space<semaphore_mem>>
      %dma_start3A_71 = arith.constant 0 : i32
      %dma_start3A_72 = arith.constant 0 : i32
      %dma_start3A_73 = tpu.memref_slice %arg3[%add3A, %run_scoped3A, %dma_start3A_71, %dma_start3A_72] : memref<32x16x10x64xi32, #tpu.memory_space<hbm>> -> memref<1x1x10x64xi32, #tpu.memory_space<hbm>>
      %dma_start3A_74 = tpu.memref_squeeze %dma_start3A_73 : memref<1x1x10x64xi32, #tpu.memory_space<hbm>> -> memref<10x64xi32, #tpu.memory_space<hbm>>
      %dma_start3A_75 = arith.constant 0 : i32
      %dma_start3A_76 = arith.constant 0 : i32
      %dma_start3A_77 = tpu.memref_slice %arg3[%add3A, %run_scoped3A, %dma_start3A_75, %dma_start3A_76] : memref<32x16x10x64xi32, #tpu.memory_space<hbm>> -> memref<1x1x10x64xi32, #tpu.memory_space<hbm>>
      %dma_start3A_78 = tpu.memref_squeeze %dma_start3A_77 : memref<1x1x10x64xi32, #tpu.memory_space<hbm>> -> memref<10x64xi32, #tpu.memory_space<hbm>>
      tpu.enqueue_dma source(%dma_start3A_78 : memref<10x64xi32, #tpu.memory_space<hbm>>) target(%arg7 : memref<10x64xi32, #tpu.memory_space<vmem>>) target_semaphore(%run_scoped3A_70 : memref<!tpu.dma_semaphore, #tpu.memory_space<semaphore_mem>>)
      %dma_wait3A = arith.constant 0 : i32
      %dma_wait3A_79 = arith.constant 0 : i32
      %dma_wait3A_80 = tpu.memref_slice %arg3[%add3A, %run_scoped3A, %dma_wait3A, %dma_wait3A_79] : memref<32x16x10x64xi32, #tpu.memory_space<hbm>> -> memref<1x1x10x64xi32, #tpu.memory_space<hbm>>
      %dma_wait3A_81 = tpu.memref_squeeze %dma_wait3A_80 : memref<1x1x10x64xi32, #tpu.memory_space<hbm>> -> memref<10x64xi32, #tpu.memory_space<hbm>>
      %dma_wait3A_82 = arith.constant 0 : i32
      %dma_wait3A_83 = arith.constant 0 : i32
      %dma_wait3A_84 = tpu.memref_slice %arg3[%add3A, %run_scoped3A, %dma_wait3A_82, %dma_wait3A_83] : memref<32x16x10x64xi32, #tpu.memory_space<hbm>> -> memref<1x1x10x64xi32, #tpu.memory_space<hbm>>
      %dma_wait3A_85 = tpu.memref_squeeze %dma_wait3A_84 : memref<1x1x10x64xi32, #tpu.memory_space<hbm>> -> memref<10x64xi32, #tpu.memory_space<hbm>>
      tpu.wait_dma2 semaphore(%run_scoped3A_70 : memref<!tpu.dma_semaphore, #tpu.memory_space<semaphore_mem>>) src(%dma_wait3A_85 : memref<10x64xi32, #tpu.memory_space<hbm>>) dst(%arg7 : memref<10x64xi32, #tpu.memory_space<vmem>>)
      tpu.yield
    }) : () -> ()
    %run_scoped3A_5 = arith.constant 0 : i32
    "tpu.region"() ({
      %run_scoped3A_70 = tpu.sem_alloc : memref<!tpu.dma_semaphore, #tpu.memory_space<semaphore_mem>>
      %dma_start3A_71 = arith.constant 0 : i32
      %dma_start3A_72 = arith.constant 0 : i32
      %dma_start3A_73 = tpu.memref_slice %arg4[%add3A, %run_scoped3A_5, %dma_start3A_71, %dma_start3A_72] : memref<32x16x10x64xi32, #tpu.memory_space<hbm>> -> memref<1x1x10x64xi32, #tpu.memory_space<hbm>>
      %dma_start3A_74 = tpu.memref_squeeze %dma_start3A_73 : memref<1x1x10x64xi32, #tpu.memory_space<hbm>> -> memref<10x64xi32, #tpu.memory_space<hbm>>
      %dma_start3A_75 = arith.constant 0 : i32
      %dma_start3A_76 = arith.constant 0 : i32
      %dma_start3A_77 = tpu.memref_slice %arg4[%add3A, %run_scoped3A_5, %dma_start3A_75, %dma_start3A_76] : memref<32x16x10x64xi32, #tpu.memory_space<hbm>> -> memref<1x1x10x64xi32, #tpu.memory_space<hbm>>
      %dma_start3A_78 = tpu.memref_squeeze %dma_start3A_77 : memref<1x1x10x64xi32, #tpu.memory_space<hbm>> -> memref<10x64xi32, #tpu.memory_space<hbm>>
      tpu.enqueue_dma source(%dma_start3A_78 : memref<10x64xi32, #tpu.memory_space<hbm>>) target(%arg9 : memref<10x64xi32, #tpu.memory_space<vmem>>) target_semaphore(%run_scoped3A_70 : memref<!tpu.dma_semaphore, #tpu.memory_space<semaphore_mem>>)
      %dma_wait3A = arith.constant 0 : i32
      %dma_wait3A_79 = arith.constant 0 : i32
      %dma_wait3A_80 = tpu.memref_slice %arg4[%add3A, %run_scoped3A_5, %dma_wait3A, %dma_wait3A_79] : memref<32x16x10x64xi32, #tpu.memory_space<hbm>> -> memref<1x1x10x64xi32, #tpu.memory_space<hbm>>
      %dma_wait3A_81 = tpu.memref_squeeze %dma_wait3A_80 : memref<1x1x10x64xi32, #tpu.memory_space<hbm>> -> memref<10x64xi32, #tpu.memory_space<hbm>>
      %dma_wait3A_82 = arith.constant 0 : i32
      %dma_wait3A_83 = arith.constant 0 : i32
      %dma_wait3A_84 = tpu.memref_slice %arg4[%add3A, %run_scoped3A_5, %dma_wait3A_82, %dma_wait3A_83] : memref<32x16x10x64xi32, #tpu.memory_space<hbm>> -> memref<1x1x10x64xi32, #tpu.memory_space<hbm>>
      %dma_wait3A_85 = tpu.memref_squeeze %dma_wait3A_84 : memref<1x1x10x64xi32, #tpu.memory_space<hbm>> -> memref<10x64xi32, #tpu.memory_space<hbm>>
      tpu.wait_dma2 semaphore(%run_scoped3A_70 : memref<!tpu.dma_semaphore, #tpu.memory_space<semaphore_mem>>) src(%dma_wait3A_85 : memref<10x64xi32, #tpu.memory_space<hbm>>) dst(%arg9 : memref<10x64xi32, #tpu.memory_space<vmem>>)
      tpu.yield
    }) : () -> ()
    %barrier3A = arith.constant 0 : index
    tpu.barrier barrier_id(%barrier3A)
    %dma_start3A = arith.constant 1 : i32
    %dma_start3A_6 = arith.constant 0 : i32
    %dma_start3A_7 = arith.constant 0 : i32
    %dma_start3A_8 = tpu.memref_slice %arg3[%add3A, %dma_start3A, %dma_start3A_6, %dma_start3A_7] : memref<32x16x10x64xi32, #tpu.memory_space<hbm>> -> memref<1x1x10x64xi32, #tpu.memory_space<hbm>>
    %dma_start3A_9 = tpu.memref_squeeze %dma_start3A_8 : memref<1x1x10x64xi32, #tpu.memory_space<hbm>> -> memref<10x64xi32, #tpu.memory_space<hbm>>
    %dma_start3A_10 = arith.constant 0 : i32
    %dma_start3A_11 = arith.constant 0 : i32
    %dma_start3A_12 = tpu.memref_slice %arg3[%add3A, %dma_start3A, %dma_start3A_10, %dma_start3A_11] : memref<32x16x10x64xi32, #tpu.memory_space<hbm>> -> memref<1x1x10x64xi32, #tpu.memory_space<hbm>>
    %dma_start3A_13 = tpu.memref_squeeze %dma_start3A_12 : memref<1x1x10x64xi32, #tpu.memory_space<hbm>> -> memref<10x64xi32, #tpu.memory_space<hbm>>
    tpu.enqueue_dma source(%dma_start3A_13 : memref<10x64xi32, #tpu.memory_space<hbm>>) target(%arg8 : memref<10x64xi32, #tpu.memory_space<vmem>>) target_semaphore(%arg22 : memref<!tpu.dma_semaphore, #tpu.memory_space<semaphore_mem>>)
    %dma_start3A_14 = arith.constant 1 : i32
    %dma_start3A_15 = arith.constant 0 : i32
    %dma_start3A_16 = arith.constant 0 : i32
    %dma_start3A_17 = tpu.memref_slice %arg4[%add3A, %dma_start3A_14, %dma_start3A_15, %dma_start3A_16] : memref<32x16x10x64xi32, #tpu.memory_space<hbm>> -> memref<1x1x10x64xi32, #tpu.memory_space<hbm>>
    %dma_start3A_18 = tpu.memref_squeeze %dma_start3A_17 : memref<1x1x10x64xi32, #tpu.memory_space<hbm>> -> memref<10x64xi32, #tpu.memory_space<hbm>>
    %dma_start3A_19 = arith.constant 0 : i32
    %dma_start3A_20 = arith.constant 0 : i32
    %dma_start3A_21 = tpu.memref_slice %arg4[%add3A, %dma_start3A_14, %dma_start3A_19, %dma_start3A_20] : memref<32x16x10x64xi32, #tpu.memory_space<hbm>> -> memref<1x1x10x64xi32, #tpu.memory_space<hbm>>
    %dma_start3A_22 = tpu.memref_squeeze %dma_start3A_21 : memref<1x1x10x64xi32, #tpu.memory_space<hbm>> -> memref<10x64xi32, #tpu.memory_space<hbm>>
    tpu.enqueue_dma source(%dma_start3A_22 : memref<10x64xi32, #tpu.memory_space<hbm>>) target(%arg10 : memref<10x64xi32, #tpu.memory_space<vmem>>) target_semaphore(%arg22 : memref<!tpu.dma_semaphore, #tpu.memory_space<semaphore_mem>>)
    %dma_start3A_23 = arith.constant 0 : i32
    %dma_start3A_24 = arith.constant 0 : i32
    %dma_start3A_25 = tpu.memref_slice %arg7[%dma_start3A_23, %dma_start3A_24] : memref<10x64xi32, #tpu.memory_space<vmem>> -> memref<1x64xi32, #tpu.memory_space<vmem>>
    %dma_start3A_26 = tpu.memref_squeeze %dma_start3A_25 : memref<1x64xi32, #tpu.memory_space<vmem>> -> memref<64xi32, #tpu.memory_space<vmem>>
    %dma_start3A_27 = arith.constant 0 : i32
    %dma_start3A_28 = arith.constant 0 : i32
    %dma_start3A_29 = tpu.memref_slice %arg2[%dma_start3A_27, %dma_start3A_28] : memref<10000x128xf32, #tpu.memory_space<hbm>> -> memref<10000x128xf32, #tpu.memory_space<hbm>>
    tpu.enqueue_indirect_dma source(%dma_start3A_29 : memref<10000x128xf32, #tpu.memory_space<hbm>>) target(%arg11 : memref<64x128xf32, #tpu.memory_space<vmem>>) offsets(%dma_start3A_26 : memref<64xi32, #tpu.memory_space<vmem>>) semaphore(%arg17 : memref<!tpu.dma_semaphore, #tpu.memory_space<semaphore_mem>>)
    %dma_start3A_30 = arith.constant 1 : i32
    %dma_start3A_31 = arith.constant 0 : i32
    %dma_start3A_32 = tpu.memref_slice %arg7[%dma_start3A_30, %dma_start3A_31] : memref<10x64xi32, #tpu.memory_space<vmem>> -> memref<1x64xi32, #tpu.memory_space<vmem>>
    %dma_start3A_33 = tpu.memref_squeeze %dma_start3A_32 : memref<1x64xi32, #tpu.memory_space<vmem>> -> memref<64xi32, #tpu.memory_space<vmem>>
    %dma_start3A_34 = arith.constant 0 : i32
    %dma_start3A_35 = arith.constant 0 : i32
    %dma_start3A_36 = tpu.memref_slice %arg2[%dma_start3A_34, %dma_start3A_35] : memref<10000x128xf32, #tpu.memory_space<hbm>> -> memref<10000x128xf32, #tpu.memory_space<hbm>>
    tpu.enqueue_indirect_dma source(%dma_start3A_36 : memref<10000x128xf32, #tpu.memory_space<hbm>>) target(%arg12 : memref<64x128xf32, #tpu.memory_space<vmem>>) offsets(%dma_start3A_33 : memref<64xi32, #tpu.memory_space<vmem>>) semaphore(%arg18 : memref<!tpu.dma_semaphore, #tpu.memory_space<semaphore_mem>>)
    %dma_start3A_37 = arith.constant 2 : i32
    %dma_start3A_38 = arith.constant 0 : i32
    %dma_start3A_39 = tpu.memref_slice %arg7[%dma_start3A_37, %dma_start3A_38] : memref<10x64xi32, #tpu.memory_space<vmem>> -> memref<1x64xi32, #tpu.memory_space<vmem>>
    %dma_start3A_40 = tpu.memref_squeeze %dma_start3A_39 : memref<1x64xi32, #tpu.memory_space<vmem>> -> memref<64xi32, #tpu.memory_space<vmem>>
    %dma_start3A_41 = arith.constant 0 : i32
    %dma_start3A_42 = arith.constant 0 : i32
    %dma_start3A_43 = tpu.memref_slice %arg2[%dma_start3A_41, %dma_start3A_42] : memref<10000x128xf32, #tpu.memory_space<hbm>> -> memref<10000x128xf32, #tpu.memory_space<hbm>>
    tpu.enqueue_indirect_dma source(%dma_start3A_43 : memref<10000x128xf32, #tpu.memory_space<hbm>>) target(%arg13 : memref<64x128xf32, #tpu.memory_space<vmem>>) offsets(%dma_start3A_40 : memref<64xi32, #tpu.memory_space<vmem>>) semaphore(%arg19 : memref<!tpu.dma_semaphore, #tpu.memory_space<semaphore_mem>>)
    %dma_start3A_44 = arith.constant 3 : i32
    %dma_start3A_45 = arith.constant 0 : i32
    %dma_start3A_46 = tpu.memref_slice %arg7[%dma_start3A_44, %dma_start3A_45] : memref<10x64xi32, #tpu.memory_space<vmem>> -> memref<1x64xi32, #tpu.memory_space<vmem>>
    %dma_start3A_47 = tpu.memref_squeeze %dma_start3A_46 : memref<1x64xi32, #tpu.memory_space<vmem>> -> memref<64xi32, #tpu.memory_space<vmem>>
    %dma_start3A_48 = arith.constant 0 : i32
    %dma_start3A_49 = arith.constant 0 : i32
    %dma_start3A_50 = tpu.memref_slice %arg2[%dma_start3A_48, %dma_start3A_49] : memref<10000x128xf32, #tpu.memory_space<hbm>> -> memref<10000x128xf32, #tpu.memory_space<hbm>>
    tpu.enqueue_indirect_dma source(%dma_start3A_50 : memref<10000x128xf32, #tpu.memory_space<hbm>>) target(%arg14 : memref<64x128xf32, #tpu.memory_space<vmem>>) offsets(%dma_start3A_47 : memref<64xi32, #tpu.memory_space<vmem>>) semaphore(%arg20 : memref<!tpu.dma_semaphore, #tpu.memory_space<semaphore_mem>>)
    %dma_start3A_51 = arith.constant 4 : i32
    %dma_start3A_52 = arith.constant 0 : i32
    %dma_start3A_53 = tpu.memref_slice %arg7[%dma_start3A_51, %dma_start3A_52] : memref<10x64xi32, #tpu.memory_space<vmem>> -> memref<1x64xi32, #tpu.memory_space<vmem>>
    %dma_start3A_54 = tpu.memref_squeeze %dma_start3A_53 : memref<1x64xi32, #tpu.memory_space<vmem>> -> memref<64xi32, #tpu.memory_space<vmem>>
    %dma_start3A_55 = arith.constant 0 : i32
    %dma_start3A_56 = arith.constant 0 : i32
    %dma_start3A_57 = tpu.memref_slice %arg2[%dma_start3A_55, %dma_start3A_56] : memref<10000x128xf32, #tpu.memory_space<hbm>> -> memref<10000x128xf32, #tpu.memory_space<hbm>>
    tpu.enqueue_indirect_dma source(%dma_start3A_57 : memref<10000x128xf32, #tpu.memory_space<hbm>>) target(%arg15 : memref<64x128xf32, #tpu.memory_space<vmem>>) offsets(%dma_start3A_54 : memref<64xi32, #tpu.memory_space<vmem>>) semaphore(%arg21 : memref<!tpu.dma_semaphore, #tpu.memory_space<semaphore_mem>>)
    %scan3A = arith.constant 0 : i32
    %scan3A_58 = arith.constant 0 : i32
    %scan3A_59 = arith.constant 8 : i32
    %scan3A_60 = arith.addi %scan3A_58, %scan3A_59 : i32
    %scan3A_61 = arith.constant 1 : i32
    %scan3A_62 = scf.for %scan3A_70 = %scan3A_58 to %scan3A_60 step %scan3A_61 iter_args(%scan3A_71 = %scan3A) -> (i32)  : i32 {
      %dma_wait3A = arith.constant 0 : i32
      %dma_wait3A_72 = arith.constant 0 : i32
      %dma_wait3A_73 = tpu.memref_slice %arg7[%dma_wait3A, %dma_wait3A_72] : memref<10x64xi32, #tpu.memory_space<vmem>> -> memref<1x64xi32, #tpu.memory_space<vmem>>
      %dma_wait3A_74 = tpu.memref_squeeze %dma_wait3A_73 : memref<1x64xi32, #tpu.memory_space<vmem>> -> memref<64xi32, #tpu.memory_space<vmem>>
      %dma_wait3A_75 = arith.constant 0 : i32
      %dma_wait3A_76 = arith.constant 0 : i32
      %dma_wait3A_77 = tpu.memref_slice %arg2[%dma_wait3A_75, %dma_wait3A_76] : memref<10000x128xf32, #tpu.memory_space<hbm>> -> memref<10000x128xf32, #tpu.memory_space<hbm>>
      tpu.wait_indirect_dma semaphore(%arg17 : memref<!tpu.dma_semaphore, #tpu.memory_space<semaphore_mem>>) src(%dma_wait3A_77 : memref<10000x128xf32, #tpu.memory_space<hbm>>) dst(%arg11 : memref<64x128xf32, #tpu.memory_space<vmem>>)
      %gt3A = arith.constant 0 : i32
      %gt3A_78 = arith.cmpi sgt, %scan3A_70, %gt3A : i32
      %convert_element_type3A_79 = arith.extui %gt3A_78 : i1 to i32
      %cond3A_80 = arith.constant 0 : i32
      %cond3A_81 = arith.cmpi ne, %convert_element_type3A_79, %cond3A_80 : i32
      scf.if %cond3A_81 {
        %dma_wait3A_398 = arith.constant 0 : i32
        %dma_wait3A_399 = arith.constant 0 : i32
        %dma_wait3A_400 = arith.constant 0 : i32
        %dma_wait3A_401 = tpu.memref_slice %arg4[%add3A, %dma_wait3A_398, %dma_wait3A_399, %dma_wait3A_400] : memref<32x16x10x64xi32, #tpu.memory_space<hbm>> -> memref<1x1x10x64xi32, #tpu.memory_space<hbm>>
        %dma_wait3A_402 = tpu.memref_squeeze %dma_wait3A_401 : memref<1x1x10x64xi32, #tpu.memory_space<hbm>> -> memref<10x64xi32, #tpu.memory_space<hbm>>
        %dma_wait3A_403 = arith.constant 0 : i32
        %dma_wait3A_404 = arith.constant 0 : i32
        %dma_wait3A_405 = tpu.memref_slice %arg4[%add3A, %dma_wait3A_398, %dma_wait3A_403, %dma_wait3A_404] : memref<32x16x10x64xi32, #tpu.memory_space<hbm>> -> memref<1x1x10x64xi32, #tpu.memory_space<hbm>>
        %dma_wait3A_406 = tpu.memref_squeeze %dma_wait3A_405 : memref<1x1x10x64xi32, #tpu.memory_space<hbm>> -> memref<10x64xi32, #tpu.memory_space<hbm>>
        tpu.wait_dma2 semaphore(%arg22 : memref<!tpu.dma_semaphore, #tpu.memory_space<semaphore_mem>>) src(%dma_wait3A_406 : memref<10x64xi32, #tpu.memory_space<hbm>>) dst(%arg9 : memref<10x64xi32, #tpu.memory_space<vmem>>)
      } else {
      }
      %run_scoped3A_82 = arith.constant 0 : i32
      "tpu.region"() ({
        %run_scoped3A_398 = tpu.sem_alloc : memref<!tpu.dma_semaphore, #tpu.memory_space<semaphore_mem>>
        %dma_start3A_399 = arith.constant 0 : i32
        %dma_start3A_400 = tpu.memref_slice %arg9[%run_scoped3A_82, %dma_start3A_399] : memref<10x64xi32, #tpu.memory_space<vmem>> -> memref<1x64xi32, #tpu.memory_space<vmem>>
        %dma_start3A_401 = tpu.memref_squeeze %dma_start3A_400 : memref<1x64xi32, #tpu.memory_space<vmem>> -> memref<64xi32, #tpu.memory_space<vmem>>
        %dma_start3A_402 = arith.constant 0 : i32
        %dma_start3A_403 = arith.constant 0 : i32
        %dma_start3A_404 = tpu.memref_slice %arg16[%dma_start3A_402, %dma_start3A_403] : memref<10016x128xf32, #tpu.memory_space<vmem_shared>> -> memref<10016x128xf32, #tpu.memory_space<vmem_shared>>
        tpu.enqueue_indirect_dma source(%arg11 : memref<64x128xf32, #tpu.memory_space<vmem>>) target(%dma_start3A_404 : memref<10016x128xf32, #tpu.memory_space<vmem_shared>>) offsets(%dma_start3A_401 : memref<64xi32, #tpu.memory_space<vmem>>) semaphore(%run_scoped3A_398 : memref<!tpu.dma_semaphore, #tpu.memory_space<semaphore_mem>>) {add = true}
        %dma_wait3A_405 = arith.constant 0 : i32
        %dma_wait3A_406 = tpu.memref_slice %arg9[%run_scoped3A_82, %dma_wait3A_405] : memref<10x64xi32, #tpu.memory_space<vmem>> -> memref<1x64xi32, #tpu.memory_space<vmem>>
        %dma_wait3A_407 = tpu.memref_squeeze %dma_wait3A_406 : memref<1x64xi32, #tpu.memory_space<vmem>> -> memref<64xi32, #tpu.memory_space<vmem>>
        %dma_wait3A_408 = arith.constant 0 : i32
        %dma_wait3A_409 = arith.constant 0 : i32
        %dma_wait3A_410 = tpu.memref_slice %arg16[%dma_wait3A_408, %dma_wait3A_409] : memref<10016x128xf32, #tpu.memory_space<vmem_shared>> -> memref<10016x128xf32, #tpu.memory_space<vmem_shared>>
        tpu.wait_indirect_dma semaphore(%run_scoped3A_398 : memref<!tpu.dma_semaphore, #tpu.memory_space<semaphore_mem>>) src(%arg11 : memref<64x128xf32, #tpu.memory_space<vmem>>) dst(%dma_wait3A_410 : memref<10016x128xf32, #tpu.memory_space<vmem_shared>>)
        tpu.yield
      }) : () -> ()
      %dma_start3A_83 = arith.constant 5 : i32
      %dma_start3A_84 = arith.constant 0 : i32
      %dma_start3A_85 = tpu.memref_slice %arg7[%dma_start3A_83, %dma_start3A_84] : memref<10x64xi32, #tpu.memory_space<vmem>> -> memref<1x64xi32, #tpu.memory_space<vmem>>
      %dma_start3A_86 = tpu.memref_squeeze %dma_start3A_85 : memref<1x64xi32, #tpu.memory_space<vmem>> -> memref<64xi32, #tpu.memory_space<vmem>>
      %dma_start3A_87 = arith.constant 0 : i32
      %dma_start3A_88 = arith.constant 0 : i32
      %dma_start3A_89 = tpu.memref_slice %arg2[%dma_start3A_87, %dma_start3A_88] : memref<10000x128xf32, #tpu.memory_space<hbm>> -> memref<10000x128xf32, #tpu.memory_space<hbm>>
      tpu.enqueue_indirect_dma source(%dma_start3A_89 : memref<10000x128xf32, #tpu.memory_space<hbm>>) target(%arg11 : memref<64x128xf32, #tpu.memory_space<vmem>>) offsets(%dma_start3A_86 : memref<64xi32, #tpu.memory_space<vmem>>) semaphore(%arg17 : memref<!tpu.dma_semaphore, #tpu.memory_space<semaphore_mem>>)
      %dma_wait3A_90 = arith.constant 0 : i32
      %dma_wait3A_91 = arith.constant 0 : i32
      %dma_wait3A_92 = tpu.memref_slice %arg7[%dma_wait3A_90, %dma_wait3A_91] : memref<10x64xi32, #tpu.memory_space<vmem>> -> memref<1x64xi32, #tpu.memory_space<vmem>>
      %dma_wait3A_93 = tpu.memref_squeeze %dma_wait3A_92 : memref<1x64xi32, #tpu.memory_space<vmem>> -> memref<64xi32, #tpu.memory_space<vmem>>
      %dma_wait3A_94 = arith.constant 0 : i32
      %dma_wait3A_95 = arith.constant 0 : i32
      %dma_wait3A_96 = tpu.memref_slice %arg2[%dma_wait3A_94, %dma_wait3A_95] : memref<10000x128xf32, #tpu.memory_space<hbm>> -> memref<10000x128xf32, #tpu.memory_space<hbm>>
      tpu.wait_indirect_dma semaphore(%arg18 : memref<!tpu.dma_semaphore, #tpu.memory_space<semaphore_mem>>) src(%dma_wait3A_96 : memref<10000x128xf32, #tpu.memory_space<hbm>>) dst(%arg12 : memref<64x128xf32, #tpu.memory_space<vmem>>)
      %run_scoped3A_97 = arith.constant 1 : i32
      "tpu.region"() ({
        %run_scoped3A_398 = tpu.sem_alloc : memref<!tpu.dma_semaphore, #tpu.memory_space<semaphore_mem>>
        %dma_start3A_399 = arith.constant 0 : i32
        %dma_start3A_400 = tpu.memref_slice %arg9[%run_scoped3A_97, %dma_start3A_399] : memref<10x64xi32, #tpu.memory_space<vmem>> -> memref<1x64xi32, #tpu.memory_space<vmem>>
        %dma_start3A_401 = tpu.memref_squeeze %dma_start3A_400 : memref<1x64xi32, #tpu.memory_space<vmem>> -> memref<64xi32, #tpu.memory_space<vmem>>
        %dma_start3A_402 = arith.constant 0 : i32
        %dma_start3A_403 = arith.constant 0 : i32
        %dma_start3A_404 = tpu.memref_slice %arg16[%dma_start3A_402, %dma_start3A_403] : memref<10016x128xf32, #tpu.memory_space<vmem_shared>> -> memref<10016x128xf32, #tpu.memory_space<vmem_shared>>
        tpu.enqueue_indirect_dma source(%arg12 : memref<64x128xf32, #tpu.memory_space<vmem>>) target(%dma_start3A_404 : memref<10016x128xf32, #tpu.memory_space<vmem_shared>>) offsets(%dma_start3A_401 : memref<64xi32, #tpu.memory_space<vmem>>) semaphore(%run_scoped3A_398 : memref<!tpu.dma_semaphore, #tpu.memory_space<semaphore_mem>>) {add = true}
        %dma_wait3A_405 = arith.constant 0 : i32
        %dma_wait3A_406 = tpu.memref_slice %arg9[%run_scoped3A_97, %dma_wait3A_405] : memref<10x64xi32, #tpu.memory_space<vmem>> -> memref<1x64xi32, #tpu.memory_space<vmem>>
        %dma_wait3A_407 = tpu.memref_squeeze %dma_wait3A_406 : memref<1x64xi32, #tpu.memory_space<vmem>> -> memref<64xi32, #tpu.memory_space<vmem>>
        %dma_wait3A_408 = arith.constant 0 : i32
        %dma_wait3A_409 = arith.constant 0 : i32
        %dma_wait3A_410 = tpu.memref_slice %arg16[%dma_wait3A_408, %dma_wait3A_409] : memref<10016x128xf32, #tpu.memory_space<vmem_shared>> -> memref<10016x128xf32, #tpu.memory_space<vmem_shared>>
        tpu.wait_indirect_dma semaphore(%run_scoped3A_398 : memref<!tpu.dma_semaphore, #tpu.memory_space<semaphore_mem>>) src(%arg12 : memref<64x128xf32, #tpu.memory_space<vmem>>) dst(%dma_wait3A_410 : memref<10016x128xf32, #tpu.memory_space<vmem_shared>>)
        tpu.yield
      }) : () -> ()
      %dma_start3A_98 = arith.constant 6 : i32
      %dma_start3A_99 = arith.constant 0 : i32
      %dma_start3A_100 = tpu.memref_slice %arg7[%dma_start3A_98, %dma_start3A_99] : memref<10x64xi32, #tpu.memory_space<vmem>> -> memref<1x64xi32, #tpu.memory_space<vmem>>
      %dma_start3A_101 = tpu.memref_squeeze %dma_start3A_100 : memref<1x64xi32, #tpu.memory_space<vmem>> -> memref<64xi32, #tpu.memory_space<vmem>>
      %dma_start3A_102 = arith.constant 0 : i32
      %dma_start3A_103 = arith.constant 0 : i32
      %dma_start3A_104 = tpu.memref_slice %arg2[%dma_start3A_102, %dma_start3A_103] : memref<10000x128xf32, #tpu.memory_space<hbm>> -> memref<10000x128xf32, #tpu.memory_space<hbm>>
      tpu.enqueue_indirect_dma source(%dma_start3A_104 : memref<10000x128xf32, #tpu.memory_space<hbm>>) target(%arg12 : memref<64x128xf32, #tpu.memory_space<vmem>>) offsets(%dma_start3A_101 : memref<64xi32, #tpu.memory_space<vmem>>) semaphore(%arg18 : memref<!tpu.dma_semaphore, #tpu.memory_space<semaphore_mem>>)
      %dma_wait3A_105 = arith.constant 0 : i32
      %dma_wait3A_106 = arith.constant 0 : i32
      %dma_wait3A_107 = tpu.memref_slice %arg7[%dma_wait3A_105, %dma_wait3A_106] : memref<10x64xi32, #tpu.memory_space<vmem>> -> memref<1x64xi32, #tpu.memory_space<vmem>>
      %dma_wait3A_108 = tpu.memref_squeeze %dma_wait3A_107 : memref<1x64xi32, #tpu.memory_space<vmem>> -> memref<64xi32, #tpu.memory_space<vmem>>
      %dma_wait3A_109 = arith.constant 0 : i32
      %dma_wait3A_110 = arith.constant 0 : i32
      %dma_wait3A_111 = tpu.memref_slice %arg2[%dma_wait3A_109, %dma_wait3A_110] : memref<10000x128xf32, #tpu.memory_space<hbm>> -> memref<10000x128xf32, #tpu.memory_space<hbm>>
      tpu.wait_indirect_dma semaphore(%arg19 : memref<!tpu.dma_semaphore, #tpu.memory_space<semaphore_mem>>) src(%dma_wait3A_111 : memref<10000x128xf32, #tpu.memory_space<hbm>>) dst(%arg13 : memref<64x128xf32, #tpu.memory_space<vmem>>)
      %run_scoped3A_112 = arith.constant 2 : i32
      "tpu.region"() ({
        %run_scoped3A_398 = tpu.sem_alloc : memref<!tpu.dma_semaphore, #tpu.memory_space<semaphore_mem>>
        %dma_start3A_399 = arith.constant 0 : i32
        %dma_start3A_400 = tpu.memref_slice %arg9[%run_scoped3A_112, %dma_start3A_399] : memref<10x64xi32, #tpu.memory_space<vmem>> -> memref<1x64xi32, #tpu.memory_space<vmem>>
        %dma_start3A_401 = tpu.memref_squeeze %dma_start3A_400 : memref<1x64xi32, #tpu.memory_space<vmem>> -> memref<64xi32, #tpu.memory_space<vmem>>
        %dma_start3A_402 = arith.constant 0 : i32
        %dma_start3A_403 = arith.constant 0 : i32
        %dma_start3A_404 = tpu.memref_slice %arg16[%dma_start3A_402, %dma_start3A_403] : memref<10016x128xf32, #tpu.memory_space<vmem_shared>> -> memref<10016x128xf32, #tpu.memory_space<vmem_shared>>
        tpu.enqueue_indirect_dma source(%arg13 : memref<64x128xf32, #tpu.memory_space<vmem>>) target(%dma_start3A_404 : memref<10016x128xf32, #tpu.memory_space<vmem_shared>>) offsets(%dma_start3A_401 : memref<64xi32, #tpu.memory_space<vmem>>) semaphore(%run_scoped3A_398 : memref<!tpu.dma_semaphore, #tpu.memory_space<semaphore_mem>>) {add = true}
        %dma_wait3A_405 = arith.constant 0 : i32
        %dma_wait3A_406 = tpu.memref_slice %arg9[%run_scoped3A_112, %dma_wait3A_405] : memref<10x64xi32, #tpu.memory_space<vmem>> -> memref<1x64xi32, #tpu.memory_space<vmem>>
        %dma_wait3A_407 = tpu.memref_squeeze %dma_wait3A_406 : memref<1x64xi32, #tpu.memory_space<vmem>> -> memref<64xi32, #tpu.memory_space<vmem>>
        %dma_wait3A_408 = arith.constant 0 : i32
        %dma_wait3A_409 = arith.constant 0 : i32
        %dma_wait3A_410 = tpu.memref_slice %arg16[%dma_wait3A_408, %dma_wait3A_409] : memref<10016x128xf32, #tpu.memory_space<vmem_shared>> -> memref<10016x128xf32, #tpu.memory_space<vmem_shared>>
        tpu.wait_indirect_dma semaphore(%run_scoped3A_398 : memref<!tpu.dma_semaphore, #tpu.memory_space<semaphore_mem>>) src(%arg13 : memref<64x128xf32, #tpu.memory_space<vmem>>) dst(%dma_wait3A_410 : memref<10016x128xf32, #tpu.memory_space<vmem_shared>>)
        tpu.yield
      }) : () -> ()
      %dma_start3A_113 = arith.constant 7 : i32
      %dma_start3A_114 = arith.constant 0 : i32
      %dma_start3A_115 = tpu.memref_slice %arg7[%dma_start3A_113, %dma_start3A_114] : memref<10x64xi32, #tpu.memory_space<vmem>> -> memref<1x64xi32, #tpu.memory_space<vmem>>
      %dma_start3A_116 = tpu.memref_squeeze %dma_start3A_115 : memref<1x64xi32, #tpu.memory_space<vmem>> -> memref<64xi32, #tpu.memory_space<vmem>>
      %dma_start3A_117 = arith.constant 0 : i32
      %dma_start3A_118 = arith.constant 0 : i32
      %dma_start3A_119 = tpu.memref_slice %arg2[%dma_start3A_117, %dma_start3A_118] : memref<10000x128xf32, #tpu.memory_space<hbm>> -> memref<10000x128xf32, #tpu.memory_space<hbm>>
      tpu.enqueue_indirect_dma source(%dma_start3A_119 : memref<10000x128xf32, #tpu.memory_space<hbm>>) target(%arg13 : memref<64x128xf32, #tpu.memory_space<vmem>>) offsets(%dma_start3A_116 : memref<64xi32, #tpu.memory_space<vmem>>) semaphore(%arg19 : memref<!tpu.dma_semaphore, #tpu.memory_space<semaphore_mem>>)
      %dma_wait3A_120 = arith.constant 0 : i32
      %dma_wait3A_121 = arith.constant 0 : i32
      %dma_wait3A_122 = tpu.memref_slice %arg7[%dma_wait3A_120, %dma_wait3A_121] : memref<10x64xi32, #tpu.memory_space<vmem>> -> memref<1x64xi32, #tpu.memory_space<vmem>>
      %dma_wait3A_123 = tpu.memref_squeeze %dma_wait3A_122 : memref<1x64xi32, #tpu.memory_space<vmem>> -> memref<64xi32, #tpu.memory_space<vmem>>
      %dma_wait3A_124 = arith.constant 0 : i32
      %dma_wait3A_125 = arith.constant 0 : i32
      %dma_wait3A_126 = tpu.memref_slice %arg2[%dma_wait3A_124, %dma_wait3A_125] : memref<10000x128xf32, #tpu.memory_space<hbm>> -> memref<10000x128xf32, #tpu.memory_space<hbm>>
      tpu.wait_indirect_dma semaphore(%arg20 : memref<!tpu.dma_semaphore, #tpu.memory_space<semaphore_mem>>) src(%dma_wait3A_126 : memref<10000x128xf32, #tpu.memory_space<hbm>>) dst(%arg14 : memref<64x128xf32, #tpu.memory_space<vmem>>)
      %run_scoped3A_127 = arith.constant 3 : i32
      "tpu.region"() ({
        %run_scoped3A_398 = tpu.sem_alloc : memref<!tpu.dma_semaphore, #tpu.memory_space<semaphore_mem>>
        %dma_start3A_399 = arith.constant 0 : i32
        %dma_start3A_400 = tpu.memref_slice %arg9[%run_scoped3A_127, %dma_start3A_399] : memref<10x64xi32, #tpu.memory_space<vmem>> -> memref<1x64xi32, #tpu.memory_space<vmem>>
        %dma_start3A_401 = tpu.memref_squeeze %dma_start3A_400 : memref<1x64xi32, #tpu.memory_space<vmem>> -> memref<64xi32, #tpu.memory_space<vmem>>
        %dma_start3A_402 = arith.constant 0 : i32
        %dma_start3A_403 = arith.constant 0 : i32
        %dma_start3A_404 = tpu.memref_slice %arg16[%dma_start3A_402, %dma_start3A_403] : memref<10016x128xf32, #tpu.memory_space<vmem_shared>> -> memref<10016x128xf32, #tpu.memory_space<vmem_shared>>
        tpu.enqueue_indirect_dma source(%arg14 : memref<64x128xf32, #tpu.memory_space<vmem>>) target(%dma_start3A_404 : memref<10016x128xf32, #tpu.memory_space<vmem_shared>>) offsets(%dma_start3A_401 : memref<64xi32, #tpu.memory_space<vmem>>) semaphore(%run_scoped3A_398 : memref<!tpu.dma_semaphore, #tpu.memory_space<semaphore_mem>>) {add = true}
        %dma_wait3A_405 = arith.constant 0 : i32
        %dma_wait3A_406 = tpu.memref_slice %arg9[%run_scoped3A_127, %dma_wait3A_405] : memref<10x64xi32, #tpu.memory_space<vmem>> -> memref<1x64xi32, #tpu.memory_space<vmem>>
        %dma_wait3A_407 = tpu.memref_squeeze %dma_wait3A_406 : memref<1x64xi32, #tpu.memory_space<vmem>> -> memref<64xi32, #tpu.memory_space<vmem>>
        %dma_wait3A_408 = arith.constant 0 : i32
        %dma_wait3A_409 = arith.constant 0 : i32
        %dma_wait3A_410 = tpu.memref_slice %arg16[%dma_wait3A_408, %dma_wait3A_409] : memref<10016x128xf32, #tpu.memory_space<vmem_shared>> -> memref<10016x128xf32, #tpu.memory_space<vmem_shared>>
        tpu.wait_indirect_dma semaphore(%run_scoped3A_398 : memref<!tpu.dma_semaphore, #tpu.memory_space<semaphore_mem>>) src(%arg14 : memref<64x128xf32, #tpu.memory_space<vmem>>) dst(%dma_wait3A_410 : memref<10016x128xf32, #tpu.memory_space<vmem_shared>>)
        tpu.yield
      }) : () -> ()
      %dma_start3A_128 = arith.constant 8 : i32
      %dma_start3A_129 = arith.constant 0 : i32
      %dma_start3A_130 = tpu.memref_slice %arg7[%dma_start3A_128, %dma_start3A_129] : memref<10x64xi32, #tpu.memory_space<vmem>> -> memref<1x64xi32, #tpu.memory_space<vmem>>
      %dma_start3A_131 = tpu.memref_squeeze %dma_start3A_130 : memref<1x64xi32, #tpu.memory_space<vmem>> -> memref<64xi32, #tpu.memory_space<vmem>>
      %dma_start3A_132 = arith.constant 0 : i32
      %dma_start3A_133 = arith.constant 0 : i32
      %dma_start3A_134 = tpu.memref_slice %arg2[%dma_start3A_132, %dma_start3A_133] : memref<10000x128xf32, #tpu.memory_space<hbm>> -> memref<10000x128xf32, #tpu.memory_space<hbm>>
      tpu.enqueue_indirect_dma source(%dma_start3A_134 : memref<10000x128xf32, #tpu.memory_space<hbm>>) target(%arg14 : memref<64x128xf32, #tpu.memory_space<vmem>>) offsets(%dma_start3A_131 : memref<64xi32, #tpu.memory_space<vmem>>) semaphore(%arg20 : memref<!tpu.dma_semaphore, #tpu.memory_space<semaphore_mem>>)
      %dma_wait3A_135 = arith.constant 0 : i32
      %dma_wait3A_136 = arith.constant 0 : i32
      %dma_wait3A_137 = tpu.memref_slice %arg7[%dma_wait3A_135, %dma_wait3A_136] : memref<10x64xi32, #tpu.memory_space<vmem>> -> memref<1x64xi32, #tpu.memory_space<vmem>>
      %dma_wait3A_138 = tpu.memref_squeeze %dma_wait3A_137 : memref<1x64xi32, #tpu.memory_space<vmem>> -> memref<64xi32, #tpu.memory_space<vmem>>
      %dma_wait3A_139 = arith.constant 0 : i32
      %dma_wait3A_140 = arith.constant 0 : i32
      %dma_wait3A_141 = tpu.memref_slice %arg2[%dma_wait3A_139, %dma_wait3A_140] : memref<10000x128xf32, #tpu.memory_space<hbm>> -> memref<10000x128xf32, #tpu.memory_space<hbm>>
      tpu.wait_indirect_dma semaphore(%arg21 : memref<!tpu.dma_semaphore, #tpu.memory_space<semaphore_mem>>) src(%dma_wait3A_141 : memref<10000x128xf32, #tpu.memory_space<hbm>>) dst(%arg15 : memref<64x128xf32, #tpu.memory_space<vmem>>)
      %run_scoped3A_142 = arith.constant 4 : i32
      "tpu.region"() ({
        %run_scoped3A_398 = tpu.sem_alloc : memref<!tpu.dma_semaphore, #tpu.memory_space<semaphore_mem>>
        %dma_start3A_399 = arith.constant 0 : i32
        %dma_start3A_400 = tpu.memref_slice %arg9[%run_scoped3A_142, %dma_start3A_399] : memref<10x64xi32, #tpu.memory_space<vmem>> -> memref<1x64xi32, #tpu.memory_space<vmem>>
        %dma_start3A_401 = tpu.memref_squeeze %dma_start3A_400 : memref<1x64xi32, #tpu.memory_space<vmem>> -> memref<64xi32, #tpu.memory_space<vmem>>
        %dma_start3A_402 = arith.constant 0 : i32
        %dma_start3A_403 = arith.constant 0 : i32
        %dma_start3A_404 = tpu.memref_slice %arg16[%dma_start3A_402, %dma_start3A_403] : memref<10016x128xf32, #tpu.memory_space<vmem_shared>> -> memref<10016x128xf32, #tpu.memory_space<vmem_shared>>
        tpu.enqueue_indirect_dma source(%arg15 : memref<64x128xf32, #tpu.memory_space<vmem>>) target(%dma_start3A_404 : memref<10016x128xf32, #tpu.memory_space<vmem_shared>>) offsets(%dma_start3A_401 : memref<64xi32, #tpu.memory_space<vmem>>) semaphore(%run_scoped3A_398 : memref<!tpu.dma_semaphore, #tpu.memory_space<semaphore_mem>>) {add = true}
        %dma_wait3A_405 = arith.constant 0 : i32
        %dma_wait3A_406 = tpu.memref_slice %arg9[%run_scoped3A_142, %dma_wait3A_405] : memref<10x64xi32, #tpu.memory_space<vmem>> -> memref<1x64xi32, #tpu.memory_space<vmem>>
        %dma_wait3A_407 = tpu.memref_squeeze %dma_wait3A_406 : memref<1x64xi32, #tpu.memory_space<vmem>> -> memref<64xi32, #tpu.memory_space<vmem>>
        %dma_wait3A_408 = arith.constant 0 : i32
        %dma_wait3A_409 = arith.constant 0 : i32
        %dma_wait3A_410 = tpu.memref_slice %arg16[%dma_wait3A_408, %dma_wait3A_409] : memref<10016x128xf32, #tpu.memory_space<vmem_shared>> -> memref<10016x128xf32, #tpu.memory_space<vmem_shared>>
        tpu.wait_indirect_dma semaphore(%run_scoped3A_398 : memref<!tpu.dma_semaphore, #tpu.memory_space<semaphore_mem>>) src(%arg15 : memref<64x128xf32, #tpu.memory_space<vmem>>) dst(%dma_wait3A_410 : memref<10016x128xf32, #tpu.memory_space<vmem_shared>>)
        tpu.yield
      }) : () -> ()
      %dma_start3A_143 = arith.constant 9 : i32
      %dma_start3A_144 = arith.constant 0 : i32
      %dma_start3A_145 = tpu.memref_slice %arg7[%dma_start3A_143, %dma_start3A_144] : memref<10x64xi32, #tpu.memory_space<vmem>> -> memref<1x64xi32, #tpu.memory_space<vmem>>
      %dma_start3A_146 = tpu.memref_squeeze %dma_start3A_145 : memref<1x64xi32, #tpu.memory_space<vmem>> -> memref<64xi32, #tpu.memory_space<vmem>>
      %dma_start3A_147 = arith.constant 0 : i32
      %dma_start3A_148 = arith.constant 0 : i32
      %dma_start3A_149 = tpu.memref_slice %arg2[%dma_start3A_147, %dma_start3A_148] : memref<10000x128xf32, #tpu.memory_space<hbm>> -> memref<10000x128xf32, #tpu.memory_space<hbm>>
      tpu.enqueue_indirect_dma source(%dma_start3A_149 : memref<10000x128xf32, #tpu.memory_space<hbm>>) target(%arg15 : memref<64x128xf32, #tpu.memory_space<vmem>>) offsets(%dma_start3A_146 : memref<64xi32, #tpu.memory_space<vmem>>) semaphore(%arg21 : memref<!tpu.dma_semaphore, #tpu.memory_space<semaphore_mem>>)
      %dma_wait3A_150 = arith.constant 0 : i32
      %dma_wait3A_151 = arith.constant 0 : i32
      %dma_wait3A_152 = tpu.memref_slice %arg7[%dma_wait3A_150, %dma_wait3A_151] : memref<10x64xi32, #tpu.memory_space<vmem>> -> memref<1x64xi32, #tpu.memory_space<vmem>>
      %dma_wait3A_153 = tpu.memref_squeeze %dma_wait3A_152 : memref<1x64xi32, #tpu.memory_space<vmem>> -> memref<64xi32, #tpu.memory_space<vmem>>
      %dma_wait3A_154 = arith.constant 0 : i32
      %dma_wait3A_155 = arith.constant 0 : i32
      %dma_wait3A_156 = tpu.memref_slice %arg2[%dma_wait3A_154, %dma_wait3A_155] : memref<10000x128xf32, #tpu.memory_space<hbm>> -> memref<10000x128xf32, #tpu.memory_space<hbm>>
      tpu.wait_indirect_dma semaphore(%arg17 : memref<!tpu.dma_semaphore, #tpu.memory_space<semaphore_mem>>) src(%dma_wait3A_156 : memref<10000x128xf32, #tpu.memory_space<hbm>>) dst(%arg11 : memref<64x128xf32, #tpu.memory_space<vmem>>)
      %dma_wait3A_157 = arith.constant 0 : i32
      %dma_wait3A_158 = arith.constant 0 : i32
      %dma_wait3A_159 = arith.constant 0 : i32
      %dma_wait3A_160 = tpu.memref_slice %arg3[%add3A, %dma_wait3A_157, %dma_wait3A_158, %dma_wait3A_159] : memref<32x16x10x64xi32, #tpu.memory_space<hbm>> -> memref<1x1x10x64xi32, #tpu.memory_space<hbm>>
      %dma_wait3A_161 = tpu.memref_squeeze %dma_wait3A_160 : memref<1x1x10x64xi32, #tpu.memory_space<hbm>> -> memref<10x64xi32, #tpu.memory_space<hbm>>
      %dma_wait3A_162 = arith.constant 0 : i32
      %dma_wait3A_163 = arith.constant 0 : i32
      %dma_wait3A_164 = tpu.memref_slice %arg3[%add3A, %dma_wait3A_157, %dma_wait3A_162, %dma_wait3A_163] : memref<32x16x10x64xi32, #tpu.memory_space<hbm>> -> memref<1x1x10x64xi32, #tpu.memory_space<hbm>>
      %dma_wait3A_165 = tpu.memref_squeeze %dma_wait3A_164 : memref<1x1x10x64xi32, #tpu.memory_space<hbm>> -> memref<10x64xi32, #tpu.memory_space<hbm>>
      tpu.wait_dma2 semaphore(%arg22 : memref<!tpu.dma_semaphore, #tpu.memory_space<semaphore_mem>>) src(%dma_wait3A_165 : memref<10x64xi32, #tpu.memory_space<hbm>>) dst(%arg8 : memref<10x64xi32, #tpu.memory_space<vmem>>)
      %run_scoped3A_166 = arith.constant 5 : i32
      "tpu.region"() ({
        %run_scoped3A_398 = tpu.sem_alloc : memref<!tpu.dma_semaphore, #tpu.memory_space<semaphore_mem>>
        %dma_start3A_399 = arith.constant 0 : i32
        %dma_start3A_400 = tpu.memref_slice %arg9[%run_scoped3A_166, %dma_start3A_399] : memref<10x64xi32, #tpu.memory_space<vmem>> -> memref<1x64xi32, #tpu.memory_space<vmem>>
        %dma_start3A_401 = tpu.memref_squeeze %dma_start3A_400 : memref<1x64xi32, #tpu.memory_space<vmem>> -> memref<64xi32, #tpu.memory_space<vmem>>
        %dma_start3A_402 = arith.constant 0 : i32
        %dma_start3A_403 = arith.constant 0 : i32
        %dma_start3A_404 = tpu.memref_slice %arg16[%dma_start3A_402, %dma_start3A_403] : memref<10016x128xf32, #tpu.memory_space<vmem_shared>> -> memref<10016x128xf32, #tpu.memory_space<vmem_shared>>
        tpu.enqueue_indirect_dma source(%arg11 : memref<64x128xf32, #tpu.memory_space<vmem>>) target(%dma_start3A_404 : memref<10016x128xf32, #tpu.memory_space<vmem_shared>>) offsets(%dma_start3A_401 : memref<64xi32, #tpu.memory_space<vmem>>) semaphore(%run_scoped3A_398 : memref<!tpu.dma_semaphore, #tpu.memory_space<semaphore_mem>>) {add = true}
        %dma_wait3A_405 = arith.constant 0 : i32
        %dma_wait3A_406 = tpu.memref_slice %arg9[%run_scoped3A_166, %dma_wait3A_405] : memref<10x64xi32, #tpu.memory_space<vmem>> -> memref<1x64xi32, #tpu.memory_space<vmem>>
        %dma_wait3A_407 = tpu.memref_squeeze %dma_wait3A_406 : memref<1x64xi32, #tpu.memory_space<vmem>> -> memref<64xi32, #tpu.memory_space<vmem>>
        %dma_wait3A_408 = arith.constant 0 : i32
        %dma_wait3A_409 = arith.constant 0 : i32
        %dma_wait3A_410 = tpu.memref_slice %arg16[%dma_wait3A_408, %dma_wait3A_409] : memref<10016x128xf32, #tpu.memory_space<vmem_shared>> -> memref<10016x128xf32, #tpu.memory_space<vmem_shared>>
        tpu.wait_indirect_dma semaphore(%run_scoped3A_398 : memref<!tpu.dma_semaphore, #tpu.memory_space<semaphore_mem>>) src(%arg11 : memref<64x128xf32, #tpu.memory_space<vmem>>) dst(%dma_wait3A_410 : memref<10016x128xf32, #tpu.memory_space<vmem_shared>>)
        tpu.yield
      }) : () -> ()
      %dma_start3A_167 = arith.constant 0 : i32
      %dma_start3A_168 = arith.constant 0 : i32
      %dma_start3A_169 = tpu.memref_slice %arg8[%dma_start3A_167, %dma_start3A_168] : memref<10x64xi32, #tpu.memory_space<vmem>> -> memref<1x64xi32, #tpu.memory_space<vmem>>
      %dma_start3A_170 = tpu.memref_squeeze %dma_start3A_169 : memref<1x64xi32, #tpu.memory_space<vmem>> -> memref<64xi32, #tpu.memory_space<vmem>>
      %dma_start3A_171 = arith.constant 0 : i32
      %dma_start3A_172 = arith.constant 0 : i32
      %dma_start3A_173 = tpu.memref_slice %arg2[%dma_start3A_171, %dma_start3A_172] : memref<10000x128xf32, #tpu.memory_space<hbm>> -> memref<10000x128xf32, #tpu.memory_space<hbm>>
      tpu.enqueue_indirect_dma source(%dma_start3A_173 : memref<10000x128xf32, #tpu.memory_space<hbm>>) target(%arg11 : memref<64x128xf32, #tpu.memory_space<vmem>>) offsets(%dma_start3A_170 : memref<64xi32, #tpu.memory_space<vmem>>) semaphore(%arg17 : memref<!tpu.dma_semaphore, #tpu.memory_space<semaphore_mem>>)
      %dma_wait3A_174 = arith.constant 0 : i32
      %dma_wait3A_175 = arith.constant 0 : i32
      %dma_wait3A_176 = tpu.memref_slice %arg7[%dma_wait3A_174, %dma_wait3A_175] : memref<10x64xi32, #tpu.memory_space<vmem>> -> memref<1x64xi32, #tpu.memory_space<vmem>>
      %dma_wait3A_177 = tpu.memref_squeeze %dma_wait3A_176 : memref<1x64xi32, #tpu.memory_space<vmem>> -> memref<64xi32, #tpu.memory_space<vmem>>
      %dma_wait3A_178 = arith.constant 0 : i32
      %dma_wait3A_179 = arith.constant 0 : i32
      %dma_wait3A_180 = tpu.memref_slice %arg2[%dma_wait3A_178, %dma_wait3A_179] : memref<10000x128xf32, #tpu.memory_space<hbm>> -> memref<10000x128xf32, #tpu.memory_space<hbm>>
      tpu.wait_indirect_dma semaphore(%arg18 : memref<!tpu.dma_semaphore, #tpu.memory_space<semaphore_mem>>) src(%dma_wait3A_180 : memref<10000x128xf32, #tpu.memory_space<hbm>>) dst(%arg12 : memref<64x128xf32, #tpu.memory_space<vmem>>)
      %run_scoped3A_181 = arith.constant 6 : i32
      "tpu.region"() ({
        %run_scoped3A_398 = tpu.sem_alloc : memref<!tpu.dma_semaphore, #tpu.memory_space<semaphore_mem>>
        %dma_start3A_399 = arith.constant 0 : i32
        %dma_start3A_400 = tpu.memref_slice %arg9[%run_scoped3A_181, %dma_start3A_399] : memref<10x64xi32, #tpu.memory_space<vmem>> -> memref<1x64xi32, #tpu.memory_space<vmem>>
        %dma_start3A_401 = tpu.memref_squeeze %dma_start3A_400 : memref<1x64xi32, #tpu.memory_space<vmem>> -> memref<64xi32, #tpu.memory_space<vmem>>
        %dma_start3A_402 = arith.constant 0 : i32
        %dma_start3A_403 = arith.constant 0 : i32
        %dma_start3A_404 = tpu.memref_slice %arg16[%dma_start3A_402, %dma_start3A_403] : memref<10016x128xf32, #tpu.memory_space<vmem_shared>> -> memref<10016x128xf32, #tpu.memory_space<vmem_shared>>
        tpu.enqueue_indirect_dma source(%arg12 : memref<64x128xf32, #tpu.memory_space<vmem>>) target(%dma_start3A_404 : memref<10016x128xf32, #tpu.memory_space<vmem_shared>>) offsets(%dma_start3A_401 : memref<64xi32, #tpu.memory_space<vmem>>) semaphore(%run_scoped3A_398 : memref<!tpu.dma_semaphore, #tpu.memory_space<semaphore_mem>>) {add = true}
        %dma_wait3A_405 = arith.constant 0 : i32
        %dma_wait3A_406 = tpu.memref_slice %arg9[%run_scoped3A_181, %dma_wait3A_405] : memref<10x64xi32, #tpu.memory_space<vmem>> -> memref<1x64xi32, #tpu.memory_space<vmem>>
        %dma_wait3A_407 = tpu.memref_squeeze %dma_wait3A_406 : memref<1x64xi32, #tpu.memory_space<vmem>> -> memref<64xi32, #tpu.memory_space<vmem>>
        %dma_wait3A_408 = arith.constant 0 : i32
        %dma_wait3A_409 = arith.constant 0 : i32
        %dma_wait3A_410 = tpu.memref_slice %arg16[%dma_wait3A_408, %dma_wait3A_409] : memref<10016x128xf32, #tpu.memory_space<vmem_shared>> -> memref<10016x128xf32, #tpu.memory_space<vmem_shared>>
        tpu.wait_indirect_dma semaphore(%run_scoped3A_398 : memref<!tpu.dma_semaphore, #tpu.memory_space<semaphore_mem>>) src(%arg12 : memref<64x128xf32, #tpu.memory_space<vmem>>) dst(%dma_wait3A_410 : memref<10016x128xf32, #tpu.memory_space<vmem_shared>>)
        tpu.yield
      }) : () -> ()
      %dma_start3A_182 = arith.constant 1 : i32
      %dma_start3A_183 = arith.constant 0 : i32
      %dma_start3A_184 = tpu.memref_slice %arg8[%dma_start3A_182, %dma_start3A_183] : memref<10x64xi32, #tpu.memory_space<vmem>> -> memref<1x64xi32, #tpu.memory_space<vmem>>
      %dma_start3A_185 = tpu.memref_squeeze %dma_start3A_184 : memref<1x64xi32, #tpu.memory_space<vmem>> -> memref<64xi32, #tpu.memory_space<vmem>>
      %dma_start3A_186 = arith.constant 0 : i32
      %dma_start3A_187 = arith.constant 0 : i32
      %dma_start3A_188 = tpu.memref_slice %arg2[%dma_start3A_186, %dma_start3A_187] : memref<10000x128xf32, #tpu.memory_space<hbm>> -> memref<10000x128xf32, #tpu.memory_space<hbm>>
      tpu.enqueue_indirect_dma source(%dma_start3A_188 : memref<10000x128xf32, #tpu.memory_space<hbm>>) target(%arg12 : memref<64x128xf32, #tpu.memory_space<vmem>>) offsets(%dma_start3A_185 : memref<64xi32, #tpu.memory_space<vmem>>) semaphore(%arg18 : memref<!tpu.dma_semaphore, #tpu.memory_space<semaphore_mem>>)
      %dma_wait3A_189 = arith.constant 0 : i32
      %dma_wait3A_190 = arith.constant 0 : i32
      %dma_wait3A_191 = tpu.memref_slice %arg7[%dma_wait3A_189, %dma_wait3A_190] : memref<10x64xi32, #tpu.memory_space<vmem>> -> memref<1x64xi32, #tpu.memory_space<vmem>>
      %dma_wait3A_192 = tpu.memref_squeeze %dma_wait3A_191 : memref<1x64xi32, #tpu.memory_space<vmem>> -> memref<64xi32, #tpu.memory_space<vmem>>
      %dma_wait3A_193 = arith.constant 0 : i32
      %dma_wait3A_194 = arith.constant 0 : i32
      %dma_wait3A_195 = tpu.memref_slice %arg2[%dma_wait3A_193, %dma_wait3A_194] : memref<10000x128xf32, #tpu.memory_space<hbm>> -> memref<10000x128xf32, #tpu.memory_space<hbm>>
      tpu.wait_indirect_dma semaphore(%arg19 : memref<!tpu.dma_semaphore, #tpu.memory_space<semaphore_mem>>) src(%dma_wait3A_195 : memref<10000x128xf32, #tpu.memory_space<hbm>>) dst(%arg13 : memref<64x128xf32, #tpu.memory_space<vmem>>)
      %run_scoped3A_196 = arith.constant 7 : i32
      "tpu.region"() ({
        %run_scoped3A_398 = tpu.sem_alloc : memref<!tpu.dma_semaphore, #tpu.memory_space<semaphore_mem>>
        %dma_start3A_399 = arith.constant 0 : i32
        %dma_start3A_400 = tpu.memref_slice %arg9[%run_scoped3A_196, %dma_start3A_399] : memref<10x64xi32, #tpu.memory_space<vmem>> -> memref<1x64xi32, #tpu.memory_space<vmem>>
        %dma_start3A_401 = tpu.memref_squeeze %dma_start3A_400 : memref<1x64xi32, #tpu.memory_space<vmem>> -> memref<64xi32, #tpu.memory_space<vmem>>
        %dma_start3A_402 = arith.constant 0 : i32
        %dma_start3A_403 = arith.constant 0 : i32
        %dma_start3A_404 = tpu.memref_slice %arg16[%dma_start3A_402, %dma_start3A_403] : memref<10016x128xf32, #tpu.memory_space<vmem_shared>> -> memref<10016x128xf32, #tpu.memory_space<vmem_shared>>
        tpu.enqueue_indirect_dma source(%arg13 : memref<64x128xf32, #tpu.memory_space<vmem>>) target(%dma_start3A_404 : memref<10016x128xf32, #tpu.memory_space<vmem_shared>>) offsets(%dma_start3A_401 : memref<64xi32, #tpu.memory_space<vmem>>) semaphore(%run_scoped3A_398 : memref<!tpu.dma_semaphore, #tpu.memory_space<semaphore_mem>>) {add = true}
        %dma_wait3A_405 = arith.constant 0 : i32
        %dma_wait3A_406 = tpu.memref_slice %arg9[%run_scoped3A_196, %dma_wait3A_405] : memref<10x64xi32, #tpu.memory_space<vmem>> -> memref<1x64xi32, #tpu.memory_space<vmem>>
        %dma_wait3A_407 = tpu.memref_squeeze %dma_wait3A_406 : memref<1x64xi32, #tpu.memory_space<vmem>> -> memref<64xi32, #tpu.memory_space<vmem>>
        %dma_wait3A_408 = arith.constant 0 : i32
        %dma_wait3A_409 = arith.constant 0 : i32
        %dma_wait3A_410 = tpu.memref_slice %arg16[%dma_wait3A_408, %dma_wait3A_409] : memref<10016x128xf32, #tpu.memory_space<vmem_shared>> -> memref<10016x128xf32, #tpu.memory_space<vmem_shared>>
        tpu.wait_indirect_dma semaphore(%run_scoped3A_398 : memref<!tpu.dma_semaphore, #tpu.memory_space<semaphore_mem>>) src(%arg13 : memref<64x128xf32, #tpu.memory_space<vmem>>) dst(%dma_wait3A_410 : memref<10016x128xf32, #tpu.memory_space<vmem_shared>>)
        tpu.yield
      }) : () -> ()
      %dma_start3A_197 = arith.constant 2 : i32
      %dma_start3A_198 = arith.constant 0 : i32
      %dma_start3A_199 = tpu.memref_slice %arg8[%dma_start3A_197, %dma_start3A_198] : memref<10x64xi32, #tpu.memory_space<vmem>> -> memref<1x64xi32, #tpu.memory_space<vmem>>
      %dma_start3A_200 = tpu.memref_squeeze %dma_start3A_199 : memref<1x64xi32, #tpu.memory_space<vmem>> -> memref<64xi32, #tpu.memory_space<vmem>>
      %dma_start3A_201 = arith.constant 0 : i32
      %dma_start3A_202 = arith.constant 0 : i32
      %dma_start3A_203 = tpu.memref_slice %arg2[%dma_start3A_201, %dma_start3A_202] : memref<10000x128xf32, #tpu.memory_space<hbm>> -> memref<10000x128xf32, #tpu.memory_space<hbm>>
      tpu.enqueue_indirect_dma source(%dma_start3A_203 : memref<10000x128xf32, #tpu.memory_space<hbm>>) target(%arg13 : memref<64x128xf32, #tpu.memory_space<vmem>>) offsets(%dma_start3A_200 : memref<64xi32, #tpu.memory_space<vmem>>) semaphore(%arg19 : memref<!tpu.dma_semaphore, #tpu.memory_space<semaphore_mem>>)
      %dma_wait3A_204 = arith.constant 0 : i32
      %dma_wait3A_205 = arith.constant 0 : i32
      %dma_wait3A_206 = tpu.memref_slice %arg7[%dma_wait3A_204, %dma_wait3A_205] : memref<10x64xi32, #tpu.memory_space<vmem>> -> memref<1x64xi32, #tpu.memory_space<vmem>>
      %dma_wait3A_207 = tpu.memref_squeeze %dma_wait3A_206 : memref<1x64xi32, #tpu.memory_space<vmem>> -> memref<64xi32, #tpu.memory_space<vmem>>
      %dma_wait3A_208 = arith.constant 0 : i32
      %dma_wait3A_209 = arith.constant 0 : i32
      %dma_wait3A_210 = tpu.memref_slice %arg2[%dma_wait3A_208, %dma_wait3A_209] : memref<10000x128xf32, #tpu.memory_space<hbm>> -> memref<10000x128xf32, #tpu.memory_space<hbm>>
      tpu.wait_indirect_dma semaphore(%arg20 : memref<!tpu.dma_semaphore, #tpu.memory_space<semaphore_mem>>) src(%dma_wait3A_210 : memref<10000x128xf32, #tpu.memory_space<hbm>>) dst(%arg14 : memref<64x128xf32, #tpu.memory_space<vmem>>)
      %run_scoped3A_211 = arith.constant 8 : i32
      "tpu.region"() ({
        %run_scoped3A_398 = tpu.sem_alloc : memref<!tpu.dma_semaphore, #tpu.memory_space<semaphore_mem>>
        %dma_start3A_399 = arith.constant 0 : i32
        %dma_start3A_400 = tpu.memref_slice %arg9[%run_scoped3A_211, %dma_start3A_399] : memref<10x64xi32, #tpu.memory_space<vmem>> -> memref<1x64xi32, #tpu.memory_space<vmem>>
        %dma_start3A_401 = tpu.memref_squeeze %dma_start3A_400 : memref<1x64xi32, #tpu.memory_space<vmem>> -> memref<64xi32, #tpu.memory_space<vmem>>
        %dma_start3A_402 = arith.constant 0 : i32
        %dma_start3A_403 = arith.constant 0 : i32
        %dma_start3A_404 = tpu.memref_slice %arg16[%dma_start3A_402, %dma_start3A_403] : memref<10016x128xf32, #tpu.memory_space<vmem_shared>> -> memref<10016x128xf32, #tpu.memory_space<vmem_shared>>
        tpu.enqueue_indirect_dma source(%arg14 : memref<64x128xf32, #tpu.memory_space<vmem>>) target(%dma_start3A_404 : memref<10016x128xf32, #tpu.memory_space<vmem_shared>>) offsets(%dma_start3A_401 : memref<64xi32, #tpu.memory_space<vmem>>) semaphore(%run_scoped3A_398 : memref<!tpu.dma_semaphore, #tpu.memory_space<semaphore_mem>>) {add = true}
        %dma_wait3A_405 = arith.constant 0 : i32
        %dma_wait3A_406 = tpu.memref_slice %arg9[%run_scoped3A_211, %dma_wait3A_405] : memref<10x64xi32, #tpu.memory_space<vmem>> -> memref<1x64xi32, #tpu.memory_space<vmem>>
        %dma_wait3A_407 = tpu.memref_squeeze %dma_wait3A_406 : memref<1x64xi32, #tpu.memory_space<vmem>> -> memref<64xi32, #tpu.memory_space<vmem>>
        %dma_wait3A_408 = arith.constant 0 : i32
        %dma_wait3A_409 = arith.constant 0 : i32
        %dma_wait3A_410 = tpu.memref_slice %arg16[%dma_wait3A_408, %dma_wait3A_409] : memref<10016x128xf32, #tpu.memory_space<vmem_shared>> -> memref<10016x128xf32, #tpu.memory_space<vmem_shared>>
        tpu.wait_indirect_dma semaphore(%run_scoped3A_398 : memref<!tpu.dma_semaphore, #tpu.memory_space<semaphore_mem>>) src(%arg14 : memref<64x128xf32, #tpu.memory_space<vmem>>) dst(%dma_wait3A_410 : memref<10016x128xf32, #tpu.memory_space<vmem_shared>>)
        tpu.yield
      }) : () -> ()
      %dma_start3A_212 = arith.constant 3 : i32
      %dma_start3A_213 = arith.constant 0 : i32
      %dma_start3A_214 = tpu.memref_slice %arg8[%dma_start3A_212, %dma_start3A_213] : memref<10x64xi32, #tpu.memory_space<vmem>> -> memref<1x64xi32, #tpu.memory_space<vmem>>
      %dma_start3A_215 = tpu.memref_squeeze %dma_start3A_214 : memref<1x64xi32, #tpu.memory_space<vmem>> -> memref<64xi32, #tpu.memory_space<vmem>>
      %dma_start3A_216 = arith.constant 0 : i32
      %dma_start3A_217 = arith.constant 0 : i32
      %dma_start3A_218 = tpu.memref_slice %arg2[%dma_start3A_216, %dma_start3A_217] : memref<10000x128xf32, #tpu.memory_space<hbm>> -> memref<10000x128xf32, #tpu.memory_space<hbm>>
      tpu.enqueue_indirect_dma source(%dma_start3A_218 : memref<10000x128xf32, #tpu.memory_space<hbm>>) target(%arg14 : memref<64x128xf32, #tpu.memory_space<vmem>>) offsets(%dma_start3A_215 : memref<64xi32, #tpu.memory_space<vmem>>) semaphore(%arg20 : memref<!tpu.dma_semaphore, #tpu.memory_space<semaphore_mem>>)
      %dma_wait3A_219 = arith.constant 0 : i32
      %dma_wait3A_220 = arith.constant 0 : i32
      %dma_wait3A_221 = tpu.memref_slice %arg7[%dma_wait3A_219, %dma_wait3A_220] : memref<10x64xi32, #tpu.memory_space<vmem>> -> memref<1x64xi32, #tpu.memory_space<vmem>>
      %dma_wait3A_222 = tpu.memref_squeeze %dma_wait3A_221 : memref<1x64xi32, #tpu.memory_space<vmem>> -> memref<64xi32, #tpu.memory_space<vmem>>
      %dma_wait3A_223 = arith.constant 0 : i32
      %dma_wait3A_224 = arith.constant 0 : i32
      %dma_wait3A_225 = tpu.memref_slice %arg2[%dma_wait3A_223, %dma_wait3A_224] : memref<10000x128xf32, #tpu.memory_space<hbm>> -> memref<10000x128xf32, #tpu.memory_space<hbm>>
      tpu.wait_indirect_dma semaphore(%arg21 : memref<!tpu.dma_semaphore, #tpu.memory_space<semaphore_mem>>) src(%dma_wait3A_225 : memref<10000x128xf32, #tpu.memory_space<hbm>>) dst(%arg15 : memref<64x128xf32, #tpu.memory_space<vmem>>)
      %run_scoped3A_226 = arith.constant 9 : i32
      "tpu.region"() ({
        %run_scoped3A_398 = tpu.sem_alloc : memref<!tpu.dma_semaphore, #tpu.memory_space<semaphore_mem>>
        %dma_start3A_399 = arith.constant 0 : i32
        %dma_start3A_400 = tpu.memref_slice %arg9[%run_scoped3A_226, %dma_start3A_399] : memref<10x64xi32, #tpu.memory_space<vmem>> -> memref<1x64xi32, #tpu.memory_space<vmem>>
        %dma_start3A_401 = tpu.memref_squeeze %dma_start3A_400 : memref<1x64xi32, #tpu.memory_space<vmem>> -> memref<64xi32, #tpu.memory_space<vmem>>
        %dma_start3A_402 = arith.constant 0 : i32
        %dma_start3A_403 = arith.constant 0 : i32
        %dma_start3A_404 = tpu.memref_slice %arg16[%dma_start3A_402, %dma_start3A_403] : memref<10016x128xf32, #tpu.memory_space<vmem_shared>> -> memref<10016x128xf32, #tpu.memory_space<vmem_shared>>
        tpu.enqueue_indirect_dma source(%arg15 : memref<64x128xf32, #tpu.memory_space<vmem>>) target(%dma_start3A_404 : memref<10016x128xf32, #tpu.memory_space<vmem_shared>>) offsets(%dma_start3A_401 : memref<64xi32, #tpu.memory_space<vmem>>) semaphore(%run_scoped3A_398 : memref<!tpu.dma_semaphore, #tpu.memory_space<semaphore_mem>>) {add = true}
        %dma_wait3A_405 = arith.constant 0 : i32
        %dma_wait3A_406 = tpu.memref_slice %arg9[%run_scoped3A_226, %dma_wait3A_405] : memref<10x64xi32, #tpu.memory_space<vmem>> -> memref<1x64xi32, #tpu.memory_space<vmem>>
        %dma_wait3A_407 = tpu.memref_squeeze %dma_wait3A_406 : memref<1x64xi32, #tpu.memory_space<vmem>> -> memref<64xi32, #tpu.memory_space<vmem>>
        %dma_wait3A_408 = arith.constant 0 : i32
        %dma_wait3A_409 = arith.constant 0 : i32
        %dma_wait3A_410 = tpu.memref_slice %arg16[%dma_wait3A_408, %dma_wait3A_409] : memref<10016x128xf32, #tpu.memory_space<vmem_shared>> -> memref<10016x128xf32, #tpu.memory_space<vmem_shared>>
        tpu.wait_indirect_dma semaphore(%run_scoped3A_398 : memref<!tpu.dma_semaphore, #tpu.memory_space<semaphore_mem>>) src(%arg15 : memref<64x128xf32, #tpu.memory_space<vmem>>) dst(%dma_wait3A_410 : memref<10016x128xf32, #tpu.memory_space<vmem_shared>>)
        tpu.yield
      }) : () -> ()
      %dma_start3A_227 = arith.constant 4 : i32
      %dma_start3A_228 = arith.constant 0 : i32
      %dma_start3A_229 = tpu.memref_slice %arg8[%dma_start3A_227, %dma_start3A_228] : memref<10x64xi32, #tpu.memory_space<vmem>> -> memref<1x64xi32, #tpu.memory_space<vmem>>
      %dma_start3A_230 = tpu.memref_squeeze %dma_start3A_229 : memref<1x64xi32, #tpu.memory_space<vmem>> -> memref<64xi32, #tpu.memory_space<vmem>>
      %dma_start3A_231 = arith.constant 0 : i32
      %dma_start3A_232 = arith.constant 0 : i32
      %dma_start3A_233 = tpu.memref_slice %arg2[%dma_start3A_231, %dma_start3A_232] : memref<10000x128xf32, #tpu.memory_space<hbm>> -> memref<10000x128xf32, #tpu.memory_space<hbm>>
      tpu.enqueue_indirect_dma source(%dma_start3A_233 : memref<10000x128xf32, #tpu.memory_space<hbm>>) target(%arg15 : memref<64x128xf32, #tpu.memory_space<vmem>>) offsets(%dma_start3A_230 : memref<64xi32, #tpu.memory_space<vmem>>) semaphore(%arg21 : memref<!tpu.dma_semaphore, #tpu.memory_space<semaphore_mem>>)
      %dma_wait3A_234 = arith.constant 0 : i32
      %dma_wait3A_235 = arith.constant 0 : i32
      %dma_wait3A_236 = tpu.memref_slice %arg7[%dma_wait3A_234, %dma_wait3A_235] : memref<10x64xi32, #tpu.memory_space<vmem>> -> memref<1x64xi32, #tpu.memory_space<vmem>>
      %dma_wait3A_237 = tpu.memref_squeeze %dma_wait3A_236 : memref<1x64xi32, #tpu.memory_space<vmem>> -> memref<64xi32, #tpu.memory_space<vmem>>
      %dma_wait3A_238 = arith.constant 0 : i32
      %dma_wait3A_239 = arith.constant 0 : i32
      %dma_wait3A_240 = tpu.memref_slice %arg2[%dma_wait3A_238, %dma_wait3A_239] : memref<10000x128xf32, #tpu.memory_space<hbm>> -> memref<10000x128xf32, #tpu.memory_space<hbm>>
      tpu.wait_indirect_dma semaphore(%arg17 : memref<!tpu.dma_semaphore, #tpu.memory_space<semaphore_mem>>) src(%dma_wait3A_240 : memref<10000x128xf32, #tpu.memory_space<hbm>>) dst(%arg11 : memref<64x128xf32, #tpu.memory_space<vmem>>)
      %dma_wait3A_241 = arith.constant 0 : i32
      %dma_wait3A_242 = arith.constant 0 : i32
      %dma_wait3A_243 = arith.constant 0 : i32
      %dma_wait3A_244 = tpu.memref_slice %arg4[%add3A, %dma_wait3A_241, %dma_wait3A_242, %dma_wait3A_243] : memref<32x16x10x64xi32, #tpu.memory_space<hbm>> -> memref<1x1x10x64xi32, #tpu.memory_space<hbm>>
      %dma_wait3A_245 = tpu.memref_squeeze %dma_wait3A_244 : memref<1x1x10x64xi32, #tpu.memory_space<hbm>> -> memref<10x64xi32, #tpu.memory_space<hbm>>
      %dma_wait3A_246 = arith.constant 0 : i32
      %dma_wait3A_247 = arith.constant 0 : i32
      %dma_wait3A_248 = tpu.memref_slice %arg4[%add3A, %dma_wait3A_241, %dma_wait3A_246, %dma_wait3A_247] : memref<32x16x10x64xi32, #tpu.memory_space<hbm>> -> memref<1x1x10x64xi32, #tpu.memory_space<hbm>>
      %dma_wait3A_249 = tpu.memref_squeeze %dma_wait3A_248 : memref<1x1x10x64xi32, #tpu.memory_space<hbm>> -> memref<10x64xi32, #tpu.memory_space<hbm>>
      tpu.wait_dma2 semaphore(%arg22 : memref<!tpu.dma_semaphore, #tpu.memory_space<semaphore_mem>>) src(%dma_wait3A_249 : memref<10x64xi32, #tpu.memory_space<hbm>>) dst(%arg10 : memref<10x64xi32, #tpu.memory_space<vmem>>)
      %run_scoped3A_250 = arith.constant 0 : i32
      "tpu.region"() ({
        %run_scoped3A_398 = tpu.sem_alloc : memref<!tpu.dma_semaphore, #tpu.memory_space<semaphore_mem>>
        %dma_start3A_399 = arith.constant 0 : i32
        %dma_start3A_400 = tpu.memref_slice %arg10[%run_scoped3A_250, %dma_start3A_399] : memref<10x64xi32, #tpu.memory_space<vmem>> -> memref<1x64xi32, #tpu.memory_space<vmem>>
        %dma_start3A_401 = tpu.memref_squeeze %dma_start3A_400 : memref<1x64xi32, #tpu.memory_space<vmem>> -> memref<64xi32, #tpu.memory_space<vmem>>
        %dma_start3A_402 = arith.constant 0 : i32
        %dma_start3A_403 = arith.constant 0 : i32
        %dma_start3A_404 = tpu.memref_slice %arg16[%dma_start3A_402, %dma_start3A_403] : memref<10016x128xf32, #tpu.memory_space<vmem_shared>> -> memref<10016x128xf32, #tpu.memory_space<vmem_shared>>
        tpu.enqueue_indirect_dma source(%arg11 : memref<64x128xf32, #tpu.memory_space<vmem>>) target(%dma_start3A_404 : memref<10016x128xf32, #tpu.memory_space<vmem_shared>>) offsets(%dma_start3A_401 : memref<64xi32, #tpu.memory_space<vmem>>) semaphore(%run_scoped3A_398 : memref<!tpu.dma_semaphore, #tpu.memory_space<semaphore_mem>>) {add = true}
        %dma_wait3A_405 = arith.constant 0 : i32
        %dma_wait3A_406 = tpu.memref_slice %arg10[%run_scoped3A_250, %dma_wait3A_405] : memref<10x64xi32, #tpu.memory_space<vmem>> -> memref<1x64xi32, #tpu.memory_space<vmem>>
        %dma_wait3A_407 = tpu.memref_squeeze %dma_wait3A_406 : memref<1x64xi32, #tpu.memory_space<vmem>> -> memref<64xi32, #tpu.memory_space<vmem>>
        %dma_wait3A_408 = arith.constant 0 : i32
        %dma_wait3A_409 = arith.constant 0 : i32
        %dma_wait3A_410 = tpu.memref_slice %arg16[%dma_wait3A_408, %dma_wait3A_409] : memref<10016x128xf32, #tpu.memory_space<vmem_shared>> -> memref<10016x128xf32, #tpu.memory_space<vmem_shared>>
        tpu.wait_indirect_dma semaphore(%run_scoped3A_398 : memref<!tpu.dma_semaphore, #tpu.memory_space<semaphore_mem>>) src(%arg11 : memref<64x128xf32, #tpu.memory_space<vmem>>) dst(%dma_wait3A_410 : memref<10016x128xf32, #tpu.memory_space<vmem_shared>>)
        tpu.yield
      }) : () -> ()
      %lt3A = arith.constant 7 : i32
      %lt3A_251 = arith.cmpi slt, %scan3A_70, %lt3A : i32
      %convert_element_type3A_252 = arith.extui %lt3A_251 : i1 to i32
      %cond3A_253 = arith.constant 0 : i32
      %cond3A_254 = arith.cmpi ne, %convert_element_type3A_252, %cond3A_253 : i32
      scf.if %cond3A_254 {
        %mul3A_398 = arith.constant 2 : i32
        %mul3A_399 = arith.muli %mul3A_398, %scan3A_70 : i32
        %add3A_400 = arith.constant 2 : i32
        %add3A_401 = arith.addi %mul3A_399, %add3A_400 : i32
        %dma_start3A_402 = arith.constant 0 : i32
        %dma_start3A_403 = arith.constant 0 : i32
        %dma_start3A_404 = tpu.memref_slice %arg3[%add3A, %add3A_401, %dma_start3A_402, %dma_start3A_403] : memref<32x16x10x64xi32, #tpu.memory_space<hbm>> -> memref<1x1x10x64xi32, #tpu.memory_space<hbm>>
        %dma_start3A_405 = tpu.memref_squeeze %dma_start3A_404 : memref<1x1x10x64xi32, #tpu.memory_space<hbm>> -> memref<10x64xi32, #tpu.memory_space<hbm>>
        %dma_start3A_406 = arith.constant 0 : i32
        %dma_start3A_407 = arith.constant 0 : i32
        %dma_start3A_408 = tpu.memref_slice %arg3[%add3A, %add3A_401, %dma_start3A_406, %dma_start3A_407] : memref<32x16x10x64xi32, #tpu.memory_space<hbm>> -> memref<1x1x10x64xi32, #tpu.memory_space<hbm>>
        %dma_start3A_409 = tpu.memref_squeeze %dma_start3A_408 : memref<1x1x10x64xi32, #tpu.memory_space<hbm>> -> memref<10x64xi32, #tpu.memory_space<hbm>>
        tpu.enqueue_dma source(%dma_start3A_409 : memref<10x64xi32, #tpu.memory_space<hbm>>) target(%arg7 : memref<10x64xi32, #tpu.memory_space<vmem>>) target_semaphore(%arg22 : memref<!tpu.dma_semaphore, #tpu.memory_space<semaphore_mem>>)
      } else {
      }
      %dma_start3A_255 = arith.constant 5 : i32
      %dma_start3A_256 = arith.constant 0 : i32
      %dma_start3A_257 = tpu.memref_slice %arg8[%dma_start3A_255, %dma_start3A_256] : memref<10x64xi32, #tpu.memory_space<vmem>> -> memref<1x64xi32, #tpu.memory_space<vmem>>
      %dma_start3A_258 = tpu.memref_squeeze %dma_start3A_257 : memref<1x64xi32, #tpu.memory_space<vmem>> -> memref<64xi32, #tpu.memory_space<vmem>>
      %dma_start3A_259 = arith.constant 0 : i32
      %dma_start3A_260 = arith.constant 0 : i32
      %dma_start3A_261 = tpu.memref_slice %arg2[%dma_start3A_259, %dma_start3A_260] : memref<10000x128xf32, #tpu.memory_space<hbm>> -> memref<10000x128xf32, #tpu.memory_space<hbm>>
      tpu.enqueue_indirect_dma source(%dma_start3A_261 : memref<10000x128xf32, #tpu.memory_space<hbm>>) target(%arg11 : memref<64x128xf32, #tpu.memory_space<vmem>>) offsets(%dma_start3A_258 : memref<64xi32, #tpu.memory_space<vmem>>) semaphore(%arg17 : memref<!tpu.dma_semaphore, #tpu.memory_space<semaphore_mem>>)
      %dma_wait3A_262 = arith.constant 0 : i32
      %dma_wait3A_263 = arith.constant 0 : i32
      %dma_wait3A_264 = tpu.memref_slice %arg7[%dma_wait3A_262, %dma_wait3A_263] : memref<10x64xi32, #tpu.memory_space<vmem>> -> memref<1x64xi32, #tpu.memory_space<vmem>>
      %dma_wait3A_265 = tpu.memref_squeeze %dma_wait3A_264 : memref<1x64xi32, #tpu.memory_space<vmem>> -> memref<64xi32, #tpu.memory_space<vmem>>
      %dma_wait3A_266 = arith.constant 0 : i32
      %dma_wait3A_267 = arith.constant 0 : i32
      %dma_wait3A_268 = tpu.memref_slice %arg2[%dma_wait3A_266, %dma_wait3A_267] : memref<10000x128xf32, #tpu.memory_space<hbm>> -> memref<10000x128xf32, #tpu.memory_space<hbm>>
      tpu.wait_indirect_dma semaphore(%arg18 : memref<!tpu.dma_semaphore, #tpu.memory_space<semaphore_mem>>) src(%dma_wait3A_268 : memref<10000x128xf32, #tpu.memory_space<hbm>>) dst(%arg12 : memref<64x128xf32, #tpu.memory_space<vmem>>)
      %run_scoped3A_269 = arith.constant 1 : i32
      "tpu.region"() ({
        %run_scoped3A_398 = tpu.sem_alloc : memref<!tpu.dma_semaphore, #tpu.memory_space<semaphore_mem>>
        %dma_start3A_399 = arith.constant 0 : i32
        %dma_start3A_400 = tpu.memref_slice %arg10[%run_scoped3A_269, %dma_start3A_399] : memref<10x64xi32, #tpu.memory_space<vmem>> -> memref<1x64xi32, #tpu.memory_space<vmem>>
        %dma_start3A_401 = tpu.memref_squeeze %dma_start3A_400 : memref<1x64xi32, #tpu.memory_space<vmem>> -> memref<64xi32, #tpu.memory_space<vmem>>
        %dma_start3A_402 = arith.constant 0 : i32
        %dma_start3A_403 = arith.constant 0 : i32
        %dma_start3A_404 = tpu.memref_slice %arg16[%dma_start3A_402, %dma_start3A_403] : memref<10016x128xf32, #tpu.memory_space<vmem_shared>> -> memref<10016x128xf32, #tpu.memory_space<vmem_shared>>
        tpu.enqueue_indirect_dma source(%arg12 : memref<64x128xf32, #tpu.memory_space<vmem>>) target(%dma_start3A_404 : memref<10016x128xf32, #tpu.memory_space<vmem_shared>>) offsets(%dma_start3A_401 : memref<64xi32, #tpu.memory_space<vmem>>) semaphore(%run_scoped3A_398 : memref<!tpu.dma_semaphore, #tpu.memory_space<semaphore_mem>>) {add = true}
        %dma_wait3A_405 = arith.constant 0 : i32
        %dma_wait3A_406 = tpu.memref_slice %arg10[%run_scoped3A_269, %dma_wait3A_405] : memref<10x64xi32, #tpu.memory_space<vmem>> -> memref<1x64xi32, #tpu.memory_space<vmem>>
        %dma_wait3A_407 = tpu.memref_squeeze %dma_wait3A_406 : memref<1x64xi32, #tpu.memory_space<vmem>> -> memref<64xi32, #tpu.memory_space<vmem>>
        %dma_wait3A_408 = arith.constant 0 : i32
        %dma_wait3A_409 = arith.constant 0 : i32
        %dma_wait3A_410 = tpu.memref_slice %arg16[%dma_wait3A_408, %dma_wait3A_409] : memref<10016x128xf32, #tpu.memory_space<vmem_shared>> -> memref<10016x128xf32, #tpu.memory_space<vmem_shared>>
        tpu.wait_indirect_dma semaphore(%run_scoped3A_398 : memref<!tpu.dma_semaphore, #tpu.memory_space<semaphore_mem>>) src(%arg12 : memref<64x128xf32, #tpu.memory_space<vmem>>) dst(%dma_wait3A_410 : memref<10016x128xf32, #tpu.memory_space<vmem_shared>>)
        tpu.yield
      }) : () -> ()
      %lt3A_270 = arith.constant 7 : i32
      %lt3A_271 = arith.cmpi slt, %scan3A_70, %lt3A_270 : i32
      %convert_element_type3A_272 = arith.extui %lt3A_271 : i1 to i32
      %cond3A_273 = arith.constant 0 : i32
      %cond3A_274 = arith.cmpi ne, %convert_element_type3A_272, %cond3A_273 : i32
      scf.if %cond3A_274 {
        %mul3A_398 = arith.constant 2 : i32
        %mul3A_399 = arith.muli %mul3A_398, %scan3A_70 : i32
        %add3A_400 = arith.constant 2 : i32
        %add3A_401 = arith.addi %mul3A_399, %add3A_400 : i32
        %dma_start3A_402 = arith.constant 0 : i32
        %dma_start3A_403 = arith.constant 0 : i32
        %dma_start3A_404 = tpu.memref_slice %arg4[%add3A, %add3A_401, %dma_start3A_402, %dma_start3A_403] : memref<32x16x10x64xi32, #tpu.memory_space<hbm>> -> memref<1x1x10x64xi32, #tpu.memory_space<hbm>>
        %dma_start3A_405 = tpu.memref_squeeze %dma_start3A_404 : memref<1x1x10x64xi32, #tpu.memory_space<hbm>> -> memref<10x64xi32, #tpu.memory_space<hbm>>
        %dma_start3A_406 = arith.constant 0 : i32
        %dma_start3A_407 = arith.constant 0 : i32
        %dma_start3A_408 = tpu.memref_slice %arg4[%add3A, %add3A_401, %dma_start3A_406, %dma_start3A_407] : memref<32x16x10x64xi32, #tpu.memory_space<hbm>> -> memref<1x1x10x64xi32, #tpu.memory_space<hbm>>
        %dma_start3A_409 = tpu.memref_squeeze %dma_start3A_408 : memref<1x1x10x64xi32, #tpu.memory_space<hbm>> -> memref<10x64xi32, #tpu.memory_space<hbm>>
        tpu.enqueue_dma source(%dma_start3A_409 : memref<10x64xi32, #tpu.memory_space<hbm>>) target(%arg9 : memref<10x64xi32, #tpu.memory_space<vmem>>) target_semaphore(%arg22 : memref<!tpu.dma_semaphore, #tpu.memory_space<semaphore_mem>>)
      } else {
      }
      %dma_start3A_275 = arith.constant 6 : i32
      %dma_start3A_276 = arith.constant 0 : i32
      %dma_start3A_277 = tpu.memref_slice %arg8[%dma_start3A_275, %dma_start3A_276] : memref<10x64xi32, #tpu.memory_space<vmem>> -> memref<1x64xi32, #tpu.memory_space<vmem>>
      %dma_start3A_278 = tpu.memref_squeeze %dma_start3A_277 : memref<1x64xi32, #tpu.memory_space<vmem>> -> memref<64xi32, #tpu.memory_space<vmem>>
      %dma_start3A_279 = arith.constant 0 : i32
      %dma_start3A_280 = arith.constant 0 : i32
      %dma_start3A_281 = tpu.memref_slice %arg2[%dma_start3A_279, %dma_start3A_280] : memref<10000x128xf32, #tpu.memory_space<hbm>> -> memref<10000x128xf32, #tpu.memory_space<hbm>>
      tpu.enqueue_indirect_dma source(%dma_start3A_281 : memref<10000x128xf32, #tpu.memory_space<hbm>>) target(%arg12 : memref<64x128xf32, #tpu.memory_space<vmem>>) offsets(%dma_start3A_278 : memref<64xi32, #tpu.memory_space<vmem>>) semaphore(%arg18 : memref<!tpu.dma_semaphore, #tpu.memory_space<semaphore_mem>>)
      %dma_wait3A_282 = arith.constant 0 : i32
      %dma_wait3A_283 = arith.constant 0 : i32
      %dma_wait3A_284 = tpu.memref_slice %arg7[%dma_wait3A_282, %dma_wait3A_283] : memref<10x64xi32, #tpu.memory_space<vmem>> -> memref<1x64xi32, #tpu.memory_space<vmem>>
      %dma_wait3A_285 = tpu.memref_squeeze %dma_wait3A_284 : memref<1x64xi32, #tpu.memory_space<vmem>> -> memref<64xi32, #tpu.memory_space<vmem>>
      %dma_wait3A_286 = arith.constant 0 : i32
      %dma_wait3A_287 = arith.constant 0 : i32
      %dma_wait3A_288 = tpu.memref_slice %arg2[%dma_wait3A_286, %dma_wait3A_287] : memref<10000x128xf32, #tpu.memory_space<hbm>> -> memref<10000x128xf32, #tpu.memory_space<hbm>>
      tpu.wait_indirect_dma semaphore(%arg19 : memref<!tpu.dma_semaphore, #tpu.memory_space<semaphore_mem>>) src(%dma_wait3A_288 : memref<10000x128xf32, #tpu.memory_space<hbm>>) dst(%arg13 : memref<64x128xf32, #tpu.memory_space<vmem>>)
      %run_scoped3A_289 = arith.constant 2 : i32
      "tpu.region"() ({
        %run_scoped3A_398 = tpu.sem_alloc : memref<!tpu.dma_semaphore, #tpu.memory_space<semaphore_mem>>
        %dma_start3A_399 = arith.constant 0 : i32
        %dma_start3A_400 = tpu.memref_slice %arg10[%run_scoped3A_289, %dma_start3A_399] : memref<10x64xi32, #tpu.memory_space<vmem>> -> memref<1x64xi32, #tpu.memory_space<vmem>>
        %dma_start3A_401 = tpu.memref_squeeze %dma_start3A_400 : memref<1x64xi32, #tpu.memory_space<vmem>> -> memref<64xi32, #tpu.memory_space<vmem>>
        %dma_start3A_402 = arith.constant 0 : i32
        %dma_start3A_403 = arith.constant 0 : i32
        %dma_start3A_404 = tpu.memref_slice %arg16[%dma_start3A_402, %dma_start3A_403] : memref<10016x128xf32, #tpu.memory_space<vmem_shared>> -> memref<10016x128xf32, #tpu.memory_space<vmem_shared>>
        tpu.enqueue_indirect_dma source(%arg13 : memref<64x128xf32, #tpu.memory_space<vmem>>) target(%dma_start3A_404 : memref<10016x128xf32, #tpu.memory_space<vmem_shared>>) offsets(%dma_start3A_401 : memref<64xi32, #tpu.memory_space<vmem>>) semaphore(%run_scoped3A_398 : memref<!tpu.dma_semaphore, #tpu.memory_space<semaphore_mem>>) {add = true}
        %dma_wait3A_405 = arith.constant 0 : i32
        %dma_wait3A_406 = tpu.memref_slice %arg10[%run_scoped3A_289, %dma_wait3A_405] : memref<10x64xi32, #tpu.memory_space<vmem>> -> memref<1x64xi32, #tpu.memory_space<vmem>>
        %dma_wait3A_407 = tpu.memref_squeeze %dma_wait3A_406 : memref<1x64xi32, #tpu.memory_space<vmem>> -> memref<64xi32, #tpu.memory_space<vmem>>
        %dma_wait3A_408 = arith.constant 0 : i32
        %dma_wait3A_409 = arith.constant 0 : i32
        %dma_wait3A_410 = tpu.memref_slice %arg16[%dma_wait3A_408, %dma_wait3A_409] : memref<10016x128xf32, #tpu.memory_space<vmem_shared>> -> memref<10016x128xf32, #tpu.memory_space<vmem_shared>>
        tpu.wait_indirect_dma semaphore(%run_scoped3A_398 : memref<!tpu.dma_semaphore, #tpu.memory_space<semaphore_mem>>) src(%arg13 : memref<64x128xf32, #tpu.memory_space<vmem>>) dst(%dma_wait3A_410 : memref<10016x128xf32, #tpu.memory_space<vmem_shared>>)
        tpu.yield
      }) : () -> ()
      %dma_start3A_290 = arith.constant 7 : i32
      %dma_start3A_291 = arith.constant 0 : i32
      %dma_start3A_292 = tpu.memref_slice %arg8[%dma_start3A_290, %dma_start3A_291] : memref<10x64xi32, #tpu.memory_space<vmem>> -> memref<1x64xi32, #tpu.memory_space<vmem>>
      %dma_start3A_293 = tpu.memref_squeeze %dma_start3A_292 : memref<1x64xi32, #tpu.memory_space<vmem>> -> memref<64xi32, #tpu.memory_space<vmem>>
      %dma_start3A_294 = arith.constant 0 : i32
      %dma_start3A_295 = arith.constant 0 : i32
      %dma_start3A_296 = tpu.memref_slice %arg2[%dma_start3A_294, %dma_start3A_295] : memref<10000x128xf32, #tpu.memory_space<hbm>> -> memref<10000x128xf32, #tpu.memory_space<hbm>>
      tpu.enqueue_indirect_dma source(%dma_start3A_296 : memref<10000x128xf32, #tpu.memory_space<hbm>>) target(%arg13 : memref<64x128xf32, #tpu.memory_space<vmem>>) offsets(%dma_start3A_293 : memref<64xi32, #tpu.memory_space<vmem>>) semaphore(%arg19 : memref<!tpu.dma_semaphore, #tpu.memory_space<semaphore_mem>>)
      %dma_wait3A_297 = arith.constant 0 : i32
      %dma_wait3A_298 = arith.constant 0 : i32
      %dma_wait3A_299 = tpu.memref_slice %arg7[%dma_wait3A_297, %dma_wait3A_298] : memref<10x64xi32, #tpu.memory_space<vmem>> -> memref<1x64xi32, #tpu.memory_space<vmem>>
      %dma_wait3A_300 = tpu.memref_squeeze %dma_wait3A_299 : memref<1x64xi32, #tpu.memory_space<vmem>> -> memref<64xi32, #tpu.memory_space<vmem>>
      %dma_wait3A_301 = arith.constant 0 : i32
      %dma_wait3A_302 = arith.constant 0 : i32
      %dma_wait3A_303 = tpu.memref_slice %arg2[%dma_wait3A_301, %dma_wait3A_302] : memref<10000x128xf32, #tpu.memory_space<hbm>> -> memref<10000x128xf32, #tpu.memory_space<hbm>>
      tpu.wait_indirect_dma semaphore(%arg20 : memref<!tpu.dma_semaphore, #tpu.memory_space<semaphore_mem>>) src(%dma_wait3A_303 : memref<10000x128xf32, #tpu.memory_space<hbm>>) dst(%arg14 : memref<64x128xf32, #tpu.memory_space<vmem>>)
      %run_scoped3A_304 = arith.constant 3 : i32
      "tpu.region"() ({
        %run_scoped3A_398 = tpu.sem_alloc : memref<!tpu.dma_semaphore, #tpu.memory_space<semaphore_mem>>
        %dma_start3A_399 = arith.constant 0 : i32
        %dma_start3A_400 = tpu.memref_slice %arg10[%run_scoped3A_304, %dma_start3A_399] : memref<10x64xi32, #tpu.memory_space<vmem>> -> memref<1x64xi32, #tpu.memory_space<vmem>>
        %dma_start3A_401 = tpu.memref_squeeze %dma_start3A_400 : memref<1x64xi32, #tpu.memory_space<vmem>> -> memref<64xi32, #tpu.memory_space<vmem>>
        %dma_start3A_402 = arith.constant 0 : i32
        %dma_start3A_403 = arith.constant 0 : i32
        %dma_start3A_404 = tpu.memref_slice %arg16[%dma_start3A_402, %dma_start3A_403] : memref<10016x128xf32, #tpu.memory_space<vmem_shared>> -> memref<10016x128xf32, #tpu.memory_space<vmem_shared>>
        tpu.enqueue_indirect_dma source(%arg14 : memref<64x128xf32, #tpu.memory_space<vmem>>) target(%dma_start3A_404 : memref<10016x128xf32, #tpu.memory_space<vmem_shared>>) offsets(%dma_start3A_401 : memref<64xi32, #tpu.memory_space<vmem>>) semaphore(%run_scoped3A_398 : memref<!tpu.dma_semaphore, #tpu.memory_space<semaphore_mem>>) {add = true}
        %dma_wait3A_405 = arith.constant 0 : i32
        %dma_wait3A_406 = tpu.memref_slice %arg10[%run_scoped3A_304, %dma_wait3A_405] : memref<10x64xi32, #tpu.memory_space<vmem>> -> memref<1x64xi32, #tpu.memory_space<vmem>>
        %dma_wait3A_407 = tpu.memref_squeeze %dma_wait3A_406 : memref<1x64xi32, #tpu.memory_space<vmem>> -> memref<64xi32, #tpu.memory_space<vmem>>
        %dma_wait3A_408 = arith.constant 0 : i32
        %dma_wait3A_409 = arith.constant 0 : i32
        %dma_wait3A_410 = tpu.memref_slice %arg16[%dma_wait3A_408, %dma_wait3A_409] : memref<10016x128xf32, #tpu.memory_space<vmem_shared>> -> memref<10016x128xf32, #tpu.memory_space<vmem_shared>>
        tpu.wait_indirect_dma semaphore(%run_scoped3A_398 : memref<!tpu.dma_semaphore, #tpu.memory_space<semaphore_mem>>) src(%arg14 : memref<64x128xf32, #tpu.memory_space<vmem>>) dst(%dma_wait3A_410 : memref<10016x128xf32, #tpu.memory_space<vmem_shared>>)
        tpu.yield
      }) : () -> ()
      %dma_start3A_305 = arith.constant 8 : i32
      %dma_start3A_306 = arith.constant 0 : i32
      %dma_start3A_307 = tpu.memref_slice %arg8[%dma_start3A_305, %dma_start3A_306] : memref<10x64xi32, #tpu.memory_space<vmem>> -> memref<1x64xi32, #tpu.memory_space<vmem>>
      %dma_start3A_308 = tpu.memref_squeeze %dma_start3A_307 : memref<1x64xi32, #tpu.memory_space<vmem>> -> memref<64xi32, #tpu.memory_space<vmem>>
      %dma_start3A_309 = arith.constant 0 : i32
      %dma_start3A_310 = arith.constant 0 : i32
      %dma_start3A_311 = tpu.memref_slice %arg2[%dma_start3A_309, %dma_start3A_310] : memref<10000x128xf32, #tpu.memory_space<hbm>> -> memref<10000x128xf32, #tpu.memory_space<hbm>>
      tpu.enqueue_indirect_dma source(%dma_start3A_311 : memref<10000x128xf32, #tpu.memory_space<hbm>>) target(%arg14 : memref<64x128xf32, #tpu.memory_space<vmem>>) offsets(%dma_start3A_308 : memref<64xi32, #tpu.memory_space<vmem>>) semaphore(%arg20 : memref<!tpu.dma_semaphore, #tpu.memory_space<semaphore_mem>>)
      %dma_wait3A_312 = arith.constant 0 : i32
      %dma_wait3A_313 = arith.constant 0 : i32
      %dma_wait3A_314 = tpu.memref_slice %arg7[%dma_wait3A_312, %dma_wait3A_313] : memref<10x64xi32, #tpu.memory_space<vmem>> -> memref<1x64xi32, #tpu.memory_space<vmem>>
      %dma_wait3A_315 = tpu.memref_squeeze %dma_wait3A_314 : memref<1x64xi32, #tpu.memory_space<vmem>> -> memref<64xi32, #tpu.memory_space<vmem>>
      %dma_wait3A_316 = arith.constant 0 : i32
      %dma_wait3A_317 = arith.constant 0 : i32
      %dma_wait3A_318 = tpu.memref_slice %arg2[%dma_wait3A_316, %dma_wait3A_317] : memref<10000x128xf32, #tpu.memory_space<hbm>> -> memref<10000x128xf32, #tpu.memory_space<hbm>>
      tpu.wait_indirect_dma semaphore(%arg21 : memref<!tpu.dma_semaphore, #tpu.memory_space<semaphore_mem>>) src(%dma_wait3A_318 : memref<10000x128xf32, #tpu.memory_space<hbm>>) dst(%arg15 : memref<64x128xf32, #tpu.memory_space<vmem>>)
      %run_scoped3A_319 = arith.constant 4 : i32
      "tpu.region"() ({
        %run_scoped3A_398 = tpu.sem_alloc : memref<!tpu.dma_semaphore, #tpu.memory_space<semaphore_mem>>
        %dma_start3A_399 = arith.constant 0 : i32
        %dma_start3A_400 = tpu.memref_slice %arg10[%run_scoped3A_319, %dma_start3A_399] : memref<10x64xi32, #tpu.memory_space<vmem>> -> memref<1x64xi32, #tpu.memory_space<vmem>>
        %dma_start3A_401 = tpu.memref_squeeze %dma_start3A_400 : memref<1x64xi32, #tpu.memory_space<vmem>> -> memref<64xi32, #tpu.memory_space<vmem>>
        %dma_start3A_402 = arith.constant 0 : i32
        %dma_start3A_403 = arith.constant 0 : i32
        %dma_start3A_404 = tpu.memref_slice %arg16[%dma_start3A_402, %dma_start3A_403] : memref<10016x128xf32, #tpu.memory_space<vmem_shared>> -> memref<10016x128xf32, #tpu.memory_space<vmem_shared>>
        tpu.enqueue_indirect_dma source(%arg15 : memref<64x128xf32, #tpu.memory_space<vmem>>) target(%dma_start3A_404 : memref<10016x128xf32, #tpu.memory_space<vmem_shared>>) offsets(%dma_start3A_401 : memref<64xi32, #tpu.memory_space<vmem>>) semaphore(%run_scoped3A_398 : memref<!tpu.dma_semaphore, #tpu.memory_space<semaphore_mem>>) {add = true}
        %dma_wait3A_405 = arith.constant 0 : i32
        %dma_wait3A_406 = tpu.memref_slice %arg10[%run_scoped3A_319, %dma_wait3A_405] : memref<10x64xi32, #tpu.memory_space<vmem>> -> memref<1x64xi32, #tpu.memory_space<vmem>>
        %dma_wait3A_407 = tpu.memref_squeeze %dma_wait3A_406 : memref<1x64xi32, #tpu.memory_space<vmem>> -> memref<64xi32, #tpu.memory_space<vmem>>
        %dma_wait3A_408 = arith.constant 0 : i32
        %dma_wait3A_409 = arith.constant 0 : i32
        %dma_wait3A_410 = tpu.memref_slice %arg16[%dma_wait3A_408, %dma_wait3A_409] : memref<10016x128xf32, #tpu.memory_space<vmem_shared>> -> memref<10016x128xf32, #tpu.memory_space<vmem_shared>>
        tpu.wait_indirect_dma semaphore(%run_scoped3A_398 : memref<!tpu.dma_semaphore, #tpu.memory_space<semaphore_mem>>) src(%arg15 : memref<64x128xf32, #tpu.memory_space<vmem>>) dst(%dma_wait3A_410 : memref<10016x128xf32, #tpu.memory_space<vmem_shared>>)
        tpu.yield
      }) : () -> ()
      %dma_start3A_320 = arith.constant 9 : i32
      %dma_start3A_321 = arith.constant 0 : i32
      %dma_start3A_322 = tpu.memref_slice %arg8[%dma_start3A_320, %dma_start3A_321] : memref<10x64xi32, #tpu.memory_space<vmem>> -> memref<1x64xi32, #tpu.memory_space<vmem>>
      %dma_start3A_323 = tpu.memref_squeeze %dma_start3A_322 : memref<1x64xi32, #tpu.memory_space<vmem>> -> memref<64xi32, #tpu.memory_space<vmem>>
      %dma_start3A_324 = arith.constant 0 : i32
      %dma_start3A_325 = arith.constant 0 : i32
      %dma_start3A_326 = tpu.memref_slice %arg2[%dma_start3A_324, %dma_start3A_325] : memref<10000x128xf32, #tpu.memory_space<hbm>> -> memref<10000x128xf32, #tpu.memory_space<hbm>>
      tpu.enqueue_indirect_dma source(%dma_start3A_326 : memref<10000x128xf32, #tpu.memory_space<hbm>>) target(%arg15 : memref<64x128xf32, #tpu.memory_space<vmem>>) offsets(%dma_start3A_323 : memref<64xi32, #tpu.memory_space<vmem>>) semaphore(%arg21 : memref<!tpu.dma_semaphore, #tpu.memory_space<semaphore_mem>>)
      %dma_wait3A_327 = arith.constant 0 : i32
      %dma_wait3A_328 = arith.constant 0 : i32
      %dma_wait3A_329 = tpu.memref_slice %arg7[%dma_wait3A_327, %dma_wait3A_328] : memref<10x64xi32, #tpu.memory_space<vmem>> -> memref<1x64xi32, #tpu.memory_space<vmem>>
      %dma_wait3A_330 = tpu.memref_squeeze %dma_wait3A_329 : memref<1x64xi32, #tpu.memory_space<vmem>> -> memref<64xi32, #tpu.memory_space<vmem>>
      %dma_wait3A_331 = arith.constant 0 : i32
      %dma_wait3A_332 = arith.constant 0 : i32
      %dma_wait3A_333 = tpu.memref_slice %arg2[%dma_wait3A_331, %dma_wait3A_332] : memref<10000x128xf32, #tpu.memory_space<hbm>> -> memref<10000x128xf32, #tpu.memory_space<hbm>>
      tpu.wait_indirect_dma semaphore(%arg17 : memref<!tpu.dma_semaphore, #tpu.memory_space<semaphore_mem>>) src(%dma_wait3A_333 : memref<10000x128xf32, #tpu.memory_space<hbm>>) dst(%arg11 : memref<64x128xf32, #tpu.memory_space<vmem>>)
      %run_scoped3A_334 = arith.constant 5 : i32
      "tpu.region"() ({
        %run_scoped3A_398 = tpu.sem_alloc : memref<!tpu.dma_semaphore, #tpu.memory_space<semaphore_mem>>
        %dma_start3A_399 = arith.constant 0 : i32
        %dma_start3A_400 = tpu.memref_slice %arg10[%run_scoped3A_334, %dma_start3A_399] : memref<10x64xi32, #tpu.memory_space<vmem>> -> memref<1x64xi32, #tpu.memory_space<vmem>>
        %dma_start3A_401 = tpu.memref_squeeze %dma_start3A_400 : memref<1x64xi32, #tpu.memory_space<vmem>> -> memref<64xi32, #tpu.memory_space<vmem>>
        %dma_start3A_402 = arith.constant 0 : i32
        %dma_start3A_403 = arith.constant 0 : i32
        %dma_start3A_404 = tpu.memref_slice %arg16[%dma_start3A_402, %dma_start3A_403] : memref<10016x128xf32, #tpu.memory_space<vmem_shared>> -> memref<10016x128xf32, #tpu.memory_space<vmem_shared>>
        tpu.enqueue_indirect_dma source(%arg11 : memref<64x128xf32, #tpu.memory_space<vmem>>) target(%dma_start3A_404 : memref<10016x128xf32, #tpu.memory_space<vmem_shared>>) offsets(%dma_start3A_401 : memref<64xi32, #tpu.memory_space<vmem>>) semaphore(%run_scoped3A_398 : memref<!tpu.dma_semaphore, #tpu.memory_space<semaphore_mem>>) {add = true}
        %dma_wait3A_405 = arith.constant 0 : i32
        %dma_wait3A_406 = tpu.memref_slice %arg10[%run_scoped3A_334, %dma_wait3A_405] : memref<10x64xi32, #tpu.memory_space<vmem>> -> memref<1x64xi32, #tpu.memory_space<vmem>>
        %dma_wait3A_407 = tpu.memref_squeeze %dma_wait3A_406 : memref<1x64xi32, #tpu.memory_space<vmem>> -> memref<64xi32, #tpu.memory_space<vmem>>
        %dma_wait3A_408 = arith.constant 0 : i32
        %dma_wait3A_409 = arith.constant 0 : i32
        %dma_wait3A_410 = tpu.memref_slice %arg16[%dma_wait3A_408, %dma_wait3A_409] : memref<10016x128xf32, #tpu.memory_space<vmem_shared>> -> memref<10016x128xf32, #tpu.memory_space<vmem_shared>>
        tpu.wait_indirect_dma semaphore(%run_scoped3A_398 : memref<!tpu.dma_semaphore, #tpu.memory_space<semaphore_mem>>) src(%arg11 : memref<64x128xf32, #tpu.memory_space<vmem>>) dst(%dma_wait3A_410 : memref<10016x128xf32, #tpu.memory_space<vmem_shared>>)
        tpu.yield
      }) : () -> ()
      %lt3A_335 = arith.constant 7 : i32
      %lt3A_336 = arith.cmpi slt, %scan3A_70, %lt3A_335 : i32
      %convert_element_type3A_337 = arith.extui %lt3A_336 : i1 to i32
      %cond3A_338 = arith.constant 0 : i32
      %cond3A_339 = arith.cmpi ne, %convert_element_type3A_337, %cond3A_338 : i32
      scf.if %cond3A_339 {
        %dma_wait3A_398 = arith.constant 0 : i32
        %dma_wait3A_399 = arith.constant 0 : i32
        %dma_wait3A_400 = arith.constant 0 : i32
        %dma_wait3A_401 = tpu.memref_slice %arg3[%add3A, %dma_wait3A_398, %dma_wait3A_399, %dma_wait3A_400] : memref<32x16x10x64xi32, #tpu.memory_space<hbm>> -> memref<1x1x10x64xi32, #tpu.memory_space<hbm>>
        %dma_wait3A_402 = tpu.memref_squeeze %dma_wait3A_401 : memref<1x1x10x64xi32, #tpu.memory_space<hbm>> -> memref<10x64xi32, #tpu.memory_space<hbm>>
        %dma_wait3A_403 = arith.constant 0 : i32
        %dma_wait3A_404 = arith.constant 0 : i32
        %dma_wait3A_405 = tpu.memref_slice %arg3[%add3A, %dma_wait3A_398, %dma_wait3A_403, %dma_wait3A_404] : memref<32x16x10x64xi32, #tpu.memory_space<hbm>> -> memref<1x1x10x64xi32, #tpu.memory_space<hbm>>
        %dma_wait3A_406 = tpu.memref_squeeze %dma_wait3A_405 : memref<1x1x10x64xi32, #tpu.memory_space<hbm>> -> memref<10x64xi32, #tpu.memory_space<hbm>>
        tpu.wait_dma2 semaphore(%arg22 : memref<!tpu.dma_semaphore, #tpu.memory_space<semaphore_mem>>) src(%dma_wait3A_406 : memref<10x64xi32, #tpu.memory_space<hbm>>) dst(%arg7 : memref<10x64xi32, #tpu.memory_space<vmem>>)
        %dma_start3A_407 = arith.constant 0 : i32
        %dma_start3A_408 = arith.constant 0 : i32
        %dma_start3A_409 = tpu.memref_slice %arg7[%dma_start3A_407, %dma_start3A_408] : memref<10x64xi32, #tpu.memory_space<vmem>> -> memref<1x64xi32, #tpu.memory_space<vmem>>
        %dma_start3A_410 = tpu.memref_squeeze %dma_start3A_409 : memref<1x64xi32, #tpu.memory_space<vmem>> -> memref<64xi32, #tpu.memory_space<vmem>>
        %dma_start3A_411 = arith.constant 0 : i32
        %dma_start3A_412 = arith.constant 0 : i32
        %dma_start3A_413 = tpu.memref_slice %arg2[%dma_start3A_411, %dma_start3A_412] : memref<10000x128xf32, #tpu.memory_space<hbm>> -> memref<10000x128xf32, #tpu.memory_space<hbm>>
        tpu.enqueue_indirect_dma source(%dma_start3A_413 : memref<10000x128xf32, #tpu.memory_space<hbm>>) target(%arg11 : memref<64x128xf32, #tpu.memory_space<vmem>>) offsets(%dma_start3A_410 : memref<64xi32, #tpu.memory_space<vmem>>) semaphore(%arg17 : memref<!tpu.dma_semaphore, #tpu.memory_space<semaphore_mem>>)
      } else {
      }
      %dma_wait3A_340 = arith.constant 0 : i32
      %dma_wait3A_341 = arith.constant 0 : i32
      %dma_wait3A_342 = tpu.memref_slice %arg7[%dma_wait3A_340, %dma_wait3A_341] : memref<10x64xi32, #tpu.memory_space<vmem>> -> memref<1x64xi32, #tpu.memory_space<vmem>>
      %dma_wait3A_343 = tpu.memref_squeeze %dma_wait3A_342 : memref<1x64xi32, #tpu.memory_space<vmem>> -> memref<64xi32, #tpu.memory_space<vmem>>
      %dma_wait3A_344 = arith.constant 0 : i32
      %dma_wait3A_345 = arith.constant 0 : i32
      %dma_wait3A_346 = tpu.memref_slice %arg2[%dma_wait3A_344, %dma_wait3A_345] : memref<10000x128xf32, #tpu.memory_space<hbm>> -> memref<10000x128xf32, #tpu.memory_space<hbm>>
      tpu.wait_indirect_dma semaphore(%arg18 : memref<!tpu.dma_semaphore, #tpu.memory_space<semaphore_mem>>) src(%dma_wait3A_346 : memref<10000x128xf32, #tpu.memory_space<hbm>>) dst(%arg12 : memref<64x128xf32, #tpu.memory_space<vmem>>)
      %run_scoped3A_347 = arith.constant 6 : i32
      "tpu.region"() ({
        %run_scoped3A_398 = tpu.sem_alloc : memref<!tpu.dma_semaphore, #tpu.memory_space<semaphore_mem>>
        %dma_start3A_399 = arith.constant 0 : i32
        %dma_start3A_400 = tpu.memref_slice %arg10[%run_scoped3A_347, %dma_start3A_399] : memref<10x64xi32, #tpu.memory_space<vmem>> -> memref<1x64xi32, #tpu.memory_space<vmem>>
        %dma_start3A_401 = tpu.memref_squeeze %dma_start3A_400 : memref<1x64xi32, #tpu.memory_space<vmem>> -> memref<64xi32, #tpu.memory_space<vmem>>
        %dma_start3A_402 = arith.constant 0 : i32
        %dma_start3A_403 = arith.constant 0 : i32
        %dma_start3A_404 = tpu.memref_slice %arg16[%dma_start3A_402, %dma_start3A_403] : memref<10016x128xf32, #tpu.memory_space<vmem_shared>> -> memref<10016x128xf32, #tpu.memory_space<vmem_shared>>
        tpu.enqueue_indirect_dma source(%arg12 : memref<64x128xf32, #tpu.memory_space<vmem>>) target(%dma_start3A_404 : memref<10016x128xf32, #tpu.memory_space<vmem_shared>>) offsets(%dma_start3A_401 : memref<64xi32, #tpu.memory_space<vmem>>) semaphore(%run_scoped3A_398 : memref<!tpu.dma_semaphore, #tpu.memory_space<semaphore_mem>>) {add = true}
        %dma_wait3A_405 = arith.constant 0 : i32
        %dma_wait3A_406 = tpu.memref_slice %arg10[%run_scoped3A_347, %dma_wait3A_405] : memref<10x64xi32, #tpu.memory_space<vmem>> -> memref<1x64xi32, #tpu.memory_space<vmem>>
        %dma_wait3A_407 = tpu.memref_squeeze %dma_wait3A_406 : memref<1x64xi32, #tpu.memory_space<vmem>> -> memref<64xi32, #tpu.memory_space<vmem>>
        %dma_wait3A_408 = arith.constant 0 : i32
        %dma_wait3A_409 = arith.constant 0 : i32
        %dma_wait3A_410 = tpu.memref_slice %arg16[%dma_wait3A_408, %dma_wait3A_409] : memref<10016x128xf32, #tpu.memory_space<vmem_shared>> -> memref<10016x128xf32, #tpu.memory_space<vmem_shared>>
        tpu.wait_indirect_dma semaphore(%run_scoped3A_398 : memref<!tpu.dma_semaphore, #tpu.memory_space<semaphore_mem>>) src(%arg12 : memref<64x128xf32, #tpu.memory_space<vmem>>) dst(%dma_wait3A_410 : memref<10016x128xf32, #tpu.memory_space<vmem_shared>>)
        tpu.yield
      }) : () -> ()
      %lt3A_348 = arith.constant 7 : i32
      %lt3A_349 = arith.cmpi slt, %scan3A_70, %lt3A_348 : i32
      %convert_element_type3A_350 = arith.extui %lt3A_349 : i1 to i32
      %cond3A_351 = arith.constant 0 : i32
      %cond3A_352 = arith.cmpi ne, %convert_element_type3A_350, %cond3A_351 : i32
      scf.if %cond3A_352 {
        %dma_start3A_398 = arith.constant 1 : i32
        %dma_start3A_399 = arith.constant 0 : i32
        %dma_start3A_400 = tpu.memref_slice %arg7[%dma_start3A_398, %dma_start3A_399] : memref<10x64xi32, #tpu.memory_space<vmem>> -> memref<1x64xi32, #tpu.memory_space<vmem>>
        %dma_start3A_401 = tpu.memref_squeeze %dma_start3A_400 : memref<1x64xi32, #tpu.memory_space<vmem>> -> memref<64xi32, #tpu.memory_space<vmem>>
        %dma_start3A_402 = arith.constant 0 : i32
        %dma_start3A_403 = arith.constant 0 : i32
        %dma_start3A_404 = tpu.memref_slice %arg2[%dma_start3A_402, %dma_start3A_403] : memref<10000x128xf32, #tpu.memory_space<hbm>> -> memref<10000x128xf32, #tpu.memory_space<hbm>>
        tpu.enqueue_indirect_dma source(%dma_start3A_404 : memref<10000x128xf32, #tpu.memory_space<hbm>>) target(%arg12 : memref<64x128xf32, #tpu.memory_space<vmem>>) offsets(%dma_start3A_401 : memref<64xi32, #tpu.memory_space<vmem>>) semaphore(%arg18 : memref<!tpu.dma_semaphore, #tpu.memory_space<semaphore_mem>>)
      } else {
      }
      %dma_wait3A_353 = arith.constant 0 : i32
      %dma_wait3A_354 = arith.constant 0 : i32
      %dma_wait3A_355 = tpu.memref_slice %arg7[%dma_wait3A_353, %dma_wait3A_354] : memref<10x64xi32, #tpu.memory_space<vmem>> -> memref<1x64xi32, #tpu.memory_space<vmem>>
      %dma_wait3A_356 = tpu.memref_squeeze %dma_wait3A_355 : memref<1x64xi32, #tpu.memory_space<vmem>> -> memref<64xi32, #tpu.memory_space<vmem>>
      %dma_wait3A_357 = arith.constant 0 : i32
      %dma_wait3A_358 = arith.constant 0 : i32
      %dma_wait3A_359 = tpu.memref_slice %arg2[%dma_wait3A_357, %dma_wait3A_358] : memref<10000x128xf32, #tpu.memory_space<hbm>> -> memref<10000x128xf32, #tpu.memory_space<hbm>>
      tpu.wait_indirect_dma semaphore(%arg19 : memref<!tpu.dma_semaphore, #tpu.memory_space<semaphore_mem>>) src(%dma_wait3A_359 : memref<10000x128xf32, #tpu.memory_space<hbm>>) dst(%arg13 : memref<64x128xf32, #tpu.memory_space<vmem>>)
      %run_scoped3A_360 = arith.constant 7 : i32
      "tpu.region"() ({
        %run_scoped3A_398 = tpu.sem_alloc : memref<!tpu.dma_semaphore, #tpu.memory_space<semaphore_mem>>
        %dma_start3A_399 = arith.constant 0 : i32
        %dma_start3A_400 = tpu.memref_slice %arg10[%run_scoped3A_360, %dma_start3A_399] : memref<10x64xi32, #tpu.memory_space<vmem>> -> memref<1x64xi32, #tpu.memory_space<vmem>>
        %dma_start3A_401 = tpu.memref_squeeze %dma_start3A_400 : memref<1x64xi32, #tpu.memory_space<vmem>> -> memref<64xi32, #tpu.memory_space<vmem>>
        %dma_start3A_402 = arith.constant 0 : i32
        %dma_start3A_403 = arith.constant 0 : i32
        %dma_start3A_404 = tpu.memref_slice %arg16[%dma_start3A_402, %dma_start3A_403] : memref<10016x128xf32, #tpu.memory_space<vmem_shared>> -> memref<10016x128xf32, #tpu.memory_space<vmem_shared>>
        tpu.enqueue_indirect_dma source(%arg13 : memref<64x128xf32, #tpu.memory_space<vmem>>) target(%dma_start3A_404 : memref<10016x128xf32, #tpu.memory_space<vmem_shared>>) offsets(%dma_start3A_401 : memref<64xi32, #tpu.memory_space<vmem>>) semaphore(%run_scoped3A_398 : memref<!tpu.dma_semaphore, #tpu.memory_space<semaphore_mem>>) {add = true}
        %dma_wait3A_405 = arith.constant 0 : i32
        %dma_wait3A_406 = tpu.memref_slice %arg10[%run_scoped3A_360, %dma_wait3A_405] : memref<10x64xi32, #tpu.memory_space<vmem>> -> memref<1x64xi32, #tpu.memory_space<vmem>>
        %dma_wait3A_407 = tpu.memref_squeeze %dma_wait3A_406 : memref<1x64xi32, #tpu.memory_space<vmem>> -> memref<64xi32, #tpu.memory_space<vmem>>
        %dma_wait3A_408 = arith.constant 0 : i32
        %dma_wait3A_409 = arith.constant 0 : i32
        %dma_wait3A_410 = tpu.memref_slice %arg16[%dma_wait3A_408, %dma_wait3A_409] : memref<10016x128xf32, #tpu.memory_space<vmem_shared>> -> memref<10016x128xf32, #tpu.memory_space<vmem_shared>>
        tpu.wait_indirect_dma semaphore(%run_scoped3A_398 : memref<!tpu.dma_semaphore, #tpu.memory_space<semaphore_mem>>) src(%arg13 : memref<64x128xf32, #tpu.memory_space<vmem>>) dst(%dma_wait3A_410 : memref<10016x128xf32, #tpu.memory_space<vmem_shared>>)
        tpu.yield
      }) : () -> ()
      %lt3A_361 = arith.constant 7 : i32
      %lt3A_362 = arith.cmpi slt, %scan3A_70, %lt3A_361 : i32
      %convert_element_type3A_363 = arith.extui %lt3A_362 : i1 to i32
      %cond3A_364 = arith.constant 0 : i32
      %cond3A_365 = arith.cmpi ne, %convert_element_type3A_363, %cond3A_364 : i32
      scf.if %cond3A_365 {
        %dma_start3A_398 = arith.constant 2 : i32
        %dma_start3A_399 = arith.constant 0 : i32
        %dma_start3A_400 = tpu.memref_slice %arg7[%dma_start3A_398, %dma_start3A_399] : memref<10x64xi32, #tpu.memory_space<vmem>> -> memref<1x64xi32, #tpu.memory_space<vmem>>
        %dma_start3A_401 = tpu.memref_squeeze %dma_start3A_400 : memref<1x64xi32, #tpu.memory_space<vmem>> -> memref<64xi32, #tpu.memory_space<vmem>>
        %dma_start3A_402 = arith.constant 0 : i32
        %dma_start3A_403 = arith.constant 0 : i32
        %dma_start3A_404 = tpu.memref_slice %arg2[%dma_start3A_402, %dma_start3A_403] : memref<10000x128xf32, #tpu.memory_space<hbm>> -> memref<10000x128xf32, #tpu.memory_space<hbm>>
        tpu.enqueue_indirect_dma source(%dma_start3A_404 : memref<10000x128xf32, #tpu.memory_space<hbm>>) target(%arg13 : memref<64x128xf32, #tpu.memory_space<vmem>>) offsets(%dma_start3A_401 : memref<64xi32, #tpu.memory_space<vmem>>) semaphore(%arg19 : memref<!tpu.dma_semaphore, #tpu.memory_space<semaphore_mem>>)
      } else {
      }
      %dma_wait3A_366 = arith.constant 0 : i32
      %dma_wait3A_367 = arith.constant 0 : i32
      %dma_wait3A_368 = tpu.memref_slice %arg7[%dma_wait3A_366, %dma_wait3A_367] : memref<10x64xi32, #tpu.memory_space<vmem>> -> memref<1x64xi32, #tpu.memory_space<vmem>>
      %dma_wait3A_369 = tpu.memref_squeeze %dma_wait3A_368 : memref<1x64xi32, #tpu.memory_space<vmem>> -> memref<64xi32, #tpu.memory_space<vmem>>
      %dma_wait3A_370 = arith.constant 0 : i32
      %dma_wait3A_371 = arith.constant 0 : i32
      %dma_wait3A_372 = tpu.memref_slice %arg2[%dma_wait3A_370, %dma_wait3A_371] : memref<10000x128xf32, #tpu.memory_space<hbm>> -> memref<10000x128xf32, #tpu.memory_space<hbm>>
      tpu.wait_indirect_dma semaphore(%arg20 : memref<!tpu.dma_semaphore, #tpu.memory_space<semaphore_mem>>) src(%dma_wait3A_372 : memref<10000x128xf32, #tpu.memory_space<hbm>>) dst(%arg14 : memref<64x128xf32, #tpu.memory_space<vmem>>)
      %run_scoped3A_373 = arith.constant 8 : i32
      "tpu.region"() ({
        %run_scoped3A_398 = tpu.sem_alloc : memref<!tpu.dma_semaphore, #tpu.memory_space<semaphore_mem>>
        %dma_start3A_399 = arith.constant 0 : i32
        %dma_start3A_400 = tpu.memref_slice %arg10[%run_scoped3A_373, %dma_start3A_399] : memref<10x64xi32, #tpu.memory_space<vmem>> -> memref<1x64xi32, #tpu.memory_space<vmem>>
        %dma_start3A_401 = tpu.memref_squeeze %dma_start3A_400 : memref<1x64xi32, #tpu.memory_space<vmem>> -> memref<64xi32, #tpu.memory_space<vmem>>
        %dma_start3A_402 = arith.constant 0 : i32
        %dma_start3A_403 = arith.constant 0 : i32
        %dma_start3A_404 = tpu.memref_slice %arg16[%dma_start3A_402, %dma_start3A_403] : memref<10016x128xf32, #tpu.memory_space<vmem_shared>> -> memref<10016x128xf32, #tpu.memory_space<vmem_shared>>
        tpu.enqueue_indirect_dma source(%arg14 : memref<64x128xf32, #tpu.memory_space<vmem>>) target(%dma_start3A_404 : memref<10016x128xf32, #tpu.memory_space<vmem_shared>>) offsets(%dma_start3A_401 : memref<64xi32, #tpu.memory_space<vmem>>) semaphore(%run_scoped3A_398 : memref<!tpu.dma_semaphore, #tpu.memory_space<semaphore_mem>>) {add = true}
        %dma_wait3A_405 = arith.constant 0 : i32
        %dma_wait3A_406 = tpu.memref_slice %arg10[%run_scoped3A_373, %dma_wait3A_405] : memref<10x64xi32, #tpu.memory_space<vmem>> -> memref<1x64xi32, #tpu.memory_space<vmem>>
        %dma_wait3A_407 = tpu.memref_squeeze %dma_wait3A_406 : memref<1x64xi32, #tpu.memory_space<vmem>> -> memref<64xi32, #tpu.memory_space<vmem>>
        %dma_wait3A_408 = arith.constant 0 : i32
        %dma_wait3A_409 = arith.constant 0 : i32
        %dma_wait3A_410 = tpu.memref_slice %arg16[%dma_wait3A_408, %dma_wait3A_409] : memref<10016x128xf32, #tpu.memory_space<vmem_shared>> -> memref<10016x128xf32, #tpu.memory_space<vmem_shared>>
        tpu.wait_indirect_dma semaphore(%run_scoped3A_398 : memref<!tpu.dma_semaphore, #tpu.memory_space<semaphore_mem>>) src(%arg14 : memref<64x128xf32, #tpu.memory_space<vmem>>) dst(%dma_wait3A_410 : memref<10016x128xf32, #tpu.memory_space<vmem_shared>>)
        tpu.yield
      }) : () -> ()
      %lt3A_374 = arith.constant 7 : i32
      %lt3A_375 = arith.cmpi slt, %scan3A_70, %lt3A_374 : i32
      %convert_element_type3A_376 = arith.extui %lt3A_375 : i1 to i32
      %cond3A_377 = arith.constant 0 : i32
      %cond3A_378 = arith.cmpi ne, %convert_element_type3A_376, %cond3A_377 : i32
      scf.if %cond3A_378 {
        %dma_start3A_398 = arith.constant 3 : i32
        %dma_start3A_399 = arith.constant 0 : i32
        %dma_start3A_400 = tpu.memref_slice %arg7[%dma_start3A_398, %dma_start3A_399] : memref<10x64xi32, #tpu.memory_space<vmem>> -> memref<1x64xi32, #tpu.memory_space<vmem>>
        %dma_start3A_401 = tpu.memref_squeeze %dma_start3A_400 : memref<1x64xi32, #tpu.memory_space<vmem>> -> memref<64xi32, #tpu.memory_space<vmem>>
        %dma_start3A_402 = arith.constant 0 : i32
        %dma_start3A_403 = arith.constant 0 : i32
        %dma_start3A_404 = tpu.memref_slice %arg2[%dma_start3A_402, %dma_start3A_403] : memref<10000x128xf32, #tpu.memory_space<hbm>> -> memref<10000x128xf32, #tpu.memory_space<hbm>>
        tpu.enqueue_indirect_dma source(%dma_start3A_404 : memref<10000x128xf32, #tpu.memory_space<hbm>>) target(%arg14 : memref<64x128xf32, #tpu.memory_space<vmem>>) offsets(%dma_start3A_401 : memref<64xi32, #tpu.memory_space<vmem>>) semaphore(%arg20 : memref<!tpu.dma_semaphore, #tpu.memory_space<semaphore_mem>>)
      } else {
      }
      %dma_wait3A_379 = arith.constant 0 : i32
      %dma_wait3A_380 = arith.constant 0 : i32
      %dma_wait3A_381 = tpu.memref_slice %arg7[%dma_wait3A_379, %dma_wait3A_380] : memref<10x64xi32, #tpu.memory_space<vmem>> -> memref<1x64xi32, #tpu.memory_space<vmem>>
      %dma_wait3A_382 = tpu.memref_squeeze %dma_wait3A_381 : memref<1x64xi32, #tpu.memory_space<vmem>> -> memref<64xi32, #tpu.memory_space<vmem>>
      %dma_wait3A_383 = arith.constant 0 : i32
      %dma_wait3A_384 = arith.constant 0 : i32
      %dma_wait3A_385 = tpu.memref_slice %arg2[%dma_wait3A_383, %dma_wait3A_384] : memref<10000x128xf32, #tpu.memory_space<hbm>> -> memref<10000x128xf32, #tpu.memory_space<hbm>>
      tpu.wait_indirect_dma semaphore(%arg21 : memref<!tpu.dma_semaphore, #tpu.memory_space<semaphore_mem>>) src(%dma_wait3A_385 : memref<10000x128xf32, #tpu.memory_space<hbm>>) dst(%arg15 : memref<64x128xf32, #tpu.memory_space<vmem>>)
      %run_scoped3A_386 = arith.constant 9 : i32
      "tpu.region"() ({
        %run_scoped3A_398 = tpu.sem_alloc : memref<!tpu.dma_semaphore, #tpu.memory_space<semaphore_mem>>
        %dma_start3A_399 = arith.constant 0 : i32
        %dma_start3A_400 = tpu.memref_slice %arg10[%run_scoped3A_386, %dma_start3A_399] : memref<10x64xi32, #tpu.memory_space<vmem>> -> memref<1x64xi32, #tpu.memory_space<vmem>>
        %dma_start3A_401 = tpu.memref_squeeze %dma_start3A_400 : memref<1x64xi32, #tpu.memory_space<vmem>> -> memref<64xi32, #tpu.memory_space<vmem>>
        %dma_start3A_402 = arith.constant 0 : i32
        %dma_start3A_403 = arith.constant 0 : i32
        %dma_start3A_404 = tpu.memref_slice %arg16[%dma_start3A_402, %dma_start3A_403] : memref<10016x128xf32, #tpu.memory_space<vmem_shared>> -> memref<10016x128xf32, #tpu.memory_space<vmem_shared>>
        tpu.enqueue_indirect_dma source(%arg15 : memref<64x128xf32, #tpu.memory_space<vmem>>) target(%dma_start3A_404 : memref<10016x128xf32, #tpu.memory_space<vmem_shared>>) offsets(%dma_start3A_401 : memref<64xi32, #tpu.memory_space<vmem>>) semaphore(%run_scoped3A_398 : memref<!tpu.dma_semaphore, #tpu.memory_space<semaphore_mem>>) {add = true}
        %dma_wait3A_405 = arith.constant 0 : i32
        %dma_wait3A_406 = tpu.memref_slice %arg10[%run_scoped3A_386, %dma_wait3A_405] : memref<10x64xi32, #tpu.memory_space<vmem>> -> memref<1x64xi32, #tpu.memory_space<vmem>>
        %dma_wait3A_407 = tpu.memref_squeeze %dma_wait3A_406 : memref<1x64xi32, #tpu.memory_space<vmem>> -> memref<64xi32, #tpu.memory_space<vmem>>
        %dma_wait3A_408 = arith.constant 0 : i32
        %dma_wait3A_409 = arith.constant 0 : i32
        %dma_wait3A_410 = tpu.memref_slice %arg16[%dma_wait3A_408, %dma_wait3A_409] : memref<10016x128xf32, #tpu.memory_space<vmem_shared>> -> memref<10016x128xf32, #tpu.memory_space<vmem_shared>>
        tpu.wait_indirect_dma semaphore(%run_scoped3A_398 : memref<!tpu.dma_semaphore, #tpu.memory_space<semaphore_mem>>) src(%arg15 : memref<64x128xf32, #tpu.memory_space<vmem>>) dst(%dma_wait3A_410 : memref<10016x128xf32, #tpu.memory_space<vmem_shared>>)
        tpu.yield
      }) : () -> ()
      %lt3A_387 = arith.constant 7 : i32
      %lt3A_388 = arith.cmpi slt, %scan3A_70, %lt3A_387 : i32
      %convert_element_type3A_389 = arith.extui %lt3A_388 : i1 to i32
      %cond3A_390 = arith.constant 0 : i32
      %cond3A_391 = arith.cmpi ne, %convert_element_type3A_389, %cond3A_390 : i32
      scf.if %cond3A_391 {
        %dma_start3A_398 = arith.constant 4 : i32
        %dma_start3A_399 = arith.constant 0 : i32
        %dma_start3A_400 = tpu.memref_slice %arg7[%dma_start3A_398, %dma_start3A_399] : memref<10x64xi32, #tpu.memory_space<vmem>> -> memref<1x64xi32, #tpu.memory_space<vmem>>
        %dma_start3A_401 = tpu.memref_squeeze %dma_start3A_400 : memref<1x64xi32, #tpu.memory_space<vmem>> -> memref<64xi32, #tpu.memory_space<vmem>>
        %dma_start3A_402 = arith.constant 0 : i32
        %dma_start3A_403 = arith.constant 0 : i32
        %dma_start3A_404 = tpu.memref_slice %arg2[%dma_start3A_402, %dma_start3A_403] : memref<10000x128xf32, #tpu.memory_space<hbm>> -> memref<10000x128xf32, #tpu.memory_space<hbm>>
        tpu.enqueue_indirect_dma source(%dma_start3A_404 : memref<10000x128xf32, #tpu.memory_space<hbm>>) target(%arg15 : memref<64x128xf32, #tpu.memory_space<vmem>>) offsets(%dma_start3A_401 : memref<64xi32, #tpu.memory_space<vmem>>) semaphore(%arg21 : memref<!tpu.dma_semaphore, #tpu.memory_space<semaphore_mem>>)
      } else {
      }
      %lt3A_392 = arith.constant 7 : i32
      %lt3A_393 = arith.cmpi slt, %scan3A_70, %lt3A_392 : i32
      %convert_element_type3A_394 = arith.extui %lt3A_393 : i1 to i32
      %cond3A_395 = arith.constant 0 : i32
      %cond3A_396 = arith.cmpi ne, %convert_element_type3A_394, %cond3A_395 : i32
      scf.if %cond3A_396 {
        %mul3A_398 = arith.constant 2 : i32
        %mul3A_399 = arith.muli %mul3A_398, %scan3A_70 : i32
        %add3A_400 = arith.constant 3 : i32
        %add3A_401 = arith.addi %mul3A_399, %add3A_400 : i32
        %dma_start3A_402 = arith.constant 0 : i32
        %dma_start3A_403 = arith.constant 0 : i32
        %dma_start3A_404 = tpu.memref_slice %arg3[%add3A, %add3A_401, %dma_start3A_402, %dma_start3A_403] : memref<32x16x10x64xi32, #tpu.memory_space<hbm>> -> memref<1x1x10x64xi32, #tpu.memory_space<hbm>>
        %dma_start3A_405 = tpu.memref_squeeze %dma_start3A_404 : memref<1x1x10x64xi32, #tpu.memory_space<hbm>> -> memref<10x64xi32, #tpu.memory_space<hbm>>
        %dma_start3A_406 = arith.constant 0 : i32
        %dma_start3A_407 = arith.constant 0 : i32
        %dma_start3A_408 = tpu.memref_slice %arg3[%add3A, %add3A_401, %dma_start3A_406, %dma_start3A_407] : memref<32x16x10x64xi32, #tpu.memory_space<hbm>> -> memref<1x1x10x64xi32, #tpu.memory_space<hbm>>
        %dma_start3A_409 = tpu.memref_squeeze %dma_start3A_408 : memref<1x1x10x64xi32, #tpu.memory_space<hbm>> -> memref<10x64xi32, #tpu.memory_space<hbm>>
        tpu.enqueue_dma source(%dma_start3A_409 : memref<10x64xi32, #tpu.memory_space<hbm>>) target(%arg8 : memref<10x64xi32, #tpu.memory_space<vmem>>) target_semaphore(%arg22 : memref<!tpu.dma_semaphore, #tpu.memory_space<semaphore_mem>>)
        %mul3A_410 = arith.constant 2 : i32
        %mul3A_411 = arith.muli %mul3A_410, %scan3A_70 : i32
        %add3A_412 = arith.constant 3 : i32
        %add3A_413 = arith.addi %mul3A_411, %add3A_412 : i32
        %dma_start3A_414 = arith.constant 0 : i32
        %dma_start3A_415 = arith.constant 0 : i32
        %dma_start3A_416 = tpu.memref_slice %arg4[%add3A, %add3A_413, %dma_start3A_414, %dma_start3A_415] : memref<32x16x10x64xi32, #tpu.memory_space<hbm>> -> memref<1x1x10x64xi32, #tpu.memory_space<hbm>>
        %dma_start3A_417 = tpu.memref_squeeze %dma_start3A_416 : memref<1x1x10x64xi32, #tpu.memory_space<hbm>> -> memref<10x64xi32, #tpu.memory_space<hbm>>
        %dma_start3A_418 = arith.constant 0 : i32
        %dma_start3A_419 = arith.constant 0 : i32
        %dma_start3A_420 = tpu.memref_slice %arg4[%add3A, %add3A_413, %dma_start3A_418, %dma_start3A_419] : memref<32x16x10x64xi32, #tpu.memory_space<hbm>> -> memref<1x1x10x64xi32, #tpu.memory_space<hbm>>
        %dma_start3A_421 = tpu.memref_squeeze %dma_start3A_420 : memref<1x1x10x64xi32, #tpu.memory_space<hbm>> -> memref<10x64xi32, #tpu.memory_space<hbm>>
        tpu.enqueue_dma source(%dma_start3A_421 : memref<10x64xi32, #tpu.memory_space<hbm>>) target(%arg10 : memref<10x64xi32, #tpu.memory_space<vmem>>) target_semaphore(%arg22 : memref<!tpu.dma_semaphore, #tpu.memory_space<semaphore_mem>>)
      } else {
      }
      %scan3A_397 = arith.constant 0 : i32
      scf.yield %scan3A_397 : i32
    }
    %scan3A_63 = arith.constant 8 : i32
    %barrier3A_64 = arith.constant 0 : index
    tpu.barrier barrier_id(%barrier3A_64)
    "tpu.region"() ({
      %run_scoped3A_70 = tpu.sem_alloc : memref<!tpu.dma_semaphore, #tpu.memory_space<semaphore_mem>>
      %dma_start3A_71 = arith.constant 0 : i32
      %dma_start3A_72 = tpu.memref_slice %arg6[%arg0, %mul3A_2, %dma_start3A_71] : memref<2x10000x128xf32, #tpu.memory_space<hbm>> -> memref<1x624x128xf32, #tpu.memory_space<hbm>>
      %dma_start3A_73 = tpu.memref_squeeze %dma_start3A_72 : memref<1x624x128xf32, #tpu.memory_space<hbm>> -> memref<624x128xf32, #tpu.memory_space<hbm>>
      %dma_start3A_74 = arith.constant 0 : i32
      %dma_start3A_75 = tpu.memref_slice %arg16[%mul3A_2, %dma_start3A_74] : memref<10016x128xf32, #tpu.memory_space<vmem_shared>> -> memref<624x128xf32, #tpu.memory_space<vmem_shared>>
      tpu.enqueue_dma source(%dma_start3A_75 : memref<624x128xf32, #tpu.memory_space<vmem_shared>>) target(%dma_start3A_73 : memref<624x128xf32, #tpu.memory_space<hbm>>) target_semaphore(%run_scoped3A_70 : memref<!tpu.dma_semaphore, #tpu.memory_space<semaphore_mem>>)
      %dma_wait3A = arith.constant 0 : i32
      %dma_wait3A_76 = tpu.memref_slice %arg6[%arg0, %mul3A_2, %dma_wait3A] : memref<2x10000x128xf32, #tpu.memory_space<hbm>> -> memref<1x624x128xf32, #tpu.memory_space<hbm>>
      %dma_wait3A_77 = tpu.memref_squeeze %dma_wait3A_76 : memref<1x624x128xf32, #tpu.memory_space<hbm>> -> memref<624x128xf32, #tpu.memory_space<hbm>>
      %dma_wait3A_78 = arith.constant 0 : i32
      %dma_wait3A_79 = tpu.memref_slice %arg16[%mul3A_2, %dma_wait3A_78] : memref<10016x128xf32, #tpu.memory_space<vmem_shared>> -> memref<624x128xf32, #tpu.memory_space<vmem_shared>>
      tpu.wait_dma2 semaphore(%run_scoped3A_70 : memref<!tpu.dma_semaphore, #tpu.memory_space<semaphore_mem>>) src(%dma_wait3A_79 : memref<624x128xf32, #tpu.memory_space<vmem_shared>>) dst(%dma_wait3A_77 : memref<624x128xf32, #tpu.memory_space<hbm>>)
      tpu.yield
    }) : () -> ()
    %eq3A_65 = arith.constant 15 : i32
    %eq3A_66 = arith.cmpi eq, %arg1, %eq3A_65 : i32
    %convert_element_type3A_67 = arith.extui %eq3A_66 : i1 to i32
    %cond3A_68 = arith.constant 0 : i32
    %cond3A_69 = arith.cmpi ne, %convert_element_type3A_67, %cond3A_68 : i32
    scf.if %cond3A_69 {
      "tpu.region"() ({
        %run_scoped3A_70 = tpu.sem_alloc : memref<!tpu.dma_semaphore, #tpu.memory_space<semaphore_mem>>
        %dma_start3A_71 = arith.constant 9984 : i32
        %dma_start3A_72 = arith.constant 0 : i32
        %dma_start3A_73 = tpu.memref_slice %arg6[%arg0, %dma_start3A_71, %dma_start3A_72] : memref<2x10000x128xf32, #tpu.memory_space<hbm>> -> memref<1x16x128xf32, #tpu.memory_space<hbm>>
        %dma_start3A_74 = tpu.memref_squeeze %dma_start3A_73 : memref<1x16x128xf32, #tpu.memory_space<hbm>> -> memref<16x128xf32, #tpu.memory_space<hbm>>
        %dma_start3A_75 = arith.constant 9984 : i32
        %dma_start3A_76 = arith.constant 0 : i32
        %dma_start3A_77 = tpu.memref_slice %arg16[%dma_start3A_75, %dma_start3A_76] : memref<10016x128xf32, #tpu.memory_space<vmem_shared>> -> memref<16x128xf32, #tpu.memory_space<vmem_shared>>
        tpu.enqueue_dma source(%dma_start3A_77 : memref<16x128xf32, #tpu.memory_space<vmem_shared>>) target(%dma_start3A_74 : memref<16x128xf32, #tpu.memory_space<hbm>>) target_semaphore(%run_scoped3A_70 : memref<!tpu.dma_semaphore, #tpu.memory_space<semaphore_mem>>)
        %dma_wait3A = arith.constant 9984 : i32
        %dma_wait3A_78 = arith.constant 0 : i32
        %dma_wait3A_79 = tpu.memref_slice %arg6[%arg0, %dma_wait3A, %dma_wait3A_78] : memref<2x10000x128xf32, #tpu.memory_space<hbm>> -> memref<1x16x128xf32, #tpu.memory_space<hbm>>
        %dma_wait3A_80 = tpu.memref_squeeze %dma_wait3A_79 : memref<1x16x128xf32, #tpu.memory_space<hbm>> -> memref<16x128xf32, #tpu.memory_space<hbm>>
        %dma_wait3A_81 = arith.constant 9984 : i32
        %dma_wait3A_82 = arith.constant 0 : i32
        %dma_wait3A_83 = tpu.memref_slice %arg16[%dma_wait3A_81, %dma_wait3A_82] : memref<10016x128xf32, #tpu.memory_space<vmem_shared>> -> memref<16x128xf32, #tpu.memory_space<vmem_shared>>
        tpu.wait_dma2 semaphore(%run_scoped3A_70 : memref<!tpu.dma_semaphore, #tpu.memory_space<semaphore_mem>>) src(%dma_wait3A_83 : memref<16x128xf32, #tpu.memory_space<vmem_shared>>) dst(%dma_wait3A_80 : memref<16x128xf32, #tpu.memory_space<hbm>>)
        tpu.yield
      }) : () -> ()
    } else {
    }
    return
  }
}

module attributes {stable_mosaic.version = 14 : i64} {
  func.func @body(%arg0: i32, %arg1: memref<1000x128xf32, #tpu.memory_space<vmem>>, %arg2: memref<1000x128xf32, #tpu.memory_space<vmem>>, %arg3: memref<1x128xf32, #tpu.memory_space<vmem>>, %arg4: memref<128x128xf32, #tpu.memory_space<vmem>>, %arg5: memref<1000x128xf32, #tpu.memory_space<vmem>>) attributes {dimension_semantics = [#tpu.dimension_semantics<arbitrary>], iteration_bounds = array<i64: 10>, scalar_prefetch = 0 : i64, scratch_operands = 0 : i64, tpu.core_type = #tpu.core_type<tc>, window_params = [{transform_indices = @transform_0, window_bounds = array<i64: 1000, 128>}, {transform_indices = @transform_1, window_bounds = array<i64: 1000, 128>}, {pipeline_mode = #tpu.pipeline_mode<synchronous>, transform_indices = @transform_2, window_bounds = array<i64: 1, 128>}, {pipeline_mode = #tpu.pipeline_mode<synchronous>, transform_indices = @transform_3, window_bounds = array<i64: 128, 128>}, {transform_indices = @transform_4, window_bounds = array<i64: 1000, 128>}]} {
    %get3A = arith.constant 0 : index
    %get3A_0 = arith.constant 0 : index
    %get3A_1 = vector.load %arg1[%get3A, %get3A_0] : memref<1000x128xf32, #tpu.memory_space<vmem>>, vector<1000x128xf32>
    %get3A_2 = arith.constant 0 : index
    %get3A_3 = arith.constant 0 : index
    %get3A_4 = vector.load %arg2[%get3A_2, %get3A_3] : memref<1000x128xf32, #tpu.memory_space<vmem>>, vector<1000x128xf32>
    %add3A = arith.addf %get3A_1, %get3A_4 : vector<1000x128xf32>
    %get3A_5 = arith.constant 0 : index
    %get3A_6 = arith.constant 0 : index
    %get3A_7 = vector.load %arg4[%get3A_5, %get3A_6] : memref<128x128xf32, #tpu.memory_space<vmem>>, vector<128x128xf32>
    %dot_general3A = arith.constant dense<0.000000e+00> : vector<1000x128xf32>
    %dot_general3A_8 = tpu.matmul %add3A, %get3A_7, %dot_general3A {dimension_numbers = #tpu.dot_dimension_numbers<[1], [0], [0], [1], [0, 0, 1, 1], [], []>, transpose_lhs_hint = false} : vector<1000x128xf32>, vector<128x128xf32>, vector<1000x128xf32> -> vector<1000x128xf32>
    %get3A_9 = arith.constant 0 : index
    %get3A_10 = arith.constant 0 : index
    %get3A_11 = vector.load %arg3[%get3A_9, %get3A_10] : memref<1x128xf32, #tpu.memory_space<vmem>>, vector<1x128xf32>
    %add3A_12 = vector.broadcast %get3A_11 : vector<1x128xf32> to vector<1000x128xf32>
    %add3A_13 = arith.addf %dot_general3A_8, %add3A_12 : vector<1000x128xf32>
    %max3A = arith.constant 0.000000e+00 : f32
    %max3A_14 = vector.broadcast %max3A : f32 to vector<1000x128xf32>
    %max3A_15 = arith.maximumf %add3A_13, %max3A_14 : vector<1000x128xf32>
    %swap3A = arith.constant 0 : index
    %swap3A_16 = arith.constant 0 : index
    %swap3A_17 = vector.load %arg5[%swap3A, %swap3A_16] : memref<1000x128xf32, #tpu.memory_space<vmem>>, vector<1000x128xf32>
    tpu.vector_store %arg5[%swap3A, %swap3A_16], %max3A_15 {strides = array<i32>} : memref<1000x128xf32, #tpu.memory_space<vmem>>, vector<1000x128xf32>,
    return
  }
  func.func @transform_0(%arg0: i32) -> (i32, i32) {
    %c0_i32 = arith.constant 0 : i32
    %c0_i32_0 = arith.constant 0 : i32
    return %arg0, %c0_i32 : i32, i32
  }
  func.func @transform_1(%arg0: i32) -> (i32, i32) {
    %c0_i32 = arith.constant 0 : i32
    %c0_i32_0 = arith.constant 0 : i32
    return %arg0, %c0_i32 : i32, i32
  }
  func.func @transform_2(%arg0: i32) -> (i32, i32) {
    %c0_i32 = arith.constant 0 : i32
    %c0_i32_0 = arith.constant 0 : i32
    %c0_i32_1 = arith.constant 0 : i32
    return %c0_i32, %c0_i32_0 : i32, i32
  }
  func.func @transform_3(%arg0: i32) -> (i32, i32) {
    %c0_i32 = arith.constant 0 : i32
    %c0_i32_0 = arith.constant 0 : i32
    %c0_i32_1 = arith.constant 0 : i32
    return %c0_i32, %c0_i32_0 : i32, i32
  }
  func.func @transform_4(%arg0: i32) -> (i32, i32) {
    %c0_i32 = arith.constant 0 : i32
    %c0_i32_0 = arith.constant 0 : i32
    return %arg0, %c0_i32 : i32, i32
  }
}

module attributes {stable_mosaic.version = 14 : i64} {
  func.func @body(%arg0: i32, %arg1: memref<1000x128xf32, #tpu.memory_space<vmem>>, %arg2: memref<1000x128xf32, #tpu.memory_space<vmem>>, %arg3: memref<1x128xf32, #tpu.memory_space<vmem>>, %arg4: memref<128x128xf32, #tpu.memory_space<vmem>>, %arg5: memref<1000x128xf32, #tpu.memory_space<vmem>>) attributes {dimension_semantics = [#tpu.dimension_semantics<arbitrary>], iteration_bounds = array<i64: 10>, scalar_prefetch = 0 : i64, scratch_operands = 0 : i64, tpu.core_type = #tpu.core_type<tc>, window_params = [{transform_indices = @transform_0, window_bounds = array<i64: 1000, 128>}, {transform_indices = @transform_1, window_bounds = array<i64: 1000, 128>}, {pipeline_mode = #tpu.pipeline_mode<synchronous>, transform_indices = @transform_2, window_bounds = array<i64: 1, 128>}, {pipeline_mode = #tpu.pipeline_mode<synchronous>, transform_indices = @transform_3, window_bounds = array<i64: 128, 128>}, {transform_indices = @transform_4, window_bounds = array<i64: 1000, 128>}]} {
    %get3A = arith.constant 0 : index
    %get3A_0 = arith.constant 0 : index
    %get3A_1 = vector.load %arg1[%get3A, %get3A_0] : memref<1000x128xf32, #tpu.memory_space<vmem>>, vector<1000x128xf32>
    %get3A_2 = arith.constant 0 : index
    %get3A_3 = arith.constant 0 : index
    %get3A_4 = vector.load %arg2[%get3A_2, %get3A_3] : memref<1000x128xf32, #tpu.memory_space<vmem>>, vector<1000x128xf32>
    %add3A = arith.addf %get3A_1, %get3A_4 : vector<1000x128xf32>
    %get3A_5 = arith.constant 0 : index
    %get3A_6 = arith.constant 0 : index
    %get3A_7 = vector.load %arg4[%get3A_5, %get3A_6] : memref<128x128xf32, #tpu.memory_space<vmem>>, vector<128x128xf32>
    %dot_general3A = arith.constant dense<0.000000e+00> : vector<1000x128xf32>
    %dot_general3A_8 = tpu.matmul %add3A, %get3A_7, %dot_general3A {dimension_numbers = #tpu.dot_dimension_numbers<[1], [0], [0], [1], [0, 0, 1, 1], [], []>, transpose_lhs_hint = false} : vector<1000x128xf32>, vector<128x128xf32>, vector<1000x128xf32> -> vector<1000x128xf32>
    %get3A_9 = arith.constant 0 : index
    %get3A_10 = arith.constant 0 : index
    %get3A_11 = vector.load %arg3[%get3A_9, %get3A_10] : memref<1x128xf32, #tpu.memory_space<vmem>>, vector<1x128xf32>
    %add3A_12 = vector.broadcast %get3A_11 : vector<1x128xf32> to vector<1000x128xf32>
    %add3A_13 = arith.addf %dot_general3A_8, %add3A_12 : vector<1000x128xf32>
    %swap3A = arith.constant 0 : index
    %swap3A_14 = arith.constant 0 : index
    %swap3A_15 = vector.load %arg5[%swap3A, %swap3A_14] : memref<1000x128xf32, #tpu.memory_space<vmem>>, vector<1000x128xf32>
    tpu.vector_store %arg5[%swap3A, %swap3A_14], %add3A_13 {strides = array<i32>} : memref<1000x128xf32, #tpu.memory_space<vmem>>, vector<1000x128xf32>,
    return
  }
  func.func @transform_0(%arg0: i32) -> (i32, i32) {
    %c0_i32 = arith.constant 0 : i32
    %c0_i32_0 = arith.constant 0 : i32
    return %arg0, %c0_i32 : i32, i32
  }
  func.func @transform_1(%arg0: i32) -> (i32, i32) {
    %c0_i32 = arith.constant 0 : i32
    %c0_i32_0 = arith.constant 0 : i32
    return %arg0, %c0_i32 : i32, i32
  }
  func.func @transform_2(%arg0: i32) -> (i32, i32) {
    %c0_i32 = arith.constant 0 : i32
    %c0_i32_0 = arith.constant 0 : i32
    %c0_i32_1 = arith.constant 0 : i32
    return %c0_i32, %c0_i32_0 : i32, i32
  }
  func.func @transform_3(%arg0: i32) -> (i32, i32) {
    %c0_i32 = arith.constant 0 : i32
    %c0_i32_0 = arith.constant 0 : i32
    %c0_i32_1 = arith.constant 0 : i32
    return %c0_i32, %c0_i32_0 : i32, i32
  }
  func.func @transform_4(%arg0: i32) -> (i32, i32) {
    %c0_i32 = arith.constant 0 : i32
    %c0_i32_0 = arith.constant 0 : i32
    return %arg0, %c0_i32 : i32, i32
  }
}

</mosaic_0001>

<sc_bundles>
// kernel: kernel.11.cloned.1.call-start
scs
__scs_entry_jumppad:
0x0: {  	(pc) =	sbr.rel $0x88, $3  }
0x1: {  	(tag) =	ssettag $0x0;
	lr =	simm.s32 $0x1  }
0x2: {  	[smem:$0x3F99] =	sst lr;
	_ =	strace $0xD0000000  }
0x3: {  	_ = 	snop  }
0x4: {  	_ = 	snop  }
0x5: {  	_ = 	snop  }
0x6: {  	_ = 	snop  }
0x7: {  	_ = 	snop  }
__scs_overlays_trampoline_lowered:
0x8: {  	[smem:$0x3FA8] =	sst s0  }
0x9: {  	[smem:$0x3FA9] =	sst s1  }
0xa: {  	[smem:$0x3FAA] =	sst s2  }
0xb: {  	[smem:$0x3FAB] =	sst s3  }
0xc: {  	[smem:$0x3FAC] =	sst s4  }
0xd: {  	[smem:$0x3FAD] =	sst s5  }
0xe: {  	[smem:$0x3FAE] =	sst s6  }
0xf: {  	[smem:$0x3FAF] =	sst s7  }
0x10: {  	[smem:$0x3FB0] =	sst s8  }
0x11: {  	[smem:$0x3FB1] =	sst s9;
	s0 =	simm.s32 @!p0 $0x0  }
0x12: {  	s1 =	sld [smem:$0x3F97];
	s0 =	simm.s32 @p0 $0x1  }
0x13: {  	[smem:$0x3FB2] =	sst s0;
	s0 =	simm.s32 @!p1 $0x0  }
0x14: {  	s2 =	sld [smem:$0x3F96];
	s0 =	simm.s32 @p1 $0x1  }
0x15: {  	[smem:$0x3FB3] =	sst s0;
	s0 =	simm.s32 @!p2 $0x0  }
0x16: {  	s3 =	sld [smem:$0x3FDB];
	s0 =	simm.s32 @p2 $0x1  }
0x17: {  	s4 =	simm.s32 $0x1BF5;
	[smem:$0x3FB5] =	sst s0  }
0x18: {  	s0 =	sld [smem:$0x3F98];
	_ =	swait.ge [sflag:s4], $0x0  }
0x19: {  	s7 =	sld [smem:$0x3F99]  }
0x1a: {  	s8 =	sadd.s32 $0xFFFFE003, lr  }
0x1b: {  	s9 =	sadd.s32 $0xFFFFFEF7, lr;
	s5 =	simm.s32 $0xFFFFFFFF;
	p2 =	slt.u32 s8, $0xFFFFF086  }
0x1c: {  	p1 =	slt.u32 s9, $0xF7A;
	s5 =	simm.s32 @!p2 $0x0  }
0x1d: {  	s5 =	simm.s32 @p1 $0x1;
	p0 =	seq.s32 s7, s2  }
0x1e: {  	s7 =	smul.u32 @!p0 $0xF7A, s2;
	p2 =	seq.s32 @!p0 s5, $0x0  }
0x1f: {  	s9 =	smul.u32 $0xF7A, s1;
	s8 =	simm.s32 @!p0 $0x1BF5;
	p2 =	por !p2, p0  }
0x20: {  	[sflag:s8] =	ssyncset.s32 @!p0 $0xFFFFF086;
	s6 =	sadd.s32 @!p0 s3, s7;
	s7 =	simm.s32 @!p0 $0x108  }
0x21: {  	s3 =	sadd.s32 s3, s9;
	s6 =	sadd.s32 @!p0 $0x88, s6;
	s7 =	simm.s32 @p2 $0x1082  }
0x22: {  	[simem:s7], [sflag:s8] =	dma.local @!p0 [hbm:s6], $0xF7A  }
0x23: {  	s9 =	sor.u32 $0xD0000000, s2;
	s6 =	simm.s32 $0x108;
	_ =	swait.ge @!p0 [sflag:s8], $0x0  }
0x24: {  	s3 =	sadd.s32 $0x88, s3;
	s6 =	simm.s32 @!p1 $0x1082;
	[sflag:s4] =	ssyncset.s32 $0xFFFFF086  }
0x25: {  	[simem:s6], [sflag:s4] =	dma.local [hbm:s3], $0xF7A  }
0x26: {  	[smem:$0x3F99] =	sst s1;
	(tag) =	ssettag s2;
	_ =	strace s9  }
0x27: {  	s1 =	sld [smem:$0x3FA9]  }
0x28: {  	s2 =	sld [smem:$0x3FAA]  }
0x29: {  	s4 =	sld [smem:$0x3FAC]  }
0x2a: {  	p0 =	seq.s32 s5, $0x0;
	s5 =	sld [smem:$0x3FAD]  }
0x2b: {  	s6 =	sld [smem:$0x3FAE]  }
0x2c: {  	s7 =	sld [smem:$0x3FAF]  }
0x2d: {  	s3 =	simm.s32 $0x108;
	s8 =	sld [smem:$0x3FB0]  }
0x2e: {  	s3 =	simm.s32 @!p0 $0x1082;
	s9 =	sld [smem:$0x3FB1]  }
0x2f: {  	lr =	sadd.s32 s0, s3;
	s0 =	sld [smem:$0x3FA8]  }
0x30: {  	s3 =	sld [smem:$0x3FAB]  }
0x31: {  	[smem:$0x3FB4] =	sst s10  }
0x32: {  	s10 =	sld [smem:$0x3FB2];
	_ =	sdelay $0x3  }
0x33: {  	p0 =	seq.s32 s10, $0x1;
	s10 =	sld [smem:$0x3FB4];
	_ =	sdelay $0x3  }
0x34: {  	[smem:$0x3FB4] =	sst s10  }
0x35: {  	s10 =	sld [smem:$0x3FB3];
	_ =	sdelay $0x3  }
0x36: {  	p1 =	seq.s32 s10, $0x1;
	s10 =	sld [smem:$0x3FB4];
	_ =	sdelay $0x3  }
0x37: {  	[smem:$0x3FB4] =	sst s10  }
0x38: {  	s10 =	sld [smem:$0x3FB5]  }
0x39: {  	_ = 	snop;
	(pc) =	sbr.ind lr, $3  }
0x3a: {  	_ = 	snop  }
0x3b: {  	_ = 	snop  }
0x3c: {  	p2 =	seq.s32 s10, $0x1;
	s10 =	sld [smem:$0x3FB4]  }
0x3d: {  	_ =	shalt  }
0x3e: {  	_ =	shalt  }
0x3f: {  	_ =	shalt  }
0x40: {  	_ =	shalt  }
0x41: {  	_ =	shalt  }
0x42: {  	_ =	shalt  }
0x43: {  	_ =	shalt  }
0x44: {  	_ =	shalt  }
0x45: {  	_ =	shalt  }
0x46: {  	_ =	shalt  }
0x47: {  	_ =	shalt  }
0x48: {  	_ =	shalt  }
0x49: {  	_ =	shalt  }
0x4a: {  	_ =	shalt  }
0x4b: {  	_ =	shalt  }
0x4c: {  	_ =	shalt  }
0x4d: {  	_ =	shalt  }
0x4e: {  	_ =	shalt  }
0x4f: {  	_ =	shalt  }
0x50: {  	_ =	shalt  }
0x51: {  	_ =	shalt  }
0x52: {  	_ =	shalt  }
0x53: {  	_ =	shalt  }
0x54: {  	_ =	shalt  }
0x55: {  	_ =	shalt  }
0x56: {  	_ =	shalt  }
0x57: {  	_ =	shalt  }
0x58: {  	_ =	shalt  }
0x59: {  	_ =	shalt  }
0x5a: {  	_ =	shalt  }
0x5b: {  	_ =	shalt  }
0x5c: {  	_ =	shalt  }
0x5d: {  	_ =	shalt  }
0x5e: {  	_ =	shalt  }
0x5f: {  	_ =	shalt  }
0x60: {  	_ =	shalt  }
0x61: {  	_ =	shalt  }
0x62: {  	_ =	shalt  }
0x63: {  	_ =	shalt  }
0x64: {  	_ =	shalt  }
0x65: {  	_ =	shalt  }
0x66: {  	_ =	shalt  }
0x67: {  	_ =	shalt  }
0x68: {  	_ =	shalt  }
0x69: {  	_ =	shalt  }
0x6a: {  	_ =	shalt  }
0x6b: {  	_ =	shalt  }
0x6c: {  	_ =	shalt  }
0x6d: {  	_ =	shalt  }
0x6e: {  	_ =	shalt  }
0x6f: {  	_ =	shalt  }
0x70: {  	_ =	shalt  }
0x71: {  	_ =	shalt  }
0x72: {  	_ =	shalt  }
0x73: {  	_ =	shalt  }
0x74: {  	_ =	shalt  }
0x75: {  	_ =	shalt  }
0x76: {  	_ =	shalt  }
0x77: {  	_ =	shalt  }
0x78: {  	_ =	shalt  }
0x79: {  	_ =	shalt  }
0x7a: {  	_ =	shalt  }
0x7b: {  	_ =	shalt  }
0x7c: {  	_ =	shalt  }
0x7d: {  	_ =	shalt  }
0x7e: {  	_ =	shalt  }
0x7f: {  	_ =	shalt  }
0x80: {  	_ =	shalt  }
0x81: {  	_ =	shalt  }
0x82: {  	_ =	shalt  }
0x83: {  	_ =	shalt  }
0x84: {  	_ =	shalt  }
0x85: {  	_ =	shalt  }
0x86: {  	_ =	shalt  }
0x87: {  	_ =	shalt  }
.Lfunc_end0:
.L_simem_size_0:
called_computation.1_lowered:
.L_overlay_start_0:
0x88: {  	s2 =	sld [smem:$0x3FD9]  }
0x89: {  	s3 =	sld [smem:$0x3FFE];
	_ =	sdelay $0x1  }
0x8a: {  	s1 =	srdreg.scid  }
0x8b: {  	s0 =	sand.u32 $0x1, s1  }
0x8c: {  	s17 =	sshll.u32 s0, $0xA;
	s2 =	sadd.s32 s3, s2  }
0x8d: {  	s2 =	sadd.s32 s2, s17  }
0x8e: {  	[smem:$0x3FC0] =	sst s2  }
0x8f: {  	_ = 	snop  }
0x90: {  	s2 =	sld [smem:$0x3FD0];
	(tm) =	ssettm $0x1  }
0x91: {  	s18 =	sld [smem:$0x3FFB];
	_ =	sdelay $0x3  }
0x92: {  	_ =	strace s18  }
0x93: {  	s3 =	sld [smem:$0x3FFC];
	_ =	sdelay $0x3  }
0x94: {  	_ =	strace s3  }
0x95: {  	s3 =	sld [smem:$0x3FFD];
	_ =	sdelay $0x3  }
0x96: {  	_ =	strace s3  }
0x97: {  	_ =	strace $0x8FFFFFFF  }
0x98: {  	s19 =	sld [smem:$0x3FDB];
	_ =	sdelay $0x1  }
0x99: {  	s4 =	simm.s32 $_scs_section_size  }
0x9a: {  	s5 =	simm.s32 $_size__tile_overlayer_lowered;
	s6 =	simm.s32 $_tile_overlayer_lowered  }
0x9b: {  	s22 =	simm.s32 $0x1BFF;
	s21 =	sshll.u32 s6, $0x1;
	s3 =	sadd.s32 s4, s19  }
0x9c: {  	s7 =	simm.s32 $0x0;
	s20 =	sshll.u32 s5, $0x1;
	s5 =	sadd.s32 s21, s3  }
0x9d: {  	[timem:s7], [sflag:s22] =	dma.local [hbm:s5], s20  }
0x9e: {  	_ =	swait.ge [sflag:s22], s20  }
0x9f: {  	s4 =	ssub.s32 $0x0, s20;
	[sflag:s22] =	ssyncset.done $0x0  }
0xa0: {  	[sflag:s22] =	ssyncadd.s32 s4;
	_ =	sdelay $0x1  }
0xa1: {  	s23 =	simm.s32 $0x1B8B  }
0xa2: {  	_ =	swait.ge [sflag:s23], $0x1  }
0xa3: {  	[sflag:s23] =	ssyncset.done $0x0  }
0xa4: {  	s25 =	simm.s32 $0x1B8E;
	s24 =	sld [smem:$0x3FFE];
	[sflag:s23] =	ssyncadd.s32 $0xFFFFFFFF  }
0xa5: {  	s26 =	simm.s32 $execute0_lowered;
	[smem:$0x3FD2] =	sst s25  }
0xa6: {  	s5 =	sshll.u32 s26, $0x1;
	_ =	strace $0x80000049;
	[dreg:$0x1] =	wrdreg $0xFFFFFFFF  }
0xa7: {  	s28 =	simm.s32 $_size_execute0_lowered;
	s3 =	sadd.s32 s3, s5;
	[dreg:$0x0] =	wrdreg $0x0  }
0xa8: {  	s5 =	sshll.u32 s28, $0x1;
	[dreg:$0x2] =	wrdreg s3  }
0xa9: {  	[dreg:$0x3] =	wrdreg s5  }
0xaa: {  	[dreg:$0x4] =	wrdreg $0xC0  }
0xab: {  	_ =	task [dreg:s7], $0x5FFFF  }
0xac: {  	[dreg:$0x1] =	wrdreg $0xFFFFFFFF  }
0xad: {  	[dreg:$0x0] =	wrdreg $0x60  }
0xae: {  	[dreg:$0x2] =	wrdreg s2  }
0xaf: {  	[dreg:$0x3] =	wrdreg s24  }
0xb0: {  	[dreg:$0x4] =	wrdreg $0xC0000  }
0xb1: {  	[dreg:$0x5] =	wrdreg $0x9  }
0xb2: {  	_ =	task.clear_ibuf [dreg:s7], $0x6FFFF;
	_ =	strace $0x90000049  }
0xb3: {  	s29 =	simm.s32 $0x9;
	_ =	strace $0x8000004B  }
0xb4: {  	_ =	swait.ge [sflag:s29], $0x1  }
0xb5: {  	[sflag:s29] =	ssyncadd.s32 $0xFFFFFFFF  }
0xb6: {  	_ =	strace $0x9000004B  }
0xb7: {  	_ =	sfence  }
0xb8: {  	s30 =	sld [smem:$0x0];
	_ =	sdelay $0x2  }
0xb9: {  	s31 =	sshll.u32 s1, $0xD;
	s1 =	sshrl.u32 s1, $0x2  }
0xba: {  	s3 =	sand.u32 $0x4000, s31;
	s1 =	sadd.s32 s1, s30  }
0xbb: {  	s0 =	sor.u32 s3, s0;
	s1 =	sshll.u32 s1, $0x11  }
0xbc: {  	s0 =	sor.u32 s1, s0  }
0xbd: {  	s0 =	sadd.s32 $0x8F2B, s0  }
0xbe: {  	[sflag:s0] =	ssyncadd.remote.s32 $0x1  }
0xbf: {  	_ =	sfence.sel $0xFFFF  }
0xc0: {  	[dreg:$0x0] =	wrdreg $0xFFFFFFFF;
	(pc) =	sbr.abs _section_cstart, $3  }
0xc1: {  	[dreg:$0x1] =	wrdreg $0xFFFFFFFF  }
0xc2: {  	_ =	task.clear_ibuf [dreg:s7], $0x2FFFF;
	_ =	strace $0x9FFFFFFF  }
0xc3: {  	(tm) =	ssettm $0x7FFFFFFF  }
tec
execute0_lowered:
.L_overlay_start_1:
0x0: {  	(tag) =	ssettag $0x1  }
0x1: {  	s1 =	rddreg [dreg:$0x0]  }
0x2: {  	s0 =	rddreg [dreg:$0x1]  }
0x3: {  	s3 =	rddreg [dreg:$0x2]  }
0x4: {  	s2 =	simm.s32 $0x0;
	s4 =	stileid.u32;
	s5 =	srdreg.scid  }
0x5: {  	s29 =	simm.s32 $0x4000;
	s31 =	simm.s32 $0x6000;
	s30 =	simm.s32 $0xA000  }
0x6: {  	s28 =	simm.s32 $0x6;
	[smem:$0x7FF] =	sst s2;
	s26 =	smul.u32 $0x13800, s4  }
0x7: {  	s6 =	sadd.s32 $0x1A00, s0;
	s5 =	sand.u32 $0x1, s5;
	s9 =	smul.u32 $0x4E000, s4  }
0x8: {  	s10 =	sadd.s32 $0x21A00, s0;
	s12 =	sadd.s32 $0x68C00, s0;
	s14 =	sshll.u32 s4, $0xF  }
0x9: {  	s15 =	sshll.u32 s4, $0x6;
	p0 =	sne.s32 s4, $0xF;
	_ =	strace $0x8000004A  }
0xa: {  	s8 =	ssub.s32 $0x2, s5;
	s13 =	sshll.u32 s5, $0x13;
	s5 =	smul.u32 $0x138800, s5  }
0xb: {  	s7 =	sshrl.u32 s26, $0x3;
	s11 =	sshrl.u32 s8, $0x1;
	s9 =	sshrl.u32 s9, $0x2  }
0xc: {  	s7 =	sadd.s32 s7, s0;
	s8 =	ssub.s32 s8, s11;
	s9 =	sadd.s32 s9, s3  }
0xd: {  	s11 =	sor.u32 $0x1C07, s15;
	s0 =	sadd.s32 $0x68A00, s0;
	s2 =	sadd.s32 s26, s5  }
0xe: {  	s5 =	sshrl.u32 s5, $0x3;
	[dreg:$0x4] =	wrdreg s9;
	s7 =	sadd.s32 $0x41A00, s7  }
0xf: {  	s9 =	sor.u32 s14, s13;
	s13 =	sadd.s32 $0x138000, s3;
	[dreg:$0x8] =	wrdreg s0  }
0x10: {  	s2 =	sshrl.u32 s2, $0x3;
	s21 =	sadd.s32 s12, s5;
	[dreg:$0x6] =	wrdreg s11  }
0x11: {  	s24 =	smax.u32 s8, $0x1;
	[dreg:$0x5] =	wrdreg s7;
	s16 =	sshrl.u32 s9, $0x3  }
0x12: {  	[dreg:$0x7] =	wrdreg s13;
	s20 =	sadd.s32 s12, s2;
	s22 =	sor.u32 $0x1800, s9  }
0x13: {  	s23 =	sor.u32 $0x1000, s9;
	[dreg:$0xf] =	wrdreg s24;
	s24 =	simm.s32 $0x1800  }
0x14: {  	s13 =	simm.s32 $0x4;
	s17 =	sadd.s32 s6, s16;
	s18 =	sadd.s32 s10, s16  }
0x15: {  	s19 =	sor.u32 $0x100, s16;
	[dreg:$0xd] =	wrdreg s20;
	s2 =	sshrl.u32 s23, $0x3  }
0x16: {  	s23 =	simm.s32 $0x800;
	s16 =	simm.s32 $0x5;
	[dreg:$0x9] =	wrdreg s17  }
0x17: {  	[dreg:$0xa] =	wrdreg s18;
	s7 =	sadd.s32 s6, s19;
	s0 =	sadd.s32 s10, s19  }
0x18: {  	s26 =	sadd.s32 s2, s10;
	s20 =	sadd.s32 s2, s6;
	[dreg:$0xb] =	wrdreg s7  }
0x19: {  	s2 =	simm.s32 $0x8000;
	[dreg:$0xc] =	wrdreg s0;
	s0 =	sadd.s32 $0x27000, s21  }
.Ltmp0:
0x1a: {  	[dreg:$0x12] =	wrdreg s26;
	s21 =	simm.s32 $0x7;
	(pc) =	sbr.rel .LBB2_1-.Ltmp0, $4  }
0x1b: {  	s26 =	simm.s32 $0x2000;
	[dreg:$0xe] =	wrdreg s0;
	s0 =	sshrl.u32 s22, $0x3  }
0x1c: {  	s7 =	simm.s32 $0x0;
	s25 =	sadd.s32 s0, s10;
	s0 =	sadd.s32 s0, s6  }
0x1d: {  	s6 =	simm.s32 $0x2;
	s10 =	simm.s32 $0x3;
	[dreg:$0x10] =	wrdreg s25  }
0x1e: {  	[dreg:$0x11] =	wrdreg s0;
	s25 =	simm.s32 $0x40;
	s0 =	simm.s32 $0x1  }
.LBB2_4:
0x1f: {  	[bflag:$0x0] =	sbarrier.arrive $0xFFFF  }
0x20: {  	s11 =	rddreg [dreg:$0x6]  }
0x21: {  	s4 =	rddreg [dreg:$0xd]  }
0x22: {  	s5 =	rddreg [dreg:$0x14]  }
0x23: {  	[hbm:s4], [sflag:s11] =	dma.local [spmem:s5], $0x2700  }
0x24: {  	_ =	swait.ge [sflag:s21], $0x2700  }
0x25: {  	[sflag:s21] =	ssyncset.done $0x0;
	s4 =	rddreg [dreg:$0xe]  }
0x26: {  	s5 =	rddreg [dreg:$0x15];
	[sflag:s21] =	ssyncadd.s32 $0xFFFFD900  }
0x27: {  	[hbm:s4], [sflag:s11] =	dma.local @!p0 [spmem:s5], $0x100  }
0x28: {  	s4 =	simm.s32 @!p0 $0x7  }
0x29: {  	_ =	swait.ge @!p0 [sflag:s4], $0x100  }
0x2a: {  	s7 =	rddreg [dreg:$0x13]  }
0x2b: {  	s22 =	rddreg [dreg:$0xf];
	s7 =	sadd.s32 $0x1, s7  }
0x2c: {  	p1 =	sne.s32 s7, s22  }
.Ltmp1:
0x2d: {  	_ = 	snop;
	(pc) =	sbr.rel @!p1 .LBB2_5-.Ltmp1, $3  }
0x2e: {  	_ =	sdelay $0x1  }
0x2f: {  	[sflag:s4] =	ssyncset.done @!p0 $0x0  }
0x30: {  	[sflag:s4] =	ssyncadd.s32 @!p0 $0xFFFFFF00  }
.LBB2_1:
0x31: {  	[dreg:$0x13] =	wrdreg s7  }
0x32: {  	s4 =	rddreg [dreg:$0x4]  }
0x33: {  	s7 =	rddreg [dreg:$0x5];
	s5 =	sshrl.u32 s4, $0x3  }
0x34: {  	[dreg:$0x14] =	wrdreg s5  }
0x35: {  	[spmem:s5], [sflag:s11] =	dma.local [hbm:s7], $0x2700  }
0x36: {  	_ =	swait.ge [sflag:s21], $0x2700  }
0x37: {  	s4 =	rddreg [dreg:$0x7]  }
0x38: {  	[sflag:s21] =	ssyncset.done $0x0;
	s5 =	sshrl.u32 @!p0 s4, $0x3;
	s4 =	rddreg [dreg:$0x8]  }
0x39: {  	[sflag:s21] =	ssyncadd.s32 $0xFFFFD900;
	[dreg:$0x15] =	wrdreg s5  }
0x3a: {  	[spmem:s5], [sflag:s11] =	dma.local @!p0 [hbm:s4], $0x200  }
0x3b: {  	s5 =	simm.s32 @!p0 $0x7  }
0x3c: {  	_ =	swait.ge @!p0 [sflag:s5], $0x200  }
0x3d: {  	[sflag:s5] =	ssyncset.done @!p0 $0x0  }
0x3e: {  	s8 =	simm.s32 $0x0;
	s9 =	rddreg [dreg:$0x9];
	[sflag:s5] =	ssyncadd.s32 @!p0 $0xFFFFFE00  }
0x3f: {  	[tilespmem:s8], [sflag:$0x7] =	stream.linear.gather [hbm4b:s9+s8], $0x500, $0x38;
	[tilespmem:$0x1F900] =	vst v63  }
0x40: {  	_ =	swait.ge [sflag:s21], $0x500  }
0x41: {  	[sflag:s21] =	ssyncset.done $0x0  }
0x42: {  	s12 =	simm.s32 $0x1000;
	s11 =	rddreg [dreg:$0xa];
	[sflag:s21] =	ssyncadd.s32 $0xFFFFFB00  }
0x43: {  	[tilespmem:s12], [sflag:$0x7] =	stream.linear.gather [hbm4b:s11+s8], $0x500, $0x38;
	[tilespmem:$0x1F900] =	vst v63  }
0x44: {  	_ =	swait.ge [sflag:s21], $0x500  }
0x45: {  	[sflag:s21] =	ssyncset.done $0x0  }
0x46: {  	[sflag:s21] =	ssyncadd.s32 $0xFFFFFB00  }
0x47: {  	[bflag:$0x0] =	sbarrier.arrive $0xFFFF  }
0x48: {  	s14 =	rddreg [dreg:$0xb]  }
0x49: {  	[tilespmem:s23], [sflag:$0x6] =	stream.linear.gather [hbm4b:s14+s8], $0x500, $0x38;
	[tilespmem:$0x1F900] =	vst v63  }
0x4a: {  	s15 =	rddreg [dreg:$0xc]  }
0x4b: {  	[tilespmem:s24], [sflag:$0x6] =	stream.linear.gather [hbm4b:s15+s8], $0x500, $0x38;
	[tilespmem:$0x1F900] =	vst v63  }
0x4c: {  	_ = 	snop  }
0x4d: {  	[tilespmem:s26], [sflag:$0x1] =	stream.indirect.gather [hbm4b:s1+s25], $0x80, s8, s25, $0xb8;
	[tilespmem:$0x1F900] =	vst v63  }
0x4e: {  	s17 =	simm.s32 $0x80  }
0x4f: {  	[tilespmem:s29], [sflag:$0x2] =	stream.indirect.gather [hbm4b:s1+s25], $0x80, s17, s25, $0xb8;
	[tilespmem:$0x1F900] =	vst v63  }
0x50: {  	s18 =	simm.s32 $0x100  }
0x51: {  	[tilespmem:s31], [sflag:$0x3] =	stream.indirect.gather [hbm4b:s1+s25], $0x80, s18, s25, $0xb8;
	[tilespmem:$0x1F900] =	vst v63  }
0x52: {  	s19 =	simm.s32 $0x180  }
0x53: {  	[tilespmem:s2], [sflag:$0x4] =	stream.indirect.gather [hbm4b:s1+s25], $0x80, s19, s25, $0xb8;
	[tilespmem:$0x1F900] =	vst v63  }
0x54: {  	s22 =	simm.s32 $0x200;
	s8 =	simm.s32 $0x0  }
0x55: {  	[tilespmem:s30], [sflag:$0x5] =	stream.indirect.gather [hbm4b:s1+s25], $0x80, s22, s25, $0xb8;
	[tilespmem:$0x1F900] =	vst v63  }
.LBB2_2:
0x56: {  	_ =	swait.ge [sflag:s0], $0x2000  }
0x57: {  	p1 =	seq.s32 s8, $0x0;
	[sflag:s0] =	ssyncset.done $0x0  }
0x58: {  	s5 =	simm.s32 @!p1 $0x6;
	[sflag:s0] =	ssyncadd.s32 $0xFFFFE000  }
0x59: {  	_ =	swait.ge @!p1 [sflag:s5], $0x500  }
0x5a: {  	[sflag:s5] =	ssyncset.done @!p1 $0x0  }
0x5b: {  	s4 =	simm.s32 $0x1000;
	[sflag:s5] =	ssyncadd.s32 @!p1 $0xFFFFFB00  }
0x5c: {  	[spmem:s3] =	stream.indirect.scatter.add.f32 [tilespmem:s26], [sflag:$0x7], $0x80, s4, s25, $0xb8;
	[tilespmem:$0x1F900] =	vst v63  }
0x5d: {  	_ =	swait.ge [sflag:s21], $0x2000  }
0x5e: {  	[sflag:s21] =	ssyncset.done $0x0  }
0x5f: {  	s9 =	simm.s32 $0x280;
	[sflag:s21] =	ssyncadd.s32 $0xFFFFE000  }
0x60: {  	[tilespmem:s26], [sflag:$0x1] =	stream.indirect.gather [hbm4b:s1+s25], $0x80, s9, s25, $0xb8;
	[tilespmem:$0x1F900] =	vst v63  }
0x61: {  	_ =	swait.ge [sflag:s6], $0x2000  }
0x62: {  	[sflag:s6] =	ssyncset.done $0x0  }
0x63: {  	s11 =	simm.s32 $0x1080;
	[sflag:s6] =	ssyncadd.s32 $0xFFFFE000  }
0x64: {  	[spmem:s3] =	stream.indirect.scatter.add.f32 [tilespmem:s29], [sflag:$0x7], $0x80, s11, s25, $0xb8;
	[tilespmem:$0x1F900] =	vst v63  }
0x65: {  	_ =	swait.ge [sflag:s21], $0x2000  }
0x66: {  	[sflag:s21] =	ssyncset.done $0x0  }
0x67: {  	s12 =	simm.s32 $0x300;
	[sflag:s21] =	ssyncadd.s32 $0xFFFFE000  }
0x68: {  	[tilespmem:s29], [sflag:$0x2] =	stream.indirect.gather [hbm4b:s1+s25], $0x80, s12, s25, $0xb8;
	[tilespmem:$0x1F900] =	vst v63  }
0x69: {  	_ =	swait.ge [sflag:s10], $0x2000  }
0x6a: {  	[sflag:s10] =	ssyncset.done $0x0  }
0x6b: {  	s14 =	simm.s32 $0x1100;
	[sflag:s10] =	ssyncadd.s32 $0xFFFFE000  }
0x6c: {  	[spmem:s3] =	stream.indirect.scatter.add.f32 [tilespmem:s31], [sflag:$0x7], $0x80, s14, s25, $0xb8;
	[tilespmem:$0x1F900] =	vst v63  }
0x6d: {  	_ =	swait.ge [sflag:s21], $0x2000  }
0x6e: {  	[sflag:s21] =	ssyncset.done $0x0  }
0x6f: {  	s15 =	simm.s32 $0x380;
	[sflag:s21] =	ssyncadd.s32 $0xFFFFE000  }
0x70: {  	[tilespmem:s31], [sflag:$0x3] =	stream.indirect.gather [hbm4b:s1+s25], $0x80, s15, s25, $0xb8;
	[tilespmem:$0x1F900] =	vst v63  }
0x71: {  	_ =	swait.ge [sflag:s13], $0x2000  }
0x72: {  	[sflag:s13] =	ssyncset.done $0x0  }
0x73: {  	s17 =	simm.s32 $0x1180;
	[sflag:s13] =	ssyncadd.s32 $0xFFFFE000  }
0x74: {  	[spmem:s3] =	stream.indirect.scatter.add.f32 [tilespmem:s2], [sflag:$0x7], $0x80, s17, s25, $0xb8;
	[tilespmem:$0x1F900] =	vst v63  }
0x75: {  	_ =	swait.ge [sflag:s21], $0x2000  }
0x76: {  	[sflag:s21] =	ssyncset.done $0x0  }
0x77: {  	s18 =	simm.s32 $0x400;
	[sflag:s21] =	ssyncadd.s32 $0xFFFFE000  }
0x78: {  	[tilespmem:s2], [sflag:$0x4] =	stream.indirect.gather [hbm4b:s1+s25], $0x80, s18, s25, $0xb8;
	[tilespmem:$0x1F900] =	vst v63  }
0x79: {  	_ =	swait.ge [sflag:s16], $0x2000  }
0x7a: {  	[sflag:s16] =	ssyncset.done $0x0  }
0x7b: {  	s19 =	simm.s32 $0x1200;
	[sflag:s16] =	ssyncadd.s32 $0xFFFFE000  }
0x7c: {  	[spmem:s3] =	stream.indirect.scatter.add.f32 [tilespmem:s30], [sflag:$0x7], $0x80, s19, s25, $0xb8;
	[tilespmem:$0x1F900] =	vst v63  }
0x7d: {  	_ =	swait.ge [sflag:s21], $0x2000  }
0x7e: {  	[sflag:s21] =	ssyncset.done $0x0  }
0x7f: {  	s22 =	simm.s32 $0x480;
	[sflag:s21] =	ssyncadd.s32 $0xFFFFE000  }
0x80: {  	[tilespmem:s30], [sflag:$0x5] =	stream.indirect.gather [hbm4b:s1+s25], $0x80, s22, s25, $0xb8;
	[tilespmem:$0x1F900] =	vst v63  }
0x81: {  	_ =	swait.ge [sflag:s0], $0x2000  }
0x82: {  	[sflag:s0] =	ssyncset.done $0x0  }
0x83: {  	[sflag:s0] =	ssyncadd.s32 $0xFFFFE000  }
0x84: {  	_ =	swait.ge [sflag:s28], $0x500  }
0x85: {  	[sflag:s28] =	ssyncset.done $0x0  }
0x86: {  	s5 =	simm.s32 $0x1280;
	[sflag:s28] =	ssyncadd.s32 $0xFFFFFB00  }
0x87: {  	[spmem:s3] =	stream.indirect.scatter.add.f32 [tilespmem:s26], [sflag:$0x7], $0x80, s5, s25, $0xb8;
	[tilespmem:$0x1F900] =	vst v63  }
0x88: {  	_ =	swait.ge [sflag:s21], $0x2000  }
0x89: {  	[sflag:s21] =	ssyncset.done $0x0  }
0x8a: {  	[sflag:s21] =	ssyncadd.s32 $0xFFFFE000  }
0x8b: {  	[tilespmem:s26], [sflag:$0x1] =	stream.indirect.gather [hbm4b:s1+s25], $0x80, s23, s25, $0xb8;
	[tilespmem:$0x1F900] =	vst v63  }
0x8c: {  	_ =	swait.ge [sflag:s6], $0x2000  }
0x8d: {  	[sflag:s6] =	ssyncset.done $0x0  }
0x8e: {  	s7 =	simm.s32 $0x1300;
	[sflag:s6] =	ssyncadd.s32 $0xFFFFE000  }
0x8f: {  	[spmem:s3] =	stream.indirect.scatter.add.f32 [tilespmem:s29], [sflag:$0x7], $0x80, s7, s25, $0xb8;
	[tilespmem:$0x1F900] =	vst v63  }
0x90: {  	_ =	swait.ge [sflag:s21], $0x2000  }
0x91: {  	[sflag:s21] =	ssyncset.done $0x0  }
0x92: {  	s9 =	simm.s32 $0x880;
	[sflag:s21] =	ssyncadd.s32 $0xFFFFE000  }
0x93: {  	[tilespmem:s29], [sflag:$0x2] =	stream.indirect.gather [hbm4b:s1+s25], $0x80, s9, s25, $0xb8;
	[tilespmem:$0x1F900] =	vst v63  }
0x94: {  	_ =	swait.ge [sflag:s10], $0x2000  }
0x95: {  	[sflag:s10] =	ssyncset.done $0x0  }
0x96: {  	s11 =	simm.s32 $0x1380;
	[sflag:s10] =	ssyncadd.s32 $0xFFFFE000  }
0x97: {  	[spmem:s3] =	stream.indirect.scatter.add.f32 [tilespmem:s31], [sflag:$0x7], $0x80, s11, s25, $0xb8;
	[tilespmem:$0x1F900] =	vst v63  }
0x98: {  	_ =	swait.ge [sflag:s21], $0x2000  }
0x99: {  	[sflag:s21] =	ssyncset.done $0x0  }
0x9a: {  	s12 =	simm.s32 $0x900;
	[sflag:s21] =	ssyncadd.s32 $0xFFFFE000  }
0x9b: {  	[tilespmem:s31], [sflag:$0x3] =	stream.indirect.gather [hbm4b:s1+s25], $0x80, s12, s25, $0xb8;
	[tilespmem:$0x1F900] =	vst v63  }
0x9c: {  	_ =	swait.ge [sflag:s13], $0x2000  }
0x9d: {  	[sflag:s13] =	ssyncset.done $0x0  }
0x9e: {  	s14 =	simm.s32 $0x1400;
	[sflag:s13] =	ssyncadd.s32 $0xFFFFE000  }
0x9f: {  	[spmem:s3] =	stream.indirect.scatter.add.f32 [tilespmem:s2], [sflag:$0x7], $0x80, s14, s25, $0xb8;
	[tilespmem:$0x1F900] =	vst v63  }
0xa0: {  	_ =	swait.ge [sflag:s21], $0x2000  }
0xa1: {  	[sflag:s21] =	ssyncset.done $0x0  }
0xa2: {  	s15 =	simm.s32 $0x980;
	[sflag:s21] =	ssyncadd.s32 $0xFFFFE000  }
0xa3: {  	[tilespmem:s2], [sflag:$0x4] =	stream.indirect.gather [hbm4b:s1+s25], $0x80, s15, s25, $0xb8;
	[tilespmem:$0x1F900] =	vst v63  }
0xa4: {  	_ =	swait.ge [sflag:s16], $0x2000  }
0xa5: {  	[sflag:s16] =	ssyncset.done $0x0  }
0xa6: {  	s17 =	simm.s32 $0x1480;
	[sflag:s16] =	ssyncadd.s32 $0xFFFFE000  }
0xa7: {  	[spmem:s3] =	stream.indirect.scatter.add.f32 [tilespmem:s30], [sflag:$0x7], $0x80, s17, s25, $0xb8;
	[tilespmem:$0x1F900] =	vst v63  }
0xa8: {  	_ =	swait.ge [sflag:s21], $0x2000  }
0xa9: {  	[sflag:s21] =	ssyncset.done $0x0  }
0xaa: {  	s18 =	simm.s32 $0xA00;
	[sflag:s21] =	ssyncadd.s32 $0xFFFFE000  }
0xab: {  	[tilespmem:s30], [sflag:$0x5] =	stream.indirect.gather [hbm4b:s1+s25], $0x80, s18, s25, $0xb8;
	[tilespmem:$0x1F900] =	vst v63  }
0xac: {  	_ =	swait.ge [sflag:s0], $0x2000  }
0xad: {  	[sflag:s0] =	ssyncset.done $0x0  }
0xae: {  	[sflag:s0] =	ssyncadd.s32 $0xFFFFE000  }
0xaf: {  	_ =	swait.ge [sflag:s28], $0x500  }
0xb0: {  	[sflag:s28] =	ssyncset.done $0x0  }
0xb1: {  	[sflag:s28] =	ssyncadd.s32 $0xFFFFFB00  }
0xb2: {  	[spmem:s3] =	stream.indirect.scatter.add.f32 [tilespmem:s26], [sflag:$0x7], $0x80, s24, s25, $0xb8;
	[tilespmem:$0x1F900] =	vst v63  }
0xb3: {  	p1 =	seq.s32 s8, $0xE00;
	_ =	swait.ge [sflag:s21], $0x2000  }
0xb4: {  	s5 =	simm.s32 @p1 $0xA80;
	s7 =	simm.s32 @p1 $0x2000;
	[sflag:s21] =	ssyncset.done $0x0  }
0xb5: {  	s11 =	simm.s32 @p1 $0x40;
	s15 =	simm.s32 @p1 $0x2;
	[sflag:s21] =	ssyncadd.s32 $0xFFFFE000  }
0xb6: {  	[tilespmem:s7], [sflag:$0x1] =	stream.indirect.gather @p1 [hbm4b:s1+s11], $0x80, s5, s11, $0xb8;
	[tilespmem:$0x1F900] =	vst v63  }
0xb7: {  	_ =	swait.ge @p1 [sflag:s15], $0x2000  }
0xb8: {  	s12 =	simm.s32 @p1 $0x7;
	[sflag:s15] =	ssyncset.done @p1 $0x0  }
0xb9: {  	s7 =	simm.s32 @p1 $0x1880;
	s5 =	simm.s32 @p1 $0x4000;
	[sflag:s15] =	ssyncadd.s32 @p1 $0xFFFFE000  }
0xba: {  	[spmem:s3] =	stream.indirect.scatter.add.f32 @p1 [tilespmem:s5], [sflag:$0x7], $0x80, s7, s11, $0xb8;
	[tilespmem:$0x1F900] =	vst v63  }
0xbb: {  	_ =	swait.ge @p1 [sflag:s12], $0x2000  }
0xbc: {  	s4 =	simm.s32 @!p1 $0x2000;
	[sflag:s12] =	ssyncset.done @p1 $0x0  }
0xbd: {  	s9 =	sadd.s32 @!p1 s8, s20;
	s7 =	simm.s32 @!p1 $0x0;
	[sflag:s12] =	ssyncadd.s32 @p1 $0xFFFFE000  }
0xbe: {  	[tilespmem:s7], [sflag:$0x6] =	stream.linear.gather @!p1 [hbm4b:s9+s7], $0x500, $0x38;
	[tilespmem:$0x1F900] =	vst v63  }
0xbf: {  	s14 =	simm.s32 @!p1 $0xA80;
	s17 =	simm.s32 @!p1 $0x2;
	s9 =	simm.s32 @!p1 $0x40  }
0xc0: {  	[tilespmem:s4], [sflag:$0x1] =	stream.indirect.gather @!p1 [hbm4b:s1+s9], $0x80, s14, s9, $0xb8;
	[tilespmem:$0x1F900] =	vst v63  }
0xc1: {  	_ =	swait.ge @!p1 [sflag:s17], $0x2000  }
0xc2: {  	[sflag:s17] =	ssyncset.done @!p1 $0x0  }
0xc3: {  	s22 =	simm.s32 @!p1 $0x4000;
	s14 =	simm.s32 @!p1 $0x1880;
	[sflag:s17] =	ssyncadd.s32 @!p1 $0xFFFFE000  }
0xc4: {  	[spmem:s3] =	stream.indirect.scatter.add.f32 @!p1 [tilespmem:s22], [sflag:$0x7], $0x80, s14, s9, $0xb8;
	[tilespmem:$0x1F900] =	vst v63  }
0xc5: {  	s14 =	simm.s32 @!p1 $0x7  }
0xc6: {  	_ =	swait.ge @!p1 [sflag:s14], $0x2000  }
0xc7: {  	[sflag:s14] =	ssyncset.done @!p1 $0x0;
	s18 =	rddreg [dreg:$0x12]  }
0xc8: {  	s19 =	simm.s32 @!p1 $0x1000;
	[sflag:s14] =	ssyncadd.s32 @!p1 $0xFFFFE000;
	s18 =	sadd.s32 @!p1 s8, s18  }
0xc9: {  	[tilespmem:s19], [sflag:$0x6] =	stream.linear.gather @!p1 [hbm4b:s18+s7], $0x500, $0x38;
	[tilespmem:$0x1F900] =	vst v63  }
0xca: {  	s19 =	simm.s32 $0xB00  }
0xcb: {  	[tilespmem:s29], [sflag:$0x2] =	stream.indirect.gather [hbm4b:s1+s25], $0x80, s19, s25, $0xb8;
	[tilespmem:$0x1F900] =	vst v63  }
0xcc: {  	_ =	swait.ge [sflag:s10], $0x2000  }
0xcd: {  	[sflag:s10] =	ssyncset.done $0x0  }
0xce: {  	s19 =	simm.s32 $0x1900;
	[sflag:s10] =	ssyncadd.s32 $0xFFFFE000  }
0xcf: {  	[spmem:s3] =	stream.indirect.scatter.add.f32 [tilespmem:s31], [sflag:$0x7], $0x80, s19, s25, $0xb8;
	[tilespmem:$0x1F900] =	vst v63  }
0xd0: {  	_ =	swait.ge [sflag:s21], $0x2000  }
0xd1: {  	[sflag:s21] =	ssyncset.done $0x0  }
0xd2: {  	s19 =	simm.s32 $0xB80;
	[sflag:s21] =	ssyncadd.s32 $0xFFFFE000  }
0xd3: {  	[tilespmem:s31], [sflag:$0x3] =	stream.indirect.gather [hbm4b:s1+s25], $0x80, s19, s25, $0xb8;
	[tilespmem:$0x1F900] =	vst v63  }
0xd4: {  	_ =	swait.ge [sflag:s13], $0x2000  }
0xd5: {  	[sflag:s13] =	ssyncset.done $0x0  }
0xd6: {  	s19 =	simm.s32 $0x1980;
	[sflag:s13] =	ssyncadd.s32 $0xFFFFE000  }
0xd7: {  	[spmem:s3] =	stream.indirect.scatter.add.f32 [tilespmem:s2], [sflag:$0x7], $0x80, s19, s25, $0xb8;
	[tilespmem:$0x1F900] =	vst v63  }
0xd8: {  	_ =	swait.ge [sflag:s21], $0x2000  }
0xd9: {  	[sflag:s21] =	ssyncset.done $0x0  }
0xda: {  	s19 =	simm.s32 $0xC00;
	[sflag:s21] =	ssyncadd.s32 $0xFFFFE000  }
0xdb: {  	[tilespmem:s2], [sflag:$0x4] =	stream.indirect.gather [hbm4b:s1+s25], $0x80, s19, s25, $0xb8;
	[tilespmem:$0x1F900] =	vst v63  }
0xdc: {  	_ =	swait.ge [sflag:s16], $0x2000  }
0xdd: {  	[sflag:s16] =	ssyncset.done $0x0  }
0xde: {  	s19 =	simm.s32 $0x1A00;
	[sflag:s16] =	ssyncadd.s32 $0xFFFFE000  }
0xdf: {  	[spmem:s3] =	stream.indirect.scatter.add.f32 [tilespmem:s30], [sflag:$0x7], $0x80, s19, s25, $0xb8;
	[tilespmem:$0x1F900] =	vst v63  }
0xe0: {  	_ =	swait.ge [sflag:s21], $0x2000  }
0xe1: {  	[sflag:s21] =	ssyncset.done $0x0  }
0xe2: {  	s19 =	simm.s32 $0xC80;
	[sflag:s21] =	ssyncadd.s32 $0xFFFFE000  }
0xe3: {  	[tilespmem:s30], [sflag:$0x5] =	stream.indirect.gather [hbm4b:s1+s25], $0x80, s19, s25, $0xb8;
	[tilespmem:$0x1F900] =	vst v63  }
0xe4: {  	_ =	swait.ge [sflag:s0], $0x2000  }
0xe5: {  	[sflag:s0] =	ssyncset.done $0x0  }
0xe6: {  	s19 =	simm.s32 $0x1A80;
	[sflag:s0] =	ssyncadd.s32 $0xFFFFE000  }
0xe7: {  	[spmem:s3] =	stream.indirect.scatter.add.f32 [tilespmem:s26], [sflag:$0x7], $0x80, s19, s25, $0xb8;
	[tilespmem:$0x1F900] =	vst v63  }
0xe8: {  	_ =	swait.ge [sflag:s21], $0x2000  }
0xe9: {  	[sflag:s21] =	ssyncset.done $0x0  }
0xea: {  	[sflag:s21] =	ssyncadd.s32 $0xFFFFE000  }
0xeb: {  	_ =	swait.ge @p1 [sflag:s15], $0x2000  }
0xec: {  	[sflag:s15] =	ssyncset.done @p1 $0x0  }
0xed: {  	[sflag:s15] =	ssyncadd.s32 @p1 $0xFFFFE000;
	s15 =	simm.s32 @p1 $0x1B00  }
0xee: {  	[spmem:s3] =	stream.indirect.scatter.add.f32 @p1 [tilespmem:s5], [sflag:$0x7], $0x80, s15, s11, $0xb8;
	[tilespmem:$0x1F900] =	vst v63  }
0xef: {  	_ =	swait.ge @p1 [sflag:s12], $0x2000  }
0xf0: {  	[sflag:s12] =	ssyncset.done @p1 $0x0  }
0xf1: {  	s5 =	simm.s32 @!p1 $0x6;
	[sflag:s12] =	ssyncadd.s32 @p1 $0xFFFFE000  }
0xf2: {  	_ =	swait.ge @!p1 [sflag:s5], $0x500  }
0xf3: {  	[sflag:s5] =	ssyncset.done @!p1 $0x0  }
0xf4: {  	[sflag:s5] =	ssyncadd.s32 @!p1 $0xFFFFFB00  }
0xf5: {  	[tilespmem:s4], [sflag:$0x1] =	stream.indirect.gather @!p1 [hbm4b:s1+s9], $0x80, s7, s9, $0xb8;
	[tilespmem:$0x1F900] =	vst v63  }
0xf6: {  	_ =	swait.ge @!p1 [sflag:s17], $0x2000  }
0xf7: {  	[sflag:s17] =	ssyncset.done @!p1 $0x0  }
0xf8: {  	s4 =	simm.s32 @!p1 $0x1B00;
	[sflag:s17] =	ssyncadd.s32 @!p1 $0xFFFFE000  }
0xf9: {  	[spmem:s3] =	stream.indirect.scatter.add.f32 @!p1 [tilespmem:s22], [sflag:$0x7], $0x80, s4, s9, $0xb8;
	[tilespmem:$0x1F900] =	vst v63  }
0xfa: {  	_ =	swait.ge @!p1 [sflag:s14], $0x2000  }
0xfb: {  	[sflag:s14] =	ssyncset.done @!p1 $0x0  }
0xfc: {  	s4 =	simm.s32 @!p1 $0x80;
	[sflag:s14] =	ssyncadd.s32 @!p1 $0xFFFFE000  }
0xfd: {  	[tilespmem:s22], [sflag:$0x2] =	stream.indirect.gather @!p1 [hbm4b:s1+s9], $0x80, s4, s9, $0xb8;
	[tilespmem:$0x1F900] =	vst v63  }
0xfe: {  	_ =	swait.ge [sflag:s10], $0x2000  }
0xff: {  	[sflag:s10] =	ssyncset.done $0x0  }
0x100: {  	s19 =	simm.s32 $0x1B80;
	[sflag:s10] =	ssyncadd.s32 $0xFFFFE000  }
0x101: {  	[spmem:s3] =	stream.indirect.scatter.add.f32 [tilespmem:s31], [sflag:$0x7], $0x80, s19, s25, $0xb8;
	[tilespmem:$0x1F900] =	vst v63  }
0x102: {  	_ =	swait.ge [sflag:s21], $0x2000  }
0x103: {  	[sflag:s21] =	ssyncset.done $0x0  }
0x104: {  	s4 =	simm.s32 @p1 $0x4;
	[sflag:s21] =	ssyncadd.s32 $0xFFFFE000  }
0x105: {  	_ =	swait.ge @p1 [sflag:s4], $0x2000  }
0x106: {  	[sflag:s4] =	ssyncset.done @p1 $0x0  }
0x107: {  	s5 =	simm.s32 @p1 $0x8000;
	[sflag:s4] =	ssyncadd.s32 @p1 $0xFFFFE000;
	s4 =	simm.s32 @p1 $0x1C00  }
0x108: {  	[spmem:s3] =	stream.indirect.scatter.add.f32 @p1 [tilespmem:s5], [sflag:$0x7], $0x80, s4, s11, $0xb8;
	[tilespmem:$0x1F900] =	vst v63  }
0x109: {  	_ =	swait.ge @p1 [sflag:s12], $0x2000  }
0x10a: {  	[sflag:s12] =	ssyncset.done @p1 $0x0  }
0x10b: {  	s4 =	simm.s32 @!p1 $0x100;
	s5 =	simm.s32 @!p1 $0x6000;
	[sflag:s12] =	ssyncadd.s32 @p1 $0xFFFFE000  }
0x10c: {  	[tilespmem:s5], [sflag:$0x3] =	stream.indirect.gather @!p1 [hbm4b:s1+s9], $0x80, s4, s9, $0xb8;
	[tilespmem:$0x1F900] =	vst v63  }
0x10d: {  	s4 =	simm.s32 @!p1 $0x4  }
0x10e: {  	_ =	swait.ge @!p1 [sflag:s4], $0x2000  }
0x10f: {  	[sflag:s4] =	ssyncset.done @!p1 $0x0  }
0x110: {  	s5 =	simm.s32 @!p1 $0x8000;
	[sflag:s4] =	ssyncadd.s32 @!p1 $0xFFFFE000;
	s4 =	simm.s32 @!p1 $0x1C00  }
0x111: {  	[spmem:s3] =	stream.indirect.scatter.add.f32 @!p1 [tilespmem:s5], [sflag:$0x7], $0x80, s4, s9, $0xb8;
	[tilespmem:$0x1F900] =	vst v63  }
0x112: {  	_ =	swait.ge @!p1 [sflag:s14], $0x2000  }
0x113: {  	[sflag:s14] =	ssyncset.done @!p1 $0x0  }
0x114: {  	s4 =	simm.s32 @!p1 $0x180;
	[sflag:s14] =	ssyncadd.s32 @!p1 $0xFFFFE000  }
0x115: {  	[tilespmem:s5], [sflag:$0x4] =	stream.indirect.gather @!p1 [hbm4b:s1+s9], $0x80, s4, s9, $0xb8;
	[tilespmem:$0x1F900] =	vst v63  }
0x116: {  	_ =	swait.ge [sflag:s16], $0x2000  }
0x117: {  	[sflag:s16] =	ssyncset.done $0x0  }
.Ltmp2:
0x118: {  	s22 =	simm.s32 $0x1C80;
	[sflag:s16] =	ssyncadd.s32 $0xFFFFE000;
	(pc) =	sbr.rel @p1 .LBB2_4-.Ltmp2, $4  }
0x119: {  	[spmem:s3] =	stream.indirect.scatter.add.f32 [tilespmem:s30], [sflag:$0x7], $0x80, s22, s25, $0xb8;
	[tilespmem:$0x1F900] =	vst v63  }
0x11a: {  	_ =	swait.ge [sflag:s21], $0x2000  }
0x11b: {  	[sflag:s21] =	ssyncset.done $0x0  }
0x11c: {  	[sflag:s21] =	ssyncadd.s32 $0xFFFFE000  }
0x11d: {  	s4 =	simm.s32 $0x200  }
0x11e: {  	[tilespmem:s30], [sflag:$0x5] =	stream.indirect.gather [hbm4b:s1+s25], $0x80, s4, s25, $0xb8;
	[tilespmem:$0x1F900] =	vst v63  }
.Ltmp3:
0x11f: {  	s19 =	rddreg [dreg:$0x11];
	(pc) =	sbr.rel .LBB2_2-.Ltmp3, $4  }
0x120: {  	s5 =	simm.s32 $0x0;
	s22 =	rddreg [dreg:$0x10];
	s4 =	sadd.s32 s8, s19  }
0x121: {  	[tilespmem:s23], [sflag:$0x6] =	stream.linear.gather [hbm4b:s4+s5], $0x500, $0x38;
	[tilespmem:$0x1F900] =	vst v63  }
0x122: {  	s4 =	sadd.s32 s8, s22;
	s8 =	sadd.s32 $0x200, s8  }
0x123: {  	[tilespmem:s24], [sflag:$0x6] =	stream.linear.gather [hbm4b:s4+s5], $0x500, $0x38;
	[tilespmem:$0x1F900] =	vst v63  }
.LBB2_5:
0x124: {  	_ =	sfence.sel $0x180000  }
0x125: {  	[bflag:$0x0] =	sbarrier.arrive $0xFFFF  }
0x126: {  	_ =	strace $0x9000004A  }
0x127: {  	s0 =	stileid.u32;
	[bflag:$0x2] =	sbarrier.arrive $0xFFFF  }
0x128: {  	p0 =	sne.s32 s0, $0x0;
	s0 =	rddreg [dreg:$0x3]  }
0x129: {  	s0 =	sadd.s32 @!p0 $0x100000, s0  }
0x12a: {  	[sflag:s0] =	ssyncadd.tile.s32 @!p0 $0x1;
	_ =	shalt  }
.Lfunc_end2:
_tile_overlayer_lowered:
.L_overlay_start_2:
0x12b: {  	(tag) =	ssettag $0x2  }
0x12c: {  	s0 =	rddreg [dreg:$0x0];
	s2 =	stileid.u32  }
0x12d: {  	s1 =	rddreg [dreg:$0x1];
	p0 =	sne.s32 s2, $0x0  }
0x12e: {  	s3 =	rddreg [dreg:$0x2];
	[bflag:$0x3] =	sbarrier.arrive $0xFFFF;
	s2 =	simm.s32 @!p0 $0x1C07  }
0x12f: {  	[timem:s3], [sflag:s2] =	dma.local @!p0 [hbm:s0], s1  }
0x130: {  	s0 =	simm.s32 @!p0 $0x7  }
0x131: {  	_ =	swait.ge @!p0 [sflag:s0], s1  }
0x132: {  	s1 =	ssub.s32 @!p0 $0x0, s1;
	[sflag:s0] =	ssyncset.done @!p0 $0x0  }
0x133: {  	[sflag:s0] =	ssyncadd.s32 @!p0 s1  }
0x134: {  	[bflag:$0x3] =	sbarrier.arrive $0xFFFF  }
0x135: {  	_ =	shalt  }

// kernel: kernel.14.cloned.1.call-start
scs
__scs_entry_jumppad:
0x0: {  	(pc) =	sbr.rel $0x88, $3  }
0x1: {  	(tag) =	ssettag $0x0;
	lr =	simm.s32 $0x1  }
0x2: {  	[smem:$0x3F99] =	sst lr;
	_ =	strace $0xD0000000  }
0x3: {  	_ = 	snop  }
0x4: {  	_ = 	snop  }
0x5: {  	_ = 	snop  }
0x6: {  	_ = 	snop  }
0x7: {  	_ = 	snop  }
__scs_overlays_trampoline_lowered:
0x8: {  	[smem:$0x3FA8] =	sst s0  }
0x9: {  	[smem:$0x3FA9] =	sst s1  }
0xa: {  	[smem:$0x3FAA] =	sst s2  }
0xb: {  	[smem:$0x3FAB] =	sst s3  }
0xc: {  	[smem:$0x3FAC] =	sst s4  }
0xd: {  	[smem:$0x3FAD] =	sst s5  }
0xe: {  	[smem:$0x3FAE] =	sst s6  }
0xf: {  	[smem:$0x3FAF] =	sst s7  }
0x10: {  	[smem:$0x3FB0] =	sst s8  }
0x11: {  	[smem:$0x3FB1] =	sst s9;
	s0 =	simm.s32 @!p0 $0x0  }
0x12: {  	s1 =	sld [smem:$0x3F97];
	s0 =	simm.s32 @p0 $0x1  }
0x13: {  	[smem:$0x3FB2] =	sst s0;
	s0 =	simm.s32 @!p1 $0x0  }
0x14: {  	s2 =	sld [smem:$0x3F96];
	s0 =	simm.s32 @p1 $0x1  }
0x15: {  	[smem:$0x3FB3] =	sst s0;
	s0 =	simm.s32 @!p2 $0x0  }
0x16: {  	s3 =	sld [smem:$0x3FDB];
	s0 =	simm.s32 @p2 $0x1  }
0x17: {  	s4 =	simm.s32 $0x1BF5;
	[smem:$0x3FB5] =	sst s0  }
0x18: {  	s0 =	sld [smem:$0x3F98];
	_ =	swait.ge [sflag:s4], $0x0  }
0x19: {  	s7 =	sld [smem:$0x3F99]  }
0x1a: {  	s8 =	sadd.s32 $0xFFFFE003, lr  }
0x1b: {  	s9 =	sadd.s32 $0xFFFFFEF7, lr;
	s5 =	simm.s32 $0xFFFFFFFF;
	p2 =	slt.u32 s8, $0xFFFFF086  }
0x1c: {  	p1 =	slt.u32 s9, $0xF7A;
	s5 =	simm.s32 @!p2 $0x0  }
0x1d: {  	s5 =	simm.s32 @p1 $0x1;
	p0 =	seq.s32 s7, s2  }
0x1e: {  	s7 =	smul.u32 @!p0 $0xF7A, s2;
	p2 =	seq.s32 @!p0 s5, $0x0  }
0x1f: {  	s9 =	smul.u32 $0xF7A, s1;
	s8 =	simm.s32 @!p0 $0x1BF5;
	p2 =	por !p2, p0  }
0x20: {  	[sflag:s8] =	ssyncset.s32 @!p0 $0xFFFFF086;
	s6 =	sadd.s32 @!p0 s3, s7;
	s7 =	simm.s32 @!p0 $0x108  }
0x21: {  	s3 =	sadd.s32 s3, s9;
	s6 =	sadd.s32 @!p0 $0x88, s6;
	s7 =	simm.s32 @p2 $0x1082  }
0x22: {  	[simem:s7], [sflag:s8] =	dma.local @!p0 [hbm:s6], $0xF7A  }
0x23: {  	s9 =	sor.u32 $0xD0000000, s2;
	s6 =	simm.s32 $0x108;
	_ =	swait.ge @!p0 [sflag:s8], $0x0  }
0x24: {  	s3 =	sadd.s32 $0x88, s3;
	s6 =	simm.s32 @!p1 $0x1082;
	[sflag:s4] =	ssyncset.s32 $0xFFFFF086  }
0x25: {  	[simem:s6], [sflag:s4] =	dma.local [hbm:s3], $0xF7A  }
0x26: {  	[smem:$0x3F99] =	sst s1;
	(tag) =	ssettag s2;
	_ =	strace s9  }
0x27: {  	s1 =	sld [smem:$0x3FA9]  }
0x28: {  	s2 =	sld [smem:$0x3FAA]  }
0x29: {  	s4 =	sld [smem:$0x3FAC]  }
0x2a: {  	p0 =	seq.s32 s5, $0x0;
	s5 =	sld [smem:$0x3FAD]  }
0x2b: {  	s6 =	sld [smem:$0x3FAE]  }
0x2c: {  	s7 =	sld [smem:$0x3FAF]  }
0x2d: {  	s3 =	simm.s32 $0x108;
	s8 =	sld [smem:$0x3FB0]  }
0x2e: {  	s3 =	simm.s32 @!p0 $0x1082;
	s9 =	sld [smem:$0x3FB1]  }
0x2f: {  	lr =	sadd.s32 s0, s3;
	s0 =	sld [smem:$0x3FA8]  }
0x30: {  	s3 =	sld [smem:$0x3FAB]  }
0x31: {  	[smem:$0x3FB4] =	sst s10  }
0x32: {  	s10 =	sld [smem:$0x3FB2];
	_ =	sdelay $0x3  }
0x33: {  	p0 =	seq.s32 s10, $0x1;
	s10 =	sld [smem:$0x3FB4];
	_ =	sdelay $0x3  }
0x34: {  	[smem:$0x3FB4] =	sst s10  }
0x35: {  	s10 =	sld [smem:$0x3FB3];
	_ =	sdelay $0x3  }
0x36: {  	p1 =	seq.s32 s10, $0x1;
	s10 =	sld [smem:$0x3FB4];
	_ =	sdelay $0x3  }
0x37: {  	[smem:$0x3FB4] =	sst s10  }
0x38: {  	s10 =	sld [smem:$0x3FB5]  }
0x39: {  	_ = 	snop;
	(pc) =	sbr.ind lr, $3  }
0x3a: {  	_ = 	snop  }
0x3b: {  	_ = 	snop  }
0x3c: {  	p2 =	seq.s32 s10, $0x1;
	s10 =	sld [smem:$0x3FB4]  }
0x3d: {  	_ =	shalt  }
0x3e: {  	_ =	shalt  }
0x3f: {  	_ =	shalt  }
0x40: {  	_ =	shalt  }
0x41: {  	_ =	shalt  }
0x42: {  	_ =	shalt  }
0x43: {  	_ =	shalt  }
0x44: {  	_ =	shalt  }
0x45: {  	_ =	shalt  }
0x46: {  	_ =	shalt  }
0x47: {  	_ =	shalt  }
0x48: {  	_ =	shalt  }
0x49: {  	_ =	shalt  }
0x4a: {  	_ =	shalt  }
0x4b: {  	_ =	shalt  }
0x4c: {  	_ =	shalt  }
0x4d: {  	_ =	shalt  }
0x4e: {  	_ =	shalt  }
0x4f: {  	_ =	shalt  }
0x50: {  	_ =	shalt  }
0x51: {  	_ =	shalt  }
0x52: {  	_ =	shalt  }
0x53: {  	_ =	shalt  }
0x54: {  	_ =	shalt  }
0x55: {  	_ =	shalt  }
0x56: {  	_ =	shalt  }
0x57: {  	_ =	shalt  }
0x58: {  	_ =	shalt  }
0x59: {  	_ =	shalt  }
0x5a: {  	_ =	shalt  }
0x5b: {  	_ =	shalt  }
0x5c: {  	_ =	shalt  }
0x5d: {  	_ =	shalt  }
0x5e: {  	_ =	shalt  }
0x5f: {  	_ =	shalt  }
0x60: {  	_ =	shalt  }
0x61: {  	_ =	shalt  }
0x62: {  	_ =	shalt  }
0x63: {  	_ =	shalt  }
0x64: {  	_ =	shalt  }
0x65: {  	_ =	shalt  }
0x66: {  	_ =	shalt  }
0x67: {  	_ =	shalt  }
0x68: {  	_ =	shalt  }
0x69: {  	_ =	shalt  }
0x6a: {  	_ =	shalt  }
0x6b: {  	_ =	shalt  }
0x6c: {  	_ =	shalt  }
0x6d: {  	_ =	shalt  }
0x6e: {  	_ =	shalt  }
0x6f: {  	_ =	shalt  }
0x70: {  	_ =	shalt  }
0x71: {  	_ =	shalt  }
0x72: {  	_ =	shalt  }
0x73: {  	_ =	shalt  }
0x74: {  	_ =	shalt  }
0x75: {  	_ =	shalt  }
0x76: {  	_ =	shalt  }
0x77: {  	_ =	shalt  }
0x78: {  	_ =	shalt  }
0x79: {  	_ =	shalt  }
0x7a: {  	_ =	shalt  }
0x7b: {  	_ =	shalt  }
0x7c: {  	_ =	shalt  }
0x7d: {  	_ =	shalt  }
0x7e: {  	_ =	shalt  }
0x7f: {  	_ =	shalt  }
0x80: {  	_ =	shalt  }
0x81: {  	_ =	shalt  }
0x82: {  	_ =	shalt  }
0x83: {  	_ =	shalt  }
0x84: {  	_ =	shalt  }
0x85: {  	_ =	shalt  }
0x86: {  	_ =	shalt  }
0x87: {  	_ =	shalt  }
.Lfunc_end0:
.L_simem_size_0:
called_computation.2_lowered:
.L_overlay_start_0:
0x88: {  	s2 =	sld [smem:$0x3FD9]  }
0x89: {  	s3 =	sld [smem:$0x3FFE];
	_ =	sdelay $0x1  }
0x8a: {  	s1 =	srdreg.scid  }
0x8b: {  	s0 =	sand.u32 $0x1, s1  }
0x8c: {  	s17 =	sshll.u32 s0, $0xA;
	s2 =	sadd.s32 s3, s2  }
0x8d: {  	s2 =	sadd.s32 s2, s17  }
0x8e: {  	[smem:$0x3FC0] =	sst s2  }
0x8f: {  	_ = 	snop  }
0x90: {  	s2 =	sld [smem:$0x3FD0];
	(tm) =	ssettm $0x1  }
0x91: {  	s18 =	sld [smem:$0x3FFB];
	_ =	sdelay $0x3  }
0x92: {  	_ =	strace s18  }
0x93: {  	s3 =	sld [smem:$0x3FFC];
	_ =	sdelay $0x3  }
0x94: {  	_ =	strace s3  }
0x95: {  	s3 =	sld [smem:$0x3FFD];
	_ =	sdelay $0x3  }
0x96: {  	_ =	strace s3  }
0x97: {  	_ =	strace $0x8FFFFFFF  }
0x98: {  	s19 =	sld [smem:$0x3FDB];
	_ =	sdelay $0x1  }
0x99: {  	s4 =	simm.s32 $_scs_section_size  }
0x9a: {  	s5 =	simm.s32 $_size__tile_overlayer_lowered;
	s6 =	simm.s32 $_tile_overlayer_lowered  }
0x9b: {  	s22 =	simm.s32 $0x1BFF;
	s21 =	sshll.u32 s6, $0x1;
	s3 =	sadd.s32 s4, s19  }
0x9c: {  	s7 =	simm.s32 $0x0;
	s20 =	sshll.u32 s5, $0x1;
	s5 =	sadd.s32 s21, s3  }
0x9d: {  	[timem:s7], [sflag:s22] =	dma.local [hbm:s5], s20  }
0x9e: {  	_ =	swait.ge [sflag:s22], s20  }
0x9f: {  	s4 =	ssub.s32 $0x0, s20;
	[sflag:s22] =	ssyncset.done $0x0  }
0xa0: {  	[sflag:s22] =	ssyncadd.s32 s4;
	_ =	sdelay $0x1  }
0xa1: {  	s23 =	simm.s32 $0x1B8B  }
0xa2: {  	_ =	swait.ge [sflag:s23], $0x1  }
0xa3: {  	[sflag:s23] =	ssyncset.done $0x0  }
0xa4: {  	s25 =	simm.s32 $0x1B8E;
	s24 =	sld [smem:$0x3FFE];
	[sflag:s23] =	ssyncadd.s32 $0xFFFFFFFF  }
0xa5: {  	s26 =	simm.s32 $execute0_lowered;
	[smem:$0x3FD2] =	sst s25  }
0xa6: {  	s5 =	sshll.u32 s26, $0x1;
	_ =	strace $0x8000004C;
	[dreg:$0x1] =	wrdreg $0xFFFFFFFF  }
0xa7: {  	s28 =	simm.s32 $_size_execute0_lowered;
	s3 =	sadd.s32 s3, s5;
	[dreg:$0x0] =	wrdreg $0x0  }
0xa8: {  	s5 =	sshll.u32 s28, $0x1;
	[dreg:$0x2] =	wrdreg s3  }
0xa9: {  	[dreg:$0x3] =	wrdreg s5  }
0xaa: {  	[dreg:$0x4] =	wrdreg $0xC0  }
0xab: {  	_ =	task [dreg:s7], $0x5FFFF  }
0xac: {  	[dreg:$0x1] =	wrdreg $0xFFFFFFFF  }
0xad: {  	[dreg:$0x0] =	wrdreg $0x60  }
0xae: {  	[dreg:$0x2] =	wrdreg s2  }
0xaf: {  	[dreg:$0x3] =	wrdreg s24  }
0xb0: {  	[dreg:$0x4] =	wrdreg $0xC0000  }
0xb1: {  	[dreg:$0x5] =	wrdreg $0x9  }
0xb2: {  	_ =	task.clear_ibuf [dreg:s7], $0x6FFFF;
	_ =	strace $0x9000004C  }
0xb3: {  	s29 =	simm.s32 $0x9;
	_ =	strace $0x8000004E  }
0xb4: {  	_ =	swait.ge [sflag:s29], $0x1  }
0xb5: {  	[sflag:s29] =	ssyncadd.s32 $0xFFFFFFFF  }
0xb6: {  	_ =	strace $0x9000004E  }
0xb7: {  	_ =	sfence  }
0xb8: {  	s30 =	sld [smem:$0x0];
	_ =	sdelay $0x2  }
0xb9: {  	s31 =	sshll.u32 s1, $0xD;
	s1 =	sshrl.u32 s1, $0x2  }
0xba: {  	s3 =	sand.u32 $0x4000, s31;
	s1 =	sadd.s32 s1, s30  }
0xbb: {  	s0 =	sor.u32 s3, s0;
	s1 =	sshll.u32 s1, $0x11  }
0xbc: {  	s0 =	sor.u32 s1, s0  }
0xbd: {  	s0 =	sadd.s32 $0x8F2B, s0  }
0xbe: {  	[sflag:s0] =	ssyncadd.remote.s32 $0x1  }
0xbf: {  	_ =	sfence.sel $0xFFFF  }
0xc0: {  	[dreg:$0x0] =	wrdreg $0xFFFFFFFF;
	(pc) =	sbr.abs _section_cstart, $3  }
0xc1: {  	[dreg:$0x1] =	wrdreg $0xFFFFFFFF  }
0xc2: {  	_ =	task.clear_ibuf [dreg:s7], $0x2FFFF;
	_ =	strace $0x9FFFFFFF  }
0xc3: {  	(tm) =	ssettm $0x7FFFFFFF  }
tec
execute0_lowered:
.L_overlay_start_1:
0x0: {  	(tag) =	ssettag $0x1  }
0x1: {  	s1 =	rddreg [dreg:$0x0]  }
0x2: {  	s0 =	rddreg [dreg:$0x1]  }
0x3: {  	s3 =	rddreg [dreg:$0x2]  }
0x4: {  	s2 =	simm.s32 $0x0;
	s4 =	stileid.u32;
	s5 =	srdreg.scid  }
0x5: {  	s29 =	simm.s32 $0x4000;
	s31 =	simm.s32 $0x6000;
	s30 =	simm.s32 $0xA000  }
0x6: {  	s28 =	simm.s32 $0x6;
	[smem:$0x7FF] =	sst s2;
	s26 =	smul.u32 $0x13800, s4  }
0x7: {  	s6 =	sadd.s32 $0x1A00, s0;
	s5 =	sand.u32 $0x1, s5;
	s9 =	smul.u32 $0x4E000, s4  }
0x8: {  	s10 =	sadd.s32 $0x21A00, s0;
	s12 =	sadd.s32 $0x68C00, s0;
	s14 =	sshll.u32 s4, $0xF  }
0x9: {  	s15 =	sshll.u32 s4, $0x6;
	p0 =	sne.s32 s4, $0xF;
	_ =	strace $0x8000004D  }
0xa: {  	s8 =	ssub.s32 $0x2, s5;
	s13 =	sshll.u32 s5, $0x13;
	s5 =	smul.u32 $0x138800, s5  }
0xb: {  	s7 =	sshrl.u32 s26, $0x3;
	s11 =	sshrl.u32 s8, $0x1;
	s9 =	sshrl.u32 s9, $0x2  }
0xc: {  	s7 =	sadd.s32 s7, s0;
	s8 =	ssub.s32 s8, s11;
	s9 =	sadd.s32 s9, s3  }
0xd: {  	s11 =	sor.u32 $0x1C07, s15;
	s0 =	sadd.s32 $0x68A00, s0;
	s2 =	sadd.s32 s26, s5  }
0xe: {  	s5 =	sshrl.u32 s5, $0x3;
	[dreg:$0x4] =	wrdreg s9;
	s7 =	sadd.s32 $0x41A00, s7  }
0xf: {  	s9 =	sor.u32 s14, s13;
	s13 =	sadd.s32 $0x138000, s3;
	[dreg:$0x8] =	wrdreg s0  }
0x10: {  	s2 =	sshrl.u32 s2, $0x3;
	s21 =	sadd.s32 s12, s5;
	[dreg:$0x6] =	wrdreg s11  }
0x11: {  	s24 =	smax.u32 s8, $0x1;
	[dreg:$0x5] =	wrdreg s7;
	s16 =	sshrl.u32 s9, $0x3  }
0x12: {  	[dreg:$0x7] =	wrdreg s13;
	s20 =	sadd.s32 s12, s2;
	s22 =	sor.u32 $0x1800, s9  }
0x13: {  	s23 =	sor.u32 $0x1000, s9;
	[dreg:$0xf] =	wrdreg s24;
	s24 =	simm.s32 $0x1800  }
0x14: {  	s13 =	simm.s32 $0x4;
	s17 =	sadd.s32 s6, s16;
	s18 =	sadd.s32 s10, s16  }
0x15: {  	s19 =	sor.u32 $0x100, s16;
	[dreg:$0xd] =	wrdreg s20;
	s2 =	sshrl.u32 s23, $0x3  }
0x16: {  	s23 =	simm.s32 $0x800;
	s16 =	simm.s32 $0x5;
	[dreg:$0x9] =	wrdreg s17  }
0x17: {  	[dreg:$0xa] =	wrdreg s18;
	s7 =	sadd.s32 s6, s19;
	s0 =	sadd.s32 s10, s19  }
0x18: {  	s26 =	sadd.s32 s2, s10;
	s20 =	sadd.s32 s2, s6;
	[dreg:$0xb] =	wrdreg s7  }
0x19: {  	s2 =	simm.s32 $0x8000;
	[dreg:$0xc] =	wrdreg s0;
	s0 =	sadd.s32 $0x27000, s21  }
.Ltmp0:
0x1a: {  	[dreg:$0x12] =	wrdreg s26;
	s21 =	simm.s32 $0x7;
	(pc) =	sbr.rel .LBB2_1-.Ltmp0, $4  }
0x1b: {  	s26 =	simm.s32 $0x2000;
	[dreg:$0xe] =	wrdreg s0;
	s0 =	sshrl.u32 s22, $0x3  }
0x1c: {  	s7 =	simm.s32 $0x0;
	s25 =	sadd.s32 s0, s10;
	s0 =	sadd.s32 s0, s6  }
0x1d: {  	s6 =	simm.s32 $0x2;
	s10 =	simm.s32 $0x3;
	[dreg:$0x10] =	wrdreg s25  }
0x1e: {  	[dreg:$0x11] =	wrdreg s0;
	s25 =	simm.s32 $0x40;
	s0 =	simm.s32 $0x1  }
.LBB2_4:
0x1f: {  	[bflag:$0x0] =	sbarrier.arrive $0xFFFF  }
0x20: {  	s11 =	rddreg [dreg:$0x6]  }
0x21: {  	s4 =	rddreg [dreg:$0xd]  }
0x22: {  	s5 =	rddreg [dreg:$0x14]  }
0x23: {  	[hbm:s4], [sflag:s11] =	dma.local [spmem:s5], $0x2700  }
0x24: {  	_ =	swait.ge [sflag:s21], $0x2700  }
0x25: {  	[sflag:s21] =	ssyncset.done $0x0;
	s4 =	rddreg [dreg:$0xe]  }
0x26: {  	s5 =	rddreg [dreg:$0x15];
	[sflag:s21] =	ssyncadd.s32 $0xFFFFD900  }
0x27: {  	[hbm:s4], [sflag:s11] =	dma.local @!p0 [spmem:s5], $0x100  }
0x28: {  	s4 =	simm.s32 @!p0 $0x7  }
0x29: {  	_ =	swait.ge @!p0 [sflag:s4], $0x100  }
0x2a: {  	s7 =	rddreg [dreg:$0x13]  }
0x2b: {  	s22 =	rddreg [dreg:$0xf];
	s7 =	sadd.s32 $0x1, s7  }
0x2c: {  	p1 =	sne.s32 s7, s22  }
.Ltmp1:
0x2d: {  	_ = 	snop;
	(pc) =	sbr.rel @!p1 .LBB2_5-.Ltmp1, $3  }
0x2e: {  	_ =	sdelay $0x1  }
0x2f: {  	[sflag:s4] =	ssyncset.done @!p0 $0x0  }
0x30: {  	[sflag:s4] =	ssyncadd.s32 @!p0 $0xFFFFFF00  }
.LBB2_1:
0x31: {  	[dreg:$0x13] =	wrdreg s7  }
0x32: {  	s4 =	rddreg [dreg:$0x4]  }
0x33: {  	s7 =	rddreg [dreg:$0x5];
	s5 =	sshrl.u32 s4, $0x3  }
0x34: {  	[dreg:$0x14] =	wrdreg s5  }
0x35: {  	[spmem:s5], [sflag:s11] =	dma.local [hbm:s7], $0x2700  }
0x36: {  	_ =	swait.ge [sflag:s21], $0x2700  }
0x37: {  	s4 =	rddreg [dreg:$0x7]  }
0x38: {  	[sflag:s21] =	ssyncset.done $0x0;
	s5 =	sshrl.u32 @!p0 s4, $0x3;
	s4 =	rddreg [dreg:$0x8]  }
0x39: {  	[sflag:s21] =	ssyncadd.s32 $0xFFFFD900;
	[dreg:$0x15] =	wrdreg s5  }
0x3a: {  	[spmem:s5], [sflag:s11] =	dma.local @!p0 [hbm:s4], $0x200  }
0x3b: {  	s5 =	simm.s32 @!p0 $0x7  }
0x3c: {  	_ =	swait.ge @!p0 [sflag:s5], $0x200  }
0x3d: {  	[sflag:s5] =	ssyncset.done @!p0 $0x0  }
0x3e: {  	s8 =	simm.s32 $0x0;
	s9 =	rddreg [dreg:$0x9];
	[sflag:s5] =	ssyncadd.s32 @!p0 $0xFFFFFE00  }
0x3f: {  	[tilespmem:s8], [sflag:$0x7] =	stream.linear.gather [hbm4b:s9+s8], $0x500, $0x38;
	[tilespmem:$0x1F900] =	vst v63  }
0x40: {  	_ =	swait.ge [sflag:s21], $0x500  }
0x41: {  	[sflag:s21] =	ssyncset.done $0x0  }
0x42: {  	s12 =	simm.s32 $0x1000;
	s11 =	rddreg [dreg:$0xa];
	[sflag:s21] =	ssyncadd.s32 $0xFFFFFB00  }
0x43: {  	[tilespmem:s12], [sflag:$0x7] =	stream.linear.gather [hbm4b:s11+s8], $0x500, $0x38;
	[tilespmem:$0x1F900] =	vst v63  }
0x44: {  	_ =	swait.ge [sflag:s21], $0x500  }
0x45: {  	[sflag:s21] =	ssyncset.done $0x0  }
0x46: {  	[sflag:s21] =	ssyncadd.s32 $0xFFFFFB00  }
0x47: {  	[bflag:$0x0] =	sbarrier.arrive $0xFFFF  }
0x48: {  	s14 =	rddreg [dreg:$0xb]  }
0x49: {  	[tilespmem:s23], [sflag:$0x6] =	stream.linear.gather [hbm4b:s14+s8], $0x500, $0x38;
	[tilespmem:$0x1F900] =	vst v63  }
0x4a: {  	s15 =	rddreg [dreg:$0xc]  }
0x4b: {  	[tilespmem:s24], [sflag:$0x6] =	stream.linear.gather [hbm4b:s15+s8], $0x500, $0x38;
	[tilespmem:$0x1F900] =	vst v63  }
0x4c: {  	_ = 	snop  }
0x4d: {  	[tilespmem:s26], [sflag:$0x1] =	stream.indirect.gather [hbm4b:s1+s25], $0x80, s8, s25, $0xb8;
	[tilespmem:$0x1F900] =	vst v63  }
0x4e: {  	s17 =	simm.s32 $0x80  }
0x4f: {  	[tilespmem:s29], [sflag:$0x2] =	stream.indirect.gather [hbm4b:s1+s25], $0x80, s17, s25, $0xb8;
	[tilespmem:$0x1F900] =	vst v63  }
0x50: {  	s18 =	simm.s32 $0x100  }
0x51: {  	[tilespmem:s31], [sflag:$0x3] =	stream.indirect.gather [hbm4b:s1+s25], $0x80, s18, s25, $0xb8;
	[tilespmem:$0x1F900] =	vst v63  }
0x52: {  	s19 =	simm.s32 $0x180  }
0x53: {  	[tilespmem:s2], [sflag:$0x4] =	stream.indirect.gather [hbm4b:s1+s25], $0x80, s19, s25, $0xb8;
	[tilespmem:$0x1F900] =	vst v63  }
0x54: {  	s22 =	simm.s32 $0x200;
	s8 =	simm.s32 $0x0  }
0x55: {  	[tilespmem:s30], [sflag:$0x5] =	stream.indirect.gather [hbm4b:s1+s25], $0x80, s22, s25, $0xb8;
	[tilespmem:$0x1F900] =	vst v63  }
.LBB2_2:
0x56: {  	_ =	swait.ge [sflag:s0], $0x2000  }
0x57: {  	p1 =	seq.s32 s8, $0x0;
	[sflag:s0] =	ssyncset.done $0x0  }
0x58: {  	s5 =	simm.s32 @!p1 $0x6;
	[sflag:s0] =	ssyncadd.s32 $0xFFFFE000  }
0x59: {  	_ =	swait.ge @!p1 [sflag:s5], $0x500  }
0x5a: {  	[sflag:s5] =	ssyncset.done @!p1 $0x0  }
0x5b: {  	s4 =	simm.s32 $0x1000;
	[sflag:s5] =	ssyncadd.s32 @!p1 $0xFFFFFB00  }
0x5c: {  	[spmem:s3] =	stream.indirect.scatter.add.f32 [tilespmem:s26], [sflag:$0x7], $0x80, s4, s25, $0xb8;
	[tilespmem:$0x1F900] =	vst v63  }
0x5d: {  	_ =	swait.ge [sflag:s21], $0x2000  }
0x5e: {  	[sflag:s21] =	ssyncset.done $0x0  }
0x5f: {  	s9 =	simm.s32 $0x280;
	[sflag:s21] =	ssyncadd.s32 $0xFFFFE000  }
0x60: {  	[tilespmem:s26], [sflag:$0x1] =	stream.indirect.gather [hbm4b:s1+s25], $0x80, s9, s25, $0xb8;
	[tilespmem:$0x1F900] =	vst v63  }
0x61: {  	_ =	swait.ge [sflag:s6], $0x2000  }
0x62: {  	[sflag:s6] =	ssyncset.done $0x0  }
0x63: {  	s11 =	simm.s32 $0x1080;
	[sflag:s6] =	ssyncadd.s32 $0xFFFFE000  }
0x64: {  	[spmem:s3] =	stream.indirect.scatter.add.f32 [tilespmem:s29], [sflag:$0x7], $0x80, s11, s25, $0xb8;
	[tilespmem:$0x1F900] =	vst v63  }
0x65: {  	_ =	swait.ge [sflag:s21], $0x2000  }
0x66: {  	[sflag:s21] =	ssyncset.done $0x0  }
0x67: {  	s12 =	simm.s32 $0x300;
	[sflag:s21] =	ssyncadd.s32 $0xFFFFE000  }
0x68: {  	[tilespmem:s29], [sflag:$0x2] =	stream.indirect.gather [hbm4b:s1+s25], $0x80, s12, s25, $0xb8;
	[tilespmem:$0x1F900] =	vst v63  }
0x69: {  	_ =	swait.ge [sflag:s10], $0x2000  }
0x6a: {  	[sflag:s10] =	ssyncset.done $0x0  }
0x6b: {  	s14 =	simm.s32 $0x1100;
	[sflag:s10] =	ssyncadd.s32 $0xFFFFE000  }
0x6c: {  	[spmem:s3] =	stream.indirect.scatter.add.f32 [tilespmem:s31], [sflag:$0x7], $0x80, s14, s25, $0xb8;
	[tilespmem:$0x1F900] =	vst v63  }
0x6d: {  	_ =	swait.ge [sflag:s21], $0x2000  }
0x6e: {  	[sflag:s21] =	ssyncset.done $0x0  }
0x6f: {  	s15 =	simm.s32 $0x380;
	[sflag:s21] =	ssyncadd.s32 $0xFFFFE000  }
0x70: {  	[tilespmem:s31], [sflag:$0x3] =	stream.indirect.gather [hbm4b:s1+s25], $0x80, s15, s25, $0xb8;
	[tilespmem:$0x1F900] =	vst v63  }
0x71: {  	_ =	swait.ge [sflag:s13], $0x2000  }
0x72: {  	[sflag:s13] =	ssyncset.done $0x0  }
0x73: {  	s17 =	simm.s32 $0x1180;
	[sflag:s13] =	ssyncadd.s32 $0xFFFFE000  }
0x74: {  	[spmem:s3] =	stream.indirect.scatter.add.f32 [tilespmem:s2], [sflag:$0x7], $0x80, s17, s25, $0xb8;
	[tilespmem:$0x1F900] =	vst v63  }
0x75: {  	_ =	swait.ge [sflag:s21], $0x2000  }
0x76: {  	[sflag:s21] =	ssyncset.done $0x0  }
0x77: {  	s18 =	simm.s32 $0x400;
	[sflag:s21] =	ssyncadd.s32 $0xFFFFE000  }
0x78: {  	[tilespmem:s2], [sflag:$0x4] =	stream.indirect.gather [hbm4b:s1+s25], $0x80, s18, s25, $0xb8;
	[tilespmem:$0x1F900] =	vst v63  }
0x79: {  	_ =	swait.ge [sflag:s16], $0x2000  }
0x7a: {  	[sflag:s16] =	ssyncset.done $0x0  }
0x7b: {  	s19 =	simm.s32 $0x1200;
	[sflag:s16] =	ssyncadd.s32 $0xFFFFE000  }
0x7c: {  	[spmem:s3] =	stream.indirect.scatter.add.f32 [tilespmem:s30], [sflag:$0x7], $0x80, s19, s25, $0xb8;
	[tilespmem:$0x1F900] =	vst v63  }
0x7d: {  	_ =	swait.ge [sflag:s21], $0x2000  }
0x7e: {  	[sflag:s21] =	ssyncset.done $0x0  }
0x7f: {  	s22 =	simm.s32 $0x480;
	[sflag:s21] =	ssyncadd.s32 $0xFFFFE000  }
0x80: {  	[tilespmem:s30], [sflag:$0x5] =	stream.indirect.gather [hbm4b:s1+s25], $0x80, s22, s25, $0xb8;
	[tilespmem:$0x1F900] =	vst v63  }
0x81: {  	_ =	swait.ge [sflag:s0], $0x2000  }
0x82: {  	[sflag:s0] =	ssyncset.done $0x0  }
0x83: {  	[sflag:s0] =	ssyncadd.s32 $0xFFFFE000  }
0x84: {  	_ =	swait.ge [sflag:s28], $0x500  }
0x85: {  	[sflag:s28] =	ssyncset.done $0x0  }
0x86: {  	s5 =	simm.s32 $0x1280;
	[sflag:s28] =	ssyncadd.s32 $0xFFFFFB00  }
0x87: {  	[spmem:s3] =	stream.indirect.scatter.add.f32 [tilespmem:s26], [sflag:$0x7], $0x80, s5, s25, $0xb8;
	[tilespmem:$0x1F900] =	vst v63  }
0x88: {  	_ =	swait.ge [sflag:s21], $0x2000  }
0x89: {  	[sflag:s21] =	ssyncset.done $0x0  }
0x8a: {  	[sflag:s21] =	ssyncadd.s32 $0xFFFFE000  }
0x8b: {  	[tilespmem:s26], [sflag:$0x1] =	stream.indirect.gather [hbm4b:s1+s25], $0x80, s23, s25, $0xb8;
	[tilespmem:$0x1F900] =	vst v63  }
0x8c: {  	_ =	swait.ge [sflag:s6], $0x2000  }
0x8d: {  	[sflag:s6] =	ssyncset.done $0x0  }
0x8e: {  	s7 =	simm.s32 $0x1300;
	[sflag:s6] =	ssyncadd.s32 $0xFFFFE000  }
0x8f: {  	[spmem:s3] =	stream.indirect.scatter.add.f32 [tilespmem:s29], [sflag:$0x7], $0x80, s7, s25, $0xb8;
	[tilespmem:$0x1F900] =	vst v63  }
0x90: {  	_ =	swait.ge [sflag:s21], $0x2000  }
0x91: {  	[sflag:s21] =	ssyncset.done $0x0  }
0x92: {  	s9 =	simm.s32 $0x880;
	[sflag:s21] =	ssyncadd.s32 $0xFFFFE000  }
0x93: {  	[tilespmem:s29], [sflag:$0x2] =	stream.indirect.gather [hbm4b:s1+s25], $0x80, s9, s25, $0xb8;
	[tilespmem:$0x1F900] =	vst v63  }
0x94: {  	_ =	swait.ge [sflag:s10], $0x2000  }
0x95: {  	[sflag:s10] =	ssyncset.done $0x0  }
0x96: {  	s11 =	simm.s32 $0x1380;
	[sflag:s10] =	ssyncadd.s32 $0xFFFFE000  }
0x97: {  	[spmem:s3] =	stream.indirect.scatter.add.f32 [tilespmem:s31], [sflag:$0x7], $0x80, s11, s25, $0xb8;
	[tilespmem:$0x1F900] =	vst v63  }
0x98: {  	_ =	swait.ge [sflag:s21], $0x2000  }
0x99: {  	[sflag:s21] =	ssyncset.done $0x0  }
0x9a: {  	s12 =	simm.s32 $0x900;
	[sflag:s21] =	ssyncadd.s32 $0xFFFFE000  }
0x9b: {  	[tilespmem:s31], [sflag:$0x3] =	stream.indirect.gather [hbm4b:s1+s25], $0x80, s12, s25, $0xb8;
	[tilespmem:$0x1F900] =	vst v63  }
0x9c: {  	_ =	swait.ge [sflag:s13], $0x2000  }
0x9d: {  	[sflag:s13] =	ssyncset.done $0x0  }
0x9e: {  	s14 =	simm.s32 $0x1400;
	[sflag:s13] =	ssyncadd.s32 $0xFFFFE000  }
0x9f: {  	[spmem:s3] =	stream.indirect.scatter.add.f32 [tilespmem:s2], [sflag:$0x7], $0x80, s14, s25, $0xb8;
	[tilespmem:$0x1F900] =	vst v63  }
0xa0: {  	_ =	swait.ge [sflag:s21], $0x2000  }
0xa1: {  	[sflag:s21] =	ssyncset.done $0x0  }
0xa2: {  	s15 =	simm.s32 $0x980;
	[sflag:s21] =	ssyncadd.s32 $0xFFFFE000  }
0xa3: {  	[tilespmem:s2], [sflag:$0x4] =	stream.indirect.gather [hbm4b:s1+s25], $0x80, s15, s25, $0xb8;
	[tilespmem:$0x1F900] =	vst v63  }
0xa4: {  	_ =	swait.ge [sflag:s16], $0x2000  }
0xa5: {  	[sflag:s16] =	ssyncset.done $0x0  }
0xa6: {  	s17 =	simm.s32 $0x1480;
	[sflag:s16] =	ssyncadd.s32 $0xFFFFE000  }
0xa7: {  	[spmem:s3] =	stream.indirect.scatter.add.f32 [tilespmem:s30], [sflag:$0x7], $0x80, s17, s25, $0xb8;
	[tilespmem:$0x1F900] =	vst v63  }
0xa8: {  	_ =	swait.ge [sflag:s21], $0x2000  }
0xa9: {  	[sflag:s21] =	ssyncset.done $0x0  }
0xaa: {  	s18 =	simm.s32 $0xA00;
	[sflag:s21] =	ssyncadd.s32 $0xFFFFE000  }
0xab: {  	[tilespmem:s30], [sflag:$0x5] =	stream.indirect.gather [hbm4b:s1+s25], $0x80, s18, s25, $0xb8;
	[tilespmem:$0x1F900] =	vst v63  }
0xac: {  	_ =	swait.ge [sflag:s0], $0x2000  }
0xad: {  	[sflag:s0] =	ssyncset.done $0x0  }
0xae: {  	[sflag:s0] =	ssyncadd.s32 $0xFFFFE000  }
0xaf: {  	_ =	swait.ge [sflag:s28], $0x500  }
0xb0: {  	[sflag:s28] =	ssyncset.done $0x0  }
0xb1: {  	[sflag:s28] =	ssyncadd.s32 $0xFFFFFB00  }
0xb2: {  	[spmem:s3] =	stream.indirect.scatter.add.f32 [tilespmem:s26], [sflag:$0x7], $0x80, s24, s25, $0xb8;
	[tilespmem:$0x1F900] =	vst v63  }
0xb3: {  	p1 =	seq.s32 s8, $0xE00;
	_ =	swait.ge [sflag:s21], $0x2000  }
0xb4: {  	s5 =	simm.s32 @p1 $0xA80;
	s7 =	simm.s32 @p1 $0x2000;
	[sflag:s21] =	ssyncset.done $0x0  }
0xb5: {  	s11 =	simm.s32 @p1 $0x40;
	s15 =	simm.s32 @p1 $0x2;
	[sflag:s21] =	ssyncadd.s32 $0xFFFFE000  }
0xb6: {  	[tilespmem:s7], [sflag:$0x1] =	stream.indirect.gather @p1 [hbm4b:s1+s11], $0x80, s5, s11, $0xb8;
	[tilespmem:$0x1F900] =	vst v63  }
0xb7: {  	_ =	swait.ge @p1 [sflag:s15], $0x2000  }
0xb8: {  	s12 =	simm.s32 @p1 $0x7;
	[sflag:s15] =	ssyncset.done @p1 $0x0  }
0xb9: {  	s7 =	simm.s32 @p1 $0x1880;
	s5 =	simm.s32 @p1 $0x4000;
	[sflag:s15] =	ssyncadd.s32 @p1 $0xFFFFE000  }
0xba: {  	[spmem:s3] =	stream.indirect.scatter.add.f32 @p1 [tilespmem:s5], [sflag:$0x7], $0x80, s7, s11, $0xb8;
	[tilespmem:$0x1F900] =	vst v63  }
0xbb: {  	_ =	swait.ge @p1 [sflag:s12], $0x2000  }
0xbc: {  	s4 =	simm.s32 @!p1 $0x2000;
	[sflag:s12] =	ssyncset.done @p1 $0x0  }
0xbd: {  	s9 =	sadd.s32 @!p1 s8, s20;
	s7 =	simm.s32 @!p1 $0x0;
	[sflag:s12] =	ssyncadd.s32 @p1 $0xFFFFE000  }
0xbe: {  	[tilespmem:s7], [sflag:$0x6] =	stream.linear.gather @!p1 [hbm4b:s9+s7], $0x500, $0x38;
	[tilespmem:$0x1F900] =	vst v63  }
0xbf: {  	s14 =	simm.s32 @!p1 $0xA80;
	s17 =	simm.s32 @!p1 $0x2;
	s9 =	simm.s32 @!p1 $0x40  }
0xc0: {  	[tilespmem:s4], [sflag:$0x1] =	stream.indirect.gather @!p1 [hbm4b:s1+s9], $0x80, s14, s9, $0xb8;
	[tilespmem:$0x1F900] =	vst v63  }
0xc1: {  	_ =	swait.ge @!p1 [sflag:s17], $0x2000  }
0xc2: {  	[sflag:s17] =	ssyncset.done @!p1 $0x0  }
0xc3: {  	s22 =	simm.s32 @!p1 $0x4000;
	s14 =	simm.s32 @!p1 $0x1880;
	[sflag:s17] =	ssyncadd.s32 @!p1 $0xFFFFE000  }
0xc4: {  	[spmem:s3] =	stream.indirect.scatter.add.f32 @!p1 [tilespmem:s22], [sflag:$0x7], $0x80, s14, s9, $0xb8;
	[tilespmem:$0x1F900] =	vst v63  }
0xc5: {  	s14 =	simm.s32 @!p1 $0x7  }
0xc6: {  	_ =	swait.ge @!p1 [sflag:s14], $0x2000  }
0xc7: {  	[sflag:s14] =	ssyncset.done @!p1 $0x0;
	s18 =	rddreg [dreg:$0x12]  }
0xc8: {  	s19 =	simm.s32 @!p1 $0x1000;
	[sflag:s14] =	ssyncadd.s32 @!p1 $0xFFFFE000;
	s18 =	sadd.s32 @!p1 s8, s18  }
0xc9: {  	[tilespmem:s19], [sflag:$0x6] =	stream.linear.gather @!p1 [hbm4b:s18+s7], $0x500, $0x38;
	[tilespmem:$0x1F900] =	vst v63  }
0xca: {  	s19 =	simm.s32 $0xB00  }
0xcb: {  	[tilespmem:s29], [sflag:$0x2] =	stream.indirect.gather [hbm4b:s1+s25], $0x80, s19, s25, $0xb8;
	[tilespmem:$0x1F900] =	vst v63  }
0xcc: {  	_ =	swait.ge [sflag:s10], $0x2000  }
0xcd: {  	[sflag:s10] =	ssyncset.done $0x0  }
0xce: {  	s19 =	simm.s32 $0x1900;
	[sflag:s10] =	ssyncadd.s32 $0xFFFFE000  }
0xcf: {  	[spmem:s3] =	stream.indirect.scatter.add.f32 [tilespmem:s31], [sflag:$0x7], $0x80, s19, s25, $0xb8;
	[tilespmem:$0x1F900] =	vst v63  }
0xd0: {  	_ =	swait.ge [sflag:s21], $0x2000  }
0xd1: {  	[sflag:s21] =	ssyncset.done $0x0  }
0xd2: {  	s19 =	simm.s32 $0xB80;
	[sflag:s21] =	ssyncadd.s32 $0xFFFFE000  }
0xd3: {  	[tilespmem:s31], [sflag:$0x3] =	stream.indirect.gather [hbm4b:s1+s25], $0x80, s19, s25, $0xb8;
	[tilespmem:$0x1F900] =	vst v63  }
0xd4: {  	_ =	swait.ge [sflag:s13], $0x2000  }
0xd5: {  	[sflag:s13] =	ssyncset.done $0x0  }
0xd6: {  	s19 =	simm.s32 $0x1980;
	[sflag:s13] =	ssyncadd.s32 $0xFFFFE000  }
0xd7: {  	[spmem:s3] =	stream.indirect.scatter.add.f32 [tilespmem:s2], [sflag:$0x7], $0x80, s19, s25, $0xb8;
	[tilespmem:$0x1F900] =	vst v63  }
0xd8: {  	_ =	swait.ge [sflag:s21], $0x2000  }
0xd9: {  	[sflag:s21] =	ssyncset.done $0x0  }
0xda: {  	s19 =	simm.s32 $0xC00;
	[sflag:s21] =	ssyncadd.s32 $0xFFFFE000  }
0xdb: {  	[tilespmem:s2], [sflag:$0x4] =	stream.indirect.gather [hbm4b:s1+s25], $0x80, s19, s25, $0xb8;
	[tilespmem:$0x1F900] =	vst v63  }
0xdc: {  	_ =	swait.ge [sflag:s16], $0x2000  }
0xdd: {  	[sflag:s16] =	ssyncset.done $0x0  }
0xde: {  	s19 =	simm.s32 $0x1A00;
	[sflag:s16] =	ssyncadd.s32 $0xFFFFE000  }
0xdf: {  	[spmem:s3] =	stream.indirect.scatter.add.f32 [tilespmem:s30], [sflag:$0x7], $0x80, s19, s25, $0xb8;
	[tilespmem:$0x1F900] =	vst v63  }
0xe0: {  	_ =	swait.ge [sflag:s21], $0x2000  }
0xe1: {  	[sflag:s21] =	ssyncset.done $0x0  }
0xe2: {  	s19 =	simm.s32 $0xC80;
	[sflag:s21] =	ssyncadd.s32 $0xFFFFE000  }
0xe3: {  	[tilespmem:s30], [sflag:$0x5] =	stream.indirect.gather [hbm4b:s1+s25], $0x80, s19, s25, $0xb8;
	[tilespmem:$0x1F900] =	vst v63  }
0xe4: {  	_ =	swait.ge [sflag:s0], $0x2000  }
0xe5: {  	[sflag:s0] =	ssyncset.done $0x0  }
0xe6: {  	s19 =	simm.s32 $0x1A80;
	[sflag:s0] =	ssyncadd.s32 $0xFFFFE000  }
0xe7: {  	[spmem:s3] =	stream.indirect.scatter.add.f32 [tilespmem:s26], [sflag:$0x7], $0x80, s19, s25, $0xb8;
	[tilespmem:$0x1F900] =	vst v63  }
0xe8: {  	_ =	swait.ge [sflag:s21], $0x2000  }
0xe9: {  	[sflag:s21] =	ssyncset.done $0x0  }
0xea: {  	[sflag:s21] =	ssyncadd.s32 $0xFFFFE000  }
0xeb: {  	_ =	swait.ge @p1 [sflag:s15], $0x2000  }
0xec: {  	[sflag:s15] =	ssyncset.done @p1 $0x0  }
0xed: {  	[sflag:s15] =	ssyncadd.s32 @p1 $0xFFFFE000;
	s15 =	simm.s32 @p1 $0x1B00  }
0xee: {  	[spmem:s3] =	stream.indirect.scatter.add.f32 @p1 [tilespmem:s5], [sflag:$0x7], $0x80, s15, s11, $0xb8;
	[tilespmem:$0x1F900] =	vst v63  }
0xef: {  	_ =	swait.ge @p1 [sflag:s12], $0x2000  }
0xf0: {  	[sflag:s12] =	ssyncset.done @p1 $0x0  }
0xf1: {  	s5 =	simm.s32 @!p1 $0x6;
	[sflag:s12] =	ssyncadd.s32 @p1 $0xFFFFE000  }
0xf2: {  	_ =	swait.ge @!p1 [sflag:s5], $0x500  }
0xf3: {  	[sflag:s5] =	ssyncset.done @!p1 $0x0  }
0xf4: {  	[sflag:s5] =	ssyncadd.s32 @!p1 $0xFFFFFB00  }
0xf5: {  	[tilespmem:s4], [sflag:$0x1] =	stream.indirect.gather @!p1 [hbm4b:s1+s9], $0x80, s7, s9, $0xb8;
	[tilespmem:$0x1F900] =	vst v63  }
0xf6: {  	_ =	swait.ge @!p1 [sflag:s17], $0x2000  }
0xf7: {  	[sflag:s17] =	ssyncset.done @!p1 $0x0  }
0xf8: {  	s4 =	simm.s32 @!p1 $0x1B00;
	[sflag:s17] =	ssyncadd.s32 @!p1 $0xFFFFE000  }
0xf9: {  	[spmem:s3] =	stream.indirect.scatter.add.f32 @!p1 [tilespmem:s22], [sflag:$0x7], $0x80, s4, s9, $0xb8;
	[tilespmem:$0x1F900] =	vst v63  }
0xfa: {  	_ =	swait.ge @!p1 [sflag:s14], $0x2000  }
0xfb: {  	[sflag:s14] =	ssyncset.done @!p1 $0x0  }
0xfc: {  	s4 =	simm.s32 @!p1 $0x80;
	[sflag:s14] =	ssyncadd.s32 @!p1 $0xFFFFE000  }
0xfd: {  	[tilespmem:s22], [sflag:$0x2] =	stream.indirect.gather @!p1 [hbm4b:s1+s9], $0x80, s4, s9, $0xb8;
	[tilespmem:$0x1F900] =	vst v63  }
0xfe: {  	_ =	swait.ge [sflag:s10], $0x2000  }
0xff: {  	[sflag:s10] =	ssyncset.done $0x0  }
0x100: {  	s19 =	simm.s32 $0x1B80;
	[sflag:s10] =	ssyncadd.s32 $0xFFFFE000  }
0x101: {  	[spmem:s3] =	stream.indirect.scatter.add.f32 [tilespmem:s31], [sflag:$0x7], $0x80, s19, s25, $0xb8;
	[tilespmem:$0x1F900] =	vst v63  }
0x102: {  	_ =	swait.ge [sflag:s21], $0x2000  }
0x103: {  	[sflag:s21] =	ssyncset.done $0x0  }
0x104: {  	s4 =	simm.s32 @p1 $0x4;
	[sflag:s21] =	ssyncadd.s32 $0xFFFFE000  }
0x105: {  	_ =	swait.ge @p1 [sflag:s4], $0x2000  }
0x106: {  	[sflag:s4] =	ssyncset.done @p1 $0x0  }
0x107: {  	s5 =	simm.s32 @p1 $0x8000;
	[sflag:s4] =	ssyncadd.s32 @p1 $0xFFFFE000;
	s4 =	simm.s32 @p1 $0x1C00  }
0x108: {  	[spmem:s3] =	stream.indirect.scatter.add.f32 @p1 [tilespmem:s5], [sflag:$0x7], $0x80, s4, s11, $0xb8;
	[tilespmem:$0x1F900] =	vst v63  }
0x109: {  	_ =	swait.ge @p1 [sflag:s12], $0x2000  }
0x10a: {  	[sflag:s12] =	ssyncset.done @p1 $0x0  }
0x10b: {  	s4 =	simm.s32 @!p1 $0x100;
	s5 =	simm.s32 @!p1 $0x6000;
	[sflag:s12] =	ssyncadd.s32 @p1 $0xFFFFE000  }
0x10c: {  	[tilespmem:s5], [sflag:$0x3] =	stream.indirect.gather @!p1 [hbm4b:s1+s9], $0x80, s4, s9, $0xb8;
	[tilespmem:$0x1F900] =	vst v63  }
0x10d: {  	s4 =	simm.s32 @!p1 $0x4  }
0x10e: {  	_ =	swait.ge @!p1 [sflag:s4], $0x2000  }
0x10f: {  	[sflag:s4] =	ssyncset.done @!p1 $0x0  }
0x110: {  	s5 =	simm.s32 @!p1 $0x8000;
	[sflag:s4] =	ssyncadd.s32 @!p1 $0xFFFFE000;
	s4 =	simm.s32 @!p1 $0x1C00  }
0x111: {  	[spmem:s3] =	stream.indirect.scatter.add.f32 @!p1 [tilespmem:s5], [sflag:$0x7], $0x80, s4, s9, $0xb8;
	[tilespmem:$0x1F900] =	vst v63  }
0x112: {  	_ =	swait.ge @!p1 [sflag:s14], $0x2000  }
0x113: {  	[sflag:s14] =	ssyncset.done @!p1 $0x0  }
0x114: {  	s4 =	simm.s32 @!p1 $0x180;
	[sflag:s14] =	ssyncadd.s32 @!p1 $0xFFFFE000  }
0x115: {  	[tilespmem:s5], [sflag:$0x4] =	stream.indirect.gather @!p1 [hbm4b:s1+s9], $0x80, s4, s9, $0xb8;
	[tilespmem:$0x1F900] =	vst v63  }
0x116: {  	_ =	swait.ge [sflag:s16], $0x2000  }
0x117: {  	[sflag:s16] =	ssyncset.done $0x0  }
.Ltmp2:
0x118: {  	s22 =	simm.s32 $0x1C80;
	[sflag:s16] =	ssyncadd.s32 $0xFFFFE000;
	(pc) =	sbr.rel @p1 .LBB2_4-.Ltmp2, $4  }
0x119: {  	[spmem:s3] =	stream.indirect.scatter.add.f32 [tilespmem:s30], [sflag:$0x7], $0x80, s22, s25, $0xb8;
	[tilespmem:$0x1F900] =	vst v63  }
0x11a: {  	_ =	swait.ge [sflag:s21], $0x2000  }
0x11b: {  	[sflag:s21] =	ssyncset.done $0x0  }
0x11c: {  	[sflag:s21] =	ssyncadd.s32 $0xFFFFE000  }
0x11d: {  	s4 =	simm.s32 $0x200  }
0x11e: {  	[tilespmem:s30], [sflag:$0x5] =	stream.indirect.gather [hbm4b:s1+s25], $0x80, s4, s25, $0xb8;
	[tilespmem:$0x1F900] =	vst v63  }
.Ltmp3:
0x11f: {  	s19 =	rddreg [dreg:$0x11];
	(pc) =	sbr.rel .LBB2_2-.Ltmp3, $4  }
0x120: {  	s5 =	simm.s32 $0x0;
	s22 =	rddreg [dreg:$0x10];
	s4 =	sadd.s32 s8, s19  }
0x121: {  	[tilespmem:s23], [sflag:$0x6] =	stream.linear.gather [hbm4b:s4+s5], $0x500, $0x38;
	[tilespmem:$0x1F900] =	vst v63  }
0x122: {  	s4 =	sadd.s32 s8, s22;
	s8 =	sadd.s32 $0x200, s8  }
0x123: {  	[tilespmem:s24], [sflag:$0x6] =	stream.linear.gather [hbm4b:s4+s5], $0x500, $0x38;
	[tilespmem:$0x1F900] =	vst v63  }
.LBB2_5:
0x124: {  	_ =	sfence.sel $0x180000  }
0x125: {  	[bflag:$0x0] =	sbarrier.arrive $0xFFFF  }
0x126: {  	_ =	strace $0x9000004D  }
0x127: {  	s0 =	stileid.u32;
	[bflag:$0x2] =	sbarrier.arrive $0xFFFF  }
0x128: {  	p0 =	sne.s32 s0, $0x0;
	s0 =	rddreg [dreg:$0x3]  }
0x129: {  	s0 =	sadd.s32 @!p0 $0x100000, s0  }
0x12a: {  	[sflag:s0] =	ssyncadd.tile.s32 @!p0 $0x1;
	_ =	shalt  }
.Lfunc_end2:
_tile_overlayer_lowered:
.L_overlay_start_2:
0x12b: {  	(tag) =	ssettag $0x2  }
0x12c: {  	s0 =	rddreg [dreg:$0x0];
	s2 =	stileid.u32  }
0x12d: {  	s1 =	rddreg [dreg:$0x1];
	p0 =	sne.s32 s2, $0x0  }
0x12e: {  	s3 =	rddreg [dreg:$0x2];
	[bflag:$0x3] =	sbarrier.arrive $0xFFFF;
	s2 =	simm.s32 @!p0 $0x1C07  }
0x12f: {  	[timem:s3], [sflag:s2] =	dma.local @!p0 [hbm:s0], s1  }
0x130: {  	s0 =	simm.s32 @!p0 $0x7  }
0x131: {  	_ =	swait.ge @!p0 [sflag:s0], s1  }
0x132: {  	s1 =	ssub.s32 @!p0 $0x0, s1;
	[sflag:s0] =	ssyncset.done @!p0 $0x0  }
0x133: {  	[sflag:s0] =	ssyncadd.s32 @!p0 s1  }
0x134: {  	[bflag:$0x3] =	sbarrier.arrive $0xFFFF  }
0x135: {  	_ =	shalt  }

// kernel: kernel.8.cloned.1.call-start
scs
__scs_entry_jumppad:
0x0: {  	(pc) =	sbr.rel $0x88, $3  }
0x1: {  	(tag) =	ssettag $0x0;
	lr =	simm.s32 $0x1  }
0x2: {  	[smem:$0x3F99] =	sst lr;
	_ =	strace $0xD0000000  }
0x3: {  	_ = 	snop  }
0x4: {  	_ = 	snop  }
0x5: {  	_ = 	snop  }
0x6: {  	_ = 	snop  }
0x7: {  	_ = 	snop  }
__scs_overlays_trampoline_lowered:
0x8: {  	[smem:$0x3FA8] =	sst s0  }
0x9: {  	[smem:$0x3FA9] =	sst s1  }
0xa: {  	[smem:$0x3FAA] =	sst s2  }
0xb: {  	[smem:$0x3FAB] =	sst s3  }
0xc: {  	[smem:$0x3FAC] =	sst s4  }
0xd: {  	[smem:$0x3FAD] =	sst s5  }
0xe: {  	[smem:$0x3FAE] =	sst s6  }
0xf: {  	[smem:$0x3FAF] =	sst s7  }
0x10: {  	[smem:$0x3FB0] =	sst s8  }
0x11: {  	[smem:$0x3FB1] =	sst s9;
	s0 =	simm.s32 @!p0 $0x0  }
0x12: {  	s1 =	sld [smem:$0x3F97];
	s0 =	simm.s32 @p0 $0x1  }
0x13: {  	[smem:$0x3FB2] =	sst s0;
	s0 =	simm.s32 @!p1 $0x0  }
0x14: {  	s2 =	sld [smem:$0x3F96];
	s0 =	simm.s32 @p1 $0x1  }
0x15: {  	[smem:$0x3FB3] =	sst s0;
	s0 =	simm.s32 @!p2 $0x0  }
0x16: {  	s3 =	sld [smem:$0x3FDB];
	s0 =	simm.s32 @p2 $0x1  }
0x17: {  	s4 =	simm.s32 $0x1BF5;
	[smem:$0x3FB5] =	sst s0  }
0x18: {  	s0 =	sld [smem:$0x3F98];
	_ =	swait.ge [sflag:s4], $0x0  }
0x19: {  	s7 =	sld [smem:$0x3F99]  }
0x1a: {  	s8 =	sadd.s32 $0xFFFFE003, lr  }
0x1b: {  	s9 =	sadd.s32 $0xFFFFFEF7, lr;
	s5 =	simm.s32 $0xFFFFFFFF;
	p2 =	slt.u32 s8, $0xFFFFF086  }
0x1c: {  	p1 =	slt.u32 s9, $0xF7A;
	s5 =	simm.s32 @!p2 $0x0  }
0x1d: {  	s5 =	simm.s32 @p1 $0x1;
	p0 =	seq.s32 s7, s2  }
0x1e: {  	s7 =	smul.u32 @!p0 $0xF7A, s2;
	p2 =	seq.s32 @!p0 s5, $0x0  }
0x1f: {  	s9 =	smul.u32 $0xF7A, s1;
	s8 =	simm.s32 @!p0 $0x1BF5;
	p2 =	por !p2, p0  }
0x20: {  	[sflag:s8] =	ssyncset.s32 @!p0 $0xFFFFF086;
	s6 =	sadd.s32 @!p0 s3, s7;
	s7 =	simm.s32 @!p0 $0x108  }
0x21: {  	s3 =	sadd.s32 s3, s9;
	s6 =	sadd.s32 @!p0 $0x88, s6;
	s7 =	simm.s32 @p2 $0x1082  }
0x22: {  	[simem:s7], [sflag:s8] =	dma.local @!p0 [hbm:s6], $0xF7A  }
0x23: {  	s9 =	sor.u32 $0xD0000000, s2;
	s6 =	simm.s32 $0x108;
	_ =	swait.ge @!p0 [sflag:s8], $0x0  }
0x24: {  	s3 =	sadd.s32 $0x88, s3;
	s6 =	simm.s32 @!p1 $0x1082;
	[sflag:s4] =	ssyncset.s32 $0xFFFFF086  }
0x25: {  	[simem:s6], [sflag:s4] =	dma.local [hbm:s3], $0xF7A  }
0x26: {  	[smem:$0x3F99] =	sst s1;
	(tag) =	ssettag s2;
	_ =	strace s9  }
0x27: {  	s1 =	sld [smem:$0x3FA9]  }
0x28: {  	s2 =	sld [smem:$0x3FAA]  }
0x29: {  	s4 =	sld [smem:$0x3FAC]  }
0x2a: {  	p0 =	seq.s32 s5, $0x0;
	s5 =	sld [smem:$0x3FAD]  }
0x2b: {  	s6 =	sld [smem:$0x3FAE]  }
0x2c: {  	s7 =	sld [smem:$0x3FAF]  }
0x2d: {  	s3 =	simm.s32 $0x108;
	s8 =	sld [smem:$0x3FB0]  }
0x2e: {  	s3 =	simm.s32 @!p0 $0x1082;
	s9 =	sld [smem:$0x3FB1]  }
0x2f: {  	lr =	sadd.s32 s0, s3;
	s0 =	sld [smem:$0x3FA8]  }
0x30: {  	s3 =	sld [smem:$0x3FAB]  }
0x31: {  	[smem:$0x3FB4] =	sst s10  }
0x32: {  	s10 =	sld [smem:$0x3FB2];
	_ =	sdelay $0x3  }
0x33: {  	p0 =	seq.s32 s10, $0x1;
	s10 =	sld [smem:$0x3FB4];
	_ =	sdelay $0x3  }
0x34: {  	[smem:$0x3FB4] =	sst s10  }
0x35: {  	s10 =	sld [smem:$0x3FB3];
	_ =	sdelay $0x3  }
0x36: {  	p1 =	seq.s32 s10, $0x1;
	s10 =	sld [smem:$0x3FB4];
	_ =	sdelay $0x3  }
0x37: {  	[smem:$0x3FB4] =	sst s10  }
0x38: {  	s10 =	sld [smem:$0x3FB5]  }
0x39: {  	_ = 	snop;
	(pc) =	sbr.ind lr, $3  }
0x3a: {  	_ = 	snop  }
0x3b: {  	_ = 	snop  }
0x3c: {  	p2 =	seq.s32 s10, $0x1;
	s10 =	sld [smem:$0x3FB4]  }
0x3d: {  	_ =	shalt  }
0x3e: {  	_ =	shalt  }
0x3f: {  	_ =	shalt  }
0x40: {  	_ =	shalt  }
0x41: {  	_ =	shalt  }
0x42: {  	_ =	shalt  }
0x43: {  	_ =	shalt  }
0x44: {  	_ =	shalt  }
0x45: {  	_ =	shalt  }
0x46: {  	_ =	shalt  }
0x47: {  	_ =	shalt  }
0x48: {  	_ =	shalt  }
0x49: {  	_ =	shalt  }
0x4a: {  	_ =	shalt  }
0x4b: {  	_ =	shalt  }
0x4c: {  	_ =	shalt  }
0x4d: {  	_ =	shalt  }
0x4e: {  	_ =	shalt  }
0x4f: {  	_ =	shalt  }
0x50: {  	_ =	shalt  }
0x51: {  	_ =	shalt  }
0x52: {  	_ =	shalt  }
0x53: {  	_ =	shalt  }
0x54: {  	_ =	shalt  }
0x55: {  	_ =	shalt  }
0x56: {  	_ =	shalt  }
0x57: {  	_ =	shalt  }
0x58: {  	_ =	shalt  }
0x59: {  	_ =	shalt  }
0x5a: {  	_ =	shalt  }
0x5b: {  	_ =	shalt  }
0x5c: {  	_ =	shalt  }
0x5d: {  	_ =	shalt  }
0x5e: {  	_ =	shalt  }
0x5f: {  	_ =	shalt  }
0x60: {  	_ =	shalt  }
0x61: {  	_ =	shalt  }
0x62: {  	_ =	shalt  }
0x63: {  	_ =	shalt  }
0x64: {  	_ =	shalt  }
0x65: {  	_ =	shalt  }
0x66: {  	_ =	shalt  }
0x67: {  	_ =	shalt  }
0x68: {  	_ =	shalt  }
0x69: {  	_ =	shalt  }
0x6a: {  	_ =	shalt  }
0x6b: {  	_ =	shalt  }
0x6c: {  	_ =	shalt  }
0x6d: {  	_ =	shalt  }
0x6e: {  	_ =	shalt  }
0x6f: {  	_ =	shalt  }
0x70: {  	_ =	shalt  }
0x71: {  	_ =	shalt  }
0x72: {  	_ =	shalt  }
0x73: {  	_ =	shalt  }
0x74: {  	_ =	shalt  }
0x75: {  	_ =	shalt  }
0x76: {  	_ =	shalt  }
0x77: {  	_ =	shalt  }
0x78: {  	_ =	shalt  }
0x79: {  	_ =	shalt  }
0x7a: {  	_ =	shalt  }
0x7b: {  	_ =	shalt  }
0x7c: {  	_ =	shalt  }
0x7d: {  	_ =	shalt  }
0x7e: {  	_ =	shalt  }
0x7f: {  	_ =	shalt  }
0x80: {  	_ =	shalt  }
0x81: {  	_ =	shalt  }
0x82: {  	_ =	shalt  }
0x83: {  	_ =	shalt  }
0x84: {  	_ =	shalt  }
0x85: {  	_ =	shalt  }
0x86: {  	_ =	shalt  }
0x87: {  	_ =	shalt  }
.Lfunc_end0:
.L_simem_size_0:
called_computation_lowered:
.L_overlay_start_0:
0x88: {  	s2 =	sld [smem:$0x3FD9]  }
0x89: {  	s3 =	sld [smem:$0x3FFE];
	_ =	sdelay $0x1  }
0x8a: {  	s1 =	srdreg.scid  }
0x8b: {  	s0 =	sand.u32 $0x1, s1  }
0x8c: {  	s17 =	sshll.u32 s0, $0xA;
	s2 =	sadd.s32 s3, s2  }
0x8d: {  	s2 =	sadd.s32 s2, s17  }
0x8e: {  	[smem:$0x3FC0] =	sst s2  }
0x8f: {  	_ = 	snop  }
0x90: {  	s2 =	sld [smem:$0x3FC9];
	(tm) =	ssettm $0x1  }
0x91: {  	s18 =	sld [smem:$0x3FFB];
	_ =	sdelay $0x3  }
0x92: {  	_ =	strace s18  }
0x93: {  	s3 =	sld [smem:$0x3FFC];
	_ =	sdelay $0x3  }
0x94: {  	_ =	strace s3  }
0x95: {  	s3 =	sld [smem:$0x3FFD];
	_ =	sdelay $0x3  }
0x96: {  	_ =	strace s3  }
0x97: {  	_ =	strace $0x8FFFFFFF  }
0x98: {  	s19 =	sld [smem:$0x3FDB];
	_ =	sdelay $0x1  }
0x99: {  	s4 =	simm.s32 $_scs_section_size  }
0x9a: {  	s5 =	simm.s32 $_size__tile_overlayer_lowered;
	s6 =	simm.s32 $_tile_overlayer_lowered  }
0x9b: {  	s22 =	simm.s32 $0x1BFF;
	s21 =	sshll.u32 s6, $0x1;
	s3 =	sadd.s32 s4, s19  }
0x9c: {  	s7 =	simm.s32 $0x0;
	s20 =	sshll.u32 s5, $0x1;
	s5 =	sadd.s32 s21, s3  }
0x9d: {  	[timem:s7], [sflag:s22] =	dma.local [hbm:s5], s20  }
0x9e: {  	_ =	swait.ge [sflag:s22], s20  }
0x9f: {  	s4 =	ssub.s32 $0x0, s20;
	[sflag:s22] =	ssyncset.done $0x0  }
0xa0: {  	[sflag:s22] =	ssyncadd.s32 s4;
	_ =	sdelay $0x1  }
0xa1: {  	s23 =	simm.s32 $0x1B8B  }
0xa2: {  	_ =	swait.ge [sflag:s23], $0x1  }
0xa3: {  	[sflag:s23] =	ssyncset.done $0x0  }
0xa4: {  	s25 =	simm.s32 $0x1B8E;
	s24 =	sld [smem:$0x3FFE];
	[sflag:s23] =	ssyncadd.s32 $0xFFFFFFFF  }
0xa5: {  	s26 =	simm.s32 $execute0_lowered;
	[smem:$0x3FD2] =	sst s25  }
0xa6: {  	s5 =	sshll.u32 s26, $0x1;
	_ =	strace $0x80000046;
	[dreg:$0x1] =	wrdreg $0xFFFFFFFF  }
0xa7: {  	s28 =	simm.s32 $_size_execute0_lowered;
	s3 =	sadd.s32 s3, s5;
	[dreg:$0x0] =	wrdreg $0x0  }
0xa8: {  	s5 =	sshll.u32 s28, $0x1;
	[dreg:$0x2] =	wrdreg s3  }
0xa9: {  	[dreg:$0x3] =	wrdreg s5  }
0xaa: {  	[dreg:$0x4] =	wrdreg $0xC0  }
0xab: {  	_ =	task [dreg:s7], $0x5FFFF  }
0xac: {  	[dreg:$0x1] =	wrdreg $0xFFFFFFFF  }
0xad: {  	[dreg:$0x0] =	wrdreg $0x60  }
0xae: {  	[dreg:$0x2] =	wrdreg s2  }
0xaf: {  	[dreg:$0x3] =	wrdreg s24  }
0xb0: {  	[dreg:$0x4] =	wrdreg $0xC0000  }
0xb1: {  	[dreg:$0x5] =	wrdreg $0x9  }
0xb2: {  	_ =	task.clear_ibuf [dreg:s7], $0x6FFFF;
	_ =	strace $0x90000046  }
0xb3: {  	s29 =	simm.s32 $0x9;
	_ =	strace $0x80000048  }
0xb4: {  	_ =	swait.ge [sflag:s29], $0x1  }
0xb5: {  	[sflag:s29] =	ssyncadd.s32 $0xFFFFFFFF  }
0xb6: {  	_ =	strace $0x90000048  }
0xb7: {  	_ =	sfence  }
0xb8: {  	s30 =	sld [smem:$0x0];
	_ =	sdelay $0x2  }
0xb9: {  	s31 =	sshll.u32 s1, $0xD;
	s1 =	sshrl.u32 s1, $0x2  }
0xba: {  	s3 =	sand.u32 $0x4000, s31;
	s1 =	sadd.s32 s1, s30  }
0xbb: {  	s0 =	sor.u32 s3, s0;
	s1 =	sshll.u32 s1, $0x11  }
0xbc: {  	s0 =	sor.u32 s1, s0  }
0xbd: {  	s0 =	sadd.s32 $0x8F2B, s0  }
0xbe: {  	[sflag:s0] =	ssyncadd.remote.s32 $0x1  }
0xbf: {  	_ =	sfence.sel $0xFFFF  }
0xc0: {  	[dreg:$0x0] =	wrdreg $0xFFFFFFFF;
	(pc) =	sbr.abs _section_cstart, $3  }
0xc1: {  	[dreg:$0x1] =	wrdreg $0xFFFFFFFF  }
0xc2: {  	_ =	task.clear_ibuf [dreg:s7], $0x2FFFF;
	_ =	strace $0x9FFFFFFF  }
0xc3: {  	(tm) =	ssettm $0x7FFFFFFF  }
tec
execute0_lowered:
.L_overlay_start_1:
0x0: {  	(tag) =	ssettag $0x1  }
0x1: {  	s1 =	rddreg [dreg:$0x0]  }
0x2: {  	s0 =	rddreg [dreg:$0x1]  }
0x3: {  	s3 =	rddreg [dreg:$0x2]  }
0x4: {  	s2 =	simm.s32 $0x0;
	s4 =	stileid.u32;
	s5 =	srdreg.scid  }
0x5: {  	s29 =	simm.s32 $0x4000;
	s31 =	simm.s32 $0x6000;
	s30 =	simm.s32 $0xA000  }
0x6: {  	s28 =	simm.s32 $0x6;
	[smem:$0x7FF] =	sst s2;
	s26 =	smul.u32 $0x13800, s4  }
0x7: {  	s6 =	sadd.s32 $0x1A00, s0;
	s5 =	sand.u32 $0x1, s5;
	s9 =	smul.u32 $0x4E000, s4  }
0x8: {  	s10 =	sadd.s32 $0x21A00, s0;
	s12 =	sadd.s32 $0x68C00, s0;
	s14 =	sshll.u32 s4, $0xF  }
0x9: {  	s15 =	sshll.u32 s4, $0x6;
	p0 =	sne.s32 s4, $0xF;
	_ =	strace $0x80000047  }
0xa: {  	s8 =	ssub.s32 $0x2, s5;
	s13 =	sshll.u32 s5, $0x13;
	s5 =	smul.u32 $0x138800, s5  }
0xb: {  	s7 =	sshrl.u32 s26, $0x3;
	s11 =	sshrl.u32 s8, $0x1;
	s9 =	sshrl.u32 s9, $0x2  }
0xc: {  	s7 =	sadd.s32 s7, s0;
	s8 =	ssub.s32 s8, s11;
	s9 =	sadd.s32 s9, s3  }
0xd: {  	s11 =	sor.u32 $0x1C07, s15;
	s0 =	sadd.s32 $0x68A00, s0;
	s2 =	sadd.s32 s26, s5  }
0xe: {  	s5 =	sshrl.u32 s5, $0x3;
	[dreg:$0x4] =	wrdreg s9;
	s7 =	sadd.s32 $0x41A00, s7  }
0xf: {  	s9 =	sor.u32 s14, s13;
	s13 =	sadd.s32 $0x138000, s3;
	[dreg:$0x8] =	wrdreg s0  }
0x10: {  	s2 =	sshrl.u32 s2, $0x3;
	s21 =	sadd.s32 s12, s5;
	[dreg:$0x6] =	wrdreg s11  }
0x11: {  	s24 =	smax.u32 s8, $0x1;
	[dreg:$0x5] =	wrdreg s7;
	s16 =	sshrl.u32 s9, $0x3  }
0x12: {  	[dreg:$0x7] =	wrdreg s13;
	s20 =	sadd.s32 s12, s2;
	s22 =	sor.u32 $0x1800, s9  }
0x13: {  	s23 =	sor.u32 $0x1000, s9;
	[dreg:$0xf] =	wrdreg s24;
	s24 =	simm.s32 $0x1800  }
0x14: {  	s13 =	simm.s32 $0x4;
	s17 =	sadd.s32 s6, s16;
	s18 =	sadd.s32 s10, s16  }
0x15: {  	s19 =	sor.u32 $0x100, s16;
	[dreg:$0xd] =	wrdreg s20;
	s2 =	sshrl.u32 s23, $0x3  }
0x16: {  	s23 =	simm.s32 $0x800;
	s16 =	simm.s32 $0x5;
	[dreg:$0x9] =	wrdreg s17  }
0x17: {  	[dreg:$0xa] =	wrdreg s18;
	s7 =	sadd.s32 s6, s19;
	s0 =	sadd.s32 s10, s19  }
0x18: {  	s26 =	sadd.s32 s2, s10;
	s20 =	sadd.s32 s2, s6;
	[dreg:$0xb] =	wrdreg s7  }
0x19: {  	s2 =	simm.s32 $0x8000;
	[dreg:$0xc] =	wrdreg s0;
	s0 =	sadd.s32 $0x27000, s21  }
.Ltmp0:
0x1a: {  	[dreg:$0x12] =	wrdreg s26;
	s21 =	simm.s32 $0x7;
	(pc) =	sbr.rel .LBB2_1-.Ltmp0, $4  }
0x1b: {  	s26 =	simm.s32 $0x2000;
	[dreg:$0xe] =	wrdreg s0;
	s0 =	sshrl.u32 s22, $0x3  }
0x1c: {  	s7 =	simm.s32 $0x0;
	s25 =	sadd.s32 s0, s10;
	s0 =	sadd.s32 s0, s6  }
0x1d: {  	s6 =	simm.s32 $0x2;
	s10 =	simm.s32 $0x3;
	[dreg:$0x10] =	wrdreg s25  }
0x1e: {  	[dreg:$0x11] =	wrdreg s0;
	s25 =	simm.s32 $0x40;
	s0 =	simm.s32 $0x1  }
.LBB2_4:
0x1f: {  	[bflag:$0x0] =	sbarrier.arrive $0xFFFF  }
0x20: {  	s11 =	rddreg [dreg:$0x6]  }
0x21: {  	s4 =	rddreg [dreg:$0xd]  }
0x22: {  	s5 =	rddreg [dreg:$0x14]  }
0x23: {  	[hbm:s4], [sflag:s11] =	dma.local [spmem:s5], $0x2700  }
0x24: {  	_ =	swait.ge [sflag:s21], $0x2700  }
0x25: {  	[sflag:s21] =	ssyncset.done $0x0;
	s4 =	rddreg [dreg:$0xe]  }
0x26: {  	s5 =	rddreg [dreg:$0x15];
	[sflag:s21] =	ssyncadd.s32 $0xFFFFD900  }
0x27: {  	[hbm:s4], [sflag:s11] =	dma.local @!p0 [spmem:s5], $0x100  }
0x28: {  	s4 =	simm.s32 @!p0 $0x7  }
0x29: {  	_ =	swait.ge @!p0 [sflag:s4], $0x100  }
0x2a: {  	s7 =	rddreg [dreg:$0x13]  }
0x2b: {  	s22 =	rddreg [dreg:$0xf];
	s7 =	sadd.s32 $0x1, s7  }
0x2c: {  	p1 =	sne.s32 s7, s22  }
.Ltmp1:
0x2d: {  	_ = 	snop;
	(pc) =	sbr.rel @!p1 .LBB2_5-.Ltmp1, $3  }
0x2e: {  	_ =	sdelay $0x1  }
0x2f: {  	[sflag:s4] =	ssyncset.done @!p0 $0x0  }
0x30: {  	[sflag:s4] =	ssyncadd.s32 @!p0 $0xFFFFFF00  }
.LBB2_1:
0x31: {  	[dreg:$0x13] =	wrdreg s7  }
0x32: {  	s4 =	rddreg [dreg:$0x4]  }
0x33: {  	s7 =	rddreg [dreg:$0x5];
	s5 =	sshrl.u32 s4, $0x3  }
0x34: {  	[dreg:$0x14] =	wrdreg s5  }
0x35: {  	[spmem:s5], [sflag:s11] =	dma.local [hbm:s7], $0x2700  }
0x36: {  	_ =	swait.ge [sflag:s21], $0x2700  }
0x37: {  	s4 =	rddreg [dreg:$0x7]  }
0x38: {  	[sflag:s21] =	ssyncset.done $0x0;
	s5 =	sshrl.u32 @!p0 s4, $0x3;
	s4 =	rddreg [dreg:$0x8]  }
0x39: {  	[sflag:s21] =	ssyncadd.s32 $0xFFFFD900;
	[dreg:$0x15] =	wrdreg s5  }
0x3a: {  	[spmem:s5], [sflag:s11] =	dma.local @!p0 [hbm:s4], $0x200  }
0x3b: {  	s5 =	simm.s32 @!p0 $0x7  }
0x3c: {  	_ =	swait.ge @!p0 [sflag:s5], $0x200  }
0x3d: {  	[sflag:s5] =	ssyncset.done @!p0 $0x0  }
0x3e: {  	s8 =	simm.s32 $0x0;
	s9 =	rddreg [dreg:$0x9];
	[sflag:s5] =	ssyncadd.s32 @!p0 $0xFFFFFE00  }
0x3f: {  	[tilespmem:s8], [sflag:$0x7] =	stream.linear.gather [hbm4b:s9+s8], $0x500, $0x38;
	[tilespmem:$0x1F900] =	vst v63  }
0x40: {  	_ =	swait.ge [sflag:s21], $0x500  }
0x41: {  	[sflag:s21] =	ssyncset.done $0x0  }
0x42: {  	s12 =	simm.s32 $0x1000;
	s11 =	rddreg [dreg:$0xa];
	[sflag:s21] =	ssyncadd.s32 $0xFFFFFB00  }
0x43: {  	[tilespmem:s12], [sflag:$0x7] =	stream.linear.gather [hbm4b:s11+s8], $0x500, $0x38;
	[tilespmem:$0x1F900] =	vst v63  }
0x44: {  	_ =	swait.ge [sflag:s21], $0x500  }
0x45: {  	[sflag:s21] =	ssyncset.done $0x0  }
0x46: {  	[sflag:s21] =	ssyncadd.s32 $0xFFFFFB00  }
0x47: {  	[bflag:$0x0] =	sbarrier.arrive $0xFFFF  }
0x48: {  	s14 =	rddreg [dreg:$0xb]  }
0x49: {  	[tilespmem:s23], [sflag:$0x6] =	stream.linear.gather [hbm4b:s14+s8], $0x500, $0x38;
	[tilespmem:$0x1F900] =	vst v63  }
0x4a: {  	s15 =	rddreg [dreg:$0xc]  }
0x4b: {  	[tilespmem:s24], [sflag:$0x6] =	stream.linear.gather [hbm4b:s15+s8], $0x500, $0x38;
	[tilespmem:$0x1F900] =	vst v63  }
0x4c: {  	_ = 	snop  }
0x4d: {  	[tilespmem:s26], [sflag:$0x1] =	stream.indirect.gather [hbm4b:s1+s25], $0x80, s8, s25, $0xb8;
	[tilespmem:$0x1F900] =	vst v63  }
0x4e: {  	s17 =	simm.s32 $0x80  }
0x4f: {  	[tilespmem:s29], [sflag:$0x2] =	stream.indirect.gather [hbm4b:s1+s25], $0x80, s17, s25, $0xb8;
	[tilespmem:$0x1F900] =	vst v63  }
0x50: {  	s18 =	simm.s32 $0x100  }
0x51: {  	[tilespmem:s31], [sflag:$0x3] =	stream.indirect.gather [hbm4b:s1+s25], $0x80, s18, s25, $0xb8;
	[tilespmem:$0x1F900] =	vst v63  }
0x52: {  	s19 =	simm.s32 $0x180  }
0x53: {  	[tilespmem:s2], [sflag:$0x4] =	stream.indirect.gather [hbm4b:s1+s25], $0x80, s19, s25, $0xb8;
	[tilespmem:$0x1F900] =	vst v63  }
0x54: {  	s22 =	simm.s32 $0x200;
	s8 =	simm.s32 $0x0  }
0x55: {  	[tilespmem:s30], [sflag:$0x5] =	stream.indirect.gather [hbm4b:s1+s25], $0x80, s22, s25, $0xb8;
	[tilespmem:$0x1F900] =	vst v63  }
.LBB2_2:
0x56: {  	_ =	swait.ge [sflag:s0], $0x2000  }
0x57: {  	p1 =	seq.s32 s8, $0x0;
	[sflag:s0] =	ssyncset.done $0x0  }
0x58: {  	s5 =	simm.s32 @!p1 $0x6;
	[sflag:s0] =	ssyncadd.s32 $0xFFFFE000  }
0x59: {  	_ =	swait.ge @!p1 [sflag:s5], $0x500  }
0x5a: {  	[sflag:s5] =	ssyncset.done @!p1 $0x0  }
0x5b: {  	s4 =	simm.s32 $0x1000;
	[sflag:s5] =	ssyncadd.s32 @!p1 $0xFFFFFB00  }
0x5c: {  	[spmem:s3] =	stream.indirect.scatter.add.f32 [tilespmem:s26], [sflag:$0x7], $0x80, s4, s25, $0xb8;
	[tilespmem:$0x1F900] =	vst v63  }
0x5d: {  	_ =	swait.ge [sflag:s21], $0x2000  }
0x5e: {  	[sflag:s21] =	ssyncset.done $0x0  }
0x5f: {  	s9 =	simm.s32 $0x280;
	[sflag:s21] =	ssyncadd.s32 $0xFFFFE000  }
0x60: {  	[tilespmem:s26], [sflag:$0x1] =	stream.indirect.gather [hbm4b:s1+s25], $0x80, s9, s25, $0xb8;
	[tilespmem:$0x1F900] =	vst v63  }
0x61: {  	_ =	swait.ge [sflag:s6], $0x2000  }
0x62: {  	[sflag:s6] =	ssyncset.done $0x0  }
0x63: {  	s11 =	simm.s32 $0x1080;
	[sflag:s6] =	ssyncadd.s32 $0xFFFFE000  }
0x64: {  	[spmem:s3] =	stream.indirect.scatter.add.f32 [tilespmem:s29], [sflag:$0x7], $0x80, s11, s25, $0xb8;
	[tilespmem:$0x1F900] =	vst v63  }
0x65: {  	_ =	swait.ge [sflag:s21], $0x2000  }
0x66: {  	[sflag:s21] =	ssyncset.done $0x0  }
0x67: {  	s12 =	simm.s32 $0x300;
	[sflag:s21] =	ssyncadd.s32 $0xFFFFE000  }
0x68: {  	[tilespmem:s29], [sflag:$0x2] =	stream.indirect.gather [hbm4b:s1+s25], $0x80, s12, s25, $0xb8;
	[tilespmem:$0x1F900] =	vst v63  }
0x69: {  	_ =	swait.ge [sflag:s10], $0x2000  }
0x6a: {  	[sflag:s10] =	ssyncset.done $0x0  }
0x6b: {  	s14 =	simm.s32 $0x1100;
	[sflag:s10] =	ssyncadd.s32 $0xFFFFE000  }
0x6c: {  	[spmem:s3] =	stream.indirect.scatter.add.f32 [tilespmem:s31], [sflag:$0x7], $0x80, s14, s25, $0xb8;
	[tilespmem:$0x1F900] =	vst v63  }
0x6d: {  	_ =	swait.ge [sflag:s21], $0x2000  }
0x6e: {  	[sflag:s21] =	ssyncset.done $0x0  }
0x6f: {  	s15 =	simm.s32 $0x380;
	[sflag:s21] =	ssyncadd.s32 $0xFFFFE000  }
0x70: {  	[tilespmem:s31], [sflag:$0x3] =	stream.indirect.gather [hbm4b:s1+s25], $0x80, s15, s25, $0xb8;
	[tilespmem:$0x1F900] =	vst v63  }
0x71: {  	_ =	swait.ge [sflag:s13], $0x2000  }
0x72: {  	[sflag:s13] =	ssyncset.done $0x0  }
0x73: {  	s17 =	simm.s32 $0x1180;
	[sflag:s13] =	ssyncadd.s32 $0xFFFFE000  }
0x74: {  	[spmem:s3] =	stream.indirect.scatter.add.f32 [tilespmem:s2], [sflag:$0x7], $0x80, s17, s25, $0xb8;
	[tilespmem:$0x1F900] =	vst v63  }
0x75: {  	_ =	swait.ge [sflag:s21], $0x2000  }
0x76: {  	[sflag:s21] =	ssyncset.done $0x0  }
0x77: {  	s18 =	simm.s32 $0x400;
	[sflag:s21] =	ssyncadd.s32 $0xFFFFE000  }
0x78: {  	[tilespmem:s2], [sflag:$0x4] =	stream.indirect.gather [hbm4b:s1+s25], $0x80, s18, s25, $0xb8;
	[tilespmem:$0x1F900] =	vst v63  }
0x79: {  	_ =	swait.ge [sflag:s16], $0x2000  }
0x7a: {  	[sflag:s16] =	ssyncset.done $0x0  }
0x7b: {  	s19 =	simm.s32 $0x1200;
	[sflag:s16] =	ssyncadd.s32 $0xFFFFE000  }
0x7c: {  	[spmem:s3] =	stream.indirect.scatter.add.f32 [tilespmem:s30], [sflag:$0x7], $0x80, s19, s25, $0xb8;
	[tilespmem:$0x1F900] =	vst v63  }
0x7d: {  	_ =	swait.ge [sflag:s21], $0x2000  }
0x7e: {  	[sflag:s21] =	ssyncset.done $0x0  }
0x7f: {  	s22 =	simm.s32 $0x480;
	[sflag:s21] =	ssyncadd.s32 $0xFFFFE000  }
0x80: {  	[tilespmem:s30], [sflag:$0x5] =	stream.indirect.gather [hbm4b:s1+s25], $0x80, s22, s25, $0xb8;
	[tilespmem:$0x1F900] =	vst v63  }
0x81: {  	_ =	swait.ge [sflag:s0], $0x2000  }
0x82: {  	[sflag:s0] =	ssyncset.done $0x0  }
0x83: {  	[sflag:s0] =	ssyncadd.s32 $0xFFFFE000  }
0x84: {  	_ =	swait.ge [sflag:s28], $0x500  }
0x85: {  	[sflag:s28] =	ssyncset.done $0x0  }
0x86: {  	s5 =	simm.s32 $0x1280;
	[sflag:s28] =	ssyncadd.s32 $0xFFFFFB00  }
0x87: {  	[spmem:s3] =	stream.indirect.scatter.add.f32 [tilespmem:s26], [sflag:$0x7], $0x80, s5, s25, $0xb8;
	[tilespmem:$0x1F900] =	vst v63  }
0x88: {  	_ =	swait.ge [sflag:s21], $0x2000  }
0x89: {  	[sflag:s21] =	ssyncset.done $0x0  }
0x8a: {  	[sflag:s21] =	ssyncadd.s32 $0xFFFFE000  }
0x8b: {  	[tilespmem:s26], [sflag:$0x1] =	stream.indirect.gather [hbm4b:s1+s25], $0x80, s23, s25, $0xb8;
	[tilespmem:$0x1F900] =	vst v63  }
0x8c: {  	_ =	swait.ge [sflag:s6], $0x2000  }
0x8d: {  	[sflag:s6] =	ssyncset.done $0x0  }
0x8e: {  	s7 =	simm.s32 $0x1300;
	[sflag:s6] =	ssyncadd.s32 $0xFFFFE000  }
0x8f: {  	[spmem:s3] =	stream.indirect.scatter.add.f32 [tilespmem:s29], [sflag:$0x7], $0x80, s7, s25, $0xb8;
	[tilespmem:$0x1F900] =	vst v63  }
0x90: {  	_ =	swait.ge [sflag:s21], $0x2000  }
0x91: {  	[sflag:s21] =	ssyncset.done $0x0  }
0x92: {  	s9 =	simm.s32 $0x880;
	[sflag:s21] =	ssyncadd.s32 $0xFFFFE000  }
0x93: {  	[tilespmem:s29], [sflag:$0x2] =	stream.indirect.gather [hbm4b:s1+s25], $0x80, s9, s25, $0xb8;
	[tilespmem:$0x1F900] =	vst v63  }
0x94: {  	_ =	swait.ge [sflag:s10], $0x2000  }
0x95: {  	[sflag:s10] =	ssyncset.done $0x0  }
0x96: {  	s11 =	simm.s32 $0x1380;
	[sflag:s10] =	ssyncadd.s32 $0xFFFFE000  }
0x97: {  	[spmem:s3] =	stream.indirect.scatter.add.f32 [tilespmem:s31], [sflag:$0x7], $0x80, s11, s25, $0xb8;
	[tilespmem:$0x1F900] =	vst v63  }
0x98: {  	_ =	swait.ge [sflag:s21], $0x2000  }
0x99: {  	[sflag:s21] =	ssyncset.done $0x0  }
0x9a: {  	s12 =	simm.s32 $0x900;
	[sflag:s21] =	ssyncadd.s32 $0xFFFFE000  }
0x9b: {  	[tilespmem:s31], [sflag:$0x3] =	stream.indirect.gather [hbm4b:s1+s25], $0x80, s12, s25, $0xb8;
	[tilespmem:$0x1F900] =	vst v63  }
0x9c: {  	_ =	swait.ge [sflag:s13], $0x2000  }
0x9d: {  	[sflag:s13] =	ssyncset.done $0x0  }
0x9e: {  	s14 =	simm.s32 $0x1400;
	[sflag:s13] =	ssyncadd.s32 $0xFFFFE000  }
0x9f: {  	[spmem:s3] =	stream.indirect.scatter.add.f32 [tilespmem:s2], [sflag:$0x7], $0x80, s14, s25, $0xb8;
	[tilespmem:$0x1F900] =	vst v63  }
0xa0: {  	_ =	swait.ge [sflag:s21], $0x2000  }
0xa1: {  	[sflag:s21] =	ssyncset.done $0x0  }
0xa2: {  	s15 =	simm.s32 $0x980;
	[sflag:s21] =	ssyncadd.s32 $0xFFFFE000  }
0xa3: {  	[tilespmem:s2], [sflag:$0x4] =	stream.indirect.gather [hbm4b:s1+s25], $0x80, s15, s25, $0xb8;
	[tilespmem:$0x1F900] =	vst v63  }
0xa4: {  	_ =	swait.ge [sflag:s16], $0x2000  }
0xa5: {  	[sflag:s16] =	ssyncset.done $0x0  }
0xa6: {  	s17 =	simm.s32 $0x1480;
	[sflag:s16] =	ssyncadd.s32 $0xFFFFE000  }
0xa7: {  	[spmem:s3] =	stream.indirect.scatter.add.f32 [tilespmem:s30], [sflag:$0x7], $0x80, s17, s25, $0xb8;
	[tilespmem:$0x1F900] =	vst v63  }
0xa8: {  	_ =	swait.ge [sflag:s21], $0x2000  }
0xa9: {  	[sflag:s21] =	ssyncset.done $0x0  }
0xaa: {  	s18 =	simm.s32 $0xA00;
	[sflag:s21] =	ssyncadd.s32 $0xFFFFE000  }
0xab: {  	[tilespmem:s30], [sflag:$0x5] =	stream.indirect.gather [hbm4b:s1+s25], $0x80, s18, s25, $0xb8;
	[tilespmem:$0x1F900] =	vst v63  }
0xac: {  	_ =	swait.ge [sflag:s0], $0x2000  }
0xad: {  	[sflag:s0] =	ssyncset.done $0x0  }
0xae: {  	[sflag:s0] =	ssyncadd.s32 $0xFFFFE000  }
0xaf: {  	_ =	swait.ge [sflag:s28], $0x500  }
0xb0: {  	[sflag:s28] =	ssyncset.done $0x0  }
0xb1: {  	[sflag:s28] =	ssyncadd.s32 $0xFFFFFB00  }
0xb2: {  	[spmem:s3] =	stream.indirect.scatter.add.f32 [tilespmem:s26], [sflag:$0x7], $0x80, s24, s25, $0xb8;
	[tilespmem:$0x1F900] =	vst v63  }
0xb3: {  	p1 =	seq.s32 s8, $0xE00;
	_ =	swait.ge [sflag:s21], $0x2000  }
0xb4: {  	s5 =	simm.s32 @p1 $0xA80;
	s7 =	simm.s32 @p1 $0x2000;
	[sflag:s21] =	ssyncset.done $0x0  }
0xb5: {  	s11 =	simm.s32 @p1 $0x40;
	s15 =	simm.s32 @p1 $0x2;
	[sflag:s21] =	ssyncadd.s32 $0xFFFFE000  }
0xb6: {  	[tilespmem:s7], [sflag:$0x1] =	stream.indirect.gather @p1 [hbm4b:s1+s11], $0x80, s5, s11, $0xb8;
	[tilespmem:$0x1F900] =	vst v63  }
0xb7: {  	_ =	swait.ge @p1 [sflag:s15], $0x2000  }
0xb8: {  	s12 =	simm.s32 @p1 $0x7;
	[sflag:s15] =	ssyncset.done @p1 $0x0  }
0xb9: {  	s7 =	simm.s32 @p1 $0x1880;
	s5 =	simm.s32 @p1 $0x4000;
	[sflag:s15] =	ssyncadd.s32 @p1 $0xFFFFE000  }
0xba: {  	[spmem:s3] =	stream.indirect.scatter.add.f32 @p1 [tilespmem:s5], [sflag:$0x7], $0x80, s7, s11, $0xb8;
	[tilespmem:$0x1F900] =	vst v63  }
0xbb: {  	_ =	swait.ge @p1 [sflag:s12], $0x2000  }
0xbc: {  	s4 =	simm.s32 @!p1 $0x2000;
	[sflag:s12] =	ssyncset.done @p1 $0x0  }
0xbd: {  	s9 =	sadd.s32 @!p1 s8, s20;
	s7 =	simm.s32 @!p1 $0x0;
	[sflag:s12] =	ssyncadd.s32 @p1 $0xFFFFE000  }
0xbe: {  	[tilespmem:s7], [sflag:$0x6] =	stream.linear.gather @!p1 [hbm4b:s9+s7], $0x500, $0x38;
	[tilespmem:$0x1F900] =	vst v63  }
0xbf: {  	s14 =	simm.s32 @!p1 $0xA80;
	s17 =	simm.s32 @!p1 $0x2;
	s9 =	simm.s32 @!p1 $0x40  }
0xc0: {  	[tilespmem:s4], [sflag:$0x1] =	stream.indirect.gather @!p1 [hbm4b:s1+s9], $0x80, s14, s9, $0xb8;
	[tilespmem:$0x1F900] =	vst v63  }
0xc1: {  	_ =	swait.ge @!p1 [sflag:s17], $0x2000  }
0xc2: {  	[sflag:s17] =	ssyncset.done @!p1 $0x0  }
0xc3: {  	s22 =	simm.s32 @!p1 $0x4000;
	s14 =	simm.s32 @!p1 $0x1880;
	[sflag:s17] =	ssyncadd.s32 @!p1 $0xFFFFE000  }
0xc4: {  	[spmem:s3] =	stream.indirect.scatter.add.f32 @!p1 [tilespmem:s22], [sflag:$0x7], $0x80, s14, s9, $0xb8;
	[tilespmem:$0x1F900] =	vst v63  }
0xc5: {  	s14 =	simm.s32 @!p1 $0x7  }
0xc6: {  	_ =	swait.ge @!p1 [sflag:s14], $0x2000  }
0xc7: {  	[sflag:s14] =	ssyncset.done @!p1 $0x0;
	s18 =	rddreg [dreg:$0x12]  }
0xc8: {  	s19 =	simm.s32 @!p1 $0x1000;
	[sflag:s14] =	ssyncadd.s32 @!p1 $0xFFFFE000;
	s18 =	sadd.s32 @!p1 s8, s18  }
0xc9: {  	[tilespmem:s19], [sflag:$0x6] =	stream.linear.gather @!p1 [hbm4b:s18+s7], $0x500, $0x38;
	[tilespmem:$0x1F900] =	vst v63  }
0xca: {  	s19 =	simm.s32 $0xB00  }
0xcb: {  	[tilespmem:s29], [sflag:$0x2] =	stream.indirect.gather [hbm4b:s1+s25], $0x80, s19, s25, $0xb8;
	[tilespmem:$0x1F900] =	vst v63  }
0xcc: {  	_ =	swait.ge [sflag:s10], $0x2000  }
0xcd: {  	[sflag:s10] =	ssyncset.done $0x0  }
0xce: {  	s19 =	simm.s32 $0x1900;
	[sflag:s10] =	ssyncadd.s32 $0xFFFFE000  }
0xcf: {  	[spmem:s3] =	stream.indirect.scatter.add.f32 [tilespmem:s31], [sflag:$0x7], $0x80, s19, s25, $0xb8;
	[tilespmem:$0x1F900] =	vst v63  }
0xd0: {  	_ =	swait.ge [sflag:s21], $0x2000  }
0xd1: {  	[sflag:s21] =	ssyncset.done $0x0  }
0xd2: {  	s19 =	simm.s32 $0xB80;
	[sflag:s21] =	ssyncadd.s32 $0xFFFFE000  }
0xd3: {  	[tilespmem:s31], [sflag:$0x3] =	stream.indirect.gather [hbm4b:s1+s25], $0x80, s19, s25, $0xb8;
	[tilespmem:$0x1F900] =	vst v63  }
0xd4: {  	_ =	swait.ge [sflag:s13], $0x2000  }
0xd5: {  	[sflag:s13] =	ssyncset.done $0x0  }
0xd6: {  	s19 =	simm.s32 $0x1980;
	[sflag:s13] =	ssyncadd.s32 $0xFFFFE000  }
0xd7: {  	[spmem:s3] =	stream.indirect.scatter.add.f32 [tilespmem:s2], [sflag:$0x7], $0x80, s19, s25, $0xb8;
	[tilespmem:$0x1F900] =	vst v63  }
0xd8: {  	_ =	swait.ge [sflag:s21], $0x2000  }
0xd9: {  	[sflag:s21] =	ssyncset.done $0x0  }
0xda: {  	s19 =	simm.s32 $0xC00;
	[sflag:s21] =	ssyncadd.s32 $0xFFFFE000  }
0xdb: {  	[tilespmem:s2], [sflag:$0x4] =	stream.indirect.gather [hbm4b:s1+s25], $0x80, s19, s25, $0xb8;
	[tilespmem:$0x1F900] =	vst v63  }
0xdc: {  	_ =	swait.ge [sflag:s16], $0x2000  }
0xdd: {  	[sflag:s16] =	ssyncset.done $0x0  }
0xde: {  	s19 =	simm.s32 $0x1A00;
	[sflag:s16] =	ssyncadd.s32 $0xFFFFE000  }
0xdf: {  	[spmem:s3] =	stream.indirect.scatter.add.f32 [tilespmem:s30], [sflag:$0x7], $0x80, s19, s25, $0xb8;
	[tilespmem:$0x1F900] =	vst v63  }
0xe0: {  	_ =	swait.ge [sflag:s21], $0x2000  }
0xe1: {  	[sflag:s21] =	ssyncset.done $0x0  }
0xe2: {  	s19 =	simm.s32 $0xC80;
	[sflag:s21] =	ssyncadd.s32 $0xFFFFE000  }
0xe3: {  	[tilespmem:s30], [sflag:$0x5] =	stream.indirect.gather [hbm4b:s1+s25], $0x80, s19, s25, $0xb8;
	[tilespmem:$0x1F900] =	vst v63  }
0xe4: {  	_ =	swait.ge [sflag:s0], $0x2000  }
0xe5: {  	[sflag:s0] =	ssyncset.done $0x0  }
0xe6: {  	s19 =	simm.s32 $0x1A80;
	[sflag:s0] =	ssyncadd.s32 $0xFFFFE000  }
0xe7: {  	[spmem:s3] =	stream.indirect.scatter.add.f32 [tilespmem:s26], [sflag:$0x7], $0x80, s19, s25, $0xb8;
	[tilespmem:$0x1F900] =	vst v63  }
0xe8: {  	_ =	swait.ge [sflag:s21], $0x2000  }
0xe9: {  	[sflag:s21] =	ssyncset.done $0x0  }
0xea: {  	[sflag:s21] =	ssyncadd.s32 $0xFFFFE000  }
0xeb: {  	_ =	swait.ge @p1 [sflag:s15], $0x2000  }
0xec: {  	[sflag:s15] =	ssyncset.done @p1 $0x0  }
0xed: {  	[sflag:s15] =	ssyncadd.s32 @p1 $0xFFFFE000;
	s15 =	simm.s32 @p1 $0x1B00  }
0xee: {  	[spmem:s3] =	stream.indirect.scatter.add.f32 @p1 [tilespmem:s5], [sflag:$0x7], $0x80, s15, s11, $0xb8;
	[tilespmem:$0x1F900] =	vst v63  }
0xef: {  	_ =	swait.ge @p1 [sflag:s12], $0x2000  }
0xf0: {  	[sflag:s12] =	ssyncset.done @p1 $0x0  }
0xf1: {  	s5 =	simm.s32 @!p1 $0x6;
	[sflag:s12] =	ssyncadd.s32 @p1 $0xFFFFE000  }
0xf2: {  	_ =	swait.ge @!p1 [sflag:s5], $0x500  }
0xf3: {  	[sflag:s5] =	ssyncset.done @!p1 $0x0  }
0xf4: {  	[sflag:s5] =	ssyncadd.s32 @!p1 $0xFFFFFB00  }
0xf5: {  	[tilespmem:s4], [sflag:$0x1] =	stream.indirect.gather @!p1 [hbm4b:s1+s9], $0x80, s7, s9, $0xb8;
	[tilespmem:$0x1F900] =	vst v63  }
0xf6: {  	_ =	swait.ge @!p1 [sflag:s17], $0x2000  }
0xf7: {  	[sflag:s17] =	ssyncset.done @!p1 $0x0  }
0xf8: {  	s4 =	simm.s32 @!p1 $0x1B00;
	[sflag:s17] =	ssyncadd.s32 @!p1 $0xFFFFE000  }
0xf9: {  	[spmem:s3] =	stream.indirect.scatter.add.f32 @!p1 [tilespmem:s22], [sflag:$0x7], $0x80, s4, s9, $0xb8;
	[tilespmem:$0x1F900] =	vst v63  }
0xfa: {  	_ =	swait.ge @!p1 [sflag:s14], $0x2000  }
0xfb: {  	[sflag:s14] =	ssyncset.done @!p1 $0x0  }
0xfc: {  	s4 =	simm.s32 @!p1 $0x80;
	[sflag:s14] =	ssyncadd.s32 @!p1 $0xFFFFE000  }
0xfd: {  	[tilespmem:s22], [sflag:$0x2] =	stream.indirect.gather @!p1 [hbm4b:s1+s9], $0x80, s4, s9, $0xb8;
	[tilespmem:$0x1F900] =	vst v63  }
0xfe: {  	_ =	swait.ge [sflag:s10], $0x2000  }
0xff: {  	[sflag:s10] =	ssyncset.done $0x0  }
0x100: {  	s19 =	simm.s32 $0x1B80;
	[sflag:s10] =	ssyncadd.s32 $0xFFFFE000  }
0x101: {  	[spmem:s3] =	stream.indirect.scatter.add.f32 [tilespmem:s31], [sflag:$0x7], $0x80, s19, s25, $0xb8;
	[tilespmem:$0x1F900] =	vst v63  }
0x102: {  	_ =	swait.ge [sflag:s21], $0x2000  }
0x103: {  	[sflag:s21] =	ssyncset.done $0x0  }
0x104: {  	s4 =	simm.s32 @p1 $0x4;
	[sflag:s21] =	ssyncadd.s32 $0xFFFFE000  }
0x105: {  	_ =	swait.ge @p1 [sflag:s4], $0x2000  }
0x106: {  	[sflag:s4] =	ssyncset.done @p1 $0x0  }
0x107: {  	s5 =	simm.s32 @p1 $0x8000;
	[sflag:s4] =	ssyncadd.s32 @p1 $0xFFFFE000;
	s4 =	simm.s32 @p1 $0x1C00  }
0x108: {  	[spmem:s3] =	stream.indirect.scatter.add.f32 @p1 [tilespmem:s5], [sflag:$0x7], $0x80, s4, s11, $0xb8;
	[tilespmem:$0x1F900] =	vst v63  }
0x109: {  	_ =	swait.ge @p1 [sflag:s12], $0x2000  }
0x10a: {  	[sflag:s12] =	ssyncset.done @p1 $0x0  }
0x10b: {  	s4 =	simm.s32 @!p1 $0x100;
	s5 =	simm.s32 @!p1 $0x6000;
	[sflag:s12] =	ssyncadd.s32 @p1 $0xFFFFE000  }
0x10c: {  	[tilespmem:s5], [sflag:$0x3] =	stream.indirect.gather @!p1 [hbm4b:s1+s9], $0x80, s4, s9, $0xb8;
	[tilespmem:$0x1F900] =	vst v63  }
0x10d: {  	s4 =	simm.s32 @!p1 $0x4  }
0x10e: {  	_ =	swait.ge @!p1 [sflag:s4], $0x2000  }
0x10f: {  	[sflag:s4] =	ssyncset.done @!p1 $0x0  }
0x110: {  	s5 =	simm.s32 @!p1 $0x8000;
	[sflag:s4] =	ssyncadd.s32 @!p1 $0xFFFFE000;
	s4 =	simm.s32 @!p1 $0x1C00  }
0x111: {  	[spmem:s3] =	stream.indirect.scatter.add.f32 @!p1 [tilespmem:s5], [sflag:$0x7], $0x80, s4, s9, $0xb8;
	[tilespmem:$0x1F900] =	vst v63  }
0x112: {  	_ =	swait.ge @!p1 [sflag:s14], $0x2000  }
0x113: {  	[sflag:s14] =	ssyncset.done @!p1 $0x0  }
0x114: {  	s4 =	simm.s32 @!p1 $0x180;
	[sflag:s14] =	ssyncadd.s32 @!p1 $0xFFFFE000  }
0x115: {  	[tilespmem:s5], [sflag:$0x4] =	stream.indirect.gather @!p1 [hbm4b:s1+s9], $0x80, s4, s9, $0xb8;
	[tilespmem:$0x1F900] =	vst v63  }
0x116: {  	_ =	swait.ge [sflag:s16], $0x2000  }
0x117: {  	[sflag:s16] =	ssyncset.done $0x0  }
.Ltmp2:
0x118: {  	s22 =	simm.s32 $0x1C80;
	[sflag:s16] =	ssyncadd.s32 $0xFFFFE000;
	(pc) =	sbr.rel @p1 .LBB2_4-.Ltmp2, $4  }
0x119: {  	[spmem:s3] =	stream.indirect.scatter.add.f32 [tilespmem:s30], [sflag:$0x7], $0x80, s22, s25, $0xb8;
	[tilespmem:$0x1F900] =	vst v63  }
0x11a: {  	_ =	swait.ge [sflag:s21], $0x2000  }
0x11b: {  	[sflag:s21] =	ssyncset.done $0x0  }
0x11c: {  	[sflag:s21] =	ssyncadd.s32 $0xFFFFE000  }
0x11d: {  	s4 =	simm.s32 $0x200  }
0x11e: {  	[tilespmem:s30], [sflag:$0x5] =	stream.indirect.gather [hbm4b:s1+s25], $0x80, s4, s25, $0xb8;
	[tilespmem:$0x1F900] =	vst v63  }
.Ltmp3:
0x11f: {  	s19 =	rddreg [dreg:$0x11];
	(pc) =	sbr.rel .LBB2_2-.Ltmp3, $4  }
0x120: {  	s5 =	simm.s32 $0x0;
	s22 =	rddreg [dreg:$0x10];
	s4 =	sadd.s32 s8, s19  }
0x121: {  	[tilespmem:s23], [sflag:$0x6] =	stream.linear.gather [hbm4b:s4+s5], $0x500, $0x38;
	[tilespmem:$0x1F900] =	vst v63  }
0x122: {  	s4 =	sadd.s32 s8, s22;
	s8 =	sadd.s32 $0x200, s8  }
0x123: {  	[tilespmem:s24], [sflag:$0x6] =	stream.linear.gather [hbm4b:s4+s5], $0x500, $0x38;
	[tilespmem:$0x1F900] =	vst v63  }
.LBB2_5:
0x124: {  	_ =	sfence.sel $0x180000  }
0x125: {  	[bflag:$0x0] =	sbarrier.arrive $0xFFFF  }
0x126: {  	_ =	strace $0x90000047  }
0x127: {  	s0 =	stileid.u32;
	[bflag:$0x2] =	sbarrier.arrive $0xFFFF  }
0x128: {  	p0 =	sne.s32 s0, $0x0;
	s0 =	rddreg [dreg:$0x3]  }
0x129: {  	s0 =	sadd.s32 @!p0 $0x100000, s0  }
0x12a: {  	[sflag:s0] =	ssyncadd.tile.s32 @!p0 $0x1;
	_ =	shalt  }
.Lfunc_end2:
_tile_overlayer_lowered:
.L_overlay_start_2:
0x12b: {  	(tag) =	ssettag $0x2  }
0x12c: {  	s0 =	rddreg [dreg:$0x0];
	s2 =	stileid.u32  }
0x12d: {  	s1 =	rddreg [dreg:$0x1];
	p0 =	sne.s32 s2, $0x0  }
0x12e: {  	s3 =	rddreg [dreg:$0x2];
	[bflag:$0x3] =	sbarrier.arrive $0xFFFF;
	s2 =	simm.s32 @!p0 $0x1C07  }
0x12f: {  	[timem:s3], [sflag:s2] =	dma.local @!p0 [hbm:s0], s1  }
0x130: {  	s0 =	simm.s32 @!p0 $0x7  }
0x131: {  	_ =	swait.ge @!p0 [sflag:s0], s1  }
0x132: {  	s1 =	ssub.s32 @!p0 $0x0, s1;
	[sflag:s0] =	ssyncset.done @!p0 $0x0  }
0x133: {  	[sflag:s0] =	ssyncadd.s32 @!p0 s1  }
0x134: {  	[bflag:$0x3] =	sbarrier.arrive $0xFFFF  }
0x135: {  	_ =	shalt  }

</sc_bundles>
